<compile_context>
chip_gen: v7x
topology: tpu7x:2x2x1
jax: 0.10.2.dev20260603
libtpu: 0.0.44.dev20260713+nightly
codegen_flags: <defaults>
</compile_context>

<pallas_src>
import jax
import jax.numpy as jnp
import numpy as np
from jax import lax
from jax.experimental import pallas as pl
from jax.experimental.pallas import tpu as pltpu
from jax.experimental.pallas import tpu_sc as plsc

INV_SQRT_2 = float(1.0 / np.sqrt(2.0))

N = 100000
E = 1600000
F = 16
NCORE = 2
NSUB = 16
NW = NCORE * NSUB

N_PAD = 100096
STRIPE = N_PAD // NSUB
WROWS = N_PAD * F // 128
WSTRIPE = WROWS // NSUB
ZROWS = 368
WCH = ZROWS // 8

JROWS = 8
SUPER = 49
ROWS_PER_TILE = JROWS * SUPER
E_PAD = NW * ROWS_PER_TILE * 128
EROWS = E_PAD // 128

def _sc_body(xall, src_r, dst_r, out, acc, idxs, idxd, rows0, rows1, rows2,
             rows3, zbuf, wbuf, gsem0, gsem1, gsem2, gsem3, ssem0, ssem1):
  cid = lax.axis_index("c")
  sid = lax.axis_index("s")
  wid = cid * NSUB + sid
  ebase = wid * ROWS_PER_TILE

  def _z(i, _):
    zbuf[i, :] = jnp.zeros((F,), jnp.float32)
    return 0
  lax.fori_loop(0, ZROWS, _z, 0)

  for p in range(3):
    xp = xall.at[p]
    for k in range(STRIPE // ZROWS):
      pltpu.sync_copy(zbuf, acc.at[pl.ds(sid * STRIPE + k * ZROWS, ZROWS)])
    plsc.subcore_barrier()

    bufs = (rows0, rows1, rows2, rows3)
    gsems = (gsem0, gsem1, gsem2, gsem3)
    ssems = (ssem0, ssem1)

    def _super(sb, _):
      rbase = ebase + sb * JROWS
      pltpu.sync_copy(src_r.at[pl.ds(rbase, JROWS)], idxs)
      pltpu.sync_copy(dst_r.at[pl.ds(rbase, JROWS)], idxd)

      def _gather(j):
        b = j % 4
        return pltpu.async_copy(xp.at[idxs.at[j]], bufs[b], gsems[b])

      def _scatter(j):
        return pltpu.async_copy(bufs[j % 4], acc.at[idxd.at[j]],
                                ssems[j % 2], add=True)

      gd = [None] * JROWS
      sd = [None] * JROWS
      for j in range(3):
        gd[j] = _gather(j)
      for j in range(JROWS):
        gd[j].wait()
        sd[j] = _scatter(j)
        if j + 3 < JROWS:
          if j - 1 >= 0:
            sd[j - 1].wait()
          gd[j + 3] = _gather(j + 3)
      for j in range(JROWS - 4, JROWS):
        sd[j].wait()
      return 0
    lax.fori_loop(0, SUPER, _super, 0)

    plsc.subcore_barrier()

    def _chunk(t, _):
      pltpu.sync_copy(acc.at[pl.ds(sid * STRIPE + t * ZROWS, ZROWS)], zbuf)

      def _wrow(r, _):
        for j in range(8):
          wbuf[r, pl.ds(j * F, F)] = zbuf[r * 8 + j, :]
        return 0
      lax.fori_loop(0, WCH, _wrow, 0)
      pltpu.sync_copy(wbuf,
                      out.at[cid, p, pl.ds(sid * WSTRIPE + t * WCH, WCH)])
      return 0
    lax.fori_loop(0, STRIPE // ZROWS, _chunk, 0)
    plsc.subcore_barrier()

    if p < 2:
      lax.fori_loop(0, ZROWS, _z, 0)


def _tc_body(x_ref, p_ref, nc_ref, mn_ref, me_ref, out_ref):
  x = x_ref[0]
  agg = p_ref[0, 0] + p_ref[1, 0]
  yn = jnp.dot(x, mn_ref[...], preferred_element_type=jnp.float32,
               precision=lax.Precision.HIGHEST)
  ya = jnp.dot(agg, me_ref[...], preferred_element_type=jnp.float32,
               precision=lax.Precision.HIGHEST)
  out_ref[0] = yn + nc_ref[...] * ya


def kernel(x, src, dst, norm_coeff, W_node, W_edge):
  xT = jnp.transpose(x[0], (2, 0, 1))

  pad = E_PAD - E
  src_r = jnp.concatenate(
      [src.astype(jnp.int32), jnp.zeros((pad,), jnp.int32)]).reshape(EROWS, 128)
  dst_r = jnp.concatenate(
      [dst.astype(jnp.int32), jnp.full((pad,), N, jnp.int32)]).reshape(EROWS, 128)

  mesh = plsc.VectorSubcoreMesh(core_axis_name="c", subcore_axis_name="s")
  partial = pl.kernel(
      _sc_body,
      out_type=jax.ShapeDtypeStruct((NCORE, 3, WROWS, 128), jnp.float32),
      mesh=mesh,
      compiler_params=pltpu.CompilerParams(use_tc_tiling_on_sc=False),
      scratch_types=[
          pltpu.VMEM_SHARED((N_PAD, F), jnp.float32),
          pltpu.VMEM((JROWS, 128), jnp.int32),
          pltpu.VMEM((JROWS, 128), jnp.int32),
          pltpu.VMEM((128, F), jnp.float32),
          pltpu.VMEM((128, F), jnp.float32),
          pltpu.VMEM((128, F), jnp.float32),
          pltpu.VMEM((128, F), jnp.float32),
          pltpu.VMEM((ZROWS, F), jnp.float32),
          pltpu.VMEM((WCH, 128), jnp.float32),
          pltpu.SemaphoreType.DMA,
          pltpu.SemaphoreType.DMA,
          pltpu.SemaphoreType.DMA,
          pltpu.SemaphoreType.DMA,
          pltpu.SemaphoreType.DMA,
          pltpu.SemaphoreType.DMA,
      ],
  )(xT, src_r, dst_r)

  eye8 = jnp.eye(8, dtype=jnp.float32)
  mn = jnp.kron(eye8, W_node.T) * INV_SQRT_2
  me = jnp.kron(eye8, W_edge.T) * INV_SQRT_2
  ncr = jnp.pad(jnp.repeat(norm_coeff, F),
                (0, (N_PAD - N) * F)).reshape(WROWS, 128)
  xw = jnp.pad(xT, ((0, 0), (0, N_PAD - N), (0, 0))).reshape(3, WROWS, 128)

  bn = 3128
  grid = (3, WROWS // bn)
  outw = pl.pallas_call(
      _tc_body,
      grid=grid,
      in_specs=[
          pl.BlockSpec((1, bn, 128), lambda i, b: (i, b, 0)),
          pl.BlockSpec((NCORE, 1, bn, 128), lambda i, b: (0, i, b, 0)),
          pl.BlockSpec((bn, 128), lambda i, b: (b, 0)),
          pl.BlockSpec((128, 128), lambda i, b: (0, 0)),
          pl.BlockSpec((128, 128), lambda i, b: (0, 0)),
      ],
      out_specs=pl.BlockSpec((1, bn, 128), lambda i, b: (i, b, 0)),
      out_shape=jax.ShapeDtypeStruct((3, WROWS, 128), jnp.float32),
  )(xw, partial, ncr, mn, me)

  out = outw.reshape(3, N_PAD, F)[:, :N]
  return jnp.transpose(out, (1, 2, 0))[None]

# --- scband reference (transcript-rebuilt; emitter-appended) ---
"""Pipeline reference for scband-vec-nodes-conv-58523224375827 (READ-ONLY COPY).

The authoritative reference and input builder live on the scoring server;
editing this copy changes nothing except your own understanding.
"""

import jax, jax.numpy as jnp
import numpy as np

INV_SQRT_2 = 1.0 / np.sqrt(2.0)

B, N, E = 1, 100000, 1600000
DIM_IN, DIM_OUT = 16, 16


def setup_inputs(seed: int = 0) -> dict:
    key = jax.random.key(seed)
    k_x, k_src, k_dst, k_nc, k_wn, k_we = jax.random.split(key, 6)
    x = jax.random.normal(k_x, (B, N, DIM_IN, 3), dtype=jnp.float32)
    src = jax.random.randint(k_src, (E,), 0, N, dtype=jnp.int64)
    dst = jax.random.randint(k_dst, (E,), 0, N, dtype=jnp.int64)
    norm_coeff = jax.random.uniform(k_nc, (N,), dtype=jnp.float32)
    # VecLinear weights: linear map over the feature-channel axis, no bias
    # (bias would break SO(3) equivariance of the vector features).
    W_node = jax.random.normal(k_wn, (DIM_OUT, DIM_IN), dtype=jnp.float32) / np.sqrt(DIM_IN)
    W_edge = jax.random.normal(k_we, (DIM_OUT, DIM_IN), dtype=jnp.float32) / np.sqrt(DIM_IN)
    return {"x": x, "src": src, "dst": dst, "norm_coeff": norm_coeff,
            "W_node": W_node, "W_edge": W_edge}


def reference(x, src, dst, norm_coeff, W_node, W_edge):
    # VecLinear: contract the channel axis, keep the trailing 3-vector axis.
    y_node = jnp.einsum('bndi,ed->bnei', x, W_node)
    y_edge = jnp.einsum('bndi,ed->bnei', x, W_edge)
    # gather messages at source nodes: (B, E, dim_out, 3)
    msgs = y_edge[:, src]
    # scatter-add into destination nodes: (B, N, dim_out, 3)
    agg = jnp.zeros((x.shape[0], x.shape[1], W_edge.shape[0], 3), dtype=y_edge.dtype)
    agg = agg.at[:, dst].add(msgs)
    ans = y_node + norm_coeff[:, None, None] * agg
    return ans * INV_SQRT_2

if __name__ == "__main__":
    import jax
    _d = setup_inputs()
    print(jax.jit(kernel)(*tuple(_d.values())))

</pallas_src>

<mosaic_0001>
#map = affine_map<(d0, d1) -> (0, 0, 0)>
#map1 = affine_map<(d0, d1) -> (0, 0)>
#map2 = affine_map<(d0, d1) -> (0, 0, 0, 0)>
module attributes {stable_mosaic.version = 14 : i64} {
  func.func @_sc_body(%arg0: i32, %arg1: i32, %arg2: memref<3x100000x16xf32, #tpu.memory_space<hbm>>, %arg3: memref<12544x128xi32, #tpu.memory_space<hbm>>, %arg4: memref<12544x128xi32, #tpu.memory_space<hbm>>, %arg5: memref<2x3x12512x128xf32, #tpu.memory_space<hbm>>, %arg6: memref<100096x16xf32, #tpu.memory_space<vmem_shared>>, %arg7: memref<8x128xi32, #tpu.memory_space<vmem>>, %arg8: memref<8x128xi32, #tpu.memory_space<vmem>>, %arg9: memref<128x16xf32, #tpu.memory_space<vmem>>, %arg10: memref<128x16xf32, #tpu.memory_space<vmem>>, %arg11: memref<128x16xf32, #tpu.memory_space<vmem>>, %arg12: memref<128x16xf32, #tpu.memory_space<vmem>>, %arg13: memref<368x16xf32, #tpu.memory_space<vmem>>, %arg14: memref<46x128xf32, #tpu.memory_space<vmem>>, %arg15: memref<!tpu.dma_semaphore, #tpu.memory_space<semaphore_mem>>, %arg16: memref<!tpu.dma_semaphore, #tpu.memory_space<semaphore_mem>>, %arg17: memref<!tpu.dma_semaphore, #tpu.memory_space<semaphore_mem>>, %arg18: memref<!tpu.dma_semaphore, #tpu.memory_space<semaphore_mem>>, %arg19: memref<!tpu.dma_semaphore, #tpu.memory_space<semaphore_mem>>, %arg20: memref<!tpu.dma_semaphore, #tpu.memory_space<semaphore_mem>>) attributes {dimension_semantics = [#tpu.dimension_semantics<core_parallel>, #tpu.dimension_semantics<subcore_parallel>], iteration_bounds = array<i64: 2, 16>, scalar_prefetch = 0 : i64, scratch_operands = 15 : i64, tpu.core_type = #tpu.core_type<sc_vector_subcore>, window_params = [{transform_indices = #map}, {transform_indices = #map1}, {transform_indices = #map1}, {transform_indices = #map2}]} {
    %mul3A = arith.constant 16 : i32
    %mul3A_0 = arith.muli %arg0, %mul3A : i32
    %add3A = arith.addi %mul3A_0, %arg1 : i32
    %mul3A_1 = arith.constant 392 : i32
    %mul3A_2 = arith.muli %add3A, %mul3A_1 : i32
    %scan3A = arith.constant 0 : i32
    %scan3A_3 = arith.constant 0 : i32
    %scan3A_4 = arith.constant 368 : i32
    %scan3A_5 = arith.addi %scan3A_3, %scan3A_4 : i32
    %scan3A_6 = arith.constant 1 : i32
    %scan3A_7 = scf.for %scan3A_280 = %scan3A_3 to %scan3A_5 step %scan3A_6 iter_args(%scan3A_281 = %scan3A) -> (i32)  : i32 {
      %broadcast_in_dim3A = arith.constant 0.000000e+00 : f32
      %broadcast_in_dim3A_282 = vector.broadcast %broadcast_in_dim3A : f32 to vector<16xf32>
      %swap3A = arith.index_cast %scan3A_280 : i32 to index
      %swap3A_283 = arith.constant 0 : index
      %swap3A_284 = tpu.vector_load %arg13[%swap3A, %swap3A_283] {strides = array<i32>} : memref<368x16xf32, #tpu.memory_space<vmem>>, vector<1x16xf32>,
      %swap3A_285 = vector.shape_cast %swap3A_284 : vector<1x16xf32> to vector<16xf32>
      %swap3A_286 = vector.shape_cast %broadcast_in_dim3A_282 : vector<16xf32> to vector<1x16xf32>
      tpu.vector_store %arg13[%swap3A, %swap3A_283], %swap3A_286 {strides = array<i32>} : memref<368x16xf32, #tpu.memory_space<vmem>>, vector<1x16xf32>,
      %scan3A_287 = arith.constant 0 : i32
      scf.yield %scan3A_287 : i32
    }
    %scan3A_8 = arith.constant 368 : i32
    %mul3A_9 = arith.constant 6256 : i32
    %mul3A_10 = arith.muli %arg1, %mul3A_9 : i32
    %add3A_11 = arith.constant 0 : i32
    %add3A_12 = arith.addi %mul3A_10, %add3A_11 : i32
    "tpu.region"() ({
      %run_scoped3A = tpu.sem_alloc : memref<!tpu.dma_semaphore, #tpu.memory_space<semaphore_mem>>
      %dma_start3A = arith.constant 0 : i32
      %dma_start3A_280 = tpu.memref_slice %arg6[%add3A_12, %dma_start3A] : memref<100096x16xf32, #tpu.memory_space<vmem_shared>> -> memref<368x16xf32, #tpu.memory_space<vmem_shared>>
      %dma_start3A_281 = arith.constant 0 : i32
      %dma_start3A_282 = tpu.memref_slice %arg6[%add3A_12, %dma_start3A_281] : memref<100096x16xf32, #tpu.memory_space<vmem_shared>> -> memref<368x16xf32, #tpu.memory_space<vmem_shared>>
      tpu.enqueue_dma source(%arg13 : memref<368x16xf32, #tpu.memory_space<vmem>>) target(%dma_start3A_282 : memref<368x16xf32, #tpu.memory_space<vmem_shared>>) target_semaphore(%run_scoped3A : memref<!tpu.dma_semaphore, #tpu.memory_space<semaphore_mem>>)
      %dma_wait3A = arith.constant 0 : i32
      %dma_wait3A_283 = tpu.memref_slice %arg6[%add3A_12, %dma_wait3A] : memref<100096x16xf32, #tpu.memory_space<vmem_shared>> -> memref<368x16xf32, #tpu.memory_space<vmem_shared>>
      %dma_wait3A_284 = arith.constant 0 : i32
      %dma_wait3A_285 = tpu.memref_slice %arg6[%add3A_12, %dma_wait3A_284] : memref<100096x16xf32, #tpu.memory_space<vmem_shared>> -> memref<368x16xf32, #tpu.memory_space<vmem_shared>>
      tpu.wait_dma2 semaphore(%run_scoped3A : memref<!tpu.dma_semaphore, #tpu.memory_space<semaphore_mem>>) src(%arg13 : memref<368x16xf32, #tpu.memory_space<vmem>>) dst(%dma_wait3A_285 : memref<368x16xf32, #tpu.memory_space<vmem_shared>>)
      tpu.yield
    }) : () -> ()
    %mul3A_13 = arith.constant 6256 : i32
    %mul3A_14 = arith.muli %arg1, %mul3A_13 : i32
    %add3A_15 = arith.constant 368 : i32
    %add3A_16 = arith.addi %mul3A_14, %add3A_15 : i32
    "tpu.region"() ({
      %run_scoped3A = tpu.sem_alloc : memref<!tpu.dma_semaphore, #tpu.memory_space<semaphore_mem>>
      %dma_start3A = arith.constant 0 : i32
      %dma_start3A_280 = tpu.memref_slice %arg6[%add3A_16, %dma_start3A] : memref<100096x16xf32, #tpu.memory_space<vmem_shared>> -> memref<368x16xf32, #tpu.memory_space<vmem_shared>>
      %dma_start3A_281 = arith.constant 0 : i32
      %dma_start3A_282 = tpu.memref_slice %arg6[%add3A_16, %dma_start3A_281] : memref<100096x16xf32, #tpu.memory_space<vmem_shared>> -> memref<368x16xf32, #tpu.memory_space<vmem_shared>>
      tpu.enqueue_dma source(%arg13 : memref<368x16xf32, #tpu.memory_space<vmem>>) target(%dma_start3A_282 : memref<368x16xf32, #tpu.memory_space<vmem_shared>>) target_semaphore(%run_scoped3A : memref<!tpu.dma_semaphore, #tpu.memory_space<semaphore_mem>>)
      %dma_wait3A = arith.constant 0 : i32
      %dma_wait3A_283 = tpu.memref_slice %arg6[%add3A_16, %dma_wait3A] : memref<100096x16xf32, #tpu.memory_space<vmem_shared>> -> memref<368x16xf32, #tpu.memory_space<vmem_shared>>
      %dma_wait3A_284 = arith.constant 0 : i32
      %dma_wait3A_285 = tpu.memref_slice %arg6[%add3A_16, %dma_wait3A_284] : memref<100096x16xf32, #tpu.memory_space<vmem_shared>> -> memref<368x16xf32, #tpu.memory_space<vmem_shared>>
      tpu.wait_dma2 semaphore(%run_scoped3A : memref<!tpu.dma_semaphore, #tpu.memory_space<semaphore_mem>>) src(%arg13 : memref<368x16xf32, #tpu.memory_space<vmem>>) dst(%dma_wait3A_285 : memref<368x16xf32, #tpu.memory_space<vmem_shared>>)
      tpu.yield
    }) : () -> ()
    %mul3A_17 = arith.constant 6256 : i32
    %mul3A_18 = arith.muli %arg1, %mul3A_17 : i32
    %add3A_19 = arith.constant 736 : i32
    %add3A_20 = arith.addi %mul3A_18, %add3A_19 : i32
    "tpu.region"() ({
      %run_scoped3A = tpu.sem_alloc : memref<!tpu.dma_semaphore, #tpu.memory_space<semaphore_mem>>
      %dma_start3A = arith.constant 0 : i32
      %dma_start3A_280 = tpu.memref_slice %arg6[%add3A_20, %dma_start3A] : memref<100096x16xf32, #tpu.memory_space<vmem_shared>> -> memref<368x16xf32, #tpu.memory_space<vmem_shared>>
      %dma_start3A_281 = arith.constant 0 : i32
      %dma_start3A_282 = tpu.memref_slice %arg6[%add3A_20, %dma_start3A_281] : memref<100096x16xf32, #tpu.memory_space<vmem_shared>> -> memref<368x16xf32, #tpu.memory_space<vmem_shared>>
      tpu.enqueue_dma source(%arg13 : memref<368x16xf32, #tpu.memory_space<vmem>>) target(%dma_start3A_282 : memref<368x16xf32, #tpu.memory_space<vmem_shared>>) target_semaphore(%run_scoped3A : memref<!tpu.dma_semaphore, #tpu.memory_space<semaphore_mem>>)
      %dma_wait3A = arith.constant 0 : i32
      %dma_wait3A_283 = tpu.memref_slice %arg6[%add3A_20, %dma_wait3A] : memref<100096x16xf32, #tpu.memory_space<vmem_shared>> -> memref<368x16xf32, #tpu.memory_space<vmem_shared>>
      %dma_wait3A_284 = arith.constant 0 : i32
      %dma_wait3A_285 = tpu.memref_slice %arg6[%add3A_20, %dma_wait3A_284] : memref<100096x16xf32, #tpu.memory_space<vmem_shared>> -> memref<368x16xf32, #tpu.memory_space<vmem_shared>>
      tpu.wait_dma2 semaphore(%run_scoped3A : memref<!tpu.dma_semaphore, #tpu.memory_space<semaphore_mem>>) src(%arg13 : memref<368x16xf32, #tpu.memory_space<vmem>>) dst(%dma_wait3A_285 : memref<368x16xf32, #tpu.memory_space<vmem_shared>>)
      tpu.yield
    }) : () -> ()
    %mul3A_21 = arith.constant 6256 : i32
    %mul3A_22 = arith.muli %arg1, %mul3A_21 : i32
    %add3A_23 = arith.constant 1104 : i32
    %add3A_24 = arith.addi %mul3A_22, %add3A_23 : i32
    "tpu.region"() ({
      %run_scoped3A = tpu.sem_alloc : memref<!tpu.dma_semaphore, #tpu.memory_space<semaphore_mem>>
      %dma_start3A = arith.constant 0 : i32
      %dma_start3A_280 = tpu.memref_slice %arg6[%add3A_24, %dma_start3A] : memref<100096x16xf32, #tpu.memory_space<vmem_shared>> -> memref<368x16xf32, #tpu.memory_space<vmem_shared>>
      %dma_start3A_281 = arith.constant 0 : i32
      %dma_start3A_282 = tpu.memref_slice %arg6[%add3A_24, %dma_start3A_281] : memref<100096x16xf32, #tpu.memory_space<vmem_shared>> -> memref<368x16xf32, #tpu.memory_space<vmem_shared>>
      tpu.enqueue_dma source(%arg13 : memref<368x16xf32, #tpu.memory_space<vmem>>) target(%dma_start3A_282 : memref<368x16xf32, #tpu.memory_space<vmem_shared>>) target_semaphore(%run_scoped3A : memref<!tpu.dma_semaphore, #tpu.memory_space<semaphore_mem>>)
      %dma_wait3A = arith.constant 0 : i32
      %dma_wait3A_283 = tpu.memref_slice %arg6[%add3A_24, %dma_wait3A] : memref<100096x16xf32, #tpu.memory_space<vmem_shared>> -> memref<368x16xf32, #tpu.memory_space<vmem_shared>>
      %dma_wait3A_284 = arith.constant 0 : i32
      %dma_wait3A_285 = tpu.memref_slice %arg6[%add3A_24, %dma_wait3A_284] : memref<100096x16xf32, #tpu.memory_space<vmem_shared>> -> memref<368x16xf32, #tpu.memory_space<vmem_shared>>
      tpu.wait_dma2 semaphore(%run_scoped3A : memref<!tpu.dma_semaphore, #tpu.memory_space<semaphore_mem>>) src(%arg13 : memref<368x16xf32, #tpu.memory_space<vmem>>) dst(%dma_wait3A_285 : memref<368x16xf32, #tpu.memory_space<vmem_shared>>)
      tpu.yield
    }) : () -> ()
    %mul3A_25 = arith.constant 6256 : i32
    %mul3A_26 = arith.muli %arg1, %mul3A_25 : i32
    %add3A_27 = arith.constant 1472 : i32
    %add3A_28 = arith.addi %mul3A_26, %add3A_27 : i32
    "tpu.region"() ({
      %run_scoped3A = tpu.sem_alloc : memref<!tpu.dma_semaphore, #tpu.memory_space<semaphore_mem>>
      %dma_start3A = arith.constant 0 : i32
      %dma_start3A_280 = tpu.memref_slice %arg6[%add3A_28, %dma_start3A] : memref<100096x16xf32, #tpu.memory_space<vmem_shared>> -> memref<368x16xf32, #tpu.memory_space<vmem_shared>>
      %dma_start3A_281 = arith.constant 0 : i32
      %dma_start3A_282 = tpu.memref_slice %arg6[%add3A_28, %dma_start3A_281] : memref<100096x16xf32, #tpu.memory_space<vmem_shared>> -> memref<368x16xf32, #tpu.memory_space<vmem_shared>>
      tpu.enqueue_dma source(%arg13 : memref<368x16xf32, #tpu.memory_space<vmem>>) target(%dma_start3A_282 : memref<368x16xf32, #tpu.memory_space<vmem_shared>>) target_semaphore(%run_scoped3A : memref<!tpu.dma_semaphore, #tpu.memory_space<semaphore_mem>>)
      %dma_wait3A = arith.constant 0 : i32
      %dma_wait3A_283 = tpu.memref_slice %arg6[%add3A_28, %dma_wait3A] : memref<100096x16xf32, #tpu.memory_space<vmem_shared>> -> memref<368x16xf32, #tpu.memory_space<vmem_shared>>
      %dma_wait3A_284 = arith.constant 0 : i32
      %dma_wait3A_285 = tpu.memref_slice %arg6[%add3A_28, %dma_wait3A_284] : memref<100096x16xf32, #tpu.memory_space<vmem_shared>> -> memref<368x16xf32, #tpu.memory_space<vmem_shared>>
      tpu.wait_dma2 semaphore(%run_scoped3A : memref<!tpu.dma_semaphore, #tpu.memory_space<semaphore_mem>>) src(%arg13 : memref<368x16xf32, #tpu.memory_space<vmem>>) dst(%dma_wait3A_285 : memref<368x16xf32, #tpu.memory_space<vmem_shared>>)
      tpu.yield
    }) : () -> ()
    %mul3A_29 = arith.constant 6256 : i32
    %mul3A_30 = arith.muli %arg1, %mul3A_29 : i32
    %add3A_31 = arith.constant 1840 : i32
    %add3A_32 = arith.addi %mul3A_30, %add3A_31 : i32
    "tpu.region"() ({
      %run_scoped3A = tpu.sem_alloc : memref<!tpu.dma_semaphore, #tpu.memory_space<semaphore_mem>>
      %dma_start3A = arith.constant 0 : i32
      %dma_start3A_280 = tpu.memref_slice %arg6[%add3A_32, %dma_start3A] : memref<100096x16xf32, #tpu.memory_space<vmem_shared>> -> memref<368x16xf32, #tpu.memory_space<vmem_shared>>
      %dma_start3A_281 = arith.constant 0 : i32
      %dma_start3A_282 = tpu.memref_slice %arg6[%add3A_32, %dma_start3A_281] : memref<100096x16xf32, #tpu.memory_space<vmem_shared>> -> memref<368x16xf32, #tpu.memory_space<vmem_shared>>
      tpu.enqueue_dma source(%arg13 : memref<368x16xf32, #tpu.memory_space<vmem>>) target(%dma_start3A_282 : memref<368x16xf32, #tpu.memory_space<vmem_shared>>) target_semaphore(%run_scoped3A : memref<!tpu.dma_semaphore, #tpu.memory_space<semaphore_mem>>)
      %dma_wait3A = arith.constant 0 : i32
      %dma_wait3A_283 = tpu.memref_slice %arg6[%add3A_32, %dma_wait3A] : memref<100096x16xf32, #tpu.memory_space<vmem_shared>> -> memref<368x16xf32, #tpu.memory_space<vmem_shared>>
      %dma_wait3A_284 = arith.constant 0 : i32
      %dma_wait3A_285 = tpu.memref_slice %arg6[%add3A_32, %dma_wait3A_284] : memref<100096x16xf32, #tpu.memory_space<vmem_shared>> -> memref<368x16xf32, #tpu.memory_space<vmem_shared>>
      tpu.wait_dma2 semaphore(%run_scoped3A : memref<!tpu.dma_semaphore, #tpu.memory_space<semaphore_mem>>) src(%arg13 : memref<368x16xf32, #tpu.memory_space<vmem>>) dst(%dma_wait3A_285 : memref<368x16xf32, #tpu.memory_space<vmem_shared>>)
      tpu.yield
    }) : () -> ()
    %mul3A_33 = arith.constant 6256 : i32
    %mul3A_34 = arith.muli %arg1, %mul3A_33 : i32
    %add3A_35 = arith.constant 2208 : i32
    %add3A_36 = arith.addi %mul3A_34, %add3A_35 : i32
    "tpu.region"() ({
      %run_scoped3A = tpu.sem_alloc : memref<!tpu.dma_semaphore, #tpu.memory_space<semaphore_mem>>
      %dma_start3A = arith.constant 0 : i32
      %dma_start3A_280 = tpu.memref_slice %arg6[%add3A_36, %dma_start3A] : memref<100096x16xf32, #tpu.memory_space<vmem_shared>> -> memref<368x16xf32, #tpu.memory_space<vmem_shared>>
      %dma_start3A_281 = arith.constant 0 : i32
      %dma_start3A_282 = tpu.memref_slice %arg6[%add3A_36, %dma_start3A_281] : memref<100096x16xf32, #tpu.memory_space<vmem_shared>> -> memref<368x16xf32, #tpu.memory_space<vmem_shared>>
      tpu.enqueue_dma source(%arg13 : memref<368x16xf32, #tpu.memory_space<vmem>>) target(%dma_start3A_282 : memref<368x16xf32, #tpu.memory_space<vmem_shared>>) target_semaphore(%run_scoped3A : memref<!tpu.dma_semaphore, #tpu.memory_space<semaphore_mem>>)
      %dma_wait3A = arith.constant 0 : i32
      %dma_wait3A_283 = tpu.memref_slice %arg6[%add3A_36, %dma_wait3A] : memref<100096x16xf32, #tpu.memory_space<vmem_shared>> -> memref<368x16xf32, #tpu.memory_space<vmem_shared>>
      %dma_wait3A_284 = arith.constant 0 : i32
      %dma_wait3A_285 = tpu.memref_slice %arg6[%add3A_36, %dma_wait3A_284] : memref<100096x16xf32, #tpu.memory_space<vmem_shared>> -> memref<368x16xf32, #tpu.memory_space<vmem_shared>>
      tpu.wait_dma2 semaphore(%run_scoped3A : memref<!tpu.dma_semaphore, #tpu.memory_space<semaphore_mem>>) src(%arg13 : memref<368x16xf32, #tpu.memory_space<vmem>>) dst(%dma_wait3A_285 : memref<368x16xf32, #tpu.memory_space<vmem_shared>>)
      tpu.yield
    }) : () -> ()
    %mul3A_37 = arith.constant 6256 : i32
    %mul3A_38 = arith.muli %arg1, %mul3A_37 : i32
    %add3A_39 = arith.constant 2576 : i32
    %add3A_40 = arith.addi %mul3A_38, %add3A_39 : i32
    "tpu.region"() ({
      %run_scoped3A = tpu.sem_alloc : memref<!tpu.dma_semaphore, #tpu.memory_space<semaphore_mem>>
      %dma_start3A = arith.constant 0 : i32
      %dma_start3A_280 = tpu.memref_slice %arg6[%add3A_40, %dma_start3A] : memref<100096x16xf32, #tpu.memory_space<vmem_shared>> -> memref<368x16xf32, #tpu.memory_space<vmem_shared>>
      %dma_start3A_281 = arith.constant 0 : i32
      %dma_start3A_282 = tpu.memref_slice %arg6[%add3A_40, %dma_start3A_281] : memref<100096x16xf32, #tpu.memory_space<vmem_shared>> -> memref<368x16xf32, #tpu.memory_space<vmem_shared>>
      tpu.enqueue_dma source(%arg13 : memref<368x16xf32, #tpu.memory_space<vmem>>) target(%dma_start3A_282 : memref<368x16xf32, #tpu.memory_space<vmem_shared>>) target_semaphore(%run_scoped3A : memref<!tpu.dma_semaphore, #tpu.memory_space<semaphore_mem>>)
      %dma_wait3A = arith.constant 0 : i32
      %dma_wait3A_283 = tpu.memref_slice %arg6[%add3A_40, %dma_wait3A] : memref<100096x16xf32, #tpu.memory_space<vmem_shared>> -> memref<368x16xf32, #tpu.memory_space<vmem_shared>>
      %dma_wait3A_284 = arith.constant 0 : i32
      %dma_wait3A_285 = tpu.memref_slice %arg6[%add3A_40, %dma_wait3A_284] : memref<100096x16xf32, #tpu.memory_space<vmem_shared>> -> memref<368x16xf32, #tpu.memory_space<vmem_shared>>
      tpu.wait_dma2 semaphore(%run_scoped3A : memref<!tpu.dma_semaphore, #tpu.memory_space<semaphore_mem>>) src(%arg13 : memref<368x16xf32, #tpu.memory_space<vmem>>) dst(%dma_wait3A_285 : memref<368x16xf32, #tpu.memory_space<vmem_shared>>)
      tpu.yield
    }) : () -> ()
    %mul3A_41 = arith.constant 6256 : i32
    %mul3A_42 = arith.muli %arg1, %mul3A_41 : i32
    %add3A_43 = arith.constant 2944 : i32
    %add3A_44 = arith.addi %mul3A_42, %add3A_43 : i32
    "tpu.region"() ({
      %run_scoped3A = tpu.sem_alloc : memref<!tpu.dma_semaphore, #tpu.memory_space<semaphore_mem>>
      %dma_start3A = arith.constant 0 : i32
      %dma_start3A_280 = tpu.memref_slice %arg6[%add3A_44, %dma_start3A] : memref<100096x16xf32, #tpu.memory_space<vmem_shared>> -> memref<368x16xf32, #tpu.memory_space<vmem_shared>>
      %dma_start3A_281 = arith.constant 0 : i32
      %dma_start3A_282 = tpu.memref_slice %arg6[%add3A_44, %dma_start3A_281] : memref<100096x16xf32, #tpu.memory_space<vmem_shared>> -> memref<368x16xf32, #tpu.memory_space<vmem_shared>>
      tpu.enqueue_dma source(%arg13 : memref<368x16xf32, #tpu.memory_space<vmem>>) target(%dma_start3A_282 : memref<368x16xf32, #tpu.memory_space<vmem_shared>>) target_semaphore(%run_scoped3A : memref<!tpu.dma_semaphore, #tpu.memory_space<semaphore_mem>>)
      %dma_wait3A = arith.constant 0 : i32
      %dma_wait3A_283 = tpu.memref_slice %arg6[%add3A_44, %dma_wait3A] : memref<100096x16xf32, #tpu.memory_space<vmem_shared>> -> memref<368x16xf32, #tpu.memory_space<vmem_shared>>
      %dma_wait3A_284 = arith.constant 0 : i32
      %dma_wait3A_285 = tpu.memref_slice %arg6[%add3A_44, %dma_wait3A_284] : memref<100096x16xf32, #tpu.memory_space<vmem_shared>> -> memref<368x16xf32, #tpu.memory_space<vmem_shared>>
      tpu.wait_dma2 semaphore(%run_scoped3A : memref<!tpu.dma_semaphore, #tpu.memory_space<semaphore_mem>>) src(%arg13 : memref<368x16xf32, #tpu.memory_space<vmem>>) dst(%dma_wait3A_285 : memref<368x16xf32, #tpu.memory_space<vmem_shared>>)
      tpu.yield
    }) : () -> ()
    %mul3A_45 = arith.constant 6256 : i32
    %mul3A_46 = arith.muli %arg1, %mul3A_45 : i32
    %add3A_47 = arith.constant 3312 : i32
    %add3A_48 = arith.addi %mul3A_46, %add3A_47 : i32
    "tpu.region"() ({
      %run_scoped3A = tpu.sem_alloc : memref<!tpu.dma_semaphore, #tpu.memory_space<semaphore_mem>>
      %dma_start3A = arith.constant 0 : i32
      %dma_start3A_280 = tpu.memref_slice %arg6[%add3A_48, %dma_start3A] : memref<100096x16xf32, #tpu.memory_space<vmem_shared>> -> memref<368x16xf32, #tpu.memory_space<vmem_shared>>
      %dma_start3A_281 = arith.constant 0 : i32
      %dma_start3A_282 = tpu.memref_slice %arg6[%add3A_48, %dma_start3A_281] : memref<100096x16xf32, #tpu.memory_space<vmem_shared>> -> memref<368x16xf32, #tpu.memory_space<vmem_shared>>
      tpu.enqueue_dma source(%arg13 : memref<368x16xf32, #tpu.memory_space<vmem>>) target(%dma_start3A_282 : memref<368x16xf32, #tpu.memory_space<vmem_shared>>) target_semaphore(%run_scoped3A : memref<!tpu.dma_semaphore, #tpu.memory_space<semaphore_mem>>)
      %dma_wait3A = arith.constant 0 : i32
      %dma_wait3A_283 = tpu.memref_slice %arg6[%add3A_48, %dma_wait3A] : memref<100096x16xf32, #tpu.memory_space<vmem_shared>> -> memref<368x16xf32, #tpu.memory_space<vmem_shared>>
      %dma_wait3A_284 = arith.constant 0 : i32
      %dma_wait3A_285 = tpu.memref_slice %arg6[%add3A_48, %dma_wait3A_284] : memref<100096x16xf32, #tpu.memory_space<vmem_shared>> -> memref<368x16xf32, #tpu.memory_space<vmem_shared>>
      tpu.wait_dma2 semaphore(%run_scoped3A : memref<!tpu.dma_semaphore, #tpu.memory_space<semaphore_mem>>) src(%arg13 : memref<368x16xf32, #tpu.memory_space<vmem>>) dst(%dma_wait3A_285 : memref<368x16xf32, #tpu.memory_space<vmem_shared>>)
      tpu.yield
    }) : () -> ()
    %mul3A_49 = arith.constant 6256 : i32
    %mul3A_50 = arith.muli %arg1, %mul3A_49 : i32
    %add3A_51 = arith.constant 3680 : i32
    %add3A_52 = arith.addi %mul3A_50, %add3A_51 : i32
    "tpu.region"() ({
      %run_scoped3A = tpu.sem_alloc : memref<!tpu.dma_semaphore, #tpu.memory_space<semaphore_mem>>
      %dma_start3A = arith.constant 0 : i32
      %dma_start3A_280 = tpu.memref_slice %arg6[%add3A_52, %dma_start3A] : memref<100096x16xf32, #tpu.memory_space<vmem_shared>> -> memref<368x16xf32, #tpu.memory_space<vmem_shared>>
      %dma_start3A_281 = arith.constant 0 : i32
      %dma_start3A_282 = tpu.memref_slice %arg6[%add3A_52, %dma_start3A_281] : memref<100096x16xf32, #tpu.memory_space<vmem_shared>> -> memref<368x16xf32, #tpu.memory_space<vmem_shared>>
      tpu.enqueue_dma source(%arg13 : memref<368x16xf32, #tpu.memory_space<vmem>>) target(%dma_start3A_282 : memref<368x16xf32, #tpu.memory_space<vmem_shared>>) target_semaphore(%run_scoped3A : memref<!tpu.dma_semaphore, #tpu.memory_space<semaphore_mem>>)
      %dma_wait3A = arith.constant 0 : i32
      %dma_wait3A_283 = tpu.memref_slice %arg6[%add3A_52, %dma_wait3A] : memref<100096x16xf32, #tpu.memory_space<vmem_shared>> -> memref<368x16xf32, #tpu.memory_space<vmem_shared>>
      %dma_wait3A_284 = arith.constant 0 : i32
      %dma_wait3A_285 = tpu.memref_slice %arg6[%add3A_52, %dma_wait3A_284] : memref<100096x16xf32, #tpu.memory_space<vmem_shared>> -> memref<368x16xf32, #tpu.memory_space<vmem_shared>>
      tpu.wait_dma2 semaphore(%run_scoped3A : memref<!tpu.dma_semaphore, #tpu.memory_space<semaphore_mem>>) src(%arg13 : memref<368x16xf32, #tpu.memory_space<vmem>>) dst(%dma_wait3A_285 : memref<368x16xf32, #tpu.memory_space<vmem_shared>>)
      tpu.yield
    }) : () -> ()
    %mul3A_53 = arith.constant 6256 : i32
    %mul3A_54 = arith.muli %arg1, %mul3A_53 : i32
    %add3A_55 = arith.constant 4048 : i32
    %add3A_56 = arith.addi %mul3A_54, %add3A_55 : i32
    "tpu.region"() ({
      %run_scoped3A = tpu.sem_alloc : memref<!tpu.dma_semaphore, #tpu.memory_space<semaphore_mem>>
      %dma_start3A = arith.constant 0 : i32
      %dma_start3A_280 = tpu.memref_slice %arg6[%add3A_56, %dma_start3A] : memref<100096x16xf32, #tpu.memory_space<vmem_shared>> -> memref<368x16xf32, #tpu.memory_space<vmem_shared>>
      %dma_start3A_281 = arith.constant 0 : i32
      %dma_start3A_282 = tpu.memref_slice %arg6[%add3A_56, %dma_start3A_281] : memref<100096x16xf32, #tpu.memory_space<vmem_shared>> -> memref<368x16xf32, #tpu.memory_space<vmem_shared>>
      tpu.enqueue_dma source(%arg13 : memref<368x16xf32, #tpu.memory_space<vmem>>) target(%dma_start3A_282 : memref<368x16xf32, #tpu.memory_space<vmem_shared>>) target_semaphore(%run_scoped3A : memref<!tpu.dma_semaphore, #tpu.memory_space<semaphore_mem>>)
      %dma_wait3A = arith.constant 0 : i32
      %dma_wait3A_283 = tpu.memref_slice %arg6[%add3A_56, %dma_wait3A] : memref<100096x16xf32, #tpu.memory_space<vmem_shared>> -> memref<368x16xf32, #tpu.memory_space<vmem_shared>>
      %dma_wait3A_284 = arith.constant 0 : i32
      %dma_wait3A_285 = tpu.memref_slice %arg6[%add3A_56, %dma_wait3A_284] : memref<100096x16xf32, #tpu.memory_space<vmem_shared>> -> memref<368x16xf32, #tpu.memory_space<vmem_shared>>
      tpu.wait_dma2 semaphore(%run_scoped3A : memref<!tpu.dma_semaphore, #tpu.memory_space<semaphore_mem>>) src(%arg13 : memref<368x16xf32, #tpu.memory_space<vmem>>) dst(%dma_wait3A_285 : memref<368x16xf32, #tpu.memory_space<vmem_shared>>)
      tpu.yield
    }) : () -> ()
    %mul3A_57 = arith.constant 6256 : i32
    %mul3A_58 = arith.muli %arg1, %mul3A_57 : i32
    %add3A_59 = arith.constant 4416 : i32
    %add3A_60 = arith.addi %mul3A_58, %add3A_59 : i32
    "tpu.region"() ({
      %run_scoped3A = tpu.sem_alloc : memref<!tpu.dma_semaphore, #tpu.memory_space<semaphore_mem>>
      %dma_start3A = arith.constant 0 : i32
      %dma_start3A_280 = tpu.memref_slice %arg6[%add3A_60, %dma_start3A] : memref<100096x16xf32, #tpu.memory_space<vmem_shared>> -> memref<368x16xf32, #tpu.memory_space<vmem_shared>>
      %dma_start3A_281 = arith.constant 0 : i32
      %dma_start3A_282 = tpu.memref_slice %arg6[%add3A_60, %dma_start3A_281] : memref<100096x16xf32, #tpu.memory_space<vmem_shared>> -> memref<368x16xf32, #tpu.memory_space<vmem_shared>>
      tpu.enqueue_dma source(%arg13 : memref<368x16xf32, #tpu.memory_space<vmem>>) target(%dma_start3A_282 : memref<368x16xf32, #tpu.memory_space<vmem_shared>>) target_semaphore(%run_scoped3A : memref<!tpu.dma_semaphore, #tpu.memory_space<semaphore_mem>>)
      %dma_wait3A = arith.constant 0 : i32
      %dma_wait3A_283 = tpu.memref_slice %arg6[%add3A_60, %dma_wait3A] : memref<100096x16xf32, #tpu.memory_space<vmem_shared>> -> memref<368x16xf32, #tpu.memory_space<vmem_shared>>
      %dma_wait3A_284 = arith.constant 0 : i32
      %dma_wait3A_285 = tpu.memref_slice %arg6[%add3A_60, %dma_wait3A_284] : memref<100096x16xf32, #tpu.memory_space<vmem_shared>> -> memref<368x16xf32, #tpu.memory_space<vmem_shared>>
      tpu.wait_dma2 semaphore(%run_scoped3A : memref<!tpu.dma_semaphore, #tpu.memory_space<semaphore_mem>>) src(%arg13 : memref<368x16xf32, #tpu.memory_space<vmem>>) dst(%dma_wait3A_285 : memref<368x16xf32, #tpu.memory_space<vmem_shared>>)
      tpu.yield
    }) : () -> ()
    %mul3A_61 = arith.constant 6256 : i32
    %mul3A_62 = arith.muli %arg1, %mul3A_61 : i32
    %add3A_63 = arith.constant 4784 : i32
    %add3A_64 = arith.addi %mul3A_62, %add3A_63 : i32
    "tpu.region"() ({
      %run_scoped3A = tpu.sem_alloc : memref<!tpu.dma_semaphore, #tpu.memory_space<semaphore_mem>>
      %dma_start3A = arith.constant 0 : i32
      %dma_start3A_280 = tpu.memref_slice %arg6[%add3A_64, %dma_start3A] : memref<100096x16xf32, #tpu.memory_space<vmem_shared>> -> memref<368x16xf32, #tpu.memory_space<vmem_shared>>
      %dma_start3A_281 = arith.constant 0 : i32
      %dma_start3A_282 = tpu.memref_slice %arg6[%add3A_64, %dma_start3A_281] : memref<100096x16xf32, #tpu.memory_space<vmem_shared>> -> memref<368x16xf32, #tpu.memory_space<vmem_shared>>
      tpu.enqueue_dma source(%arg13 : memref<368x16xf32, #tpu.memory_space<vmem>>) target(%dma_start3A_282 : memref<368x16xf32, #tpu.memory_space<vmem_shared>>) target_semaphore(%run_scoped3A : memref<!tpu.dma_semaphore, #tpu.memory_space<semaphore_mem>>)
      %dma_wait3A = arith.constant 0 : i32
      %dma_wait3A_283 = tpu.memref_slice %arg6[%add3A_64, %dma_wait3A] : memref<100096x16xf32, #tpu.memory_space<vmem_shared>> -> memref<368x16xf32, #tpu.memory_space<vmem_shared>>
      %dma_wait3A_284 = arith.constant 0 : i32
      %dma_wait3A_285 = tpu.memref_slice %arg6[%add3A_64, %dma_wait3A_284] : memref<100096x16xf32, #tpu.memory_space<vmem_shared>> -> memref<368x16xf32, #tpu.memory_space<vmem_shared>>
      tpu.wait_dma2 semaphore(%run_scoped3A : memref<!tpu.dma_semaphore, #tpu.memory_space<semaphore_mem>>) src(%arg13 : memref<368x16xf32, #tpu.memory_space<vmem>>) dst(%dma_wait3A_285 : memref<368x16xf32, #tpu.memory_space<vmem_shared>>)
      tpu.yield
    }) : () -> ()
    %mul3A_65 = arith.constant 6256 : i32
    %mul3A_66 = arith.muli %arg1, %mul3A_65 : i32
    %add3A_67 = arith.constant 5152 : i32
    %add3A_68 = arith.addi %mul3A_66, %add3A_67 : i32
    "tpu.region"() ({
      %run_scoped3A = tpu.sem_alloc : memref<!tpu.dma_semaphore, #tpu.memory_space<semaphore_mem>>
      %dma_start3A = arith.constant 0 : i32
      %dma_start3A_280 = tpu.memref_slice %arg6[%add3A_68, %dma_start3A] : memref<100096x16xf32, #tpu.memory_space<vmem_shared>> -> memref<368x16xf32, #tpu.memory_space<vmem_shared>>
      %dma_start3A_281 = arith.constant 0 : i32
      %dma_start3A_282 = tpu.memref_slice %arg6[%add3A_68, %dma_start3A_281] : memref<100096x16xf32, #tpu.memory_space<vmem_shared>> -> memref<368x16xf32, #tpu.memory_space<vmem_shared>>
      tpu.enqueue_dma source(%arg13 : memref<368x16xf32, #tpu.memory_space<vmem>>) target(%dma_start3A_282 : memref<368x16xf32, #tpu.memory_space<vmem_shared>>) target_semaphore(%run_scoped3A : memref<!tpu.dma_semaphore, #tpu.memory_space<semaphore_mem>>)
      %dma_wait3A = arith.constant 0 : i32
      %dma_wait3A_283 = tpu.memref_slice %arg6[%add3A_68, %dma_wait3A] : memref<100096x16xf32, #tpu.memory_space<vmem_shared>> -> memref<368x16xf32, #tpu.memory_space<vmem_shared>>
      %dma_wait3A_284 = arith.constant 0 : i32
      %dma_wait3A_285 = tpu.memref_slice %arg6[%add3A_68, %dma_wait3A_284] : memref<100096x16xf32, #tpu.memory_space<vmem_shared>> -> memref<368x16xf32, #tpu.memory_space<vmem_shared>>
      tpu.wait_dma2 semaphore(%run_scoped3A : memref<!tpu.dma_semaphore, #tpu.memory_space<semaphore_mem>>) src(%arg13 : memref<368x16xf32, #tpu.memory_space<vmem>>) dst(%dma_wait3A_285 : memref<368x16xf32, #tpu.memory_space<vmem_shared>>)
      tpu.yield
    }) : () -> ()
    %mul3A_69 = arith.constant 6256 : i32
    %mul3A_70 = arith.muli %arg1, %mul3A_69 : i32
    %add3A_71 = arith.constant 5520 : i32
    %add3A_72 = arith.addi %mul3A_70, %add3A_71 : i32
    "tpu.region"() ({
      %run_scoped3A = tpu.sem_alloc : memref<!tpu.dma_semaphore, #tpu.memory_space<semaphore_mem>>
      %dma_start3A = arith.constant 0 : i32
      %dma_start3A_280 = tpu.memref_slice %arg6[%add3A_72, %dma_start3A] : memref<100096x16xf32, #tpu.memory_space<vmem_shared>> -> memref<368x16xf32, #tpu.memory_space<vmem_shared>>
      %dma_start3A_281 = arith.constant 0 : i32
      %dma_start3A_282 = tpu.memref_slice %arg6[%add3A_72, %dma_start3A_281] : memref<100096x16xf32, #tpu.memory_space<vmem_shared>> -> memref<368x16xf32, #tpu.memory_space<vmem_shared>>
      tpu.enqueue_dma source(%arg13 : memref<368x16xf32, #tpu.memory_space<vmem>>) target(%dma_start3A_282 : memref<368x16xf32, #tpu.memory_space<vmem_shared>>) target_semaphore(%run_scoped3A : memref<!tpu.dma_semaphore, #tpu.memory_space<semaphore_mem>>)
      %dma_wait3A = arith.constant 0 : i32
      %dma_wait3A_283 = tpu.memref_slice %arg6[%add3A_72, %dma_wait3A] : memref<100096x16xf32, #tpu.memory_space<vmem_shared>> -> memref<368x16xf32, #tpu.memory_space<vmem_shared>>
      %dma_wait3A_284 = arith.constant 0 : i32
      %dma_wait3A_285 = tpu.memref_slice %arg6[%add3A_72, %dma_wait3A_284] : memref<100096x16xf32, #tpu.memory_space<vmem_shared>> -> memref<368x16xf32, #tpu.memory_space<vmem_shared>>
      tpu.wait_dma2 semaphore(%run_scoped3A : memref<!tpu.dma_semaphore, #tpu.memory_space<semaphore_mem>>) src(%arg13 : memref<368x16xf32, #tpu.memory_space<vmem>>) dst(%dma_wait3A_285 : memref<368x16xf32, #tpu.memory_space<vmem_shared>>)
      tpu.yield
    }) : () -> ()
    %mul3A_73 = arith.constant 6256 : i32
    %mul3A_74 = arith.muli %arg1, %mul3A_73 : i32
    %add3A_75 = arith.constant 5888 : i32
    %add3A_76 = arith.addi %mul3A_74, %add3A_75 : i32
    "tpu.region"() ({
      %run_scoped3A = tpu.sem_alloc : memref<!tpu.dma_semaphore, #tpu.memory_space<semaphore_mem>>
      %dma_start3A = arith.constant 0 : i32
      %dma_start3A_280 = tpu.memref_slice %arg6[%add3A_76, %dma_start3A] : memref<100096x16xf32, #tpu.memory_space<vmem_shared>> -> memref<368x16xf32, #tpu.memory_space<vmem_shared>>
      %dma_start3A_281 = arith.constant 0 : i32
      %dma_start3A_282 = tpu.memref_slice %arg6[%add3A_76, %dma_start3A_281] : memref<100096x16xf32, #tpu.memory_space<vmem_shared>> -> memref<368x16xf32, #tpu.memory_space<vmem_shared>>
      tpu.enqueue_dma source(%arg13 : memref<368x16xf32, #tpu.memory_space<vmem>>) target(%dma_start3A_282 : memref<368x16xf32, #tpu.memory_space<vmem_shared>>) target_semaphore(%run_scoped3A : memref<!tpu.dma_semaphore, #tpu.memory_space<semaphore_mem>>)
      %dma_wait3A = arith.constant 0 : i32
      %dma_wait3A_283 = tpu.memref_slice %arg6[%add3A_76, %dma_wait3A] : memref<100096x16xf32, #tpu.memory_space<vmem_shared>> -> memref<368x16xf32, #tpu.memory_space<vmem_shared>>
      %dma_wait3A_284 = arith.constant 0 : i32
      %dma_wait3A_285 = tpu.memref_slice %arg6[%add3A_76, %dma_wait3A_284] : memref<100096x16xf32, #tpu.memory_space<vmem_shared>> -> memref<368x16xf32, #tpu.memory_space<vmem_shared>>
      tpu.wait_dma2 semaphore(%run_scoped3A : memref<!tpu.dma_semaphore, #tpu.memory_space<semaphore_mem>>) src(%arg13 : memref<368x16xf32, #tpu.memory_space<vmem>>) dst(%dma_wait3A_285 : memref<368x16xf32, #tpu.memory_space<vmem_shared>>)
      tpu.yield
    }) : () -> ()
    %barrier3A = arith.constant 0 : index
    tpu.barrier barrier_id(%barrier3A)
    %scan3A_77 = arith.constant 0 : i32
    %scan3A_78 = arith.constant 0 : i32
    %scan3A_79 = arith.constant 0 : i32
    %scan3A_80 = arith.constant 49 : i32
    %scan3A_81 = arith.addi %scan3A_79, %scan3A_80 : i32
    %scan3A_82 = arith.constant 1 : i32
    %scan3A_83 = scf.for %scan3A_280 = %scan3A_79 to %scan3A_81 step %scan3A_82 iter_args(%scan3A_281 = %scan3A_78) -> (i32)  : i32 {
      %mul3A_282 = arith.constant 8 : i32
      %mul3A_283 = arith.muli %scan3A_280, %mul3A_282 : i32
      %add3A_284 = arith.addi %mul3A_2, %mul3A_283 : i32
      "tpu.region"() ({
        %run_scoped3A = tpu.sem_alloc : memref<!tpu.dma_semaphore, #tpu.memory_space<semaphore_mem>>
        %dma_start3A_572 = arith.constant 0 : i32
        %dma_start3A_573 = tpu.memref_slice %arg3[%add3A_284, %dma_start3A_572] : memref<12544x128xi32, #tpu.memory_space<hbm>> -> memref<8x128xi32, #tpu.memory_space<hbm>>
        %dma_start3A_574 = arith.constant 0 : i32
        %dma_start3A_575 = tpu.memref_slice %arg3[%add3A_284, %dma_start3A_574] : memref<12544x128xi32, #tpu.memory_space<hbm>> -> memref<8x128xi32, #tpu.memory_space<hbm>>
        tpu.enqueue_dma source(%dma_start3A_575 : memref<8x128xi32, #tpu.memory_space<hbm>>) target(%arg7 : memref<8x128xi32, #tpu.memory_space<vmem>>) target_semaphore(%run_scoped3A : memref<!tpu.dma_semaphore, #tpu.memory_space<semaphore_mem>>)
        %dma_wait3A_576 = arith.constant 0 : i32
        %dma_wait3A_577 = tpu.memref_slice %arg3[%add3A_284, %dma_wait3A_576] : memref<12544x128xi32, #tpu.memory_space<hbm>> -> memref<8x128xi32, #tpu.memory_space<hbm>>
        %dma_wait3A_578 = arith.constant 0 : i32
        %dma_wait3A_579 = tpu.memref_slice %arg3[%add3A_284, %dma_wait3A_578] : memref<12544x128xi32, #tpu.memory_space<hbm>> -> memref<8x128xi32, #tpu.memory_space<hbm>>
        tpu.wait_dma2 semaphore(%run_scoped3A : memref<!tpu.dma_semaphore, #tpu.memory_space<semaphore_mem>>) src(%dma_wait3A_579 : memref<8x128xi32, #tpu.memory_space<hbm>>) dst(%arg7 : memref<8x128xi32, #tpu.memory_space<vmem>>)
        tpu.yield
      }) : () -> ()
      "tpu.region"() ({
        %run_scoped3A = tpu.sem_alloc : memref<!tpu.dma_semaphore, #tpu.memory_space<semaphore_mem>>
        %dma_start3A_572 = arith.constant 0 : i32
        %dma_start3A_573 = tpu.memref_slice %arg4[%add3A_284, %dma_start3A_572] : memref<12544x128xi32, #tpu.memory_space<hbm>> -> memref<8x128xi32, #tpu.memory_space<hbm>>
        %dma_start3A_574 = arith.constant 0 : i32
        %dma_start3A_575 = tpu.memref_slice %arg4[%add3A_284, %dma_start3A_574] : memref<12544x128xi32, #tpu.memory_space<hbm>> -> memref<8x128xi32, #tpu.memory_space<hbm>>
        tpu.enqueue_dma source(%dma_start3A_575 : memref<8x128xi32, #tpu.memory_space<hbm>>) target(%arg8 : memref<8x128xi32, #tpu.memory_space<vmem>>) target_semaphore(%run_scoped3A : memref<!tpu.dma_semaphore, #tpu.memory_space<semaphore_mem>>)
        %dma_wait3A_576 = arith.constant 0 : i32
        %dma_wait3A_577 = tpu.memref_slice %arg4[%add3A_284, %dma_wait3A_576] : memref<12544x128xi32, #tpu.memory_space<hbm>> -> memref<8x128xi32, #tpu.memory_space<hbm>>
        %dma_wait3A_578 = arith.constant 0 : i32
        %dma_wait3A_579 = tpu.memref_slice %arg4[%add3A_284, %dma_wait3A_578] : memref<12544x128xi32, #tpu.memory_space<hbm>> -> memref<8x128xi32, #tpu.memory_space<hbm>>
        tpu.wait_dma2 semaphore(%run_scoped3A : memref<!tpu.dma_semaphore, #tpu.memory_space<semaphore_mem>>) src(%dma_wait3A_579 : memref<8x128xi32, #tpu.memory_space<hbm>>) dst(%arg8 : memref<8x128xi32, #tpu.memory_space<vmem>>)
        tpu.yield
      }) : () -> ()
      %dma_start3A = arith.constant 0 : i32
      %dma_start3A_285 = arith.constant 0 : i32
      %dma_start3A_286 = tpu.memref_slice %arg7[%dma_start3A, %dma_start3A_285] : memref<8x128xi32, #tpu.memory_space<vmem>> -> memref<1x128xi32, #tpu.memory_space<vmem>>
      %dma_start3A_287 = tpu.memref_squeeze %dma_start3A_286 : memref<1x128xi32, #tpu.memory_space<vmem>> -> memref<128xi32, #tpu.memory_space<vmem>>
      %dma_start3A_288 = arith.constant 0 : i32
      %dma_start3A_289 = arith.constant 0 : i32
      %dma_start3A_290 = tpu.memref_slice %arg2[%scan3A_77, %dma_start3A_288, %dma_start3A_289] : memref<3x100000x16xf32, #tpu.memory_space<hbm>> -> memref<1x100000x16xf32, #tpu.memory_space<hbm>>
      %dma_start3A_291 = tpu.memref_squeeze %dma_start3A_290 : memref<1x100000x16xf32, #tpu.memory_space<hbm>> -> memref<100000x16xf32, #tpu.memory_space<hbm>>
      %dma_start3A_292 = arith.constant 0 : i32
      %dma_start3A_293 = arith.constant 0 : i32
      %dma_start3A_294 = tpu.memref_slice %dma_start3A_291[%dma_start3A_292, %dma_start3A_293] : memref<100000x16xf32, #tpu.memory_space<hbm>> -> memref<100000x16xf32, #tpu.memory_space<hbm>>
      tpu.enqueue_indirect_dma source(%dma_start3A_294 : memref<100000x16xf32, #tpu.memory_space<hbm>>) target(%arg9 : memref<128x16xf32, #tpu.memory_space<vmem>>) offsets(%dma_start3A_287 : memref<128xi32, #tpu.memory_space<vmem>>) semaphore(%arg15 : memref<!tpu.dma_semaphore, #tpu.memory_space<semaphore_mem>>)
      %dma_start3A_295 = arith.constant 1 : i32
      %dma_start3A_296 = arith.constant 0 : i32
      %dma_start3A_297 = tpu.memref_slice %arg7[%dma_start3A_295, %dma_start3A_296] : memref<8x128xi32, #tpu.memory_space<vmem>> -> memref<1x128xi32, #tpu.memory_space<vmem>>
      %dma_start3A_298 = tpu.memref_squeeze %dma_start3A_297 : memref<1x128xi32, #tpu.memory_space<vmem>> -> memref<128xi32, #tpu.memory_space<vmem>>
      %dma_start3A_299 = arith.constant 0 : i32
      %dma_start3A_300 = arith.constant 0 : i32
      %dma_start3A_301 = tpu.memref_slice %arg2[%scan3A_77, %dma_start3A_299, %dma_start3A_300] : memref<3x100000x16xf32, #tpu.memory_space<hbm>> -> memref<1x100000x16xf32, #tpu.memory_space<hbm>>
      %dma_start3A_302 = tpu.memref_squeeze %dma_start3A_301 : memref<1x100000x16xf32, #tpu.memory_space<hbm>> -> memref<100000x16xf32, #tpu.memory_space<hbm>>
      %dma_start3A_303 = arith.constant 0 : i32
      %dma_start3A_304 = arith.constant 0 : i32
      %dma_start3A_305 = tpu.memref_slice %dma_start3A_302[%dma_start3A_303, %dma_start3A_304] : memref<100000x16xf32, #tpu.memory_space<hbm>> -> memref<100000x16xf32, #tpu.memory_space<hbm>>
      tpu.enqueue_indirect_dma source(%dma_start3A_305 : memref<100000x16xf32, #tpu.memory_space<hbm>>) target(%arg10 : memref<128x16xf32, #tpu.memory_space<vmem>>) offsets(%dma_start3A_298 : memref<128xi32, #tpu.memory_space<vmem>>) semaphore(%arg16 : memref<!tpu.dma_semaphore, #tpu.memory_space<semaphore_mem>>)
      %dma_start3A_306 = arith.constant 2 : i32
      %dma_start3A_307 = arith.constant 0 : i32
      %dma_start3A_308 = tpu.memref_slice %arg7[%dma_start3A_306, %dma_start3A_307] : memref<8x128xi32, #tpu.memory_space<vmem>> -> memref<1x128xi32, #tpu.memory_space<vmem>>
      %dma_start3A_309 = tpu.memref_squeeze %dma_start3A_308 : memref<1x128xi32, #tpu.memory_space<vmem>> -> memref<128xi32, #tpu.memory_space<vmem>>
      %dma_start3A_310 = arith.constant 0 : i32
      %dma_start3A_311 = arith.constant 0 : i32
      %dma_start3A_312 = tpu.memref_slice %arg2[%scan3A_77, %dma_start3A_310, %dma_start3A_311] : memref<3x100000x16xf32, #tpu.memory_space<hbm>> -> memref<1x100000x16xf32, #tpu.memory_space<hbm>>
      %dma_start3A_313 = tpu.memref_squeeze %dma_start3A_312 : memref<1x100000x16xf32, #tpu.memory_space<hbm>> -> memref<100000x16xf32, #tpu.memory_space<hbm>>
      %dma_start3A_314 = arith.constant 0 : i32
      %dma_start3A_315 = arith.constant 0 : i32
      %dma_start3A_316 = tpu.memref_slice %dma_start3A_313[%dma_start3A_314, %dma_start3A_315] : memref<100000x16xf32, #tpu.memory_space<hbm>> -> memref<100000x16xf32, #tpu.memory_space<hbm>>
      tpu.enqueue_indirect_dma source(%dma_start3A_316 : memref<100000x16xf32, #tpu.memory_space<hbm>>) target(%arg11 : memref<128x16xf32, #tpu.memory_space<vmem>>) offsets(%dma_start3A_309 : memref<128xi32, #tpu.memory_space<vmem>>) semaphore(%arg17 : memref<!tpu.dma_semaphore, #tpu.memory_space<semaphore_mem>>)
      %dma_wait3A = arith.constant 0 : i32
      %dma_wait3A_317 = arith.constant 0 : i32
      %dma_wait3A_318 = tpu.memref_slice %arg7[%dma_wait3A, %dma_wait3A_317] : memref<8x128xi32, #tpu.memory_space<vmem>> -> memref<1x128xi32, #tpu.memory_space<vmem>>
      %dma_wait3A_319 = tpu.memref_squeeze %dma_wait3A_318 : memref<1x128xi32, #tpu.memory_space<vmem>> -> memref<128xi32, #tpu.memory_space<vmem>>
      %dma_wait3A_320 = arith.constant 0 : i32
      %dma_wait3A_321 = arith.constant 0 : i32
      %dma_wait3A_322 = tpu.memref_slice %arg2[%scan3A_77, %dma_wait3A_320, %dma_wait3A_321] : memref<3x100000x16xf32, #tpu.memory_space<hbm>> -> memref<1x100000x16xf32, #tpu.memory_space<hbm>>
      %dma_wait3A_323 = tpu.memref_squeeze %dma_wait3A_322 : memref<1x100000x16xf32, #tpu.memory_space<hbm>> -> memref<100000x16xf32, #tpu.memory_space<hbm>>
      %dma_wait3A_324 = arith.constant 0 : i32
      %dma_wait3A_325 = arith.constant 0 : i32
      %dma_wait3A_326 = tpu.memref_slice %dma_wait3A_323[%dma_wait3A_324, %dma_wait3A_325] : memref<100000x16xf32, #tpu.memory_space<hbm>> -> memref<100000x16xf32, #tpu.memory_space<hbm>>
      tpu.wait_indirect_dma semaphore(%arg15 : memref<!tpu.dma_semaphore, #tpu.memory_space<semaphore_mem>>) src(%dma_wait3A_326 : memref<100000x16xf32, #tpu.memory_space<hbm>>) dst(%arg9 : memref<128x16xf32, #tpu.memory_space<vmem>>)
      %dma_start3A_327 = arith.constant 0 : i32
      %dma_start3A_328 = arith.constant 0 : i32
      %dma_start3A_329 = tpu.memref_slice %arg8[%dma_start3A_327, %dma_start3A_328] : memref<8x128xi32, #tpu.memory_space<vmem>> -> memref<1x128xi32, #tpu.memory_space<vmem>>
      %dma_start3A_330 = tpu.memref_squeeze %dma_start3A_329 : memref<1x128xi32, #tpu.memory_space<vmem>> -> memref<128xi32, #tpu.memory_space<vmem>>
      %dma_start3A_331 = arith.constant 0 : i32
      %dma_start3A_332 = arith.constant 0 : i32
      %dma_start3A_333 = tpu.memref_slice %arg6[%dma_start3A_331, %dma_start3A_332] : memref<100096x16xf32, #tpu.memory_space<vmem_shared>> -> memref<100096x16xf32, #tpu.memory_space<vmem_shared>>
      tpu.enqueue_indirect_dma source(%arg9 : memref<128x16xf32, #tpu.memory_space<vmem>>) target(%dma_start3A_333 : memref<100096x16xf32, #tpu.memory_space<vmem_shared>>) offsets(%dma_start3A_330 : memref<128xi32, #tpu.memory_space<vmem>>) semaphore(%arg19 : memref<!tpu.dma_semaphore, #tpu.memory_space<semaphore_mem>>) {add = true}
      %dma_start3A_334 = arith.constant 3 : i32
      %dma_start3A_335 = arith.constant 0 : i32
      %dma_start3A_336 = tpu.memref_slice %arg7[%dma_start3A_334, %dma_start3A_335] : memref<8x128xi32, #tpu.memory_space<vmem>> -> memref<1x128xi32, #tpu.memory_space<vmem>>
      %dma_start3A_337 = tpu.memref_squeeze %dma_start3A_336 : memref<1x128xi32, #tpu.memory_space<vmem>> -> memref<128xi32, #tpu.memory_space<vmem>>
      %dma_start3A_338 = arith.constant 0 : i32
      %dma_start3A_339 = arith.constant 0 : i32
      %dma_start3A_340 = tpu.memref_slice %arg2[%scan3A_77, %dma_start3A_338, %dma_start3A_339] : memref<3x100000x16xf32, #tpu.memory_space<hbm>> -> memref<1x100000x16xf32, #tpu.memory_space<hbm>>
      %dma_start3A_341 = tpu.memref_squeeze %dma_start3A_340 : memref<1x100000x16xf32, #tpu.memory_space<hbm>> -> memref<100000x16xf32, #tpu.memory_space<hbm>>
      %dma_start3A_342 = arith.constant 0 : i32
      %dma_start3A_343 = arith.constant 0 : i32
      %dma_start3A_344 = tpu.memref_slice %dma_start3A_341[%dma_start3A_342, %dma_start3A_343] : memref<100000x16xf32, #tpu.memory_space<hbm>> -> memref<100000x16xf32, #tpu.memory_space<hbm>>
      tpu.enqueue_indirect_dma source(%dma_start3A_344 : memref<100000x16xf32, #tpu.memory_space<hbm>>) target(%arg12 : memref<128x16xf32, #tpu.memory_space<vmem>>) offsets(%dma_start3A_337 : memref<128xi32, #tpu.memory_space<vmem>>) semaphore(%arg18 : memref<!tpu.dma_semaphore, #tpu.memory_space<semaphore_mem>>)
      %dma_wait3A_345 = arith.constant 1 : i32
      %dma_wait3A_346 = arith.constant 0 : i32
      %dma_wait3A_347 = tpu.memref_slice %arg7[%dma_wait3A_345, %dma_wait3A_346] : memref<8x128xi32, #tpu.memory_space<vmem>> -> memref<1x128xi32, #tpu.memory_space<vmem>>
      %dma_wait3A_348 = tpu.memref_squeeze %dma_wait3A_347 : memref<1x128xi32, #tpu.memory_space<vmem>> -> memref<128xi32, #tpu.memory_space<vmem>>
      %dma_wait3A_349 = arith.constant 0 : i32
      %dma_wait3A_350 = arith.constant 0 : i32
      %dma_wait3A_351 = tpu.memref_slice %arg2[%scan3A_77, %dma_wait3A_349, %dma_wait3A_350] : memref<3x100000x16xf32, #tpu.memory_space<hbm>> -> memref<1x100000x16xf32, #tpu.memory_space<hbm>>
      %dma_wait3A_352 = tpu.memref_squeeze %dma_wait3A_351 : memref<1x100000x16xf32, #tpu.memory_space<hbm>> -> memref<100000x16xf32, #tpu.memory_space<hbm>>
      %dma_wait3A_353 = arith.constant 0 : i32
      %dma_wait3A_354 = arith.constant 0 : i32
      %dma_wait3A_355 = tpu.memref_slice %dma_wait3A_352[%dma_wait3A_353, %dma_wait3A_354] : memref<100000x16xf32, #tpu.memory_space<hbm>> -> memref<100000x16xf32, #tpu.memory_space<hbm>>
      tpu.wait_indirect_dma semaphore(%arg16 : memref<!tpu.dma_semaphore, #tpu.memory_space<semaphore_mem>>) src(%dma_wait3A_355 : memref<100000x16xf32, #tpu.memory_space<hbm>>) dst(%arg10 : memref<128x16xf32, #tpu.memory_space<vmem>>)
      %dma_start3A_356 = arith.constant 1 : i32
      %dma_start3A_357 = arith.constant 0 : i32
      %dma_start3A_358 = tpu.memref_slice %arg8[%dma_start3A_356, %dma_start3A_357] : memref<8x128xi32, #tpu.memory_space<vmem>> -> memref<1x128xi32, #tpu.memory_space<vmem>>
      %dma_start3A_359 = tpu.memref_squeeze %dma_start3A_358 : memref<1x128xi32, #tpu.memory_space<vmem>> -> memref<128xi32, #tpu.memory_space<vmem>>
      %dma_start3A_360 = arith.constant 0 : i32
      %dma_start3A_361 = arith.constant 0 : i32
      %dma_start3A_362 = tpu.memref_slice %arg6[%dma_start3A_360, %dma_start3A_361] : memref<100096x16xf32, #tpu.memory_space<vmem_shared>> -> memref<100096x16xf32, #tpu.memory_space<vmem_shared>>
      tpu.enqueue_indirect_dma source(%arg10 : memref<128x16xf32, #tpu.memory_space<vmem>>) target(%dma_start3A_362 : memref<100096x16xf32, #tpu.memory_space<vmem_shared>>) offsets(%dma_start3A_359 : memref<128xi32, #tpu.memory_space<vmem>>) semaphore(%arg20 : memref<!tpu.dma_semaphore, #tpu.memory_space<semaphore_mem>>) {add = true}
      %dma_wait3A_363 = arith.constant 0 : i32
      %dma_wait3A_364 = arith.constant 0 : i32
      %dma_wait3A_365 = tpu.memref_slice %arg8[%dma_wait3A_363, %dma_wait3A_364] : memref<8x128xi32, #tpu.memory_space<vmem>> -> memref<1x128xi32, #tpu.memory_space<vmem>>
      %dma_wait3A_366 = tpu.memref_squeeze %dma_wait3A_365 : memref<1x128xi32, #tpu.memory_space<vmem>> -> memref<128xi32, #tpu.memory_space<vmem>>
      %dma_wait3A_367 = arith.constant 0 : i32
      %dma_wait3A_368 = arith.constant 0 : i32
      %dma_wait3A_369 = tpu.memref_slice %arg6[%dma_wait3A_367, %dma_wait3A_368] : memref<100096x16xf32, #tpu.memory_space<vmem_shared>> -> memref<100096x16xf32, #tpu.memory_space<vmem_shared>>
      tpu.wait_indirect_dma semaphore(%arg19 : memref<!tpu.dma_semaphore, #tpu.memory_space<semaphore_mem>>) src(%arg9 : memref<128x16xf32, #tpu.memory_space<vmem>>) dst(%dma_wait3A_369 : memref<100096x16xf32, #tpu.memory_space<vmem_shared>>)
      %dma_start3A_370 = arith.constant 4 : i32
      %dma_start3A_371 = arith.constant 0 : i32
      %dma_start3A_372 = tpu.memref_slice %arg7[%dma_start3A_370, %dma_start3A_371] : memref<8x128xi32, #tpu.memory_space<vmem>> -> memref<1x128xi32, #tpu.memory_space<vmem>>
      %dma_start3A_373 = tpu.memref_squeeze %dma_start3A_372 : memref<1x128xi32, #tpu.memory_space<vmem>> -> memref<128xi32, #tpu.memory_space<vmem>>
      %dma_start3A_374 = arith.constant 0 : i32
      %dma_start3A_375 = arith.constant 0 : i32
      %dma_start3A_376 = tpu.memref_slice %arg2[%scan3A_77, %dma_start3A_374, %dma_start3A_375] : memref<3x100000x16xf32, #tpu.memory_space<hbm>> -> memref<1x100000x16xf32, #tpu.memory_space<hbm>>
      %dma_start3A_377 = tpu.memref_squeeze %dma_start3A_376 : memref<1x100000x16xf32, #tpu.memory_space<hbm>> -> memref<100000x16xf32, #tpu.memory_space<hbm>>
      %dma_start3A_378 = arith.constant 0 : i32
      %dma_start3A_379 = arith.constant 0 : i32
      %dma_start3A_380 = tpu.memref_slice %dma_start3A_377[%dma_start3A_378, %dma_start3A_379] : memref<100000x16xf32, #tpu.memory_space<hbm>> -> memref<100000x16xf32, #tpu.memory_space<hbm>>
      tpu.enqueue_indirect_dma source(%dma_start3A_380 : memref<100000x16xf32, #tpu.memory_space<hbm>>) target(%arg9 : memref<128x16xf32, #tpu.memory_space<vmem>>) offsets(%dma_start3A_373 : memref<128xi32, #tpu.memory_space<vmem>>) semaphore(%arg15 : memref<!tpu.dma_semaphore, #tpu.memory_space<semaphore_mem>>)
      %dma_wait3A_381 = arith.constant 2 : i32
      %dma_wait3A_382 = arith.constant 0 : i32
      %dma_wait3A_383 = tpu.memref_slice %arg7[%dma_wait3A_381, %dma_wait3A_382] : memref<8x128xi32, #tpu.memory_space<vmem>> -> memref<1x128xi32, #tpu.memory_space<vmem>>
      %dma_wait3A_384 = tpu.memref_squeeze %dma_wait3A_383 : memref<1x128xi32, #tpu.memory_space<vmem>> -> memref<128xi32, #tpu.memory_space<vmem>>
      %dma_wait3A_385 = arith.constant 0 : i32
      %dma_wait3A_386 = arith.constant 0 : i32
      %dma_wait3A_387 = tpu.memref_slice %arg2[%scan3A_77, %dma_wait3A_385, %dma_wait3A_386] : memref<3x100000x16xf32, #tpu.memory_space<hbm>> -> memref<1x100000x16xf32, #tpu.memory_space<hbm>>
      %dma_wait3A_388 = tpu.memref_squeeze %dma_wait3A_387 : memref<1x100000x16xf32, #tpu.memory_space<hbm>> -> memref<100000x16xf32, #tpu.memory_space<hbm>>
      %dma_wait3A_389 = arith.constant 0 : i32
      %dma_wait3A_390 = arith.constant 0 : i32
      %dma_wait3A_391 = tpu.memref_slice %dma_wait3A_388[%dma_wait3A_389, %dma_wait3A_390] : memref<100000x16xf32, #tpu.memory_space<hbm>> -> memref<100000x16xf32, #tpu.memory_space<hbm>>
      tpu.wait_indirect_dma semaphore(%arg17 : memref<!tpu.dma_semaphore, #tpu.memory_space<semaphore_mem>>) src(%dma_wait3A_391 : memref<100000x16xf32, #tpu.memory_space<hbm>>) dst(%arg11 : memref<128x16xf32, #tpu.memory_space<vmem>>)
      %dma_start3A_392 = arith.constant 2 : i32
      %dma_start3A_393 = arith.constant 0 : i32
      %dma_start3A_394 = tpu.memref_slice %arg8[%dma_start3A_392, %dma_start3A_393] : memref<8x128xi32, #tpu.memory_space<vmem>> -> memref<1x128xi32, #tpu.memory_space<vmem>>
      %dma_start3A_395 = tpu.memref_squeeze %dma_start3A_394 : memref<1x128xi32, #tpu.memory_space<vmem>> -> memref<128xi32, #tpu.memory_space<vmem>>
      %dma_start3A_396 = arith.constant 0 : i32
      %dma_start3A_397 = arith.constant 0 : i32
      %dma_start3A_398 = tpu.memref_slice %arg6[%dma_start3A_396, %dma_start3A_397] : memref<100096x16xf32, #tpu.memory_space<vmem_shared>> -> memref<100096x16xf32, #tpu.memory_space<vmem_shared>>
      tpu.enqueue_indirect_dma source(%arg11 : memref<128x16xf32, #tpu.memory_space<vmem>>) target(%dma_start3A_398 : memref<100096x16xf32, #tpu.memory_space<vmem_shared>>) offsets(%dma_start3A_395 : memref<128xi32, #tpu.memory_space<vmem>>) semaphore(%arg19 : memref<!tpu.dma_semaphore, #tpu.memory_space<semaphore_mem>>) {add = true}
      %dma_wait3A_399 = arith.constant 1 : i32
      %dma_wait3A_400 = arith.constant 0 : i32
      %dma_wait3A_401 = tpu.memref_slice %arg8[%dma_wait3A_399, %dma_wait3A_400] : memref<8x128xi32, #tpu.memory_space<vmem>> -> memref<1x128xi32, #tpu.memory_space<vmem>>
      %dma_wait3A_402 = tpu.memref_squeeze %dma_wait3A_401 : memref<1x128xi32, #tpu.memory_space<vmem>> -> memref<128xi32, #tpu.memory_space<vmem>>
      %dma_wait3A_403 = arith.constant 0 : i32
      %dma_wait3A_404 = arith.constant 0 : i32
      %dma_wait3A_405 = tpu.memref_slice %arg6[%dma_wait3A_403, %dma_wait3A_404] : memref<100096x16xf32, #tpu.memory_space<vmem_shared>> -> memref<100096x16xf32, #tpu.memory_space<vmem_shared>>
      tpu.wait_indirect_dma semaphore(%arg20 : memref<!tpu.dma_semaphore, #tpu.memory_space<semaphore_mem>>) src(%arg10 : memref<128x16xf32, #tpu.memory_space<vmem>>) dst(%dma_wait3A_405 : memref<100096x16xf32, #tpu.memory_space<vmem_shared>>)
      %dma_start3A_406 = arith.constant 5 : i32
      %dma_start3A_407 = arith.constant 0 : i32
      %dma_start3A_408 = tpu.memref_slice %arg7[%dma_start3A_406, %dma_start3A_407] : memref<8x128xi32, #tpu.memory_space<vmem>> -> memref<1x128xi32, #tpu.memory_space<vmem>>
      %dma_start3A_409 = tpu.memref_squeeze %dma_start3A_408 : memref<1x128xi32, #tpu.memory_space<vmem>> -> memref<128xi32, #tpu.memory_space<vmem>>
      %dma_start3A_410 = arith.constant 0 : i32
      %dma_start3A_411 = arith.constant 0 : i32
      %dma_start3A_412 = tpu.memref_slice %arg2[%scan3A_77, %dma_start3A_410, %dma_start3A_411] : memref<3x100000x16xf32, #tpu.memory_space<hbm>> -> memref<1x100000x16xf32, #tpu.memory_space<hbm>>
      %dma_start3A_413 = tpu.memref_squeeze %dma_start3A_412 : memref<1x100000x16xf32, #tpu.memory_space<hbm>> -> memref<100000x16xf32, #tpu.memory_space<hbm>>
      %dma_start3A_414 = arith.constant 0 : i32
      %dma_start3A_415 = arith.constant 0 : i32
      %dma_start3A_416 = tpu.memref_slice %dma_start3A_413[%dma_start3A_414, %dma_start3A_415] : memref<100000x16xf32, #tpu.memory_space<hbm>> -> memref<100000x16xf32, #tpu.memory_space<hbm>>
      tpu.enqueue_indirect_dma source(%dma_start3A_416 : memref<100000x16xf32, #tpu.memory_space<hbm>>) target(%arg10 : memref<128x16xf32, #tpu.memory_space<vmem>>) offsets(%dma_start3A_409 : memref<128xi32, #tpu.memory_space<vmem>>) semaphore(%arg16 : memref<!tpu.dma_semaphore, #tpu.memory_space<semaphore_mem>>)
      %dma_wait3A_417 = arith.constant 3 : i32
      %dma_wait3A_418 = arith.constant 0 : i32
      %dma_wait3A_419 = tpu.memref_slice %arg7[%dma_wait3A_417, %dma_wait3A_418] : memref<8x128xi32, #tpu.memory_space<vmem>> -> memref<1x128xi32, #tpu.memory_space<vmem>>
      %dma_wait3A_420 = tpu.memref_squeeze %dma_wait3A_419 : memref<1x128xi32, #tpu.memory_space<vmem>> -> memref<128xi32, #tpu.memory_space<vmem>>
      %dma_wait3A_421 = arith.constant 0 : i32
      %dma_wait3A_422 = arith.constant 0 : i32
      %dma_wait3A_423 = tpu.memref_slice %arg2[%scan3A_77, %dma_wait3A_421, %dma_wait3A_422] : memref<3x100000x16xf32, #tpu.memory_space<hbm>> -> memref<1x100000x16xf32, #tpu.memory_space<hbm>>
      %dma_wait3A_424 = tpu.memref_squeeze %dma_wait3A_423 : memref<1x100000x16xf32, #tpu.memory_space<hbm>> -> memref<100000x16xf32, #tpu.memory_space<hbm>>
      %dma_wait3A_425 = arith.constant 0 : i32
      %dma_wait3A_426 = arith.constant 0 : i32
      %dma_wait3A_427 = tpu.memref_slice %dma_wait3A_424[%dma_wait3A_425, %dma_wait3A_426] : memref<100000x16xf32, #tpu.memory_space<hbm>> -> memref<100000x16xf32, #tpu.memory_space<hbm>>
      tpu.wait_indirect_dma semaphore(%arg18 : memref<!tpu.dma_semaphore, #tpu.memory_space<semaphore_mem>>) src(%dma_wait3A_427 : memref<100000x16xf32, #tpu.memory_space<hbm>>) dst(%arg12 : memref<128x16xf32, #tpu.memory_space<vmem>>)
      %dma_start3A_428 = arith.constant 3 : i32
      %dma_start3A_429 = arith.constant 0 : i32
      %dma_start3A_430 = tpu.memref_slice %arg8[%dma_start3A_428, %dma_start3A_429] : memref<8x128xi32, #tpu.memory_space<vmem>> -> memref<1x128xi32, #tpu.memory_space<vmem>>
      %dma_start3A_431 = tpu.memref_squeeze %dma_start3A_430 : memref<1x128xi32, #tpu.memory_space<vmem>> -> memref<128xi32, #tpu.memory_space<vmem>>
      %dma_start3A_432 = arith.constant 0 : i32
      %dma_start3A_433 = arith.constant 0 : i32
      %dma_start3A_434 = tpu.memref_slice %arg6[%dma_start3A_432, %dma_start3A_433] : memref<100096x16xf32, #tpu.memory_space<vmem_shared>> -> memref<100096x16xf32, #tpu.memory_space<vmem_shared>>
      tpu.enqueue_indirect_dma source(%arg12 : memref<128x16xf32, #tpu.memory_space<vmem>>) target(%dma_start3A_434 : memref<100096x16xf32, #tpu.memory_space<vmem_shared>>) offsets(%dma_start3A_431 : memref<128xi32, #tpu.memory_space<vmem>>) semaphore(%arg20 : memref<!tpu.dma_semaphore, #tpu.memory_space<semaphore_mem>>) {add = true}
      %dma_wait3A_435 = arith.constant 2 : i32
      %dma_wait3A_436 = arith.constant 0 : i32
      %dma_wait3A_437 = tpu.memref_slice %arg8[%dma_wait3A_435, %dma_wait3A_436] : memref<8x128xi32, #tpu.memory_space<vmem>> -> memref<1x128xi32, #tpu.memory_space<vmem>>
      %dma_wait3A_438 = tpu.memref_squeeze %dma_wait3A_437 : memref<1x128xi32, #tpu.memory_space<vmem>> -> memref<128xi32, #tpu.memory_space<vmem>>
      %dma_wait3A_439 = arith.constant 0 : i32
      %dma_wait3A_440 = arith.constant 0 : i32
      %dma_wait3A_441 = tpu.memref_slice %arg6[%dma_wait3A_439, %dma_wait3A_440] : memref<100096x16xf32, #tpu.memory_space<vmem_shared>> -> memref<100096x16xf32, #tpu.memory_space<vmem_shared>>
      tpu.wait_indirect_dma semaphore(%arg19 : memref<!tpu.dma_semaphore, #tpu.memory_space<semaphore_mem>>) src(%arg11 : memref<128x16xf32, #tpu.memory_space<vmem>>) dst(%dma_wait3A_441 : memref<100096x16xf32, #tpu.memory_space<vmem_shared>>)
      %dma_start3A_442 = arith.constant 6 : i32
      %dma_start3A_443 = arith.constant 0 : i32
      %dma_start3A_444 = tpu.memref_slice %arg7[%dma_start3A_442, %dma_start3A_443] : memref<8x128xi32, #tpu.memory_space<vmem>> -> memref<1x128xi32, #tpu.memory_space<vmem>>
      %dma_start3A_445 = tpu.memref_squeeze %dma_start3A_444 : memref<1x128xi32, #tpu.memory_space<vmem>> -> memref<128xi32, #tpu.memory_space<vmem>>
      %dma_start3A_446 = arith.constant 0 : i32
      %dma_start3A_447 = arith.constant 0 : i32
      %dma_start3A_448 = tpu.memref_slice %arg2[%scan3A_77, %dma_start3A_446, %dma_start3A_447] : memref<3x100000x16xf32, #tpu.memory_space<hbm>> -> memref<1x100000x16xf32, #tpu.memory_space<hbm>>
      %dma_start3A_449 = tpu.memref_squeeze %dma_start3A_448 : memref<1x100000x16xf32, #tpu.memory_space<hbm>> -> memref<100000x16xf32, #tpu.memory_space<hbm>>
      %dma_start3A_450 = arith.constant 0 : i32
      %dma_start3A_451 = arith.constant 0 : i32
      %dma_start3A_452 = tpu.memref_slice %dma_start3A_449[%dma_start3A_450, %dma_start3A_451] : memref<100000x16xf32, #tpu.memory_space<hbm>> -> memref<100000x16xf32, #tpu.memory_space<hbm>>
      tpu.enqueue_indirect_dma source(%dma_start3A_452 : memref<100000x16xf32, #tpu.memory_space<hbm>>) target(%arg11 : memref<128x16xf32, #tpu.memory_space<vmem>>) offsets(%dma_start3A_445 : memref<128xi32, #tpu.memory_space<vmem>>) semaphore(%arg17 : memref<!tpu.dma_semaphore, #tpu.memory_space<semaphore_mem>>)
      %dma_wait3A_453 = arith.constant 4 : i32
      %dma_wait3A_454 = arith.constant 0 : i32
      %dma_wait3A_455 = tpu.memref_slice %arg7[%dma_wait3A_453, %dma_wait3A_454] : memref<8x128xi32, #tpu.memory_space<vmem>> -> memref<1x128xi32, #tpu.memory_space<vmem>>
      %dma_wait3A_456 = tpu.memref_squeeze %dma_wait3A_455 : memref<1x128xi32, #tpu.memory_space<vmem>> -> memref<128xi32, #tpu.memory_space<vmem>>
      %dma_wait3A_457 = arith.constant 0 : i32
      %dma_wait3A_458 = arith.constant 0 : i32
      %dma_wait3A_459 = tpu.memref_slice %arg2[%scan3A_77, %dma_wait3A_457, %dma_wait3A_458] : memref<3x100000x16xf32, #tpu.memory_space<hbm>> -> memref<1x100000x16xf32, #tpu.memory_space<hbm>>
      %dma_wait3A_460 = tpu.memref_squeeze %dma_wait3A_459 : memref<1x100000x16xf32, #tpu.memory_space<hbm>> -> memref<100000x16xf32, #tpu.memory_space<hbm>>
      %dma_wait3A_461 = arith.constant 0 : i32
      %dma_wait3A_462 = arith.constant 0 : i32
      %dma_wait3A_463 = tpu.memref_slice %dma_wait3A_460[%dma_wait3A_461, %dma_wait3A_462] : memref<100000x16xf32, #tpu.memory_space<hbm>> -> memref<100000x16xf32, #tpu.memory_space<hbm>>
      tpu.wait_indirect_dma semaphore(%arg15 : memref<!tpu.dma_semaphore, #tpu.memory_space<semaphore_mem>>) src(%dma_wait3A_463 : memref<100000x16xf32, #tpu.memory_space<hbm>>) dst(%arg9 : memref<128x16xf32, #tpu.memory_space<vmem>>)
      %dma_start3A_464 = arith.constant 4 : i32
      %dma_start3A_465 = arith.constant 0 : i32
      %dma_start3A_466 = tpu.memref_slice %arg8[%dma_start3A_464, %dma_start3A_465] : memref<8x128xi32, #tpu.memory_space<vmem>> -> memref<1x128xi32, #tpu.memory_space<vmem>>
      %dma_start3A_467 = tpu.memref_squeeze %dma_start3A_466 : memref<1x128xi32, #tpu.memory_space<vmem>> -> memref<128xi32, #tpu.memory_space<vmem>>
      %dma_start3A_468 = arith.constant 0 : i32
      %dma_start3A_469 = arith.constant 0 : i32
      %dma_start3A_470 = tpu.memref_slice %arg6[%dma_start3A_468, %dma_start3A_469] : memref<100096x16xf32, #tpu.memory_space<vmem_shared>> -> memref<100096x16xf32, #tpu.memory_space<vmem_shared>>
      tpu.enqueue_indirect_dma source(%arg9 : memref<128x16xf32, #tpu.memory_space<vmem>>) target(%dma_start3A_470 : memref<100096x16xf32, #tpu.memory_space<vmem_shared>>) offsets(%dma_start3A_467 : memref<128xi32, #tpu.memory_space<vmem>>) semaphore(%arg19 : memref<!tpu.dma_semaphore, #tpu.memory_space<semaphore_mem>>) {add = true}
      %dma_wait3A_471 = arith.constant 3 : i32
      %dma_wait3A_472 = arith.constant 0 : i32
      %dma_wait3A_473 = tpu.memref_slice %arg8[%dma_wait3A_471, %dma_wait3A_472] : memref<8x128xi32, #tpu.memory_space<vmem>> -> memref<1x128xi32, #tpu.memory_space<vmem>>
      %dma_wait3A_474 = tpu.memref_squeeze %dma_wait3A_473 : memref<1x128xi32, #tpu.memory_space<vmem>> -> memref<128xi32, #tpu.memory_space<vmem>>
      %dma_wait3A_475 = arith.constant 0 : i32
      %dma_wait3A_476 = arith.constant 0 : i32
      %dma_wait3A_477 = tpu.memref_slice %arg6[%dma_wait3A_475, %dma_wait3A_476] : memref<100096x16xf32, #tpu.memory_space<vmem_shared>> -> memref<100096x16xf32, #tpu.memory_space<vmem_shared>>
      tpu.wait_indirect_dma semaphore(%arg20 : memref<!tpu.dma_semaphore, #tpu.memory_space<semaphore_mem>>) src(%arg12 : memref<128x16xf32, #tpu.memory_space<vmem>>) dst(%dma_wait3A_477 : memref<100096x16xf32, #tpu.memory_space<vmem_shared>>)
      %dma_start3A_478 = arith.constant 7 : i32
      %dma_start3A_479 = arith.constant 0 : i32
      %dma_start3A_480 = tpu.memref_slice %arg7[%dma_start3A_478, %dma_start3A_479] : memref<8x128xi32, #tpu.memory_space<vmem>> -> memref<1x128xi32, #tpu.memory_space<vmem>>
      %dma_start3A_481 = tpu.memref_squeeze %dma_start3A_480 : memref<1x128xi32, #tpu.memory_space<vmem>> -> memref<128xi32, #tpu.memory_space<vmem>>
      %dma_start3A_482 = arith.constant 0 : i32
      %dma_start3A_483 = arith.constant 0 : i32
      %dma_start3A_484 = tpu.memref_slice %arg2[%scan3A_77, %dma_start3A_482, %dma_start3A_483] : memref<3x100000x16xf32, #tpu.memory_space<hbm>> -> memref<1x100000x16xf32, #tpu.memory_space<hbm>>
      %dma_start3A_485 = tpu.memref_squeeze %dma_start3A_484 : memref<1x100000x16xf32, #tpu.memory_space<hbm>> -> memref<100000x16xf32, #tpu.memory_space<hbm>>
      %dma_start3A_486 = arith.constant 0 : i32
      %dma_start3A_487 = arith.constant 0 : i32
      %dma_start3A_488 = tpu.memref_slice %dma_start3A_485[%dma_start3A_486, %dma_start3A_487] : memref<100000x16xf32, #tpu.memory_space<hbm>> -> memref<100000x16xf32, #tpu.memory_space<hbm>>
      tpu.enqueue_indirect_dma source(%dma_start3A_488 : memref<100000x16xf32, #tpu.memory_space<hbm>>) target(%arg12 : memref<128x16xf32, #tpu.memory_space<vmem>>) offsets(%dma_start3A_481 : memref<128xi32, #tpu.memory_space<vmem>>) semaphore(%arg18 : memref<!tpu.dma_semaphore, #tpu.memory_space<semaphore_mem>>)
      %dma_wait3A_489 = arith.constant 5 : i32
      %dma_wait3A_490 = arith.constant 0 : i32
      %dma_wait3A_491 = tpu.memref_slice %arg7[%dma_wait3A_489, %dma_wait3A_490] : memref<8x128xi32, #tpu.memory_space<vmem>> -> memref<1x128xi32, #tpu.memory_space<vmem>>
      %dma_wait3A_492 = tpu.memref_squeeze %dma_wait3A_491 : memref<1x128xi32, #tpu.memory_space<vmem>> -> memref<128xi32, #tpu.memory_space<vmem>>
      %dma_wait3A_493 = arith.constant 0 : i32
      %dma_wait3A_494 = arith.constant 0 : i32
      %dma_wait3A_495 = tpu.memref_slice %arg2[%scan3A_77, %dma_wait3A_493, %dma_wait3A_494] : memref<3x100000x16xf32, #tpu.memory_space<hbm>> -> memref<1x100000x16xf32, #tpu.memory_space<hbm>>
      %dma_wait3A_496 = tpu.memref_squeeze %dma_wait3A_495 : memref<1x100000x16xf32, #tpu.memory_space<hbm>> -> memref<100000x16xf32, #tpu.memory_space<hbm>>
      %dma_wait3A_497 = arith.constant 0 : i32
      %dma_wait3A_498 = arith.constant 0 : i32
      %dma_wait3A_499 = tpu.memref_slice %dma_wait3A_496[%dma_wait3A_497, %dma_wait3A_498] : memref<100000x16xf32, #tpu.memory_space<hbm>> -> memref<100000x16xf32, #tpu.memory_space<hbm>>
      tpu.wait_indirect_dma semaphore(%arg16 : memref<!tpu.dma_semaphore, #tpu.memory_space<semaphore_mem>>) src(%dma_wait3A_499 : memref<100000x16xf32, #tpu.memory_space<hbm>>) dst(%arg10 : memref<128x16xf32, #tpu.memory_space<vmem>>)
      %dma_start3A_500 = arith.constant 5 : i32
      %dma_start3A_501 = arith.constant 0 : i32
      %dma_start3A_502 = tpu.memref_slice %arg8[%dma_start3A_500, %dma_start3A_501] : memref<8x128xi32, #tpu.memory_space<vmem>> -> memref<1x128xi32, #tpu.memory_space<vmem>>
      %dma_start3A_503 = tpu.memref_squeeze %dma_start3A_502 : memref<1x128xi32, #tpu.memory_space<vmem>> -> memref<128xi32, #tpu.memory_space<vmem>>
      %dma_start3A_504 = arith.constant 0 : i32
      %dma_start3A_505 = arith.constant 0 : i32
      %dma_start3A_506 = tpu.memref_slice %arg6[%dma_start3A_504, %dma_start3A_505] : memref<100096x16xf32, #tpu.memory_space<vmem_shared>> -> memref<100096x16xf32, #tpu.memory_space<vmem_shared>>
      tpu.enqueue_indirect_dma source(%arg10 : memref<128x16xf32, #tpu.memory_space<vmem>>) target(%dma_start3A_506 : memref<100096x16xf32, #tpu.memory_space<vmem_shared>>) offsets(%dma_start3A_503 : memref<128xi32, #tpu.memory_space<vmem>>) semaphore(%arg20 : memref<!tpu.dma_semaphore, #tpu.memory_space<semaphore_mem>>) {add = true}
      %dma_wait3A_507 = arith.constant 6 : i32
      %dma_wait3A_508 = arith.constant 0 : i32
      %dma_wait3A_509 = tpu.memref_slice %arg7[%dma_wait3A_507, %dma_wait3A_508] : memref<8x128xi32, #tpu.memory_space<vmem>> -> memref<1x128xi32, #tpu.memory_space<vmem>>
      %dma_wait3A_510 = tpu.memref_squeeze %dma_wait3A_509 : memref<1x128xi32, #tpu.memory_space<vmem>> -> memref<128xi32, #tpu.memory_space<vmem>>
      %dma_wait3A_511 = arith.constant 0 : i32
      %dma_wait3A_512 = arith.constant 0 : i32
      %dma_wait3A_513 = tpu.memref_slice %arg2[%scan3A_77, %dma_wait3A_511, %dma_wait3A_512] : memref<3x100000x16xf32, #tpu.memory_space<hbm>> -> memref<1x100000x16xf32, #tpu.memory_space<hbm>>
      %dma_wait3A_514 = tpu.memref_squeeze %dma_wait3A_513 : memref<1x100000x16xf32, #tpu.memory_space<hbm>> -> memref<100000x16xf32, #tpu.memory_space<hbm>>
      %dma_wait3A_515 = arith.constant 0 : i32
      %dma_wait3A_516 = arith.constant 0 : i32
      %dma_wait3A_517 = tpu.memref_slice %dma_wait3A_514[%dma_wait3A_515, %dma_wait3A_516] : memref<100000x16xf32, #tpu.memory_space<hbm>> -> memref<100000x16xf32, #tpu.memory_space<hbm>>
      tpu.wait_indirect_dma semaphore(%arg17 : memref<!tpu.dma_semaphore, #tpu.memory_space<semaphore_mem>>) src(%dma_wait3A_517 : memref<100000x16xf32, #tpu.memory_space<hbm>>) dst(%arg11 : memref<128x16xf32, #tpu.memory_space<vmem>>)
      %dma_start3A_518 = arith.constant 6 : i32
      %dma_start3A_519 = arith.constant 0 : i32
      %dma_start3A_520 = tpu.memref_slice %arg8[%dma_start3A_518, %dma_start3A_519] : memref<8x128xi32, #tpu.memory_space<vmem>> -> memref<1x128xi32, #tpu.memory_space<vmem>>
      %dma_start3A_521 = tpu.memref_squeeze %dma_start3A_520 : memref<1x128xi32, #tpu.memory_space<vmem>> -> memref<128xi32, #tpu.memory_space<vmem>>
      %dma_start3A_522 = arith.constant 0 : i32
      %dma_start3A_523 = arith.constant 0 : i32
      %dma_start3A_524 = tpu.memref_slice %arg6[%dma_start3A_522, %dma_start3A_523] : memref<100096x16xf32, #tpu.memory_space<vmem_shared>> -> memref<100096x16xf32, #tpu.memory_space<vmem_shared>>
      tpu.enqueue_indirect_dma source(%arg11 : memref<128x16xf32, #tpu.memory_space<vmem>>) target(%dma_start3A_524 : memref<100096x16xf32, #tpu.memory_space<vmem_shared>>) offsets(%dma_start3A_521 : memref<128xi32, #tpu.memory_space<vmem>>) semaphore(%arg19 : memref<!tpu.dma_semaphore, #tpu.memory_space<semaphore_mem>>) {add = true}
      %dma_wait3A_525 = arith.constant 7 : i32
      %dma_wait3A_526 = arith.constant 0 : i32
      %dma_wait3A_527 = tpu.memref_slice %arg7[%dma_wait3A_525, %dma_wait3A_526] : memref<8x128xi32, #tpu.memory_space<vmem>> -> memref<1x128xi32, #tpu.memory_space<vmem>>
      %dma_wait3A_528 = tpu.memref_squeeze %dma_wait3A_527 : memref<1x128xi32, #tpu.memory_space<vmem>> -> memref<128xi32, #tpu.memory_space<vmem>>
      %dma_wait3A_529 = arith.constant 0 : i32
      %dma_wait3A_530 = arith.constant 0 : i32
      %dma_wait3A_531 = tpu.memref_slice %arg2[%scan3A_77, %dma_wait3A_529, %dma_wait3A_530] : memref<3x100000x16xf32, #tpu.memory_space<hbm>> -> memref<1x100000x16xf32, #tpu.memory_space<hbm>>
      %dma_wait3A_532 = tpu.memref_squeeze %dma_wait3A_531 : memref<1x100000x16xf32, #tpu.memory_space<hbm>> -> memref<100000x16xf32, #tpu.memory_space<hbm>>
      %dma_wait3A_533 = arith.constant 0 : i32
      %dma_wait3A_534 = arith.constant 0 : i32
      %dma_wait3A_535 = tpu.memref_slice %dma_wait3A_532[%dma_wait3A_533, %dma_wait3A_534] : memref<100000x16xf32, #tpu.memory_space<hbm>> -> memref<100000x16xf32, #tpu.memory_space<hbm>>
      tpu.wait_indirect_dma semaphore(%arg18 : memref<!tpu.dma_semaphore, #tpu.memory_space<semaphore_mem>>) src(%dma_wait3A_535 : memref<100000x16xf32, #tpu.memory_space<hbm>>) dst(%arg12 : memref<128x16xf32, #tpu.memory_space<vmem>>)
      %dma_start3A_536 = arith.constant 7 : i32
      %dma_start3A_537 = arith.constant 0 : i32
      %dma_start3A_538 = tpu.memref_slice %arg8[%dma_start3A_536, %dma_start3A_537] : memref<8x128xi32, #tpu.memory_space<vmem>> -> memref<1x128xi32, #tpu.memory_space<vmem>>
      %dma_start3A_539 = tpu.memref_squeeze %dma_start3A_538 : memref<1x128xi32, #tpu.memory_space<vmem>> -> memref<128xi32, #tpu.memory_space<vmem>>
      %dma_start3A_540 = arith.constant 0 : i32
      %dma_start3A_541 = arith.constant 0 : i32
      %dma_start3A_542 = tpu.memref_slice %arg6[%dma_start3A_540, %dma_start3A_541] : memref<100096x16xf32, #tpu.memory_space<vmem_shared>> -> memref<100096x16xf32, #tpu.memory_space<vmem_shared>>
      tpu.enqueue_indirect_dma source(%arg12 : memref<128x16xf32, #tpu.memory_space<vmem>>) target(%dma_start3A_542 : memref<100096x16xf32, #tpu.memory_space<vmem_shared>>) offsets(%dma_start3A_539 : memref<128xi32, #tpu.memory_space<vmem>>) semaphore(%arg20 : memref<!tpu.dma_semaphore, #tpu.memory_space<semaphore_mem>>) {add = true}
      %dma_wait3A_543 = arith.constant 4 : i32
      %dma_wait3A_544 = arith.constant 0 : i32
      %dma_wait3A_545 = tpu.memref_slice %arg8[%dma_wait3A_543, %dma_wait3A_544] : memref<8x128xi32, #tpu.memory_space<vmem>> -> memref<1x128xi32, #tpu.memory_space<vmem>>
      %dma_wait3A_546 = tpu.memref_squeeze %dma_wait3A_545 : memref<1x128xi32, #tpu.memory_space<vmem>> -> memref<128xi32, #tpu.memory_space<vmem>>
      %dma_wait3A_547 = arith.constant 0 : i32
      %dma_wait3A_548 = arith.constant 0 : i32
      %dma_wait3A_549 = tpu.memref_slice %arg6[%dma_wait3A_547, %dma_wait3A_548] : memref<100096x16xf32, #tpu.memory_space<vmem_shared>> -> memref<100096x16xf32, #tpu.memory_space<vmem_shared>>
      tpu.wait_indirect_dma semaphore(%arg19 : memref<!tpu.dma_semaphore, #tpu.memory_space<semaphore_mem>>) src(%arg9 : memref<128x16xf32, #tpu.memory_space<vmem>>) dst(%dma_wait3A_549 : memref<100096x16xf32, #tpu.memory_space<vmem_shared>>)
      %dma_wait3A_550 = arith.constant 5 : i32
      %dma_wait3A_551 = arith.constant 0 : i32
      %dma_wait3A_552 = tpu.memref_slice %arg8[%dma_wait3A_550, %dma_wait3A_551] : memref<8x128xi32, #tpu.memory_space<vmem>> -> memref<1x128xi32, #tpu.memory_space<vmem>>
      %dma_wait3A_553 = tpu.memref_squeeze %dma_wait3A_552 : memref<1x128xi32, #tpu.memory_space<vmem>> -> memref<128xi32, #tpu.memory_space<vmem>>
      %dma_wait3A_554 = arith.constant 0 : i32
      %dma_wait3A_555 = arith.constant 0 : i32
      %dma_wait3A_556 = tpu.memref_slice %arg6[%dma_wait3A_554, %dma_wait3A_555] : memref<100096x16xf32, #tpu.memory_space<vmem_shared>> -> memref<100096x16xf32, #tpu.memory_space<vmem_shared>>
      tpu.wait_indirect_dma semaphore(%arg20 : memref<!tpu.dma_semaphore, #tpu.memory_space<semaphore_mem>>) src(%arg10 : memref<128x16xf32, #tpu.memory_space<vmem>>) dst(%dma_wait3A_556 : memref<100096x16xf32, #tpu.memory_space<vmem_shared>>)
      %dma_wait3A_557 = arith.constant 6 : i32
      %dma_wait3A_558 = arith.constant 0 : i32
      %dma_wait3A_559 = tpu.memref_slice %arg8[%dma_wait3A_557, %dma_wait3A_558] : memref<8x128xi32, #tpu.memory_space<vmem>> -> memref<1x128xi32, #tpu.memory_space<vmem>>
      %dma_wait3A_560 = tpu.memref_squeeze %dma_wait3A_559 : memref<1x128xi32, #tpu.memory_space<vmem>> -> memref<128xi32, #tpu.memory_space<vmem>>
      %dma_wait3A_561 = arith.constant 0 : i32
      %dma_wait3A_562 = arith.constant 0 : i32
      %dma_wait3A_563 = tpu.memref_slice %arg6[%dma_wait3A_561, %dma_wait3A_562] : memref<100096x16xf32, #tpu.memory_space<vmem_shared>> -> memref<100096x16xf32, #tpu.memory_space<vmem_shared>>
      tpu.wait_indirect_dma semaphore(%arg19 : memref<!tpu.dma_semaphore, #tpu.memory_space<semaphore_mem>>) src(%arg11 : memref<128x16xf32, #tpu.memory_space<vmem>>) dst(%dma_wait3A_563 : memref<100096x16xf32, #tpu.memory_space<vmem_shared>>)
      %dma_wait3A_564 = arith.constant 7 : i32
      %dma_wait3A_565 = arith.constant 0 : i32
      %dma_wait3A_566 = tpu.memref_slice %arg8[%dma_wait3A_564, %dma_wait3A_565] : memref<8x128xi32, #tpu.memory_space<vmem>> -> memref<1x128xi32, #tpu.memory_space<vmem>>
      %dma_wait3A_567 = tpu.memref_squeeze %dma_wait3A_566 : memref<1x128xi32, #tpu.memory_space<vmem>> -> memref<128xi32, #tpu.memory_space<vmem>>
      %dma_wait3A_568 = arith.constant 0 : i32
      %dma_wait3A_569 = arith.constant 0 : i32
      %dma_wait3A_570 = tpu.memref_slice %arg6[%dma_wait3A_568, %dma_wait3A_569] : memref<100096x16xf32, #tpu.memory_space<vmem_shared>> -> memref<100096x16xf32, #tpu.memory_space<vmem_shared>>
      tpu.wait_indirect_dma semaphore(%arg20 : memref<!tpu.dma_semaphore, #tpu.memory_space<semaphore_mem>>) src(%arg12 : memref<128x16xf32, #tpu.memory_space<vmem>>) dst(%dma_wait3A_570 : memref<100096x16xf32, #tpu.memory_space<vmem_shared>>)
      %scan3A_571 = arith.constant 0 : i32
      scf.yield %scan3A_571 : i32
    }
    %scan3A_84 = arith.constant 49 : i32
    %barrier3A_85 = arith.constant 0 : index
    tpu.barrier barrier_id(%barrier3A_85)
    %scan3A_86 = arith.constant 0 : i32
    %scan3A_87 = arith.constant 0 : i32
    %scan3A_88 = arith.constant 17 : i32
    %scan3A_89 = arith.addi %scan3A_87, %scan3A_88 : i32
    %scan3A_90 = arith.constant 1 : i32
    %scan3A_91 = scf.for %scan3A_280 = %scan3A_87 to %scan3A_89 step %scan3A_90 iter_args(%scan3A_281 = %scan3A_86) -> (i32)  : i32 {
      %mul3A_282 = arith.constant 6256 : i32
      %mul3A_283 = arith.muli %arg1, %mul3A_282 : i32
      %mul3A_284 = arith.constant 368 : i32
      %mul3A_285 = arith.muli %scan3A_280, %mul3A_284 : i32
      %add3A_286 = arith.addi %mul3A_283, %mul3A_285 : i32
      "tpu.region"() ({
        %run_scoped3A_300 = tpu.sem_alloc : memref<!tpu.dma_semaphore, #tpu.memory_space<semaphore_mem>>
        %dma_start3A = arith.constant 0 : i32
        %dma_start3A_301 = tpu.memref_slice %arg6[%add3A_286, %dma_start3A] : memref<100096x16xf32, #tpu.memory_space<vmem_shared>> -> memref<368x16xf32, #tpu.memory_space<vmem_shared>>
        %dma_start3A_302 = arith.constant 0 : i32
        %dma_start3A_303 = tpu.memref_slice %arg6[%add3A_286, %dma_start3A_302] : memref<100096x16xf32, #tpu.memory_space<vmem_shared>> -> memref<368x16xf32, #tpu.memory_space<vmem_shared>>
        tpu.enqueue_dma source(%dma_start3A_303 : memref<368x16xf32, #tpu.memory_space<vmem_shared>>) target(%arg13 : memref<368x16xf32, #tpu.memory_space<vmem>>) target_semaphore(%run_scoped3A_300 : memref<!tpu.dma_semaphore, #tpu.memory_space<semaphore_mem>>)
        %dma_wait3A = arith.constant 0 : i32
        %dma_wait3A_304 = tpu.memref_slice %arg6[%add3A_286, %dma_wait3A] : memref<100096x16xf32, #tpu.memory_space<vmem_shared>> -> memref<368x16xf32, #tpu.memory_space<vmem_shared>>
        %dma_wait3A_305 = arith.constant 0 : i32
        %dma_wait3A_306 = tpu.memref_slice %arg6[%add3A_286, %dma_wait3A_305] : memref<100096x16xf32, #tpu.memory_space<vmem_shared>> -> memref<368x16xf32, #tpu.memory_space<vmem_shared>>
        tpu.wait_dma2 semaphore(%run_scoped3A_300 : memref<!tpu.dma_semaphore, #tpu.memory_space<semaphore_mem>>) src(%dma_wait3A_306 : memref<368x16xf32, #tpu.memory_space<vmem_shared>>) dst(%arg13 : memref<368x16xf32, #tpu.memory_space<vmem>>)
        tpu.yield
      }) : () -> ()
      %scan3A_287 = arith.constant 0 : i32
      %scan3A_288 = arith.constant 0 : i32
      %scan3A_289 = arith.constant 46 : i32
      %scan3A_290 = arith.addi %scan3A_288, %scan3A_289 : i32
      %scan3A_291 = arith.constant 1 : i32
      %scan3A_292 = scf.for %scan3A_300 = %scan3A_288 to %scan3A_290 step %scan3A_291 iter_args(%scan3A_301 = %scan3A_287) -> (i32)  : i32 {
        %mul3A_302 = arith.constant 8 : i32
        %mul3A_303 = arith.muli %scan3A_300, %mul3A_302 : i32
        %add3A_304 = arith.constant 0 : i32
        %add3A_305 = arith.addi %mul3A_303, %add3A_304 : i32
        %get3A = arith.index_cast %add3A_305 : i32 to index
        %get3A_306 = arith.constant 0 : index
        %get3A_307 = tpu.vector_load %arg13[%get3A, %get3A_306] {strides = array<i32>} : memref<368x16xf32, #tpu.memory_space<vmem>>, vector<1x16xf32>,
        %get3A_308 = vector.shape_cast %get3A_307 : vector<1x16xf32> to vector<16xf32>
        %swap3A = arith.index_cast %scan3A_300 : i32 to index
        %swap3A_309 = arith.constant 0 : index
        %swap3A_310 = tpu.vector_load %arg14[%swap3A, %swap3A_309] {strides = array<i32>} : memref<46x128xf32, #tpu.memory_space<vmem>>, vector<1x16xf32>,
        %swap3A_311 = vector.shape_cast %swap3A_310 : vector<1x16xf32> to vector<16xf32>
        %swap3A_312 = vector.shape_cast %get3A_308 : vector<16xf32> to vector<1x16xf32>
        tpu.vector_store %arg14[%swap3A, %swap3A_309], %swap3A_312 {strides = array<i32>} : memref<46x128xf32, #tpu.memory_space<vmem>>, vector<1x16xf32>,
        %mul3A_313 = arith.constant 8 : i32
        %mul3A_314 = arith.muli %scan3A_300, %mul3A_313 : i32
        %add3A_315 = arith.constant 1 : i32
        %add3A_316 = arith.addi %mul3A_314, %add3A_315 : i32
        %get3A_317 = arith.index_cast %add3A_316 : i32 to index
        %get3A_318 = arith.constant 0 : index
        %get3A_319 = tpu.vector_load %arg13[%get3A_317, %get3A_318] {strides = array<i32>} : memref<368x16xf32, #tpu.memory_space<vmem>>, vector<1x16xf32>,
        %get3A_320 = vector.shape_cast %get3A_319 : vector<1x16xf32> to vector<16xf32>
        %swap3A_321 = arith.index_cast %scan3A_300 : i32 to index
        %swap3A_322 = arith.constant 16 : index
        %swap3A_323 = tpu.vector_load %arg14[%swap3A_321, %swap3A_322] {strides = array<i32>} : memref<46x128xf32, #tpu.memory_space<vmem>>, vector<1x16xf32>,
        %swap3A_324 = vector.shape_cast %swap3A_323 : vector<1x16xf32> to vector<16xf32>
        %swap3A_325 = vector.shape_cast %get3A_320 : vector<16xf32> to vector<1x16xf32>
        tpu.vector_store %arg14[%swap3A_321, %swap3A_322], %swap3A_325 {strides = array<i32>} : memref<46x128xf32, #tpu.memory_space<vmem>>, vector<1x16xf32>,
        %mul3A_326 = arith.constant 8 : i32
        %mul3A_327 = arith.muli %scan3A_300, %mul3A_326 : i32
        %add3A_328 = arith.constant 2 : i32
        %add3A_329 = arith.addi %mul3A_327, %add3A_328 : i32
        %get3A_330 = arith.index_cast %add3A_329 : i32 to index
        %get3A_331 = arith.constant 0 : index
        %get3A_332 = tpu.vector_load %arg13[%get3A_330, %get3A_331] {strides = array<i32>} : memref<368x16xf32, #tpu.memory_space<vmem>>, vector<1x16xf32>,
        %get3A_333 = vector.shape_cast %get3A_332 : vector<1x16xf32> to vector<16xf32>
        %swap3A_334 = arith.index_cast %scan3A_300 : i32 to index
        %swap3A_335 = arith.constant 32 : index
        %swap3A_336 = tpu.vector_load %arg14[%swap3A_334, %swap3A_335] {strides = array<i32>} : memref<46x128xf32, #tpu.memory_space<vmem>>, vector<1x16xf32>,
        %swap3A_337 = vector.shape_cast %swap3A_336 : vector<1x16xf32> to vector<16xf32>
        %swap3A_338 = vector.shape_cast %get3A_333 : vector<16xf32> to vector<1x16xf32>
        tpu.vector_store %arg14[%swap3A_334, %swap3A_335], %swap3A_338 {strides = array<i32>} : memref<46x128xf32, #tpu.memory_space<vmem>>, vector<1x16xf32>,
        %mul3A_339 = arith.constant 8 : i32
        %mul3A_340 = arith.muli %scan3A_300, %mul3A_339 : i32
        %add3A_341 = arith.constant 3 : i32
        %add3A_342 = arith.addi %mul3A_340, %add3A_341 : i32
        %get3A_343 = arith.index_cast %add3A_342 : i32 to index
        %get3A_344 = arith.constant 0 : index
        %get3A_345 = tpu.vector_load %arg13[%get3A_343, %get3A_344] {strides = array<i32>} : memref<368x16xf32, #tpu.memory_space<vmem>>, vector<1x16xf32>,
        %get3A_346 = vector.shape_cast %get3A_345 : vector<1x16xf32> to vector<16xf32>
        %swap3A_347 = arith.index_cast %scan3A_300 : i32 to index
        %swap3A_348 = arith.constant 48 : index
        %swap3A_349 = tpu.vector_load %arg14[%swap3A_347, %swap3A_348] {strides = array<i32>} : memref<46x128xf32, #tpu.memory_space<vmem>>, vector<1x16xf32>,
        %swap3A_350 = vector.shape_cast %swap3A_349 : vector<1x16xf32> to vector<16xf32>
        %swap3A_351 = vector.shape_cast %get3A_346 : vector<16xf32> to vector<1x16xf32>
        tpu.vector_store %arg14[%swap3A_347, %swap3A_348], %swap3A_351 {strides = array<i32>} : memref<46x128xf32, #tpu.memory_space<vmem>>, vector<1x16xf32>,
        %mul3A_352 = arith.constant 8 : i32
        %mul3A_353 = arith.muli %scan3A_300, %mul3A_352 : i32
        %add3A_354 = arith.constant 4 : i32
        %add3A_355 = arith.addi %mul3A_353, %add3A_354 : i32
        %get3A_356 = arith.index_cast %add3A_355 : i32 to index
        %get3A_357 = arith.constant 0 : index
        %get3A_358 = tpu.vector_load %arg13[%get3A_356, %get3A_357] {strides = array<i32>} : memref<368x16xf32, #tpu.memory_space<vmem>>, vector<1x16xf32>,
        %get3A_359 = vector.shape_cast %get3A_358 : vector<1x16xf32> to vector<16xf32>
        %swap3A_360 = arith.index_cast %scan3A_300 : i32 to index
        %swap3A_361 = arith.constant 64 : index
        %swap3A_362 = tpu.vector_load %arg14[%swap3A_360, %swap3A_361] {strides = array<i32>} : memref<46x128xf32, #tpu.memory_space<vmem>>, vector<1x16xf32>,
        %swap3A_363 = vector.shape_cast %swap3A_362 : vector<1x16xf32> to vector<16xf32>
        %swap3A_364 = vector.shape_cast %get3A_359 : vector<16xf32> to vector<1x16xf32>
        tpu.vector_store %arg14[%swap3A_360, %swap3A_361], %swap3A_364 {strides = array<i32>} : memref<46x128xf32, #tpu.memory_space<vmem>>, vector<1x16xf32>,
        %mul3A_365 = arith.constant 8 : i32
        %mul3A_366 = arith.muli %scan3A_300, %mul3A_365 : i32
        %add3A_367 = arith.constant 5 : i32
        %add3A_368 = arith.addi %mul3A_366, %add3A_367 : i32
        %get3A_369 = arith.index_cast %add3A_368 : i32 to index
        %get3A_370 = arith.constant 0 : index
        %get3A_371 = tpu.vector_load %arg13[%get3A_369, %get3A_370] {strides = array<i32>} : memref<368x16xf32, #tpu.memory_space<vmem>>, vector<1x16xf32>,
        %get3A_372 = vector.shape_cast %get3A_371 : vector<1x16xf32> to vector<16xf32>
        %swap3A_373 = arith.index_cast %scan3A_300 : i32 to index
        %swap3A_374 = arith.constant 80 : index
        %swap3A_375 = tpu.vector_load %arg14[%swap3A_373, %swap3A_374] {strides = array<i32>} : memref<46x128xf32, #tpu.memory_space<vmem>>, vector<1x16xf32>,
        %swap3A_376 = vector.shape_cast %swap3A_375 : vector<1x16xf32> to vector<16xf32>
        %swap3A_377 = vector.shape_cast %get3A_372 : vector<16xf32> to vector<1x16xf32>
        tpu.vector_store %arg14[%swap3A_373, %swap3A_374], %swap3A_377 {strides = array<i32>} : memref<46x128xf32, #tpu.memory_space<vmem>>, vector<1x16xf32>,
        %mul3A_378 = arith.constant 8 : i32
        %mul3A_379 = arith.muli %scan3A_300, %mul3A_378 : i32
        %add3A_380 = arith.constant 6 : i32
        %add3A_381 = arith.addi %mul3A_379, %add3A_380 : i32
        %get3A_382 = arith.index_cast %add3A_381 : i32 to index
        %get3A_383 = arith.constant 0 : index
        %get3A_384 = tpu.vector_load %arg13[%get3A_382, %get3A_383] {strides = array<i32>} : memref<368x16xf32, #tpu.memory_space<vmem>>, vector<1x16xf32>,
        %get3A_385 = vector.shape_cast %get3A_384 : vector<1x16xf32> to vector<16xf32>
        %swap3A_386 = arith.index_cast %scan3A_300 : i32 to index
        %swap3A_387 = arith.constant 96 : index
        %swap3A_388 = tpu.vector_load %arg14[%swap3A_386, %swap3A_387] {strides = array<i32>} : memref<46x128xf32, #tpu.memory_space<vmem>>, vector<1x16xf32>,
        %swap3A_389 = vector.shape_cast %swap3A_388 : vector<1x16xf32> to vector<16xf32>
        %swap3A_390 = vector.shape_cast %get3A_385 : vector<16xf32> to vector<1x16xf32>
        tpu.vector_store %arg14[%swap3A_386, %swap3A_387], %swap3A_390 {strides = array<i32>} : memref<46x128xf32, #tpu.memory_space<vmem>>, vector<1x16xf32>,
        %mul3A_391 = arith.constant 8 : i32
        %mul3A_392 = arith.muli %scan3A_300, %mul3A_391 : i32
        %add3A_393 = arith.constant 7 : i32
        %add3A_394 = arith.addi %mul3A_392, %add3A_393 : i32
        %get3A_395 = arith.index_cast %add3A_394 : i32 to index
        %get3A_396 = arith.constant 0 : index
        %get3A_397 = tpu.vector_load %arg13[%get3A_395, %get3A_396] {strides = array<i32>} : memref<368x16xf32, #tpu.memory_space<vmem>>, vector<1x16xf32>,
        %get3A_398 = vector.shape_cast %get3A_397 : vector<1x16xf32> to vector<16xf32>
        %swap3A_399 = arith.index_cast %scan3A_300 : i32 to index
        %swap3A_400 = arith.constant 112 : index
        %swap3A_401 = tpu.vector_load %arg14[%swap3A_399, %swap3A_400] {strides = array<i32>} : memref<46x128xf32, #tpu.memory_space<vmem>>, vector<1x16xf32>,
        %swap3A_402 = vector.shape_cast %swap3A_401 : vector<1x16xf32> to vector<16xf32>
        %swap3A_403 = vector.shape_cast %get3A_398 : vector<16xf32> to vector<1x16xf32>
        tpu.vector_store %arg14[%swap3A_399, %swap3A_400], %swap3A_403 {strides = array<i32>} : memref<46x128xf32, #tpu.memory_space<vmem>>, vector<1x16xf32>,
        %scan3A_404 = arith.constant 0 : i32
        scf.yield %scan3A_404 : i32
      }
      %scan3A_293 = arith.constant 46 : i32
      %mul3A_294 = arith.constant 782 : i32
      %mul3A_295 = arith.muli %arg1, %mul3A_294 : i32
      %mul3A_296 = arith.constant 46 : i32
      %mul3A_297 = arith.muli %scan3A_280, %mul3A_296 : i32
      %add3A_298 = arith.addi %mul3A_295, %mul3A_297 : i32
      %run_scoped3A = arith.constant 0 : i32
      "tpu.region"() ({
        %run_scoped3A_300 = tpu.sem_alloc : memref<!tpu.dma_semaphore, #tpu.memory_space<semaphore_mem>>
        %dma_start3A = arith.constant 0 : i32
        %dma_start3A_301 = tpu.memref_slice %arg5[%arg0, %run_scoped3A, %add3A_298, %dma_start3A] : memref<2x3x12512x128xf32, #tpu.memory_space<hbm>> -> memref<1x1x46x128xf32, #tpu.memory_space<hbm>>
        %dma_start3A_302 = tpu.memref_squeeze %dma_start3A_301 : memref<1x1x46x128xf32, #tpu.memory_space<hbm>> -> memref<46x128xf32, #tpu.memory_space<hbm>>
        %dma_start3A_303 = arith.constant 0 : i32
        %dma_start3A_304 = tpu.memref_slice %arg5[%arg0, %run_scoped3A, %add3A_298, %dma_start3A_303] : memref<2x3x12512x128xf32, #tpu.memory_space<hbm>> -> memref<1x1x46x128xf32, #tpu.memory_space<hbm>>
        %dma_start3A_305 = tpu.memref_squeeze %dma_start3A_304 : memref<1x1x46x128xf32, #tpu.memory_space<hbm>> -> memref<46x128xf32, #tpu.memory_space<hbm>>
        tpu.enqueue_dma source(%arg14 : memref<46x128xf32, #tpu.memory_space<vmem>>) target(%dma_start3A_305 : memref<46x128xf32, #tpu.memory_space<hbm>>) target_semaphore(%run_scoped3A_300 : memref<!tpu.dma_semaphore, #tpu.memory_space<semaphore_mem>>)
        %dma_wait3A = arith.constant 0 : i32
        %dma_wait3A_306 = tpu.memref_slice %arg5[%arg0, %run_scoped3A, %add3A_298, %dma_wait3A] : memref<2x3x12512x128xf32, #tpu.memory_space<hbm>> -> memref<1x1x46x128xf32, #tpu.memory_space<hbm>>
        %dma_wait3A_307 = tpu.memref_squeeze %dma_wait3A_306 : memref<1x1x46x128xf32, #tpu.memory_space<hbm>> -> memref<46x128xf32, #tpu.memory_space<hbm>>
        %dma_wait3A_308 = arith.constant 0 : i32
        %dma_wait3A_309 = tpu.memref_slice %arg5[%arg0, %run_scoped3A, %add3A_298, %dma_wait3A_308] : memref<2x3x12512x128xf32, #tpu.memory_space<hbm>> -> memref<1x1x46x128xf32, #tpu.memory_space<hbm>>
        %dma_wait3A_310 = tpu.memref_squeeze %dma_wait3A_309 : memref<1x1x46x128xf32, #tpu.memory_space<hbm>> -> memref<46x128xf32, #tpu.memory_space<hbm>>
        tpu.wait_dma2 semaphore(%run_scoped3A_300 : memref<!tpu.dma_semaphore, #tpu.memory_space<semaphore_mem>>) src(%arg14 : memref<46x128xf32, #tpu.memory_space<vmem>>) dst(%dma_wait3A_310 : memref<46x128xf32, #tpu.memory_space<hbm>>)
        tpu.yield
      }) : () -> ()
      %scan3A_299 = arith.constant 0 : i32
      scf.yield %scan3A_299 : i32
    }
    %scan3A_92 = arith.constant 17 : i32
    %barrier3A_93 = arith.constant 0 : index
    tpu.barrier barrier_id(%barrier3A_93)
    %scan3A_94 = arith.constant 0 : i32
    %scan3A_95 = arith.constant 0 : i32
    %scan3A_96 = arith.constant 368 : i32
    %scan3A_97 = arith.addi %scan3A_95, %scan3A_96 : i32
    %scan3A_98 = arith.constant 1 : i32
    %scan3A_99 = scf.for %scan3A_280 = %scan3A_95 to %scan3A_97 step %scan3A_98 iter_args(%scan3A_281 = %scan3A_94) -> (i32)  : i32 {
      %broadcast_in_dim3A = arith.constant 0.000000e+00 : f32
      %broadcast_in_dim3A_282 = vector.broadcast %broadcast_in_dim3A : f32 to vector<16xf32>
      %swap3A = arith.index_cast %scan3A_280 : i32 to index
      %swap3A_283 = arith.constant 0 : index
      %swap3A_284 = tpu.vector_load %arg13[%swap3A, %swap3A_283] {strides = array<i32>} : memref<368x16xf32, #tpu.memory_space<vmem>>, vector<1x16xf32>,
      %swap3A_285 = vector.shape_cast %swap3A_284 : vector<1x16xf32> to vector<16xf32>
      %swap3A_286 = vector.shape_cast %broadcast_in_dim3A_282 : vector<16xf32> to vector<1x16xf32>
      tpu.vector_store %arg13[%swap3A, %swap3A_283], %swap3A_286 {strides = array<i32>} : memref<368x16xf32, #tpu.memory_space<vmem>>, vector<1x16xf32>,
      %scan3A_287 = arith.constant 0 : i32
      scf.yield %scan3A_287 : i32
    }
    %scan3A_100 = arith.constant 368 : i32
    %mul3A_101 = arith.constant 6256 : i32
    %mul3A_102 = arith.muli %arg1, %mul3A_101 : i32
    %add3A_103 = arith.constant 0 : i32
    %add3A_104 = arith.addi %mul3A_102, %add3A_103 : i32
    "tpu.region"() ({
      %run_scoped3A = tpu.sem_alloc : memref<!tpu.dma_semaphore, #tpu.memory_space<semaphore_mem>>
      %dma_start3A = arith.constant 0 : i32
      %dma_start3A_280 = tpu.memref_slice %arg6[%add3A_104, %dma_start3A] : memref<100096x16xf32, #tpu.memory_space<vmem_shared>> -> memref<368x16xf32, #tpu.memory_space<vmem_shared>>
      %dma_start3A_281 = arith.constant 0 : i32
      %dma_start3A_282 = tpu.memref_slice %arg6[%add3A_104, %dma_start3A_281] : memref<100096x16xf32, #tpu.memory_space<vmem_shared>> -> memref<368x16xf32, #tpu.memory_space<vmem_shared>>
      tpu.enqueue_dma source(%arg13 : memref<368x16xf32, #tpu.memory_space<vmem>>) target(%dma_start3A_282 : memref<368x16xf32, #tpu.memory_space<vmem_shared>>) target_semaphore(%run_scoped3A : memref<!tpu.dma_semaphore, #tpu.memory_space<semaphore_mem>>)
      %dma_wait3A = arith.constant 0 : i32
      %dma_wait3A_283 = tpu.memref_slice %arg6[%add3A_104, %dma_wait3A] : memref<100096x16xf32, #tpu.memory_space<vmem_shared>> -> memref<368x16xf32, #tpu.memory_space<vmem_shared>>
      %dma_wait3A_284 = arith.constant 0 : i32
      %dma_wait3A_285 = tpu.memref_slice %arg6[%add3A_104, %dma_wait3A_284] : memref<100096x16xf32, #tpu.memory_space<vmem_shared>> -> memref<368x16xf32, #tpu.memory_space<vmem_shared>>
      tpu.wait_dma2 semaphore(%run_scoped3A : memref<!tpu.dma_semaphore, #tpu.memory_space<semaphore_mem>>) src(%arg13 : memref<368x16xf32, #tpu.memory_space<vmem>>) dst(%dma_wait3A_285 : memref<368x16xf32, #tpu.memory_space<vmem_shared>>)
      tpu.yield
    }) : () -> ()
    %mul3A_105 = arith.constant 6256 : i32
    %mul3A_106 = arith.muli %arg1, %mul3A_105 : i32
    %add3A_107 = arith.constant 368 : i32
    %add3A_108 = arith.addi %mul3A_106, %add3A_107 : i32
    "tpu.region"() ({
      %run_scoped3A = tpu.sem_alloc : memref<!tpu.dma_semaphore, #tpu.memory_space<semaphore_mem>>
      %dma_start3A = arith.constant 0 : i32
      %dma_start3A_280 = tpu.memref_slice %arg6[%add3A_108, %dma_start3A] : memref<100096x16xf32, #tpu.memory_space<vmem_shared>> -> memref<368x16xf32, #tpu.memory_space<vmem_shared>>
      %dma_start3A_281 = arith.constant 0 : i32
      %dma_start3A_282 = tpu.memref_slice %arg6[%add3A_108, %dma_start3A_281] : memref<100096x16xf32, #tpu.memory_space<vmem_shared>> -> memref<368x16xf32, #tpu.memory_space<vmem_shared>>
      tpu.enqueue_dma source(%arg13 : memref<368x16xf32, #tpu.memory_space<vmem>>) target(%dma_start3A_282 : memref<368x16xf32, #tpu.memory_space<vmem_shared>>) target_semaphore(%run_scoped3A : memref<!tpu.dma_semaphore, #tpu.memory_space<semaphore_mem>>)
      %dma_wait3A = arith.constant 0 : i32
      %dma_wait3A_283 = tpu.memref_slice %arg6[%add3A_108, %dma_wait3A] : memref<100096x16xf32, #tpu.memory_space<vmem_shared>> -> memref<368x16xf32, #tpu.memory_space<vmem_shared>>
      %dma_wait3A_284 = arith.constant 0 : i32
      %dma_wait3A_285 = tpu.memref_slice %arg6[%add3A_108, %dma_wait3A_284] : memref<100096x16xf32, #tpu.memory_space<vmem_shared>> -> memref<368x16xf32, #tpu.memory_space<vmem_shared>>
      tpu.wait_dma2 semaphore(%run_scoped3A : memref<!tpu.dma_semaphore, #tpu.memory_space<semaphore_mem>>) src(%arg13 : memref<368x16xf32, #tpu.memory_space<vmem>>) dst(%dma_wait3A_285 : memref<368x16xf32, #tpu.memory_space<vmem_shared>>)
      tpu.yield
    }) : () -> ()
    %mul3A_109 = arith.constant 6256 : i32
    %mul3A_110 = arith.muli %arg1, %mul3A_109 : i32
    %add3A_111 = arith.constant 736 : i32
    %add3A_112 = arith.addi %mul3A_110, %add3A_111 : i32
    "tpu.region"() ({
      %run_scoped3A = tpu.sem_alloc : memref<!tpu.dma_semaphore, #tpu.memory_space<semaphore_mem>>
      %dma_start3A = arith.constant 0 : i32
      %dma_start3A_280 = tpu.memref_slice %arg6[%add3A_112, %dma_start3A] : memref<100096x16xf32, #tpu.memory_space<vmem_shared>> -> memref<368x16xf32, #tpu.memory_space<vmem_shared>>
      %dma_start3A_281 = arith.constant 0 : i32
      %dma_start3A_282 = tpu.memref_slice %arg6[%add3A_112, %dma_start3A_281] : memref<100096x16xf32, #tpu.memory_space<vmem_shared>> -> memref<368x16xf32, #tpu.memory_space<vmem_shared>>
      tpu.enqueue_dma source(%arg13 : memref<368x16xf32, #tpu.memory_space<vmem>>) target(%dma_start3A_282 : memref<368x16xf32, #tpu.memory_space<vmem_shared>>) target_semaphore(%run_scoped3A : memref<!tpu.dma_semaphore, #tpu.memory_space<semaphore_mem>>)
      %dma_wait3A = arith.constant 0 : i32
      %dma_wait3A_283 = tpu.memref_slice %arg6[%add3A_112, %dma_wait3A] : memref<100096x16xf32, #tpu.memory_space<vmem_shared>> -> memref<368x16xf32, #tpu.memory_space<vmem_shared>>
      %dma_wait3A_284 = arith.constant 0 : i32
      %dma_wait3A_285 = tpu.memref_slice %arg6[%add3A_112, %dma_wait3A_284] : memref<100096x16xf32, #tpu.memory_space<vmem_shared>> -> memref<368x16xf32, #tpu.memory_space<vmem_shared>>
      tpu.wait_dma2 semaphore(%run_scoped3A : memref<!tpu.dma_semaphore, #tpu.memory_space<semaphore_mem>>) src(%arg13 : memref<368x16xf32, #tpu.memory_space<vmem>>) dst(%dma_wait3A_285 : memref<368x16xf32, #tpu.memory_space<vmem_shared>>)
      tpu.yield
    }) : () -> ()
    %mul3A_113 = arith.constant 6256 : i32
    %mul3A_114 = arith.muli %arg1, %mul3A_113 : i32
    %add3A_115 = arith.constant 1104 : i32
    %add3A_116 = arith.addi %mul3A_114, %add3A_115 : i32
    "tpu.region"() ({
      %run_scoped3A = tpu.sem_alloc : memref<!tpu.dma_semaphore, #tpu.memory_space<semaphore_mem>>
      %dma_start3A = arith.constant 0 : i32
      %dma_start3A_280 = tpu.memref_slice %arg6[%add3A_116, %dma_start3A] : memref<100096x16xf32, #tpu.memory_space<vmem_shared>> -> memref<368x16xf32, #tpu.memory_space<vmem_shared>>
      %dma_start3A_281 = arith.constant 0 : i32
      %dma_start3A_282 = tpu.memref_slice %arg6[%add3A_116, %dma_start3A_281] : memref<100096x16xf32, #tpu.memory_space<vmem_shared>> -> memref<368x16xf32, #tpu.memory_space<vmem_shared>>
      tpu.enqueue_dma source(%arg13 : memref<368x16xf32, #tpu.memory_space<vmem>>) target(%dma_start3A_282 : memref<368x16xf32, #tpu.memory_space<vmem_shared>>) target_semaphore(%run_scoped3A : memref<!tpu.dma_semaphore, #tpu.memory_space<semaphore_mem>>)
      %dma_wait3A = arith.constant 0 : i32
      %dma_wait3A_283 = tpu.memref_slice %arg6[%add3A_116, %dma_wait3A] : memref<100096x16xf32, #tpu.memory_space<vmem_shared>> -> memref<368x16xf32, #tpu.memory_space<vmem_shared>>
      %dma_wait3A_284 = arith.constant 0 : i32
      %dma_wait3A_285 = tpu.memref_slice %arg6[%add3A_116, %dma_wait3A_284] : memref<100096x16xf32, #tpu.memory_space<vmem_shared>> -> memref<368x16xf32, #tpu.memory_space<vmem_shared>>
      tpu.wait_dma2 semaphore(%run_scoped3A : memref<!tpu.dma_semaphore, #tpu.memory_space<semaphore_mem>>) src(%arg13 : memref<368x16xf32, #tpu.memory_space<vmem>>) dst(%dma_wait3A_285 : memref<368x16xf32, #tpu.memory_space<vmem_shared>>)
      tpu.yield
    }) : () -> ()
    %mul3A_117 = arith.constant 6256 : i32
    %mul3A_118 = arith.muli %arg1, %mul3A_117 : i32
    %add3A_119 = arith.constant 1472 : i32
    %add3A_120 = arith.addi %mul3A_118, %add3A_119 : i32
    "tpu.region"() ({
      %run_scoped3A = tpu.sem_alloc : memref<!tpu.dma_semaphore, #tpu.memory_space<semaphore_mem>>
      %dma_start3A = arith.constant 0 : i32
      %dma_start3A_280 = tpu.memref_slice %arg6[%add3A_120, %dma_start3A] : memref<100096x16xf32, #tpu.memory_space<vmem_shared>> -> memref<368x16xf32, #tpu.memory_space<vmem_shared>>
      %dma_start3A_281 = arith.constant 0 : i32
      %dma_start3A_282 = tpu.memref_slice %arg6[%add3A_120, %dma_start3A_281] : memref<100096x16xf32, #tpu.memory_space<vmem_shared>> -> memref<368x16xf32, #tpu.memory_space<vmem_shared>>
      tpu.enqueue_dma source(%arg13 : memref<368x16xf32, #tpu.memory_space<vmem>>) target(%dma_start3A_282 : memref<368x16xf32, #tpu.memory_space<vmem_shared>>) target_semaphore(%run_scoped3A : memref<!tpu.dma_semaphore, #tpu.memory_space<semaphore_mem>>)
      %dma_wait3A = arith.constant 0 : i32
      %dma_wait3A_283 = tpu.memref_slice %arg6[%add3A_120, %dma_wait3A] : memref<100096x16xf32, #tpu.memory_space<vmem_shared>> -> memref<368x16xf32, #tpu.memory_space<vmem_shared>>
      %dma_wait3A_284 = arith.constant 0 : i32
      %dma_wait3A_285 = tpu.memref_slice %arg6[%add3A_120, %dma_wait3A_284] : memref<100096x16xf32, #tpu.memory_space<vmem_shared>> -> memref<368x16xf32, #tpu.memory_space<vmem_shared>>
      tpu.wait_dma2 semaphore(%run_scoped3A : memref<!tpu.dma_semaphore, #tpu.memory_space<semaphore_mem>>) src(%arg13 : memref<368x16xf32, #tpu.memory_space<vmem>>) dst(%dma_wait3A_285 : memref<368x16xf32, #tpu.memory_space<vmem_shared>>)
      tpu.yield
    }) : () -> ()
    %mul3A_121 = arith.constant 6256 : i32
    %mul3A_122 = arith.muli %arg1, %mul3A_121 : i32
    %add3A_123 = arith.constant 1840 : i32
    %add3A_124 = arith.addi %mul3A_122, %add3A_123 : i32
    "tpu.region"() ({
      %run_scoped3A = tpu.sem_alloc : memref<!tpu.dma_semaphore, #tpu.memory_space<semaphore_mem>>
      %dma_start3A = arith.constant 0 : i32
      %dma_start3A_280 = tpu.memref_slice %arg6[%add3A_124, %dma_start3A] : memref<100096x16xf32, #tpu.memory_space<vmem_shared>> -> memref<368x16xf32, #tpu.memory_space<vmem_shared>>
      %dma_start3A_281 = arith.constant 0 : i32
      %dma_start3A_282 = tpu.memref_slice %arg6[%add3A_124, %dma_start3A_281] : memref<100096x16xf32, #tpu.memory_space<vmem_shared>> -> memref<368x16xf32, #tpu.memory_space<vmem_shared>>
      tpu.enqueue_dma source(%arg13 : memref<368x16xf32, #tpu.memory_space<vmem>>) target(%dma_start3A_282 : memref<368x16xf32, #tpu.memory_space<vmem_shared>>) target_semaphore(%run_scoped3A : memref<!tpu.dma_semaphore, #tpu.memory_space<semaphore_mem>>)
      %dma_wait3A = arith.constant 0 : i32
      %dma_wait3A_283 = tpu.memref_slice %arg6[%add3A_124, %dma_wait3A] : memref<100096x16xf32, #tpu.memory_space<vmem_shared>> -> memref<368x16xf32, #tpu.memory_space<vmem_shared>>
      %dma_wait3A_284 = arith.constant 0 : i32
      %dma_wait3A_285 = tpu.memref_slice %arg6[%add3A_124, %dma_wait3A_284] : memref<100096x16xf32, #tpu.memory_space<vmem_shared>> -> memref<368x16xf32, #tpu.memory_space<vmem_shared>>
      tpu.wait_dma2 semaphore(%run_scoped3A : memref<!tpu.dma_semaphore, #tpu.memory_space<semaphore_mem>>) src(%arg13 : memref<368x16xf32, #tpu.memory_space<vmem>>) dst(%dma_wait3A_285 : memref<368x16xf32, #tpu.memory_space<vmem_shared>>)
      tpu.yield
    }) : () -> ()
    %mul3A_125 = arith.constant 6256 : i32
    %mul3A_126 = arith.muli %arg1, %mul3A_125 : i32
    %add3A_127 = arith.constant 2208 : i32
    %add3A_128 = arith.addi %mul3A_126, %add3A_127 : i32
    "tpu.region"() ({
      %run_scoped3A = tpu.sem_alloc : memref<!tpu.dma_semaphore, #tpu.memory_space<semaphore_mem>>
      %dma_start3A = arith.constant 0 : i32
      %dma_start3A_280 = tpu.memref_slice %arg6[%add3A_128, %dma_start3A] : memref<100096x16xf32, #tpu.memory_space<vmem_shared>> -> memref<368x16xf32, #tpu.memory_space<vmem_shared>>
      %dma_start3A_281 = arith.constant 0 : i32
      %dma_start3A_282 = tpu.memref_slice %arg6[%add3A_128, %dma_start3A_281] : memref<100096x16xf32, #tpu.memory_space<vmem_shared>> -> memref<368x16xf32, #tpu.memory_space<vmem_shared>>
      tpu.enqueue_dma source(%arg13 : memref<368x16xf32, #tpu.memory_space<vmem>>) target(%dma_start3A_282 : memref<368x16xf32, #tpu.memory_space<vmem_shared>>) target_semaphore(%run_scoped3A : memref<!tpu.dma_semaphore, #tpu.memory_space<semaphore_mem>>)
      %dma_wait3A = arith.constant 0 : i32
      %dma_wait3A_283 = tpu.memref_slice %arg6[%add3A_128, %dma_wait3A] : memref<100096x16xf32, #tpu.memory_space<vmem_shared>> -> memref<368x16xf32, #tpu.memory_space<vmem_shared>>
      %dma_wait3A_284 = arith.constant 0 : i32
      %dma_wait3A_285 = tpu.memref_slice %arg6[%add3A_128, %dma_wait3A_284] : memref<100096x16xf32, #tpu.memory_space<vmem_shared>> -> memref<368x16xf32, #tpu.memory_space<vmem_shared>>
      tpu.wait_dma2 semaphore(%run_scoped3A : memref<!tpu.dma_semaphore, #tpu.memory_space<semaphore_mem>>) src(%arg13 : memref<368x16xf32, #tpu.memory_space<vmem>>) dst(%dma_wait3A_285 : memref<368x16xf32, #tpu.memory_space<vmem_shared>>)
      tpu.yield
    }) : () -> ()
    %mul3A_129 = arith.constant 6256 : i32
    %mul3A_130 = arith.muli %arg1, %mul3A_129 : i32
    %add3A_131 = arith.constant 2576 : i32
    %add3A_132 = arith.addi %mul3A_130, %add3A_131 : i32
    "tpu.region"() ({
      %run_scoped3A = tpu.sem_alloc : memref<!tpu.dma_semaphore, #tpu.memory_space<semaphore_mem>>
      %dma_start3A = arith.constant 0 : i32
      %dma_start3A_280 = tpu.memref_slice %arg6[%add3A_132, %dma_start3A] : memref<100096x16xf32, #tpu.memory_space<vmem_shared>> -> memref<368x16xf32, #tpu.memory_space<vmem_shared>>
      %dma_start3A_281 = arith.constant 0 : i32
      %dma_start3A_282 = tpu.memref_slice %arg6[%add3A_132, %dma_start3A_281] : memref<100096x16xf32, #tpu.memory_space<vmem_shared>> -> memref<368x16xf32, #tpu.memory_space<vmem_shared>>
      tpu.enqueue_dma source(%arg13 : memref<368x16xf32, #tpu.memory_space<vmem>>) target(%dma_start3A_282 : memref<368x16xf32, #tpu.memory_space<vmem_shared>>) target_semaphore(%run_scoped3A : memref<!tpu.dma_semaphore, #tpu.memory_space<semaphore_mem>>)
      %dma_wait3A = arith.constant 0 : i32
      %dma_wait3A_283 = tpu.memref_slice %arg6[%add3A_132, %dma_wait3A] : memref<100096x16xf32, #tpu.memory_space<vmem_shared>> -> memref<368x16xf32, #tpu.memory_space<vmem_shared>>
      %dma_wait3A_284 = arith.constant 0 : i32
      %dma_wait3A_285 = tpu.memref_slice %arg6[%add3A_132, %dma_wait3A_284] : memref<100096x16xf32, #tpu.memory_space<vmem_shared>> -> memref<368x16xf32, #tpu.memory_space<vmem_shared>>
      tpu.wait_dma2 semaphore(%run_scoped3A : memref<!tpu.dma_semaphore, #tpu.memory_space<semaphore_mem>>) src(%arg13 : memref<368x16xf32, #tpu.memory_space<vmem>>) dst(%dma_wait3A_285 : memref<368x16xf32, #tpu.memory_space<vmem_shared>>)
      tpu.yield
    }) : () -> ()
    %mul3A_133 = arith.constant 6256 : i32
    %mul3A_134 = arith.muli %arg1, %mul3A_133 : i32
    %add3A_135 = arith.constant 2944 : i32
    %add3A_136 = arith.addi %mul3A_134, %add3A_135 : i32
    "tpu.region"() ({
      %run_scoped3A = tpu.sem_alloc : memref<!tpu.dma_semaphore, #tpu.memory_space<semaphore_mem>>
      %dma_start3A = arith.constant 0 : i32
      %dma_start3A_280 = tpu.memref_slice %arg6[%add3A_136, %dma_start3A] : memref<100096x16xf32, #tpu.memory_space<vmem_shared>> -> memref<368x16xf32, #tpu.memory_space<vmem_shared>>
      %dma_start3A_281 = arith.constant 0 : i32
      %dma_start3A_282 = tpu.memref_slice %arg6[%add3A_136, %dma_start3A_281] : memref<100096x16xf32, #tpu.memory_space<vmem_shared>> -> memref<368x16xf32, #tpu.memory_space<vmem_shared>>
      tpu.enqueue_dma source(%arg13 : memref<368x16xf32, #tpu.memory_space<vmem>>) target(%dma_start3A_282 : memref<368x16xf32, #tpu.memory_space<vmem_shared>>) target_semaphore(%run_scoped3A : memref<!tpu.dma_semaphore, #tpu.memory_space<semaphore_mem>>)
      %dma_wait3A = arith.constant 0 : i32
      %dma_wait3A_283 = tpu.memref_slice %arg6[%add3A_136, %dma_wait3A] : memref<100096x16xf32, #tpu.memory_space<vmem_shared>> -> memref<368x16xf32, #tpu.memory_space<vmem_shared>>
      %dma_wait3A_284 = arith.constant 0 : i32
      %dma_wait3A_285 = tpu.memref_slice %arg6[%add3A_136, %dma_wait3A_284] : memref<100096x16xf32, #tpu.memory_space<vmem_shared>> -> memref<368x16xf32, #tpu.memory_space<vmem_shared>>
      tpu.wait_dma2 semaphore(%run_scoped3A : memref<!tpu.dma_semaphore, #tpu.memory_space<semaphore_mem>>) src(%arg13 : memref<368x16xf32, #tpu.memory_space<vmem>>) dst(%dma_wait3A_285 : memref<368x16xf32, #tpu.memory_space<vmem_shared>>)
      tpu.yield
    }) : () -> ()
    %mul3A_137 = arith.constant 6256 : i32
    %mul3A_138 = arith.muli %arg1, %mul3A_137 : i32
    %add3A_139 = arith.constant 3312 : i32
    %add3A_140 = arith.addi %mul3A_138, %add3A_139 : i32
    "tpu.region"() ({
      %run_scoped3A = tpu.sem_alloc : memref<!tpu.dma_semaphore, #tpu.memory_space<semaphore_mem>>
      %dma_start3A = arith.constant 0 : i32
      %dma_start3A_280 = tpu.memref_slice %arg6[%add3A_140, %dma_start3A] : memref<100096x16xf32, #tpu.memory_space<vmem_shared>> -> memref<368x16xf32, #tpu.memory_space<vmem_shared>>
      %dma_start3A_281 = arith.constant 0 : i32
      %dma_start3A_282 = tpu.memref_slice %arg6[%add3A_140, %dma_start3A_281] : memref<100096x16xf32, #tpu.memory_space<vmem_shared>> -> memref<368x16xf32, #tpu.memory_space<vmem_shared>>
      tpu.enqueue_dma source(%arg13 : memref<368x16xf32, #tpu.memory_space<vmem>>) target(%dma_start3A_282 : memref<368x16xf32, #tpu.memory_space<vmem_shared>>) target_semaphore(%run_scoped3A : memref<!tpu.dma_semaphore, #tpu.memory_space<semaphore_mem>>)
      %dma_wait3A = arith.constant 0 : i32
      %dma_wait3A_283 = tpu.memref_slice %arg6[%add3A_140, %dma_wait3A] : memref<100096x16xf32, #tpu.memory_space<vmem_shared>> -> memref<368x16xf32, #tpu.memory_space<vmem_shared>>
      %dma_wait3A_284 = arith.constant 0 : i32
      %dma_wait3A_285 = tpu.memref_slice %arg6[%add3A_140, %dma_wait3A_284] : memref<100096x16xf32, #tpu.memory_space<vmem_shared>> -> memref<368x16xf32, #tpu.memory_space<vmem_shared>>
      tpu.wait_dma2 semaphore(%run_scoped3A : memref<!tpu.dma_semaphore, #tpu.memory_space<semaphore_mem>>) src(%arg13 : memref<368x16xf32, #tpu.memory_space<vmem>>) dst(%dma_wait3A_285 : memref<368x16xf32, #tpu.memory_space<vmem_shared>>)
      tpu.yield
    }) : () -> ()
    %mul3A_141 = arith.constant 6256 : i32
    %mul3A_142 = arith.muli %arg1, %mul3A_141 : i32
    %add3A_143 = arith.constant 3680 : i32
    %add3A_144 = arith.addi %mul3A_142, %add3A_143 : i32
    "tpu.region"() ({
      %run_scoped3A = tpu.sem_alloc : memref<!tpu.dma_semaphore, #tpu.memory_space<semaphore_mem>>
      %dma_start3A = arith.constant 0 : i32
      %dma_start3A_280 = tpu.memref_slice %arg6[%add3A_144, %dma_start3A] : memref<100096x16xf32, #tpu.memory_space<vmem_shared>> -> memref<368x16xf32, #tpu.memory_space<vmem_shared>>
      %dma_start3A_281 = arith.constant 0 : i32
      %dma_start3A_282 = tpu.memref_slice %arg6[%add3A_144, %dma_start3A_281] : memref<100096x16xf32, #tpu.memory_space<vmem_shared>> -> memref<368x16xf32, #tpu.memory_space<vmem_shared>>
      tpu.enqueue_dma source(%arg13 : memref<368x16xf32, #tpu.memory_space<vmem>>) target(%dma_start3A_282 : memref<368x16xf32, #tpu.memory_space<vmem_shared>>) target_semaphore(%run_scoped3A : memref<!tpu.dma_semaphore, #tpu.memory_space<semaphore_mem>>)
      %dma_wait3A = arith.constant 0 : i32
      %dma_wait3A_283 = tpu.memref_slice %arg6[%add3A_144, %dma_wait3A] : memref<100096x16xf32, #tpu.memory_space<vmem_shared>> -> memref<368x16xf32, #tpu.memory_space<vmem_shared>>
      %dma_wait3A_284 = arith.constant 0 : i32
      %dma_wait3A_285 = tpu.memref_slice %arg6[%add3A_144, %dma_wait3A_284] : memref<100096x16xf32, #tpu.memory_space<vmem_shared>> -> memref<368x16xf32, #tpu.memory_space<vmem_shared>>
      tpu.wait_dma2 semaphore(%run_scoped3A : memref<!tpu.dma_semaphore, #tpu.memory_space<semaphore_mem>>) src(%arg13 : memref<368x16xf32, #tpu.memory_space<vmem>>) dst(%dma_wait3A_285 : memref<368x16xf32, #tpu.memory_space<vmem_shared>>)
      tpu.yield
    }) : () -> ()
    %mul3A_145 = arith.constant 6256 : i32
    %mul3A_146 = arith.muli %arg1, %mul3A_145 : i32
    %add3A_147 = arith.constant 4048 : i32
    %add3A_148 = arith.addi %mul3A_146, %add3A_147 : i32
    "tpu.region"() ({
      %run_scoped3A = tpu.sem_alloc : memref<!tpu.dma_semaphore, #tpu.memory_space<semaphore_mem>>
      %dma_start3A = arith.constant 0 : i32
      %dma_start3A_280 = tpu.memref_slice %arg6[%add3A_148, %dma_start3A] : memref<100096x16xf32, #tpu.memory_space<vmem_shared>> -> memref<368x16xf32, #tpu.memory_space<vmem_shared>>
      %dma_start3A_281 = arith.constant 0 : i32
      %dma_start3A_282 = tpu.memref_slice %arg6[%add3A_148, %dma_start3A_281] : memref<100096x16xf32, #tpu.memory_space<vmem_shared>> -> memref<368x16xf32, #tpu.memory_space<vmem_shared>>
      tpu.enqueue_dma source(%arg13 : memref<368x16xf32, #tpu.memory_space<vmem>>) target(%dma_start3A_282 : memref<368x16xf32, #tpu.memory_space<vmem_shared>>) target_semaphore(%run_scoped3A : memref<!tpu.dma_semaphore, #tpu.memory_space<semaphore_mem>>)
      %dma_wait3A = arith.constant 0 : i32
      %dma_wait3A_283 = tpu.memref_slice %arg6[%add3A_148, %dma_wait3A] : memref<100096x16xf32, #tpu.memory_space<vmem_shared>> -> memref<368x16xf32, #tpu.memory_space<vmem_shared>>
      %dma_wait3A_284 = arith.constant 0 : i32
      %dma_wait3A_285 = tpu.memref_slice %arg6[%add3A_148, %dma_wait3A_284] : memref<100096x16xf32, #tpu.memory_space<vmem_shared>> -> memref<368x16xf32, #tpu.memory_space<vmem_shared>>
      tpu.wait_dma2 semaphore(%run_scoped3A : memref<!tpu.dma_semaphore, #tpu.memory_space<semaphore_mem>>) src(%arg13 : memref<368x16xf32, #tpu.memory_space<vmem>>) dst(%dma_wait3A_285 : memref<368x16xf32, #tpu.memory_space<vmem_shared>>)
      tpu.yield
    }) : () -> ()
    %mul3A_149 = arith.constant 6256 : i32
    %mul3A_150 = arith.muli %arg1, %mul3A_149 : i32
    %add3A_151 = arith.constant 4416 : i32
    %add3A_152 = arith.addi %mul3A_150, %add3A_151 : i32
    "tpu.region"() ({
      %run_scoped3A = tpu.sem_alloc : memref<!tpu.dma_semaphore, #tpu.memory_space<semaphore_mem>>
      %dma_start3A = arith.constant 0 : i32
      %dma_start3A_280 = tpu.memref_slice %arg6[%add3A_152, %dma_start3A] : memref<100096x16xf32, #tpu.memory_space<vmem_shared>> -> memref<368x16xf32, #tpu.memory_space<vmem_shared>>
      %dma_start3A_281 = arith.constant 0 : i32
      %dma_start3A_282 = tpu.memref_slice %arg6[%add3A_152, %dma_start3A_281] : memref<100096x16xf32, #tpu.memory_space<vmem_shared>> -> memref<368x16xf32, #tpu.memory_space<vmem_shared>>
      tpu.enqueue_dma source(%arg13 : memref<368x16xf32, #tpu.memory_space<vmem>>) target(%dma_start3A_282 : memref<368x16xf32, #tpu.memory_space<vmem_shared>>) target_semaphore(%run_scoped3A : memref<!tpu.dma_semaphore, #tpu.memory_space<semaphore_mem>>)
      %dma_wait3A = arith.constant 0 : i32
      %dma_wait3A_283 = tpu.memref_slice %arg6[%add3A_152, %dma_wait3A] : memref<100096x16xf32, #tpu.memory_space<vmem_shared>> -> memref<368x16xf32, #tpu.memory_space<vmem_shared>>
      %dma_wait3A_284 = arith.constant 0 : i32
      %dma_wait3A_285 = tpu.memref_slice %arg6[%add3A_152, %dma_wait3A_284] : memref<100096x16xf32, #tpu.memory_space<vmem_shared>> -> memref<368x16xf32, #tpu.memory_space<vmem_shared>>
      tpu.wait_dma2 semaphore(%run_scoped3A : memref<!tpu.dma_semaphore, #tpu.memory_space<semaphore_mem>>) src(%arg13 : memref<368x16xf32, #tpu.memory_space<vmem>>) dst(%dma_wait3A_285 : memref<368x16xf32, #tpu.memory_space<vmem_shared>>)
      tpu.yield
    }) : () -> ()
    %mul3A_153 = arith.constant 6256 : i32
    %mul3A_154 = arith.muli %arg1, %mul3A_153 : i32
    %add3A_155 = arith.constant 4784 : i32
    %add3A_156 = arith.addi %mul3A_154, %add3A_155 : i32
    "tpu.region"() ({
      %run_scoped3A = tpu.sem_alloc : memref<!tpu.dma_semaphore, #tpu.memory_space<semaphore_mem>>
      %dma_start3A = arith.constant 0 : i32
      %dma_start3A_280 = tpu.memref_slice %arg6[%add3A_156, %dma_start3A] : memref<100096x16xf32, #tpu.memory_space<vmem_shared>> -> memref<368x16xf32, #tpu.memory_space<vmem_shared>>
      %dma_start3A_281 = arith.constant 0 : i32
      %dma_start3A_282 = tpu.memref_slice %arg6[%add3A_156, %dma_start3A_281] : memref<100096x16xf32, #tpu.memory_space<vmem_shared>> -> memref<368x16xf32, #tpu.memory_space<vmem_shared>>
      tpu.enqueue_dma source(%arg13 : memref<368x16xf32, #tpu.memory_space<vmem>>) target(%dma_start3A_282 : memref<368x16xf32, #tpu.memory_space<vmem_shared>>) target_semaphore(%run_scoped3A : memref<!tpu.dma_semaphore, #tpu.memory_space<semaphore_mem>>)
      %dma_wait3A = arith.constant 0 : i32
      %dma_wait3A_283 = tpu.memref_slice %arg6[%add3A_156, %dma_wait3A] : memref<100096x16xf32, #tpu.memory_space<vmem_shared>> -> memref<368x16xf32, #tpu.memory_space<vmem_shared>>
      %dma_wait3A_284 = arith.constant 0 : i32
      %dma_wait3A_285 = tpu.memref_slice %arg6[%add3A_156, %dma_wait3A_284] : memref<100096x16xf32, #tpu.memory_space<vmem_shared>> -> memref<368x16xf32, #tpu.memory_space<vmem_shared>>
      tpu.wait_dma2 semaphore(%run_scoped3A : memref<!tpu.dma_semaphore, #tpu.memory_space<semaphore_mem>>) src(%arg13 : memref<368x16xf32, #tpu.memory_space<vmem>>) dst(%dma_wait3A_285 : memref<368x16xf32, #tpu.memory_space<vmem_shared>>)
      tpu.yield
    }) : () -> ()
    %mul3A_157 = arith.constant 6256 : i32
    %mul3A_158 = arith.muli %arg1, %mul3A_157 : i32
    %add3A_159 = arith.constant 5152 : i32
    %add3A_160 = arith.addi %mul3A_158, %add3A_159 : i32
    "tpu.region"() ({
      %run_scoped3A = tpu.sem_alloc : memref<!tpu.dma_semaphore, #tpu.memory_space<semaphore_mem>>
      %dma_start3A = arith.constant 0 : i32
      %dma_start3A_280 = tpu.memref_slice %arg6[%add3A_160, %dma_start3A] : memref<100096x16xf32, #tpu.memory_space<vmem_shared>> -> memref<368x16xf32, #tpu.memory_space<vmem_shared>>
      %dma_start3A_281 = arith.constant 0 : i32
      %dma_start3A_282 = tpu.memref_slice %arg6[%add3A_160, %dma_start3A_281] : memref<100096x16xf32, #tpu.memory_space<vmem_shared>> -> memref<368x16xf32, #tpu.memory_space<vmem_shared>>
      tpu.enqueue_dma source(%arg13 : memref<368x16xf32, #tpu.memory_space<vmem>>) target(%dma_start3A_282 : memref<368x16xf32, #tpu.memory_space<vmem_shared>>) target_semaphore(%run_scoped3A : memref<!tpu.dma_semaphore, #tpu.memory_space<semaphore_mem>>)
      %dma_wait3A = arith.constant 0 : i32
      %dma_wait3A_283 = tpu.memref_slice %arg6[%add3A_160, %dma_wait3A] : memref<100096x16xf32, #tpu.memory_space<vmem_shared>> -> memref<368x16xf32, #tpu.memory_space<vmem_shared>>
      %dma_wait3A_284 = arith.constant 0 : i32
      %dma_wait3A_285 = tpu.memref_slice %arg6[%add3A_160, %dma_wait3A_284] : memref<100096x16xf32, #tpu.memory_space<vmem_shared>> -> memref<368x16xf32, #tpu.memory_space<vmem_shared>>
      tpu.wait_dma2 semaphore(%run_scoped3A : memref<!tpu.dma_semaphore, #tpu.memory_space<semaphore_mem>>) src(%arg13 : memref<368x16xf32, #tpu.memory_space<vmem>>) dst(%dma_wait3A_285 : memref<368x16xf32, #tpu.memory_space<vmem_shared>>)
      tpu.yield
    }) : () -> ()
    %mul3A_161 = arith.constant 6256 : i32
    %mul3A_162 = arith.muli %arg1, %mul3A_161 : i32
    %add3A_163 = arith.constant 5520 : i32
    %add3A_164 = arith.addi %mul3A_162, %add3A_163 : i32
    "tpu.region"() ({
      %run_scoped3A = tpu.sem_alloc : memref<!tpu.dma_semaphore, #tpu.memory_space<semaphore_mem>>
      %dma_start3A = arith.constant 0 : i32
      %dma_start3A_280 = tpu.memref_slice %arg6[%add3A_164, %dma_start3A] : memref<100096x16xf32, #tpu.memory_space<vmem_shared>> -> memref<368x16xf32, #tpu.memory_space<vmem_shared>>
      %dma_start3A_281 = arith.constant 0 : i32
      %dma_start3A_282 = tpu.memref_slice %arg6[%add3A_164, %dma_start3A_281] : memref<100096x16xf32, #tpu.memory_space<vmem_shared>> -> memref<368x16xf32, #tpu.memory_space<vmem_shared>>
      tpu.enqueue_dma source(%arg13 : memref<368x16xf32, #tpu.memory_space<vmem>>) target(%dma_start3A_282 : memref<368x16xf32, #tpu.memory_space<vmem_shared>>) target_semaphore(%run_scoped3A : memref<!tpu.dma_semaphore, #tpu.memory_space<semaphore_mem>>)
      %dma_wait3A = arith.constant 0 : i32
      %dma_wait3A_283 = tpu.memref_slice %arg6[%add3A_164, %dma_wait3A] : memref<100096x16xf32, #tpu.memory_space<vmem_shared>> -> memref<368x16xf32, #tpu.memory_space<vmem_shared>>
      %dma_wait3A_284 = arith.constant 0 : i32
      %dma_wait3A_285 = tpu.memref_slice %arg6[%add3A_164, %dma_wait3A_284] : memref<100096x16xf32, #tpu.memory_space<vmem_shared>> -> memref<368x16xf32, #tpu.memory_space<vmem_shared>>
      tpu.wait_dma2 semaphore(%run_scoped3A : memref<!tpu.dma_semaphore, #tpu.memory_space<semaphore_mem>>) src(%arg13 : memref<368x16xf32, #tpu.memory_space<vmem>>) dst(%dma_wait3A_285 : memref<368x16xf32, #tpu.memory_space<vmem_shared>>)
      tpu.yield
    }) : () -> ()
    %mul3A_165 = arith.constant 6256 : i32
    %mul3A_166 = arith.muli %arg1, %mul3A_165 : i32
    %add3A_167 = arith.constant 5888 : i32
    %add3A_168 = arith.addi %mul3A_166, %add3A_167 : i32
    "tpu.region"() ({
      %run_scoped3A = tpu.sem_alloc : memref<!tpu.dma_semaphore, #tpu.memory_space<semaphore_mem>>
      %dma_start3A = arith.constant 0 : i32
      %dma_start3A_280 = tpu.memref_slice %arg6[%add3A_168, %dma_start3A] : memref<100096x16xf32, #tpu.memory_space<vmem_shared>> -> memref<368x16xf32, #tpu.memory_space<vmem_shared>>
      %dma_start3A_281 = arith.constant 0 : i32
      %dma_start3A_282 = tpu.memref_slice %arg6[%add3A_168, %dma_start3A_281] : memref<100096x16xf32, #tpu.memory_space<vmem_shared>> -> memref<368x16xf32, #tpu.memory_space<vmem_shared>>
      tpu.enqueue_dma source(%arg13 : memref<368x16xf32, #tpu.memory_space<vmem>>) target(%dma_start3A_282 : memref<368x16xf32, #tpu.memory_space<vmem_shared>>) target_semaphore(%run_scoped3A : memref<!tpu.dma_semaphore, #tpu.memory_space<semaphore_mem>>)
      %dma_wait3A = arith.constant 0 : i32
      %dma_wait3A_283 = tpu.memref_slice %arg6[%add3A_168, %dma_wait3A] : memref<100096x16xf32, #tpu.memory_space<vmem_shared>> -> memref<368x16xf32, #tpu.memory_space<vmem_shared>>
      %dma_wait3A_284 = arith.constant 0 : i32
      %dma_wait3A_285 = tpu.memref_slice %arg6[%add3A_168, %dma_wait3A_284] : memref<100096x16xf32, #tpu.memory_space<vmem_shared>> -> memref<368x16xf32, #tpu.memory_space<vmem_shared>>
      tpu.wait_dma2 semaphore(%run_scoped3A : memref<!tpu.dma_semaphore, #tpu.memory_space<semaphore_mem>>) src(%arg13 : memref<368x16xf32, #tpu.memory_space<vmem>>) dst(%dma_wait3A_285 : memref<368x16xf32, #tpu.memory_space<vmem_shared>>)
      tpu.yield
    }) : () -> ()
    %barrier3A_169 = arith.constant 0 : index
    tpu.barrier barrier_id(%barrier3A_169)
    %scan3A_170 = arith.constant 1 : i32
    %scan3A_171 = arith.constant 0 : i32
    %scan3A_172 = arith.constant 0 : i32
    %scan3A_173 = arith.constant 49 : i32
    %scan3A_174 = arith.addi %scan3A_172, %scan3A_173 : i32
    %scan3A_175 = arith.constant 1 : i32
    %scan3A_176 = scf.for %scan3A_280 = %scan3A_172 to %scan3A_174 step %scan3A_175 iter_args(%scan3A_281 = %scan3A_171) -> (i32)  : i32 {
      %mul3A_282 = arith.constant 8 : i32
      %mul3A_283 = arith.muli %scan3A_280, %mul3A_282 : i32
      %add3A_284 = arith.addi %mul3A_2, %mul3A_283 : i32
      "tpu.region"() ({
        %run_scoped3A = tpu.sem_alloc : memref<!tpu.dma_semaphore, #tpu.memory_space<semaphore_mem>>
        %dma_start3A_572 = arith.constant 0 : i32
        %dma_start3A_573 = tpu.memref_slice %arg3[%add3A_284, %dma_start3A_572] : memref<12544x128xi32, #tpu.memory_space<hbm>> -> memref<8x128xi32, #tpu.memory_space<hbm>>
        %dma_start3A_574 = arith.constant 0 : i32
        %dma_start3A_575 = tpu.memref_slice %arg3[%add3A_284, %dma_start3A_574] : memref<12544x128xi32, #tpu.memory_space<hbm>> -> memref<8x128xi32, #tpu.memory_space<hbm>>
        tpu.enqueue_dma source(%dma_start3A_575 : memref<8x128xi32, #tpu.memory_space<hbm>>) target(%arg7 : memref<8x128xi32, #tpu.memory_space<vmem>>) target_semaphore(%run_scoped3A : memref<!tpu.dma_semaphore, #tpu.memory_space<semaphore_mem>>)
        %dma_wait3A_576 = arith.constant 0 : i32
        %dma_wait3A_577 = tpu.memref_slice %arg3[%add3A_284, %dma_wait3A_576] : memref<12544x128xi32, #tpu.memory_space<hbm>> -> memref<8x128xi32, #tpu.memory_space<hbm>>
        %dma_wait3A_578 = arith.constant 0 : i32
        %dma_wait3A_579 = tpu.memref_slice %arg3[%add3A_284, %dma_wait3A_578] : memref<12544x128xi32, #tpu.memory_space<hbm>> -> memref<8x128xi32, #tpu.memory_space<hbm>>
        tpu.wait_dma2 semaphore(%run_scoped3A : memref<!tpu.dma_semaphore, #tpu.memory_space<semaphore_mem>>) src(%dma_wait3A_579 : memref<8x128xi32, #tpu.memory_space<hbm>>) dst(%arg7 : memref<8x128xi32, #tpu.memory_space<vmem>>)
        tpu.yield
      }) : () -> ()
      "tpu.region"() ({
        %run_scoped3A = tpu.sem_alloc : memref<!tpu.dma_semaphore, #tpu.memory_space<semaphore_mem>>
        %dma_start3A_572 = arith.constant 0 : i32
        %dma_start3A_573 = tpu.memref_slice %arg4[%add3A_284, %dma_start3A_572] : memref<12544x128xi32, #tpu.memory_space<hbm>> -> memref<8x128xi32, #tpu.memory_space<hbm>>
        %dma_start3A_574 = arith.constant 0 : i32
        %dma_start3A_575 = tpu.memref_slice %arg4[%add3A_284, %dma_start3A_574] : memref<12544x128xi32, #tpu.memory_space<hbm>> -> memref<8x128xi32, #tpu.memory_space<hbm>>
        tpu.enqueue_dma source(%dma_start3A_575 : memref<8x128xi32, #tpu.memory_space<hbm>>) target(%arg8 : memref<8x128xi32, #tpu.memory_space<vmem>>) target_semaphore(%run_scoped3A : memref<!tpu.dma_semaphore, #tpu.memory_space<semaphore_mem>>)
        %dma_wait3A_576 = arith.constant 0 : i32
        %dma_wait3A_577 = tpu.memref_slice %arg4[%add3A_284, %dma_wait3A_576] : memref<12544x128xi32, #tpu.memory_space<hbm>> -> memref<8x128xi32, #tpu.memory_space<hbm>>
        %dma_wait3A_578 = arith.constant 0 : i32
        %dma_wait3A_579 = tpu.memref_slice %arg4[%add3A_284, %dma_wait3A_578] : memref<12544x128xi32, #tpu.memory_space<hbm>> -> memref<8x128xi32, #tpu.memory_space<hbm>>
        tpu.wait_dma2 semaphore(%run_scoped3A : memref<!tpu.dma_semaphore, #tpu.memory_space<semaphore_mem>>) src(%dma_wait3A_579 : memref<8x128xi32, #tpu.memory_space<hbm>>) dst(%arg8 : memref<8x128xi32, #tpu.memory_space<vmem>>)
        tpu.yield
      }) : () -> ()
      %dma_start3A = arith.constant 0 : i32
      %dma_start3A_285 = arith.constant 0 : i32
      %dma_start3A_286 = tpu.memref_slice %arg7[%dma_start3A, %dma_start3A_285] : memref<8x128xi32, #tpu.memory_space<vmem>> -> memref<1x128xi32, #tpu.memory_space<vmem>>
      %dma_start3A_287 = tpu.memref_squeeze %dma_start3A_286 : memref<1x128xi32, #tpu.memory_space<vmem>> -> memref<128xi32, #tpu.memory_space<vmem>>
      %dma_start3A_288 = arith.constant 0 : i32
      %dma_start3A_289 = arith.constant 0 : i32
      %dma_start3A_290 = tpu.memref_slice %arg2[%scan3A_170, %dma_start3A_288, %dma_start3A_289] : memref<3x100000x16xf32, #tpu.memory_space<hbm>> -> memref<1x100000x16xf32, #tpu.memory_space<hbm>>
      %dma_start3A_291 = tpu.memref_squeeze %dma_start3A_290 : memref<1x100000x16xf32, #tpu.memory_space<hbm>> -> memref<100000x16xf32, #tpu.memory_space<hbm>>
      %dma_start3A_292 = arith.constant 0 : i32
      %dma_start3A_293 = arith.constant 0 : i32
      %dma_start3A_294 = tpu.memref_slice %dma_start3A_291[%dma_start3A_292, %dma_start3A_293] : memref<100000x16xf32, #tpu.memory_space<hbm>> -> memref<100000x16xf32, #tpu.memory_space<hbm>>
      tpu.enqueue_indirect_dma source(%dma_start3A_294 : memref<100000x16xf32, #tpu.memory_space<hbm>>) target(%arg9 : memref<128x16xf32, #tpu.memory_space<vmem>>) offsets(%dma_start3A_287 : memref<128xi32, #tpu.memory_space<vmem>>) semaphore(%arg15 : memref<!tpu.dma_semaphore, #tpu.memory_space<semaphore_mem>>)
      %dma_start3A_295 = arith.constant 1 : i32
      %dma_start3A_296 = arith.constant 0 : i32
      %dma_start3A_297 = tpu.memref_slice %arg7[%dma_start3A_295, %dma_start3A_296] : memref<8x128xi32, #tpu.memory_space<vmem>> -> memref<1x128xi32, #tpu.memory_space<vmem>>
      %dma_start3A_298 = tpu.memref_squeeze %dma_start3A_297 : memref<1x128xi32, #tpu.memory_space<vmem>> -> memref<128xi32, #tpu.memory_space<vmem>>
      %dma_start3A_299 = arith.constant 0 : i32
      %dma_start3A_300 = arith.constant 0 : i32
      %dma_start3A_301 = tpu.memref_slice %arg2[%scan3A_170, %dma_start3A_299, %dma_start3A_300] : memref<3x100000x16xf32, #tpu.memory_space<hbm>> -> memref<1x100000x16xf32, #tpu.memory_space<hbm>>
      %dma_start3A_302 = tpu.memref_squeeze %dma_start3A_301 : memref<1x100000x16xf32, #tpu.memory_space<hbm>> -> memref<100000x16xf32, #tpu.memory_space<hbm>>
      %dma_start3A_303 = arith.constant 0 : i32
      %dma_start3A_304 = arith.constant 0 : i32
      %dma_start3A_305 = tpu.memref_slice %dma_start3A_302[%dma_start3A_303, %dma_start3A_304] : memref<100000x16xf32, #tpu.memory_space<hbm>> -> memref<100000x16xf32, #tpu.memory_space<hbm>>
      tpu.enqueue_indirect_dma source(%dma_start3A_305 : memref<100000x16xf32, #tpu.memory_space<hbm>>) target(%arg10 : memref<128x16xf32, #tpu.memory_space<vmem>>) offsets(%dma_start3A_298 : memref<128xi32, #tpu.memory_space<vmem>>) semaphore(%arg16 : memref<!tpu.dma_semaphore, #tpu.memory_space<semaphore_mem>>)
      %dma_start3A_306 = arith.constant 2 : i32
      %dma_start3A_307 = arith.constant 0 : i32
      %dma_start3A_308 = tpu.memref_slice %arg7[%dma_start3A_306, %dma_start3A_307] : memref<8x128xi32, #tpu.memory_space<vmem>> -> memref<1x128xi32, #tpu.memory_space<vmem>>
      %dma_start3A_309 = tpu.memref_squeeze %dma_start3A_308 : memref<1x128xi32, #tpu.memory_space<vmem>> -> memref<128xi32, #tpu.memory_space<vmem>>
      %dma_start3A_310 = arith.constant 0 : i32
      %dma_start3A_311 = arith.constant 0 : i32
      %dma_start3A_312 = tpu.memref_slice %arg2[%scan3A_170, %dma_start3A_310, %dma_start3A_311] : memref<3x100000x16xf32, #tpu.memory_space<hbm>> -> memref<1x100000x16xf32, #tpu.memory_space<hbm>>
      %dma_start3A_313 = tpu.memref_squeeze %dma_start3A_312 : memref<1x100000x16xf32, #tpu.memory_space<hbm>> -> memref<100000x16xf32, #tpu.memory_space<hbm>>
      %dma_start3A_314 = arith.constant 0 : i32
      %dma_start3A_315 = arith.constant 0 : i32
      %dma_start3A_316 = tpu.memref_slice %dma_start3A_313[%dma_start3A_314, %dma_start3A_315] : memref<100000x16xf32, #tpu.memory_space<hbm>> -> memref<100000x16xf32, #tpu.memory_space<hbm>>
      tpu.enqueue_indirect_dma source(%dma_start3A_316 : memref<100000x16xf32, #tpu.memory_space<hbm>>) target(%arg11 : memref<128x16xf32, #tpu.memory_space<vmem>>) offsets(%dma_start3A_309 : memref<128xi32, #tpu.memory_space<vmem>>) semaphore(%arg17 : memref<!tpu.dma_semaphore, #tpu.memory_space<semaphore_mem>>)
      %dma_wait3A = arith.constant 0 : i32
      %dma_wait3A_317 = arith.constant 0 : i32
      %dma_wait3A_318 = tpu.memref_slice %arg7[%dma_wait3A, %dma_wait3A_317] : memref<8x128xi32, #tpu.memory_space<vmem>> -> memref<1x128xi32, #tpu.memory_space<vmem>>
      %dma_wait3A_319 = tpu.memref_squeeze %dma_wait3A_318 : memref<1x128xi32, #tpu.memory_space<vmem>> -> memref<128xi32, #tpu.memory_space<vmem>>
      %dma_wait3A_320 = arith.constant 0 : i32
      %dma_wait3A_321 = arith.constant 0 : i32
      %dma_wait3A_322 = tpu.memref_slice %arg2[%scan3A_170, %dma_wait3A_320, %dma_wait3A_321] : memref<3x100000x16xf32, #tpu.memory_space<hbm>> -> memref<1x100000x16xf32, #tpu.memory_space<hbm>>
      %dma_wait3A_323 = tpu.memref_squeeze %dma_wait3A_322 : memref<1x100000x16xf32, #tpu.memory_space<hbm>> -> memref<100000x16xf32, #tpu.memory_space<hbm>>
      %dma_wait3A_324 = arith.constant 0 : i32
      %dma_wait3A_325 = arith.constant 0 : i32
      %dma_wait3A_326 = tpu.memref_slice %dma_wait3A_323[%dma_wait3A_324, %dma_wait3A_325] : memref<100000x16xf32, #tpu.memory_space<hbm>> -> memref<100000x16xf32, #tpu.memory_space<hbm>>
      tpu.wait_indirect_dma semaphore(%arg15 : memref<!tpu.dma_semaphore, #tpu.memory_space<semaphore_mem>>) src(%dma_wait3A_326 : memref<100000x16xf32, #tpu.memory_space<hbm>>) dst(%arg9 : memref<128x16xf32, #tpu.memory_space<vmem>>)
      %dma_start3A_327 = arith.constant 0 : i32
      %dma_start3A_328 = arith.constant 0 : i32
      %dma_start3A_329 = tpu.memref_slice %arg8[%dma_start3A_327, %dma_start3A_328] : memref<8x128xi32, #tpu.memory_space<vmem>> -> memref<1x128xi32, #tpu.memory_space<vmem>>
      %dma_start3A_330 = tpu.memref_squeeze %dma_start3A_329 : memref<1x128xi32, #tpu.memory_space<vmem>> -> memref<128xi32, #tpu.memory_space<vmem>>
      %dma_start3A_331 = arith.constant 0 : i32
      %dma_start3A_332 = arith.constant 0 : i32
      %dma_start3A_333 = tpu.memref_slice %arg6[%dma_start3A_331, %dma_start3A_332] : memref<100096x16xf32, #tpu.memory_space<vmem_shared>> -> memref<100096x16xf32, #tpu.memory_space<vmem_shared>>
      tpu.enqueue_indirect_dma source(%arg9 : memref<128x16xf32, #tpu.memory_space<vmem>>) target(%dma_start3A_333 : memref<100096x16xf32, #tpu.memory_space<vmem_shared>>) offsets(%dma_start3A_330 : memref<128xi32, #tpu.memory_space<vmem>>) semaphore(%arg19 : memref<!tpu.dma_semaphore, #tpu.memory_space<semaphore_mem>>) {add = true}
      %dma_start3A_334 = arith.constant 3 : i32
      %dma_start3A_335 = arith.constant 0 : i32
      %dma_start3A_336 = tpu.memref_slice %arg7[%dma_start3A_334, %dma_start3A_335] : memref<8x128xi32, #tpu.memory_space<vmem>> -> memref<1x128xi32, #tpu.memory_space<vmem>>
      %dma_start3A_337 = tpu.memref_squeeze %dma_start3A_336 : memref<1x128xi32, #tpu.memory_space<vmem>> -> memref<128xi32, #tpu.memory_space<vmem>>
      %dma_start3A_338 = arith.constant 0 : i32
      %dma_start3A_339 = arith.constant 0 : i32
      %dma_start3A_340 = tpu.memref_slice %arg2[%scan3A_170, %dma_start3A_338, %dma_start3A_339] : memref<3x100000x16xf32, #tpu.memory_space<hbm>> -> memref<1x100000x16xf32, #tpu.memory_space<hbm>>
      %dma_start3A_341 = tpu.memref_squeeze %dma_start3A_340 : memref<1x100000x16xf32, #tpu.memory_space<hbm>> -> memref<100000x16xf32, #tpu.memory_space<hbm>>
      %dma_start3A_342 = arith.constant 0 : i32
      %dma_start3A_343 = arith.constant 0 : i32
      %dma_start3A_344 = tpu.memref_slice %dma_start3A_341[%dma_start3A_342, %dma_start3A_343] : memref<100000x16xf32, #tpu.memory_space<hbm>> -> memref<100000x16xf32, #tpu.memory_space<hbm>>
      tpu.enqueue_indirect_dma source(%dma_start3A_344 : memref<100000x16xf32, #tpu.memory_space<hbm>>) target(%arg12 : memref<128x16xf32, #tpu.memory_space<vmem>>) offsets(%dma_start3A_337 : memref<128xi32, #tpu.memory_space<vmem>>) semaphore(%arg18 : memref<!tpu.dma_semaphore, #tpu.memory_space<semaphore_mem>>)
      %dma_wait3A_345 = arith.constant 1 : i32
      %dma_wait3A_346 = arith.constant 0 : i32
      %dma_wait3A_347 = tpu.memref_slice %arg7[%dma_wait3A_345, %dma_wait3A_346] : memref<8x128xi32, #tpu.memory_space<vmem>> -> memref<1x128xi32, #tpu.memory_space<vmem>>
      %dma_wait3A_348 = tpu.memref_squeeze %dma_wait3A_347 : memref<1x128xi32, #tpu.memory_space<vmem>> -> memref<128xi32, #tpu.memory_space<vmem>>
      %dma_wait3A_349 = arith.constant 0 : i32
      %dma_wait3A_350 = arith.constant 0 : i32
      %dma_wait3A_351 = tpu.memref_slice %arg2[%scan3A_170, %dma_wait3A_349, %dma_wait3A_350] : memref<3x100000x16xf32, #tpu.memory_space<hbm>> -> memref<1x100000x16xf32, #tpu.memory_space<hbm>>
      %dma_wait3A_352 = tpu.memref_squeeze %dma_wait3A_351 : memref<1x100000x16xf32, #tpu.memory_space<hbm>> -> memref<100000x16xf32, #tpu.memory_space<hbm>>
      %dma_wait3A_353 = arith.constant 0 : i32
      %dma_wait3A_354 = arith.constant 0 : i32
      %dma_wait3A_355 = tpu.memref_slice %dma_wait3A_352[%dma_wait3A_353, %dma_wait3A_354] : memref<100000x16xf32, #tpu.memory_space<hbm>> -> memref<100000x16xf32, #tpu.memory_space<hbm>>
      tpu.wait_indirect_dma semaphore(%arg16 : memref<!tpu.dma_semaphore, #tpu.memory_space<semaphore_mem>>) src(%dma_wait3A_355 : memref<100000x16xf32, #tpu.memory_space<hbm>>) dst(%arg10 : memref<128x16xf32, #tpu.memory_space<vmem>>)
      %dma_start3A_356 = arith.constant 1 : i32
      %dma_start3A_357 = arith.constant 0 : i32
      %dma_start3A_358 = tpu.memref_slice %arg8[%dma_start3A_356, %dma_start3A_357] : memref<8x128xi32, #tpu.memory_space<vmem>> -> memref<1x128xi32, #tpu.memory_space<vmem>>
      %dma_start3A_359 = tpu.memref_squeeze %dma_start3A_358 : memref<1x128xi32, #tpu.memory_space<vmem>> -> memref<128xi32, #tpu.memory_space<vmem>>
      %dma_start3A_360 = arith.constant 0 : i32
      %dma_start3A_361 = arith.constant 0 : i32
      %dma_start3A_362 = tpu.memref_slice %arg6[%dma_start3A_360, %dma_start3A_361] : memref<100096x16xf32, #tpu.memory_space<vmem_shared>> -> memref<100096x16xf32, #tpu.memory_space<vmem_shared>>
      tpu.enqueue_indirect_dma source(%arg10 : memref<128x16xf32, #tpu.memory_space<vmem>>) target(%dma_start3A_362 : memref<100096x16xf32, #tpu.memory_space<vmem_shared>>) offsets(%dma_start3A_359 : memref<128xi32, #tpu.memory_space<vmem>>) semaphore(%arg20 : memref<!tpu.dma_semaphore, #tpu.memory_space<semaphore_mem>>) {add = true}
      %dma_wait3A_363 = arith.constant 0 : i32
      %dma_wait3A_364 = arith.constant 0 : i32
      %dma_wait3A_365 = tpu.memref_slice %arg8[%dma_wait3A_363, %dma_wait3A_364] : memref<8x128xi32, #tpu.memory_space<vmem>> -> memref<1x128xi32, #tpu.memory_space<vmem>>
      %dma_wait3A_366 = tpu.memref_squeeze %dma_wait3A_365 : memref<1x128xi32, #tpu.memory_space<vmem>> -> memref<128xi32, #tpu.memory_space<vmem>>
      %dma_wait3A_367 = arith.constant 0 : i32
      %dma_wait3A_368 = arith.constant 0 : i32
      %dma_wait3A_369 = tpu.memref_slice %arg6[%dma_wait3A_367, %dma_wait3A_368] : memref<100096x16xf32, #tpu.memory_space<vmem_shared>> -> memref<100096x16xf32, #tpu.memory_space<vmem_shared>>
      tpu.wait_indirect_dma semaphore(%arg19 : memref<!tpu.dma_semaphore, #tpu.memory_space<semaphore_mem>>) src(%arg9 : memref<128x16xf32, #tpu.memory_space<vmem>>) dst(%dma_wait3A_369 : memref<100096x16xf32, #tpu.memory_space<vmem_shared>>)
      %dma_start3A_370 = arith.constant 4 : i32
      %dma_start3A_371 = arith.constant 0 : i32
      %dma_start3A_372 = tpu.memref_slice %arg7[%dma_start3A_370, %dma_start3A_371] : memref<8x128xi32, #tpu.memory_space<vmem>> -> memref<1x128xi32, #tpu.memory_space<vmem>>
      %dma_start3A_373 = tpu.memref_squeeze %dma_start3A_372 : memref<1x128xi32, #tpu.memory_space<vmem>> -> memref<128xi32, #tpu.memory_space<vmem>>
      %dma_start3A_374 = arith.constant 0 : i32
      %dma_start3A_375 = arith.constant 0 : i32
      %dma_start3A_376 = tpu.memref_slice %arg2[%scan3A_170, %dma_start3A_374, %dma_start3A_375] : memref<3x100000x16xf32, #tpu.memory_space<hbm>> -> memref<1x100000x16xf32, #tpu.memory_space<hbm>>
      %dma_start3A_377 = tpu.memref_squeeze %dma_start3A_376 : memref<1x100000x16xf32, #tpu.memory_space<hbm>> -> memref<100000x16xf32, #tpu.memory_space<hbm>>
      %dma_start3A_378 = arith.constant 0 : i32
      %dma_start3A_379 = arith.constant 0 : i32
      %dma_start3A_380 = tpu.memref_slice %dma_start3A_377[%dma_start3A_378, %dma_start3A_379] : memref<100000x16xf32, #tpu.memory_space<hbm>> -> memref<100000x16xf32, #tpu.memory_space<hbm>>
      tpu.enqueue_indirect_dma source(%dma_start3A_380 : memref<100000x16xf32, #tpu.memory_space<hbm>>) target(%arg9 : memref<128x16xf32, #tpu.memory_space<vmem>>) offsets(%dma_start3A_373 : memref<128xi32, #tpu.memory_space<vmem>>) semaphore(%arg15 : memref<!tpu.dma_semaphore, #tpu.memory_space<semaphore_mem>>)
      %dma_wait3A_381 = arith.constant 2 : i32
      %dma_wait3A_382 = arith.constant 0 : i32
      %dma_wait3A_383 = tpu.memref_slice %arg7[%dma_wait3A_381, %dma_wait3A_382] : memref<8x128xi32, #tpu.memory_space<vmem>> -> memref<1x128xi32, #tpu.memory_space<vmem>>
      %dma_wait3A_384 = tpu.memref_squeeze %dma_wait3A_383 : memref<1x128xi32, #tpu.memory_space<vmem>> -> memref<128xi32, #tpu.memory_space<vmem>>
      %dma_wait3A_385 = arith.constant 0 : i32
      %dma_wait3A_386 = arith.constant 0 : i32
      %dma_wait3A_387 = tpu.memref_slice %arg2[%scan3A_170, %dma_wait3A_385, %dma_wait3A_386] : memref<3x100000x16xf32, #tpu.memory_space<hbm>> -> memref<1x100000x16xf32, #tpu.memory_space<hbm>>
      %dma_wait3A_388 = tpu.memref_squeeze %dma_wait3A_387 : memref<1x100000x16xf32, #tpu.memory_space<hbm>> -> memref<100000x16xf32, #tpu.memory_space<hbm>>
      %dma_wait3A_389 = arith.constant 0 : i32
      %dma_wait3A_390 = arith.constant 0 : i32
      %dma_wait3A_391 = tpu.memref_slice %dma_wait3A_388[%dma_wait3A_389, %dma_wait3A_390] : memref<100000x16xf32, #tpu.memory_space<hbm>> -> memref<100000x16xf32, #tpu.memory_space<hbm>>
      tpu.wait_indirect_dma semaphore(%arg17 : memref<!tpu.dma_semaphore, #tpu.memory_space<semaphore_mem>>) src(%dma_wait3A_391 : memref<100000x16xf32, #tpu.memory_space<hbm>>) dst(%arg11 : memref<128x16xf32, #tpu.memory_space<vmem>>)
      %dma_start3A_392 = arith.constant 2 : i32
      %dma_start3A_393 = arith.constant 0 : i32
      %dma_start3A_394 = tpu.memref_slice %arg8[%dma_start3A_392, %dma_start3A_393] : memref<8x128xi32, #tpu.memory_space<vmem>> -> memref<1x128xi32, #tpu.memory_space<vmem>>
      %dma_start3A_395 = tpu.memref_squeeze %dma_start3A_394 : memref<1x128xi32, #tpu.memory_space<vmem>> -> memref<128xi32, #tpu.memory_space<vmem>>
      %dma_start3A_396 = arith.constant 0 : i32
      %dma_start3A_397 = arith.constant 0 : i32
      %dma_start3A_398 = tpu.memref_slice %arg6[%dma_start3A_396, %dma_start3A_397] : memref<100096x16xf32, #tpu.memory_space<vmem_shared>> -> memref<100096x16xf32, #tpu.memory_space<vmem_shared>>
      tpu.enqueue_indirect_dma source(%arg11 : memref<128x16xf32, #tpu.memory_space<vmem>>) target(%dma_start3A_398 : memref<100096x16xf32, #tpu.memory_space<vmem_shared>>) offsets(%dma_start3A_395 : memref<128xi32, #tpu.memory_space<vmem>>) semaphore(%arg19 : memref<!tpu.dma_semaphore, #tpu.memory_space<semaphore_mem>>) {add = true}
      %dma_wait3A_399 = arith.constant 1 : i32
      %dma_wait3A_400 = arith.constant 0 : i32
      %dma_wait3A_401 = tpu.memref_slice %arg8[%dma_wait3A_399, %dma_wait3A_400] : memref<8x128xi32, #tpu.memory_space<vmem>> -> memref<1x128xi32, #tpu.memory_space<vmem>>
      %dma_wait3A_402 = tpu.memref_squeeze %dma_wait3A_401 : memref<1x128xi32, #tpu.memory_space<vmem>> -> memref<128xi32, #tpu.memory_space<vmem>>
      %dma_wait3A_403 = arith.constant 0 : i32
      %dma_wait3A_404 = arith.constant 0 : i32
      %dma_wait3A_405 = tpu.memref_slice %arg6[%dma_wait3A_403, %dma_wait3A_404] : memref<100096x16xf32, #tpu.memory_space<vmem_shared>> -> memref<100096x16xf32, #tpu.memory_space<vmem_shared>>
      tpu.wait_indirect_dma semaphore(%arg20 : memref<!tpu.dma_semaphore, #tpu.memory_space<semaphore_mem>>) src(%arg10 : memref<128x16xf32, #tpu.memory_space<vmem>>) dst(%dma_wait3A_405 : memref<100096x16xf32, #tpu.memory_space<vmem_shared>>)
      %dma_start3A_406 = arith.constant 5 : i32
      %dma_start3A_407 = arith.constant 0 : i32
      %dma_start3A_408 = tpu.memref_slice %arg7[%dma_start3A_406, %dma_start3A_407] : memref<8x128xi32, #tpu.memory_space<vmem>> -> memref<1x128xi32, #tpu.memory_space<vmem>>
      %dma_start3A_409 = tpu.memref_squeeze %dma_start3A_408 : memref<1x128xi32, #tpu.memory_space<vmem>> -> memref<128xi32, #tpu.memory_space<vmem>>
      %dma_start3A_410 = arith.constant 0 : i32
      %dma_start3A_411 = arith.constant 0 : i32
      %dma_start3A_412 = tpu.memref_slice %arg2[%scan3A_170, %dma_start3A_410, %dma_start3A_411] : memref<3x100000x16xf32, #tpu.memory_space<hbm>> -> memref<1x100000x16xf32, #tpu.memory_space<hbm>>
      %dma_start3A_413 = tpu.memref_squeeze %dma_start3A_412 : memref<1x100000x16xf32, #tpu.memory_space<hbm>> -> memref<100000x16xf32, #tpu.memory_space<hbm>>
      %dma_start3A_414 = arith.constant 0 : i32
      %dma_start3A_415 = arith.constant 0 : i32
      %dma_start3A_416 = tpu.memref_slice %dma_start3A_413[%dma_start3A_414, %dma_start3A_415] : memref<100000x16xf32, #tpu.memory_space<hbm>> -> memref<100000x16xf32, #tpu.memory_space<hbm>>
      tpu.enqueue_indirect_dma source(%dma_start3A_416 : memref<100000x16xf32, #tpu.memory_space<hbm>>) target(%arg10 : memref<128x16xf32, #tpu.memory_space<vmem>>) offsets(%dma_start3A_409 : memref<128xi32, #tpu.memory_space<vmem>>) semaphore(%arg16 : memref<!tpu.dma_semaphore, #tpu.memory_space<semaphore_mem>>)
      %dma_wait3A_417 = arith.constant 3 : i32
      %dma_wait3A_418 = arith.constant 0 : i32
      %dma_wait3A_419 = tpu.memref_slice %arg7[%dma_wait3A_417, %dma_wait3A_418] : memref<8x128xi32, #tpu.memory_space<vmem>> -> memref<1x128xi32, #tpu.memory_space<vmem>>
      %dma_wait3A_420 = tpu.memref_squeeze %dma_wait3A_419 : memref<1x128xi32, #tpu.memory_space<vmem>> -> memref<128xi32, #tpu.memory_space<vmem>>
      %dma_wait3A_421 = arith.constant 0 : i32
      %dma_wait3A_422 = arith.constant 0 : i32
      %dma_wait3A_423 = tpu.memref_slice %arg2[%scan3A_170, %dma_wait3A_421, %dma_wait3A_422] : memref<3x100000x16xf32, #tpu.memory_space<hbm>> -> memref<1x100000x16xf32, #tpu.memory_space<hbm>>
      %dma_wait3A_424 = tpu.memref_squeeze %dma_wait3A_423 : memref<1x100000x16xf32, #tpu.memory_space<hbm>> -> memref<100000x16xf32, #tpu.memory_space<hbm>>
      %dma_wait3A_425 = arith.constant 0 : i32
      %dma_wait3A_426 = arith.constant 0 : i32
      %dma_wait3A_427 = tpu.memref_slice %dma_wait3A_424[%dma_wait3A_425, %dma_wait3A_426] : memref<100000x16xf32, #tpu.memory_space<hbm>> -> memref<100000x16xf32, #tpu.memory_space<hbm>>
      tpu.wait_indirect_dma semaphore(%arg18 : memref<!tpu.dma_semaphore, #tpu.memory_space<semaphore_mem>>) src(%dma_wait3A_427 : memref<100000x16xf32, #tpu.memory_space<hbm>>) dst(%arg12 : memref<128x16xf32, #tpu.memory_space<vmem>>)
      %dma_start3A_428 = arith.constant 3 : i32
      %dma_start3A_429 = arith.constant 0 : i32
      %dma_start3A_430 = tpu.memref_slice %arg8[%dma_start3A_428, %dma_start3A_429] : memref<8x128xi32, #tpu.memory_space<vmem>> -> memref<1x128xi32, #tpu.memory_space<vmem>>
      %dma_start3A_431 = tpu.memref_squeeze %dma_start3A_430 : memref<1x128xi32, #tpu.memory_space<vmem>> -> memref<128xi32, #tpu.memory_space<vmem>>
      %dma_start3A_432 = arith.constant 0 : i32
      %dma_start3A_433 = arith.constant 0 : i32
      %dma_start3A_434 = tpu.memref_slice %arg6[%dma_start3A_432, %dma_start3A_433] : memref<100096x16xf32, #tpu.memory_space<vmem_shared>> -> memref<100096x16xf32, #tpu.memory_space<vmem_shared>>
      tpu.enqueue_indirect_dma source(%arg12 : memref<128x16xf32, #tpu.memory_space<vmem>>) target(%dma_start3A_434 : memref<100096x16xf32, #tpu.memory_space<vmem_shared>>) offsets(%dma_start3A_431 : memref<128xi32, #tpu.memory_space<vmem>>) semaphore(%arg20 : memref<!tpu.dma_semaphore, #tpu.memory_space<semaphore_mem>>) {add = true}
      %dma_wait3A_435 = arith.constant 2 : i32
      %dma_wait3A_436 = arith.constant 0 : i32
      %dma_wait3A_437 = tpu.memref_slice %arg8[%dma_wait3A_435, %dma_wait3A_436] : memref<8x128xi32, #tpu.memory_space<vmem>> -> memref<1x128xi32, #tpu.memory_space<vmem>>
      %dma_wait3A_438 = tpu.memref_squeeze %dma_wait3A_437 : memref<1x128xi32, #tpu.memory_space<vmem>> -> memref<128xi32, #tpu.memory_space<vmem>>
      %dma_wait3A_439 = arith.constant 0 : i32
      %dma_wait3A_440 = arith.constant 0 : i32
      %dma_wait3A_441 = tpu.memref_slice %arg6[%dma_wait3A_439, %dma_wait3A_440] : memref<100096x16xf32, #tpu.memory_space<vmem_shared>> -> memref<100096x16xf32, #tpu.memory_space<vmem_shared>>
      tpu.wait_indirect_dma semaphore(%arg19 : memref<!tpu.dma_semaphore, #tpu.memory_space<semaphore_mem>>) src(%arg11 : memref<128x16xf32, #tpu.memory_space<vmem>>) dst(%dma_wait3A_441 : memref<100096x16xf32, #tpu.memory_space<vmem_shared>>)
      %dma_start3A_442 = arith.constant 6 : i32
      %dma_start3A_443 = arith.constant 0 : i32
      %dma_start3A_444 = tpu.memref_slice %arg7[%dma_start3A_442, %dma_start3A_443] : memref<8x128xi32, #tpu.memory_space<vmem>> -> memref<1x128xi32, #tpu.memory_space<vmem>>
      %dma_start3A_445 = tpu.memref_squeeze %dma_start3A_444 : memref<1x128xi32, #tpu.memory_space<vmem>> -> memref<128xi32, #tpu.memory_space<vmem>>
      %dma_start3A_446 = arith.constant 0 : i32
      %dma_start3A_447 = arith.constant 0 : i32
      %dma_start3A_448 = tpu.memref_slice %arg2[%scan3A_170, %dma_start3A_446, %dma_start3A_447] : memref<3x100000x16xf32, #tpu.memory_space<hbm>> -> memref<1x100000x16xf32, #tpu.memory_space<hbm>>
      %dma_start3A_449 = tpu.memref_squeeze %dma_start3A_448 : memref<1x100000x16xf32, #tpu.memory_space<hbm>> -> memref<100000x16xf32, #tpu.memory_space<hbm>>
      %dma_start3A_450 = arith.constant 0 : i32
      %dma_start3A_451 = arith.constant 0 : i32
      %dma_start3A_452 = tpu.memref_slice %dma_start3A_449[%dma_start3A_450, %dma_start3A_451] : memref<100000x16xf32, #tpu.memory_space<hbm>> -> memref<100000x16xf32, #tpu.memory_space<hbm>>
      tpu.enqueue_indirect_dma source(%dma_start3A_452 : memref<100000x16xf32, #tpu.memory_space<hbm>>) target(%arg11 : memref<128x16xf32, #tpu.memory_space<vmem>>) offsets(%dma_start3A_445 : memref<128xi32, #tpu.memory_space<vmem>>) semaphore(%arg17 : memref<!tpu.dma_semaphore, #tpu.memory_space<semaphore_mem>>)
      %dma_wait3A_453 = arith.constant 4 : i32
      %dma_wait3A_454 = arith.constant 0 : i32
      %dma_wait3A_455 = tpu.memref_slice %arg7[%dma_wait3A_453, %dma_wait3A_454] : memref<8x128xi32, #tpu.memory_space<vmem>> -> memref<1x128xi32, #tpu.memory_space<vmem>>
      %dma_wait3A_456 = tpu.memref_squeeze %dma_wait3A_455 : memref<1x128xi32, #tpu.memory_space<vmem>> -> memref<128xi32, #tpu.memory_space<vmem>>
      %dma_wait3A_457 = arith.constant 0 : i32
      %dma_wait3A_458 = arith.constant 0 : i32
      %dma_wait3A_459 = tpu.memref_slice %arg2[%scan3A_170, %dma_wait3A_457, %dma_wait3A_458] : memref<3x100000x16xf32, #tpu.memory_space<hbm>> -> memref<1x100000x16xf32, #tpu.memory_space<hbm>>
      %dma_wait3A_460 = tpu.memref_squeeze %dma_wait3A_459 : memref<1x100000x16xf32, #tpu.memory_space<hbm>> -> memref<100000x16xf32, #tpu.memory_space<hbm>>
      %dma_wait3A_461 = arith.constant 0 : i32
      %dma_wait3A_462 = arith.constant 0 : i32
      %dma_wait3A_463 = tpu.memref_slice %dma_wait3A_460[%dma_wait3A_461, %dma_wait3A_462] : memref<100000x16xf32, #tpu.memory_space<hbm>> -> memref<100000x16xf32, #tpu.memory_space<hbm>>
      tpu.wait_indirect_dma semaphore(%arg15 : memref<!tpu.dma_semaphore, #tpu.memory_space<semaphore_mem>>) src(%dma_wait3A_463 : memref<100000x16xf32, #tpu.memory_space<hbm>>) dst(%arg9 : memref<128x16xf32, #tpu.memory_space<vmem>>)
      %dma_start3A_464 = arith.constant 4 : i32
      %dma_start3A_465 = arith.constant 0 : i32
      %dma_start3A_466 = tpu.memref_slice %arg8[%dma_start3A_464, %dma_start3A_465] : memref<8x128xi32, #tpu.memory_space<vmem>> -> memref<1x128xi32, #tpu.memory_space<vmem>>
      %dma_start3A_467 = tpu.memref_squeeze %dma_start3A_466 : memref<1x128xi32, #tpu.memory_space<vmem>> -> memref<128xi32, #tpu.memory_space<vmem>>
      %dma_start3A_468 = arith.constant 0 : i32
      %dma_start3A_469 = arith.constant 0 : i32
      %dma_start3A_470 = tpu.memref_slice %arg6[%dma_start3A_468, %dma_start3A_469] : memref<100096x16xf32, #tpu.memory_space<vmem_shared>> -> memref<100096x16xf32, #tpu.memory_space<vmem_shared>>
      tpu.enqueue_indirect_dma source(%arg9 : memref<128x16xf32, #tpu.memory_space<vmem>>) target(%dma_start3A_470 : memref<100096x16xf32, #tpu.memory_space<vmem_shared>>) offsets(%dma_start3A_467 : memref<128xi32, #tpu.memory_space<vmem>>) semaphore(%arg19 : memref<!tpu.dma_semaphore, #tpu.memory_space<semaphore_mem>>) {add = true}
      %dma_wait3A_471 = arith.constant 3 : i32
      %dma_wait3A_472 = arith.constant 0 : i32
      %dma_wait3A_473 = tpu.memref_slice %arg8[%dma_wait3A_471, %dma_wait3A_472] : memref<8x128xi32, #tpu.memory_space<vmem>> -> memref<1x128xi32, #tpu.memory_space<vmem>>
      %dma_wait3A_474 = tpu.memref_squeeze %dma_wait3A_473 : memref<1x128xi32, #tpu.memory_space<vmem>> -> memref<128xi32, #tpu.memory_space<vmem>>
      %dma_wait3A_475 = arith.constant 0 : i32
      %dma_wait3A_476 = arith.constant 0 : i32
      %dma_wait3A_477 = tpu.memref_slice %arg6[%dma_wait3A_475, %dma_wait3A_476] : memref<100096x16xf32, #tpu.memory_space<vmem_shared>> -> memref<100096x16xf32, #tpu.memory_space<vmem_shared>>
      tpu.wait_indirect_dma semaphore(%arg20 : memref<!tpu.dma_semaphore, #tpu.memory_space<semaphore_mem>>) src(%arg12 : memref<128x16xf32, #tpu.memory_space<vmem>>) dst(%dma_wait3A_477 : memref<100096x16xf32, #tpu.memory_space<vmem_shared>>)
      %dma_start3A_478 = arith.constant 7 : i32
      %dma_start3A_479 = arith.constant 0 : i32
      %dma_start3A_480 = tpu.memref_slice %arg7[%dma_start3A_478, %dma_start3A_479] : memref<8x128xi32, #tpu.memory_space<vmem>> -> memref<1x128xi32, #tpu.memory_space<vmem>>
      %dma_start3A_481 = tpu.memref_squeeze %dma_start3A_480 : memref<1x128xi32, #tpu.memory_space<vmem>> -> memref<128xi32, #tpu.memory_space<vmem>>
      %dma_start3A_482 = arith.constant 0 : i32
      %dma_start3A_483 = arith.constant 0 : i32
      %dma_start3A_484 = tpu.memref_slice %arg2[%scan3A_170, %dma_start3A_482, %dma_start3A_483] : memref<3x100000x16xf32, #tpu.memory_space<hbm>> -> memref<1x100000x16xf32, #tpu.memory_space<hbm>>
      %dma_start3A_485 = tpu.memref_squeeze %dma_start3A_484 : memref<1x100000x16xf32, #tpu.memory_space<hbm>> -> memref<100000x16xf32, #tpu.memory_space<hbm>>
      %dma_start3A_486 = arith.constant 0 : i32
      %dma_start3A_487 = arith.constant 0 : i32
      %dma_start3A_488 = tpu.memref_slice %dma_start3A_485[%dma_start3A_486, %dma_start3A_487] : memref<100000x16xf32, #tpu.memory_space<hbm>> -> memref<100000x16xf32, #tpu.memory_space<hbm>>
      tpu.enqueue_indirect_dma source(%dma_start3A_488 : memref<100000x16xf32, #tpu.memory_space<hbm>>) target(%arg12 : memref<128x16xf32, #tpu.memory_space<vmem>>) offsets(%dma_start3A_481 : memref<128xi32, #tpu.memory_space<vmem>>) semaphore(%arg18 : memref<!tpu.dma_semaphore, #tpu.memory_space<semaphore_mem>>)
      %dma_wait3A_489 = arith.constant 5 : i32
      %dma_wait3A_490 = arith.constant 0 : i32
      %dma_wait3A_491 = tpu.memref_slice %arg7[%dma_wait3A_489, %dma_wait3A_490] : memref<8x128xi32, #tpu.memory_space<vmem>> -> memref<1x128xi32, #tpu.memory_space<vmem>>
      %dma_wait3A_492 = tpu.memref_squeeze %dma_wait3A_491 : memref<1x128xi32, #tpu.memory_space<vmem>> -> memref<128xi32, #tpu.memory_space<vmem>>
      %dma_wait3A_493 = arith.constant 0 : i32
      %dma_wait3A_494 = arith.constant 0 : i32
      %dma_wait3A_495 = tpu.memref_slice %arg2[%scan3A_170, %dma_wait3A_493, %dma_wait3A_494] : memref<3x100000x16xf32, #tpu.memory_space<hbm>> -> memref<1x100000x16xf32, #tpu.memory_space<hbm>>
      %dma_wait3A_496 = tpu.memref_squeeze %dma_wait3A_495 : memref<1x100000x16xf32, #tpu.memory_space<hbm>> -> memref<100000x16xf32, #tpu.memory_space<hbm>>
      %dma_wait3A_497 = arith.constant 0 : i32
      %dma_wait3A_498 = arith.constant 0 : i32
      %dma_wait3A_499 = tpu.memref_slice %dma_wait3A_496[%dma_wait3A_497, %dma_wait3A_498] : memref<100000x16xf32, #tpu.memory_space<hbm>> -> memref<100000x16xf32, #tpu.memory_space<hbm>>
      tpu.wait_indirect_dma semaphore(%arg16 : memref<!tpu.dma_semaphore, #tpu.memory_space<semaphore_mem>>) src(%dma_wait3A_499 : memref<100000x16xf32, #tpu.memory_space<hbm>>) dst(%arg10 : memref<128x16xf32, #tpu.memory_space<vmem>>)
      %dma_start3A_500 = arith.constant 5 : i32
      %dma_start3A_501 = arith.constant 0 : i32
      %dma_start3A_502 = tpu.memref_slice %arg8[%dma_start3A_500, %dma_start3A_501] : memref<8x128xi32, #tpu.memory_space<vmem>> -> memref<1x128xi32, #tpu.memory_space<vmem>>
      %dma_start3A_503 = tpu.memref_squeeze %dma_start3A_502 : memref<1x128xi32, #tpu.memory_space<vmem>> -> memref<128xi32, #tpu.memory_space<vmem>>
      %dma_start3A_504 = arith.constant 0 : i32
      %dma_start3A_505 = arith.constant 0 : i32
      %dma_start3A_506 = tpu.memref_slice %arg6[%dma_start3A_504, %dma_start3A_505] : memref<100096x16xf32, #tpu.memory_space<vmem_shared>> -> memref<100096x16xf32, #tpu.memory_space<vmem_shared>>
      tpu.enqueue_indirect_dma source(%arg10 : memref<128x16xf32, #tpu.memory_space<vmem>>) target(%dma_start3A_506 : memref<100096x16xf32, #tpu.memory_space<vmem_shared>>) offsets(%dma_start3A_503 : memref<128xi32, #tpu.memory_space<vmem>>) semaphore(%arg20 : memref<!tpu.dma_semaphore, #tpu.memory_space<semaphore_mem>>) {add = true}
      %dma_wait3A_507 = arith.constant 6 : i32
      %dma_wait3A_508 = arith.constant 0 : i32
      %dma_wait3A_509 = tpu.memref_slice %arg7[%dma_wait3A_507, %dma_wait3A_508] : memref<8x128xi32, #tpu.memory_space<vmem>> -> memref<1x128xi32, #tpu.memory_space<vmem>>
      %dma_wait3A_510 = tpu.memref_squeeze %dma_wait3A_509 : memref<1x128xi32, #tpu.memory_space<vmem>> -> memref<128xi32, #tpu.memory_space<vmem>>
      %dma_wait3A_511 = arith.constant 0 : i32
      %dma_wait3A_512 = arith.constant 0 : i32
      %dma_wait3A_513 = tpu.memref_slice %arg2[%scan3A_170, %dma_wait3A_511, %dma_wait3A_512] : memref<3x100000x16xf32, #tpu.memory_space<hbm>> -> memref<1x100000x16xf32, #tpu.memory_space<hbm>>
      %dma_wait3A_514 = tpu.memref_squeeze %dma_wait3A_513 : memref<1x100000x16xf32, #tpu.memory_space<hbm>> -> memref<100000x16xf32, #tpu.memory_space<hbm>>
      %dma_wait3A_515 = arith.constant 0 : i32
      %dma_wait3A_516 = arith.constant 0 : i32
      %dma_wait3A_517 = tpu.memref_slice %dma_wait3A_514[%dma_wait3A_515, %dma_wait3A_516] : memref<100000x16xf32, #tpu.memory_space<hbm>> -> memref<100000x16xf32, #tpu.memory_space<hbm>>
      tpu.wait_indirect_dma semaphore(%arg17 : memref<!tpu.dma_semaphore, #tpu.memory_space<semaphore_mem>>) src(%dma_wait3A_517 : memref<100000x16xf32, #tpu.memory_space<hbm>>) dst(%arg11 : memref<128x16xf32, #tpu.memory_space<vmem>>)
      %dma_start3A_518 = arith.constant 6 : i32
      %dma_start3A_519 = arith.constant 0 : i32
      %dma_start3A_520 = tpu.memref_slice %arg8[%dma_start3A_518, %dma_start3A_519] : memref<8x128xi32, #tpu.memory_space<vmem>> -> memref<1x128xi32, #tpu.memory_space<vmem>>
      %dma_start3A_521 = tpu.memref_squeeze %dma_start3A_520 : memref<1x128xi32, #tpu.memory_space<vmem>> -> memref<128xi32, #tpu.memory_space<vmem>>
      %dma_start3A_522 = arith.constant 0 : i32
      %dma_start3A_523 = arith.constant 0 : i32
      %dma_start3A_524 = tpu.memref_slice %arg6[%dma_start3A_522, %dma_start3A_523] : memref<100096x16xf32, #tpu.memory_space<vmem_shared>> -> memref<100096x16xf32, #tpu.memory_space<vmem_shared>>
      tpu.enqueue_indirect_dma source(%arg11 : memref<128x16xf32, #tpu.memory_space<vmem>>) target(%dma_start3A_524 : memref<100096x16xf32, #tpu.memory_space<vmem_shared>>) offsets(%dma_start3A_521 : memref<128xi32, #tpu.memory_space<vmem>>) semaphore(%arg19 : memref<!tpu.dma_semaphore, #tpu.memory_space<semaphore_mem>>) {add = true}
      %dma_wait3A_525 = arith.constant 7 : i32
      %dma_wait3A_526 = arith.constant 0 : i32
      %dma_wait3A_527 = tpu.memref_slice %arg7[%dma_wait3A_525, %dma_wait3A_526] : memref<8x128xi32, #tpu.memory_space<vmem>> -> memref<1x128xi32, #tpu.memory_space<vmem>>
      %dma_wait3A_528 = tpu.memref_squeeze %dma_wait3A_527 : memref<1x128xi32, #tpu.memory_space<vmem>> -> memref<128xi32, #tpu.memory_space<vmem>>
      %dma_wait3A_529 = arith.constant 0 : i32
      %dma_wait3A_530 = arith.constant 0 : i32
      %dma_wait3A_531 = tpu.memref_slice %arg2[%scan3A_170, %dma_wait3A_529, %dma_wait3A_530] : memref<3x100000x16xf32, #tpu.memory_space<hbm>> -> memref<1x100000x16xf32, #tpu.memory_space<hbm>>
      %dma_wait3A_532 = tpu.memref_squeeze %dma_wait3A_531 : memref<1x100000x16xf32, #tpu.memory_space<hbm>> -> memref<100000x16xf32, #tpu.memory_space<hbm>>
      %dma_wait3A_533 = arith.constant 0 : i32
      %dma_wait3A_534 = arith.constant 0 : i32
      %dma_wait3A_535 = tpu.memref_slice %dma_wait3A_532[%dma_wait3A_533, %dma_wait3A_534] : memref<100000x16xf32, #tpu.memory_space<hbm>> -> memref<100000x16xf32, #tpu.memory_space<hbm>>
      tpu.wait_indirect_dma semaphore(%arg18 : memref<!tpu.dma_semaphore, #tpu.memory_space<semaphore_mem>>) src(%dma_wait3A_535 : memref<100000x16xf32, #tpu.memory_space<hbm>>) dst(%arg12 : memref<128x16xf32, #tpu.memory_space<vmem>>)
      %dma_start3A_536 = arith.constant 7 : i32
      %dma_start3A_537 = arith.constant 0 : i32
      %dma_start3A_538 = tpu.memref_slice %arg8[%dma_start3A_536, %dma_start3A_537] : memref<8x128xi32, #tpu.memory_space<vmem>> -> memref<1x128xi32, #tpu.memory_space<vmem>>
      %dma_start3A_539 = tpu.memref_squeeze %dma_start3A_538 : memref<1x128xi32, #tpu.memory_space<vmem>> -> memref<128xi32, #tpu.memory_space<vmem>>
      %dma_start3A_540 = arith.constant 0 : i32
      %dma_start3A_541 = arith.constant 0 : i32
      %dma_start3A_542 = tpu.memref_slice %arg6[%dma_start3A_540, %dma_start3A_541] : memref<100096x16xf32, #tpu.memory_space<vmem_shared>> -> memref<100096x16xf32, #tpu.memory_space<vmem_shared>>
      tpu.enqueue_indirect_dma source(%arg12 : memref<128x16xf32, #tpu.memory_space<vmem>>) target(%dma_start3A_542 : memref<100096x16xf32, #tpu.memory_space<vmem_shared>>) offsets(%dma_start3A_539 : memref<128xi32, #tpu.memory_space<vmem>>) semaphore(%arg20 : memref<!tpu.dma_semaphore, #tpu.memory_space<semaphore_mem>>) {add = true}
      %dma_wait3A_543 = arith.constant 4 : i32
      %dma_wait3A_544 = arith.constant 0 : i32
      %dma_wait3A_545 = tpu.memref_slice %arg8[%dma_wait3A_543, %dma_wait3A_544] : memref<8x128xi32, #tpu.memory_space<vmem>> -> memref<1x128xi32, #tpu.memory_space<vmem>>
      %dma_wait3A_546 = tpu.memref_squeeze %dma_wait3A_545 : memref<1x128xi32, #tpu.memory_space<vmem>> -> memref<128xi32, #tpu.memory_space<vmem>>
      %dma_wait3A_547 = arith.constant 0 : i32
      %dma_wait3A_548 = arith.constant 0 : i32
      %dma_wait3A_549 = tpu.memref_slice %arg6[%dma_wait3A_547, %dma_wait3A_548] : memref<100096x16xf32, #tpu.memory_space<vmem_shared>> -> memref<100096x16xf32, #tpu.memory_space<vmem_shared>>
      tpu.wait_indirect_dma semaphore(%arg19 : memref<!tpu.dma_semaphore, #tpu.memory_space<semaphore_mem>>) src(%arg9 : memref<128x16xf32, #tpu.memory_space<vmem>>) dst(%dma_wait3A_549 : memref<100096x16xf32, #tpu.memory_space<vmem_shared>>)
      %dma_wait3A_550 = arith.constant 5 : i32
      %dma_wait3A_551 = arith.constant 0 : i32
      %dma_wait3A_552 = tpu.memref_slice %arg8[%dma_wait3A_550, %dma_wait3A_551] : memref<8x128xi32, #tpu.memory_space<vmem>> -> memref<1x128xi32, #tpu.memory_space<vmem>>
      %dma_wait3A_553 = tpu.memref_squeeze %dma_wait3A_552 : memref<1x128xi32, #tpu.memory_space<vmem>> -> memref<128xi32, #tpu.memory_space<vmem>>
      %dma_wait3A_554 = arith.constant 0 : i32
      %dma_wait3A_555 = arith.constant 0 : i32
      %dma_wait3A_556 = tpu.memref_slice %arg6[%dma_wait3A_554, %dma_wait3A_555] : memref<100096x16xf32, #tpu.memory_space<vmem_shared>> -> memref<100096x16xf32, #tpu.memory_space<vmem_shared>>
      tpu.wait_indirect_dma semaphore(%arg20 : memref<!tpu.dma_semaphore, #tpu.memory_space<semaphore_mem>>) src(%arg10 : memref<128x16xf32, #tpu.memory_space<vmem>>) dst(%dma_wait3A_556 : memref<100096x16xf32, #tpu.memory_space<vmem_shared>>)
      %dma_wait3A_557 = arith.constant 6 : i32
      %dma_wait3A_558 = arith.constant 0 : i32
      %dma_wait3A_559 = tpu.memref_slice %arg8[%dma_wait3A_557, %dma_wait3A_558] : memref<8x128xi32, #tpu.memory_space<vmem>> -> memref<1x128xi32, #tpu.memory_space<vmem>>
      %dma_wait3A_560 = tpu.memref_squeeze %dma_wait3A_559 : memref<1x128xi32, #tpu.memory_space<vmem>> -> memref<128xi32, #tpu.memory_space<vmem>>
      %dma_wait3A_561 = arith.constant 0 : i32
      %dma_wait3A_562 = arith.constant 0 : i32
      %dma_wait3A_563 = tpu.memref_slice %arg6[%dma_wait3A_561, %dma_wait3A_562] : memref<100096x16xf32, #tpu.memory_space<vmem_shared>> -> memref<100096x16xf32, #tpu.memory_space<vmem_shared>>
      tpu.wait_indirect_dma semaphore(%arg19 : memref<!tpu.dma_semaphore, #tpu.memory_space<semaphore_mem>>) src(%arg11 : memref<128x16xf32, #tpu.memory_space<vmem>>) dst(%dma_wait3A_563 : memref<100096x16xf32, #tpu.memory_space<vmem_shared>>)
      %dma_wait3A_564 = arith.constant 7 : i32
      %dma_wait3A_565 = arith.constant 0 : i32
      %dma_wait3A_566 = tpu.memref_slice %arg8[%dma_wait3A_564, %dma_wait3A_565] : memref<8x128xi32, #tpu.memory_space<vmem>> -> memref<1x128xi32, #tpu.memory_space<vmem>>
      %dma_wait3A_567 = tpu.memref_squeeze %dma_wait3A_566 : memref<1x128xi32, #tpu.memory_space<vmem>> -> memref<128xi32, #tpu.memory_space<vmem>>
      %dma_wait3A_568 = arith.constant 0 : i32
      %dma_wait3A_569 = arith.constant 0 : i32
      %dma_wait3A_570 = tpu.memref_slice %arg6[%dma_wait3A_568, %dma_wait3A_569] : memref<100096x16xf32, #tpu.memory_space<vmem_shared>> -> memref<100096x16xf32, #tpu.memory_space<vmem_shared>>
      tpu.wait_indirect_dma semaphore(%arg20 : memref<!tpu.dma_semaphore, #tpu.memory_space<semaphore_mem>>) src(%arg12 : memref<128x16xf32, #tpu.memory_space<vmem>>) dst(%dma_wait3A_570 : memref<100096x16xf32, #tpu.memory_space<vmem_shared>>)
      %scan3A_571 = arith.constant 0 : i32
      scf.yield %scan3A_571 : i32
    }
    %scan3A_177 = arith.constant 49 : i32
    %barrier3A_178 = arith.constant 0 : index
    tpu.barrier barrier_id(%barrier3A_178)
    %scan3A_179 = arith.constant 0 : i32
    %scan3A_180 = arith.constant 0 : i32
    %scan3A_181 = arith.constant 17 : i32
    %scan3A_182 = arith.addi %scan3A_180, %scan3A_181 : i32
    %scan3A_183 = arith.constant 1 : i32
    %scan3A_184 = scf.for %scan3A_280 = %scan3A_180 to %scan3A_182 step %scan3A_183 iter_args(%scan3A_281 = %scan3A_179) -> (i32)  : i32 {
      %mul3A_282 = arith.constant 6256 : i32
      %mul3A_283 = arith.muli %arg1, %mul3A_282 : i32
      %mul3A_284 = arith.constant 368 : i32
      %mul3A_285 = arith.muli %scan3A_280, %mul3A_284 : i32
      %add3A_286 = arith.addi %mul3A_283, %mul3A_285 : i32
      "tpu.region"() ({
        %run_scoped3A_300 = tpu.sem_alloc : memref<!tpu.dma_semaphore, #tpu.memory_space<semaphore_mem>>
        %dma_start3A = arith.constant 0 : i32
        %dma_start3A_301 = tpu.memref_slice %arg6[%add3A_286, %dma_start3A] : memref<100096x16xf32, #tpu.memory_space<vmem_shared>> -> memref<368x16xf32, #tpu.memory_space<vmem_shared>>
        %dma_start3A_302 = arith.constant 0 : i32
        %dma_start3A_303 = tpu.memref_slice %arg6[%add3A_286, %dma_start3A_302] : memref<100096x16xf32, #tpu.memory_space<vmem_shared>> -> memref<368x16xf32, #tpu.memory_space<vmem_shared>>
        tpu.enqueue_dma source(%dma_start3A_303 : memref<368x16xf32, #tpu.memory_space<vmem_shared>>) target(%arg13 : memref<368x16xf32, #tpu.memory_space<vmem>>) target_semaphore(%run_scoped3A_300 : memref<!tpu.dma_semaphore, #tpu.memory_space<semaphore_mem>>)
        %dma_wait3A = arith.constant 0 : i32
        %dma_wait3A_304 = tpu.memref_slice %arg6[%add3A_286, %dma_wait3A] : memref<100096x16xf32, #tpu.memory_space<vmem_shared>> -> memref<368x16xf32, #tpu.memory_space<vmem_shared>>
        %dma_wait3A_305 = arith.constant 0 : i32
        %dma_wait3A_306 = tpu.memref_slice %arg6[%add3A_286, %dma_wait3A_305] : memref<100096x16xf32, #tpu.memory_space<vmem_shared>> -> memref<368x16xf32, #tpu.memory_space<vmem_shared>>
        tpu.wait_dma2 semaphore(%run_scoped3A_300 : memref<!tpu.dma_semaphore, #tpu.memory_space<semaphore_mem>>) src(%dma_wait3A_306 : memref<368x16xf32, #tpu.memory_space<vmem_shared>>) dst(%arg13 : memref<368x16xf32, #tpu.memory_space<vmem>>)
        tpu.yield
      }) : () -> ()
      %scan3A_287 = arith.constant 0 : i32
      %scan3A_288 = arith.constant 0 : i32
      %scan3A_289 = arith.constant 46 : i32
      %scan3A_290 = arith.addi %scan3A_288, %scan3A_289 : i32
      %scan3A_291 = arith.constant 1 : i32
      %scan3A_292 = scf.for %scan3A_300 = %scan3A_288 to %scan3A_290 step %scan3A_291 iter_args(%scan3A_301 = %scan3A_287) -> (i32)  : i32 {
        %mul3A_302 = arith.constant 8 : i32
        %mul3A_303 = arith.muli %scan3A_300, %mul3A_302 : i32
        %add3A_304 = arith.constant 0 : i32
        %add3A_305 = arith.addi %mul3A_303, %add3A_304 : i32
        %get3A = arith.index_cast %add3A_305 : i32 to index
        %get3A_306 = arith.constant 0 : index
        %get3A_307 = tpu.vector_load %arg13[%get3A, %get3A_306] {strides = array<i32>} : memref<368x16xf32, #tpu.memory_space<vmem>>, vector<1x16xf32>,
        %get3A_308 = vector.shape_cast %get3A_307 : vector<1x16xf32> to vector<16xf32>
        %swap3A = arith.index_cast %scan3A_300 : i32 to index
        %swap3A_309 = arith.constant 0 : index
        %swap3A_310 = tpu.vector_load %arg14[%swap3A, %swap3A_309] {strides = array<i32>} : memref<46x128xf32, #tpu.memory_space<vmem>>, vector<1x16xf32>,
        %swap3A_311 = vector.shape_cast %swap3A_310 : vector<1x16xf32> to vector<16xf32>
        %swap3A_312 = vector.shape_cast %get3A_308 : vector<16xf32> to vector<1x16xf32>
        tpu.vector_store %arg14[%swap3A, %swap3A_309], %swap3A_312 {strides = array<i32>} : memref<46x128xf32, #tpu.memory_space<vmem>>, vector<1x16xf32>,
        %mul3A_313 = arith.constant 8 : i32
        %mul3A_314 = arith.muli %scan3A_300, %mul3A_313 : i32
        %add3A_315 = arith.constant 1 : i32
        %add3A_316 = arith.addi %mul3A_314, %add3A_315 : i32
        %get3A_317 = arith.index_cast %add3A_316 : i32 to index
        %get3A_318 = arith.constant 0 : index
        %get3A_319 = tpu.vector_load %arg13[%get3A_317, %get3A_318] {strides = array<i32>} : memref<368x16xf32, #tpu.memory_space<vmem>>, vector<1x16xf32>,
        %get3A_320 = vector.shape_cast %get3A_319 : vector<1x16xf32> to vector<16xf32>
        %swap3A_321 = arith.index_cast %scan3A_300 : i32 to index
        %swap3A_322 = arith.constant 16 : index
        %swap3A_323 = tpu.vector_load %arg14[%swap3A_321, %swap3A_322] {strides = array<i32>} : memref<46x128xf32, #tpu.memory_space<vmem>>, vector<1x16xf32>,
        %swap3A_324 = vector.shape_cast %swap3A_323 : vector<1x16xf32> to vector<16xf32>
        %swap3A_325 = vector.shape_cast %get3A_320 : vector<16xf32> to vector<1x16xf32>
        tpu.vector_store %arg14[%swap3A_321, %swap3A_322], %swap3A_325 {strides = array<i32>} : memref<46x128xf32, #tpu.memory_space<vmem>>, vector<1x16xf32>,
        %mul3A_326 = arith.constant 8 : i32
        %mul3A_327 = arith.muli %scan3A_300, %mul3A_326 : i32
        %add3A_328 = arith.constant 2 : i32
        %add3A_329 = arith.addi %mul3A_327, %add3A_328 : i32
        %get3A_330 = arith.index_cast %add3A_329 : i32 to index
        %get3A_331 = arith.constant 0 : index
        %get3A_332 = tpu.vector_load %arg13[%get3A_330, %get3A_331] {strides = array<i32>} : memref<368x16xf32, #tpu.memory_space<vmem>>, vector<1x16xf32>,
        %get3A_333 = vector.shape_cast %get3A_332 : vector<1x16xf32> to vector<16xf32>
        %swap3A_334 = arith.index_cast %scan3A_300 : i32 to index
        %swap3A_335 = arith.constant 32 : index
        %swap3A_336 = tpu.vector_load %arg14[%swap3A_334, %swap3A_335] {strides = array<i32>} : memref<46x128xf32, #tpu.memory_space<vmem>>, vector<1x16xf32>,
        %swap3A_337 = vector.shape_cast %swap3A_336 : vector<1x16xf32> to vector<16xf32>
        %swap3A_338 = vector.shape_cast %get3A_333 : vector<16xf32> to vector<1x16xf32>
        tpu.vector_store %arg14[%swap3A_334, %swap3A_335], %swap3A_338 {strides = array<i32>} : memref<46x128xf32, #tpu.memory_space<vmem>>, vector<1x16xf32>,
        %mul3A_339 = arith.constant 8 : i32
        %mul3A_340 = arith.muli %scan3A_300, %mul3A_339 : i32
        %add3A_341 = arith.constant 3 : i32
        %add3A_342 = arith.addi %mul3A_340, %add3A_341 : i32
        %get3A_343 = arith.index_cast %add3A_342 : i32 to index
        %get3A_344 = arith.constant 0 : index
        %get3A_345 = tpu.vector_load %arg13[%get3A_343, %get3A_344] {strides = array<i32>} : memref<368x16xf32, #tpu.memory_space<vmem>>, vector<1x16xf32>,
        %get3A_346 = vector.shape_cast %get3A_345 : vector<1x16xf32> to vector<16xf32>
        %swap3A_347 = arith.index_cast %scan3A_300 : i32 to index
        %swap3A_348 = arith.constant 48 : index
        %swap3A_349 = tpu.vector_load %arg14[%swap3A_347, %swap3A_348] {strides = array<i32>} : memref<46x128xf32, #tpu.memory_space<vmem>>, vector<1x16xf32>,
        %swap3A_350 = vector.shape_cast %swap3A_349 : vector<1x16xf32> to vector<16xf32>
        %swap3A_351 = vector.shape_cast %get3A_346 : vector<16xf32> to vector<1x16xf32>
        tpu.vector_store %arg14[%swap3A_347, %swap3A_348], %swap3A_351 {strides = array<i32>} : memref<46x128xf32, #tpu.memory_space<vmem>>, vector<1x16xf32>,
        %mul3A_352 = arith.constant 8 : i32
        %mul3A_353 = arith.muli %scan3A_300, %mul3A_352 : i32
        %add3A_354 = arith.constant 4 : i32
        %add3A_355 = arith.addi %mul3A_353, %add3A_354 : i32
        %get3A_356 = arith.index_cast %add3A_355 : i32 to index
        %get3A_357 = arith.constant 0 : index
        %get3A_358 = tpu.vector_load %arg13[%get3A_356, %get3A_357] {strides = array<i32>} : memref<368x16xf32, #tpu.memory_space<vmem>>, vector<1x16xf32>,
        %get3A_359 = vector.shape_cast %get3A_358 : vector<1x16xf32> to vector<16xf32>
        %swap3A_360 = arith.index_cast %scan3A_300 : i32 to index
        %swap3A_361 = arith.constant 64 : index
        %swap3A_362 = tpu.vector_load %arg14[%swap3A_360, %swap3A_361] {strides = array<i32>} : memref<46x128xf32, #tpu.memory_space<vmem>>, vector<1x16xf32>,
        %swap3A_363 = vector.shape_cast %swap3A_362 : vector<1x16xf32> to vector<16xf32>
        %swap3A_364 = vector.shape_cast %get3A_359 : vector<16xf32> to vector<1x16xf32>
        tpu.vector_store %arg14[%swap3A_360, %swap3A_361], %swap3A_364 {strides = array<i32>} : memref<46x128xf32, #tpu.memory_space<vmem>>, vector<1x16xf32>,
        %mul3A_365 = arith.constant 8 : i32
        %mul3A_366 = arith.muli %scan3A_300, %mul3A_365 : i32
        %add3A_367 = arith.constant 5 : i32
        %add3A_368 = arith.addi %mul3A_366, %add3A_367 : i32
        %get3A_369 = arith.index_cast %add3A_368 : i32 to index
        %get3A_370 = arith.constant 0 : index
        %get3A_371 = tpu.vector_load %arg13[%get3A_369, %get3A_370] {strides = array<i32>} : memref<368x16xf32, #tpu.memory_space<vmem>>, vector<1x16xf32>,
        %get3A_372 = vector.shape_cast %get3A_371 : vector<1x16xf32> to vector<16xf32>
        %swap3A_373 = arith.index_cast %scan3A_300 : i32 to index
        %swap3A_374 = arith.constant 80 : index
        %swap3A_375 = tpu.vector_load %arg14[%swap3A_373, %swap3A_374] {strides = array<i32>} : memref<46x128xf32, #tpu.memory_space<vmem>>, vector<1x16xf32>,
        %swap3A_376 = vector.shape_cast %swap3A_375 : vector<1x16xf32> to vector<16xf32>
        %swap3A_377 = vector.shape_cast %get3A_372 : vector<16xf32> to vector<1x16xf32>
        tpu.vector_store %arg14[%swap3A_373, %swap3A_374], %swap3A_377 {strides = array<i32>} : memref<46x128xf32, #tpu.memory_space<vmem>>, vector<1x16xf32>,
        %mul3A_378 = arith.constant 8 : i32
        %mul3A_379 = arith.muli %scan3A_300, %mul3A_378 : i32
        %add3A_380 = arith.constant 6 : i32
        %add3A_381 = arith.addi %mul3A_379, %add3A_380 : i32
        %get3A_382 = arith.index_cast %add3A_381 : i32 to index
        %get3A_383 = arith.constant 0 : index
        %get3A_384 = tpu.vector_load %arg13[%get3A_382, %get3A_383] {strides = array<i32>} : memref<368x16xf32, #tpu.memory_space<vmem>>, vector<1x16xf32>,
        %get3A_385 = vector.shape_cast %get3A_384 : vector<1x16xf32> to vector<16xf32>
        %swap3A_386 = arith.index_cast %scan3A_300 : i32 to index
        %swap3A_387 = arith.constant 96 : index
        %swap3A_388 = tpu.vector_load %arg14[%swap3A_386, %swap3A_387] {strides = array<i32>} : memref<46x128xf32, #tpu.memory_space<vmem>>, vector<1x16xf32>,
        %swap3A_389 = vector.shape_cast %swap3A_388 : vector<1x16xf32> to vector<16xf32>
        %swap3A_390 = vector.shape_cast %get3A_385 : vector<16xf32> to vector<1x16xf32>
        tpu.vector_store %arg14[%swap3A_386, %swap3A_387], %swap3A_390 {strides = array<i32>} : memref<46x128xf32, #tpu.memory_space<vmem>>, vector<1x16xf32>,
        %mul3A_391 = arith.constant 8 : i32
        %mul3A_392 = arith.muli %scan3A_300, %mul3A_391 : i32
        %add3A_393 = arith.constant 7 : i32
        %add3A_394 = arith.addi %mul3A_392, %add3A_393 : i32
        %get3A_395 = arith.index_cast %add3A_394 : i32 to index
        %get3A_396 = arith.constant 0 : index
        %get3A_397 = tpu.vector_load %arg13[%get3A_395, %get3A_396] {strides = array<i32>} : memref<368x16xf32, #tpu.memory_space<vmem>>, vector<1x16xf32>,
        %get3A_398 = vector.shape_cast %get3A_397 : vector<1x16xf32> to vector<16xf32>
        %swap3A_399 = arith.index_cast %scan3A_300 : i32 to index
        %swap3A_400 = arith.constant 112 : index
        %swap3A_401 = tpu.vector_load %arg14[%swap3A_399, %swap3A_400] {strides = array<i32>} : memref<46x128xf32, #tpu.memory_space<vmem>>, vector<1x16xf32>,
        %swap3A_402 = vector.shape_cast %swap3A_401 : vector<1x16xf32> to vector<16xf32>
        %swap3A_403 = vector.shape_cast %get3A_398 : vector<16xf32> to vector<1x16xf32>
        tpu.vector_store %arg14[%swap3A_399, %swap3A_400], %swap3A_403 {strides = array<i32>} : memref<46x128xf32, #tpu.memory_space<vmem>>, vector<1x16xf32>,
        %scan3A_404 = arith.constant 0 : i32
        scf.yield %scan3A_404 : i32
      }
      %scan3A_293 = arith.constant 46 : i32
      %mul3A_294 = arith.constant 782 : i32
      %mul3A_295 = arith.muli %arg1, %mul3A_294 : i32
      %mul3A_296 = arith.constant 46 : i32
      %mul3A_297 = arith.muli %scan3A_280, %mul3A_296 : i32
      %add3A_298 = arith.addi %mul3A_295, %mul3A_297 : i32
      %run_scoped3A = arith.constant 1 : i32
      "tpu.region"() ({
        %run_scoped3A_300 = tpu.sem_alloc : memref<!tpu.dma_semaphore, #tpu.memory_space<semaphore_mem>>
        %dma_start3A = arith.constant 0 : i32
        %dma_start3A_301 = tpu.memref_slice %arg5[%arg0, %run_scoped3A, %add3A_298, %dma_start3A] : memref<2x3x12512x128xf32, #tpu.memory_space<hbm>> -> memref<1x1x46x128xf32, #tpu.memory_space<hbm>>
        %dma_start3A_302 = tpu.memref_squeeze %dma_start3A_301 : memref<1x1x46x128xf32, #tpu.memory_space<hbm>> -> memref<46x128xf32, #tpu.memory_space<hbm>>
        %dma_start3A_303 = arith.constant 0 : i32
        %dma_start3A_304 = tpu.memref_slice %arg5[%arg0, %run_scoped3A, %add3A_298, %dma_start3A_303] : memref<2x3x12512x128xf32, #tpu.memory_space<hbm>> -> memref<1x1x46x128xf32, #tpu.memory_space<hbm>>
        %dma_start3A_305 = tpu.memref_squeeze %dma_start3A_304 : memref<1x1x46x128xf32, #tpu.memory_space<hbm>> -> memref<46x128xf32, #tpu.memory_space<hbm>>
        tpu.enqueue_dma source(%arg14 : memref<46x128xf32, #tpu.memory_space<vmem>>) target(%dma_start3A_305 : memref<46x128xf32, #tpu.memory_space<hbm>>) target_semaphore(%run_scoped3A_300 : memref<!tpu.dma_semaphore, #tpu.memory_space<semaphore_mem>>)
        %dma_wait3A = arith.constant 0 : i32
        %dma_wait3A_306 = tpu.memref_slice %arg5[%arg0, %run_scoped3A, %add3A_298, %dma_wait3A] : memref<2x3x12512x128xf32, #tpu.memory_space<hbm>> -> memref<1x1x46x128xf32, #tpu.memory_space<hbm>>
        %dma_wait3A_307 = tpu.memref_squeeze %dma_wait3A_306 : memref<1x1x46x128xf32, #tpu.memory_space<hbm>> -> memref<46x128xf32, #tpu.memory_space<hbm>>
        %dma_wait3A_308 = arith.constant 0 : i32
        %dma_wait3A_309 = tpu.memref_slice %arg5[%arg0, %run_scoped3A, %add3A_298, %dma_wait3A_308] : memref<2x3x12512x128xf32, #tpu.memory_space<hbm>> -> memref<1x1x46x128xf32, #tpu.memory_space<hbm>>
        %dma_wait3A_310 = tpu.memref_squeeze %dma_wait3A_309 : memref<1x1x46x128xf32, #tpu.memory_space<hbm>> -> memref<46x128xf32, #tpu.memory_space<hbm>>
        tpu.wait_dma2 semaphore(%run_scoped3A_300 : memref<!tpu.dma_semaphore, #tpu.memory_space<semaphore_mem>>) src(%arg14 : memref<46x128xf32, #tpu.memory_space<vmem>>) dst(%dma_wait3A_310 : memref<46x128xf32, #tpu.memory_space<hbm>>)
        tpu.yield
      }) : () -> ()
      %scan3A_299 = arith.constant 0 : i32
      scf.yield %scan3A_299 : i32
    }
    %scan3A_185 = arith.constant 17 : i32
    %barrier3A_186 = arith.constant 0 : index
    tpu.barrier barrier_id(%barrier3A_186)
    %scan3A_187 = arith.constant 0 : i32
    %scan3A_188 = arith.constant 0 : i32
    %scan3A_189 = arith.constant 368 : i32
    %scan3A_190 = arith.addi %scan3A_188, %scan3A_189 : i32
    %scan3A_191 = arith.constant 1 : i32
    %scan3A_192 = scf.for %scan3A_280 = %scan3A_188 to %scan3A_190 step %scan3A_191 iter_args(%scan3A_281 = %scan3A_187) -> (i32)  : i32 {
      %broadcast_in_dim3A = arith.constant 0.000000e+00 : f32
      %broadcast_in_dim3A_282 = vector.broadcast %broadcast_in_dim3A : f32 to vector<16xf32>
      %swap3A = arith.index_cast %scan3A_280 : i32 to index
      %swap3A_283 = arith.constant 0 : index
      %swap3A_284 = tpu.vector_load %arg13[%swap3A, %swap3A_283] {strides = array<i32>} : memref<368x16xf32, #tpu.memory_space<vmem>>, vector<1x16xf32>,
      %swap3A_285 = vector.shape_cast %swap3A_284 : vector<1x16xf32> to vector<16xf32>
      %swap3A_286 = vector.shape_cast %broadcast_in_dim3A_282 : vector<16xf32> to vector<1x16xf32>
      tpu.vector_store %arg13[%swap3A, %swap3A_283], %swap3A_286 {strides = array<i32>} : memref<368x16xf32, #tpu.memory_space<vmem>>, vector<1x16xf32>,
      %scan3A_287 = arith.constant 0 : i32
      scf.yield %scan3A_287 : i32
    }
    %scan3A_193 = arith.constant 368 : i32
    %mul3A_194 = arith.constant 6256 : i32
    %mul3A_195 = arith.muli %arg1, %mul3A_194 : i32
    %add3A_196 = arith.constant 0 : i32
    %add3A_197 = arith.addi %mul3A_195, %add3A_196 : i32
    "tpu.region"() ({
      %run_scoped3A = tpu.sem_alloc : memref<!tpu.dma_semaphore, #tpu.memory_space<semaphore_mem>>
      %dma_start3A = arith.constant 0 : i32
      %dma_start3A_280 = tpu.memref_slice %arg6[%add3A_197, %dma_start3A] : memref<100096x16xf32, #tpu.memory_space<vmem_shared>> -> memref<368x16xf32, #tpu.memory_space<vmem_shared>>
      %dma_start3A_281 = arith.constant 0 : i32
      %dma_start3A_282 = tpu.memref_slice %arg6[%add3A_197, %dma_start3A_281] : memref<100096x16xf32, #tpu.memory_space<vmem_shared>> -> memref<368x16xf32, #tpu.memory_space<vmem_shared>>
      tpu.enqueue_dma source(%arg13 : memref<368x16xf32, #tpu.memory_space<vmem>>) target(%dma_start3A_282 : memref<368x16xf32, #tpu.memory_space<vmem_shared>>) target_semaphore(%run_scoped3A : memref<!tpu.dma_semaphore, #tpu.memory_space<semaphore_mem>>)
      %dma_wait3A = arith.constant 0 : i32
      %dma_wait3A_283 = tpu.memref_slice %arg6[%add3A_197, %dma_wait3A] : memref<100096x16xf32, #tpu.memory_space<vmem_shared>> -> memref<368x16xf32, #tpu.memory_space<vmem_shared>>
      %dma_wait3A_284 = arith.constant 0 : i32
      %dma_wait3A_285 = tpu.memref_slice %arg6[%add3A_197, %dma_wait3A_284] : memref<100096x16xf32, #tpu.memory_space<vmem_shared>> -> memref<368x16xf32, #tpu.memory_space<vmem_shared>>
      tpu.wait_dma2 semaphore(%run_scoped3A : memref<!tpu.dma_semaphore, #tpu.memory_space<semaphore_mem>>) src(%arg13 : memref<368x16xf32, #tpu.memory_space<vmem>>) dst(%dma_wait3A_285 : memref<368x16xf32, #tpu.memory_space<vmem_shared>>)
      tpu.yield
    }) : () -> ()
    %mul3A_198 = arith.constant 6256 : i32
    %mul3A_199 = arith.muli %arg1, %mul3A_198 : i32
    %add3A_200 = arith.constant 368 : i32
    %add3A_201 = arith.addi %mul3A_199, %add3A_200 : i32
    "tpu.region"() ({
      %run_scoped3A = tpu.sem_alloc : memref<!tpu.dma_semaphore, #tpu.memory_space<semaphore_mem>>
      %dma_start3A = arith.constant 0 : i32
      %dma_start3A_280 = tpu.memref_slice %arg6[%add3A_201, %dma_start3A] : memref<100096x16xf32, #tpu.memory_space<vmem_shared>> -> memref<368x16xf32, #tpu.memory_space<vmem_shared>>
      %dma_start3A_281 = arith.constant 0 : i32
      %dma_start3A_282 = tpu.memref_slice %arg6[%add3A_201, %dma_start3A_281] : memref<100096x16xf32, #tpu.memory_space<vmem_shared>> -> memref<368x16xf32, #tpu.memory_space<vmem_shared>>
      tpu.enqueue_dma source(%arg13 : memref<368x16xf32, #tpu.memory_space<vmem>>) target(%dma_start3A_282 : memref<368x16xf32, #tpu.memory_space<vmem_shared>>) target_semaphore(%run_scoped3A : memref<!tpu.dma_semaphore, #tpu.memory_space<semaphore_mem>>)
      %dma_wait3A = arith.constant 0 : i32
      %dma_wait3A_283 = tpu.memref_slice %arg6[%add3A_201, %dma_wait3A] : memref<100096x16xf32, #tpu.memory_space<vmem_shared>> -> memref<368x16xf32, #tpu.memory_space<vmem_shared>>
      %dma_wait3A_284 = arith.constant 0 : i32
      %dma_wait3A_285 = tpu.memref_slice %arg6[%add3A_201, %dma_wait3A_284] : memref<100096x16xf32, #tpu.memory_space<vmem_shared>> -> memref<368x16xf32, #tpu.memory_space<vmem_shared>>
      tpu.wait_dma2 semaphore(%run_scoped3A : memref<!tpu.dma_semaphore, #tpu.memory_space<semaphore_mem>>) src(%arg13 : memref<368x16xf32, #tpu.memory_space<vmem>>) dst(%dma_wait3A_285 : memref<368x16xf32, #tpu.memory_space<vmem_shared>>)
      tpu.yield
    }) : () -> ()
    %mul3A_202 = arith.constant 6256 : i32
    %mul3A_203 = arith.muli %arg1, %mul3A_202 : i32
    %add3A_204 = arith.constant 736 : i32
    %add3A_205 = arith.addi %mul3A_203, %add3A_204 : i32
    "tpu.region"() ({
      %run_scoped3A = tpu.sem_alloc : memref<!tpu.dma_semaphore, #tpu.memory_space<semaphore_mem>>
      %dma_start3A = arith.constant 0 : i32
      %dma_start3A_280 = tpu.memref_slice %arg6[%add3A_205, %dma_start3A] : memref<100096x16xf32, #tpu.memory_space<vmem_shared>> -> memref<368x16xf32, #tpu.memory_space<vmem_shared>>
      %dma_start3A_281 = arith.constant 0 : i32
      %dma_start3A_282 = tpu.memref_slice %arg6[%add3A_205, %dma_start3A_281] : memref<100096x16xf32, #tpu.memory_space<vmem_shared>> -> memref<368x16xf32, #tpu.memory_space<vmem_shared>>
      tpu.enqueue_dma source(%arg13 : memref<368x16xf32, #tpu.memory_space<vmem>>) target(%dma_start3A_282 : memref<368x16xf32, #tpu.memory_space<vmem_shared>>) target_semaphore(%run_scoped3A : memref<!tpu.dma_semaphore, #tpu.memory_space<semaphore_mem>>)
      %dma_wait3A = arith.constant 0 : i32
      %dma_wait3A_283 = tpu.memref_slice %arg6[%add3A_205, %dma_wait3A] : memref<100096x16xf32, #tpu.memory_space<vmem_shared>> -> memref<368x16xf32, #tpu.memory_space<vmem_shared>>
      %dma_wait3A_284 = arith.constant 0 : i32
      %dma_wait3A_285 = tpu.memref_slice %arg6[%add3A_205, %dma_wait3A_284] : memref<100096x16xf32, #tpu.memory_space<vmem_shared>> -> memref<368x16xf32, #tpu.memory_space<vmem_shared>>
      tpu.wait_dma2 semaphore(%run_scoped3A : memref<!tpu.dma_semaphore, #tpu.memory_space<semaphore_mem>>) src(%arg13 : memref<368x16xf32, #tpu.memory_space<vmem>>) dst(%dma_wait3A_285 : memref<368x16xf32, #tpu.memory_space<vmem_shared>>)
      tpu.yield
    }) : () -> ()
    %mul3A_206 = arith.constant 6256 : i32
    %mul3A_207 = arith.muli %arg1, %mul3A_206 : i32
    %add3A_208 = arith.constant 1104 : i32
    %add3A_209 = arith.addi %mul3A_207, %add3A_208 : i32
    "tpu.region"() ({
      %run_scoped3A = tpu.sem_alloc : memref<!tpu.dma_semaphore, #tpu.memory_space<semaphore_mem>>
      %dma_start3A = arith.constant 0 : i32
      %dma_start3A_280 = tpu.memref_slice %arg6[%add3A_209, %dma_start3A] : memref<100096x16xf32, #tpu.memory_space<vmem_shared>> -> memref<368x16xf32, #tpu.memory_space<vmem_shared>>
      %dma_start3A_281 = arith.constant 0 : i32
      %dma_start3A_282 = tpu.memref_slice %arg6[%add3A_209, %dma_start3A_281] : memref<100096x16xf32, #tpu.memory_space<vmem_shared>> -> memref<368x16xf32, #tpu.memory_space<vmem_shared>>
      tpu.enqueue_dma source(%arg13 : memref<368x16xf32, #tpu.memory_space<vmem>>) target(%dma_start3A_282 : memref<368x16xf32, #tpu.memory_space<vmem_shared>>) target_semaphore(%run_scoped3A : memref<!tpu.dma_semaphore, #tpu.memory_space<semaphore_mem>>)
      %dma_wait3A = arith.constant 0 : i32
      %dma_wait3A_283 = tpu.memref_slice %arg6[%add3A_209, %dma_wait3A] : memref<100096x16xf32, #tpu.memory_space<vmem_shared>> -> memref<368x16xf32, #tpu.memory_space<vmem_shared>>
      %dma_wait3A_284 = arith.constant 0 : i32
      %dma_wait3A_285 = tpu.memref_slice %arg6[%add3A_209, %dma_wait3A_284] : memref<100096x16xf32, #tpu.memory_space<vmem_shared>> -> memref<368x16xf32, #tpu.memory_space<vmem_shared>>
      tpu.wait_dma2 semaphore(%run_scoped3A : memref<!tpu.dma_semaphore, #tpu.memory_space<semaphore_mem>>) src(%arg13 : memref<368x16xf32, #tpu.memory_space<vmem>>) dst(%dma_wait3A_285 : memref<368x16xf32, #tpu.memory_space<vmem_shared>>)
      tpu.yield
    }) : () -> ()
    %mul3A_210 = arith.constant 6256 : i32
    %mul3A_211 = arith.muli %arg1, %mul3A_210 : i32
    %add3A_212 = arith.constant 1472 : i32
    %add3A_213 = arith.addi %mul3A_211, %add3A_212 : i32
    "tpu.region"() ({
      %run_scoped3A = tpu.sem_alloc : memref<!tpu.dma_semaphore, #tpu.memory_space<semaphore_mem>>
      %dma_start3A = arith.constant 0 : i32
      %dma_start3A_280 = tpu.memref_slice %arg6[%add3A_213, %dma_start3A] : memref<100096x16xf32, #tpu.memory_space<vmem_shared>> -> memref<368x16xf32, #tpu.memory_space<vmem_shared>>
      %dma_start3A_281 = arith.constant 0 : i32
      %dma_start3A_282 = tpu.memref_slice %arg6[%add3A_213, %dma_start3A_281] : memref<100096x16xf32, #tpu.memory_space<vmem_shared>> -> memref<368x16xf32, #tpu.memory_space<vmem_shared>>
      tpu.enqueue_dma source(%arg13 : memref<368x16xf32, #tpu.memory_space<vmem>>) target(%dma_start3A_282 : memref<368x16xf32, #tpu.memory_space<vmem_shared>>) target_semaphore(%run_scoped3A : memref<!tpu.dma_semaphore, #tpu.memory_space<semaphore_mem>>)
      %dma_wait3A = arith.constant 0 : i32
      %dma_wait3A_283 = tpu.memref_slice %arg6[%add3A_213, %dma_wait3A] : memref<100096x16xf32, #tpu.memory_space<vmem_shared>> -> memref<368x16xf32, #tpu.memory_space<vmem_shared>>
      %dma_wait3A_284 = arith.constant 0 : i32
      %dma_wait3A_285 = tpu.memref_slice %arg6[%add3A_213, %dma_wait3A_284] : memref<100096x16xf32, #tpu.memory_space<vmem_shared>> -> memref<368x16xf32, #tpu.memory_space<vmem_shared>>
      tpu.wait_dma2 semaphore(%run_scoped3A : memref<!tpu.dma_semaphore, #tpu.memory_space<semaphore_mem>>) src(%arg13 : memref<368x16xf32, #tpu.memory_space<vmem>>) dst(%dma_wait3A_285 : memref<368x16xf32, #tpu.memory_space<vmem_shared>>)
      tpu.yield
    }) : () -> ()
    %mul3A_214 = arith.constant 6256 : i32
    %mul3A_215 = arith.muli %arg1, %mul3A_214 : i32
    %add3A_216 = arith.constant 1840 : i32
    %add3A_217 = arith.addi %mul3A_215, %add3A_216 : i32
    "tpu.region"() ({
      %run_scoped3A = tpu.sem_alloc : memref<!tpu.dma_semaphore, #tpu.memory_space<semaphore_mem>>
      %dma_start3A = arith.constant 0 : i32
      %dma_start3A_280 = tpu.memref_slice %arg6[%add3A_217, %dma_start3A] : memref<100096x16xf32, #tpu.memory_space<vmem_shared>> -> memref<368x16xf32, #tpu.memory_space<vmem_shared>>
      %dma_start3A_281 = arith.constant 0 : i32
      %dma_start3A_282 = tpu.memref_slice %arg6[%add3A_217, %dma_start3A_281] : memref<100096x16xf32, #tpu.memory_space<vmem_shared>> -> memref<368x16xf32, #tpu.memory_space<vmem_shared>>
      tpu.enqueue_dma source(%arg13 : memref<368x16xf32, #tpu.memory_space<vmem>>) target(%dma_start3A_282 : memref<368x16xf32, #tpu.memory_space<vmem_shared>>) target_semaphore(%run_scoped3A : memref<!tpu.dma_semaphore, #tpu.memory_space<semaphore_mem>>)
      %dma_wait3A = arith.constant 0 : i32
      %dma_wait3A_283 = tpu.memref_slice %arg6[%add3A_217, %dma_wait3A] : memref<100096x16xf32, #tpu.memory_space<vmem_shared>> -> memref<368x16xf32, #tpu.memory_space<vmem_shared>>
      %dma_wait3A_284 = arith.constant 0 : i32
      %dma_wait3A_285 = tpu.memref_slice %arg6[%add3A_217, %dma_wait3A_284] : memref<100096x16xf32, #tpu.memory_space<vmem_shared>> -> memref<368x16xf32, #tpu.memory_space<vmem_shared>>
      tpu.wait_dma2 semaphore(%run_scoped3A : memref<!tpu.dma_semaphore, #tpu.memory_space<semaphore_mem>>) src(%arg13 : memref<368x16xf32, #tpu.memory_space<vmem>>) dst(%dma_wait3A_285 : memref<368x16xf32, #tpu.memory_space<vmem_shared>>)
      tpu.yield
    }) : () -> ()
    %mul3A_218 = arith.constant 6256 : i32
    %mul3A_219 = arith.muli %arg1, %mul3A_218 : i32
    %add3A_220 = arith.constant 2208 : i32
    %add3A_221 = arith.addi %mul3A_219, %add3A_220 : i32
    "tpu.region"() ({
      %run_scoped3A = tpu.sem_alloc : memref<!tpu.dma_semaphore, #tpu.memory_space<semaphore_mem>>
      %dma_start3A = arith.constant 0 : i32
      %dma_start3A_280 = tpu.memref_slice %arg6[%add3A_221, %dma_start3A] : memref<100096x16xf32, #tpu.memory_space<vmem_shared>> -> memref<368x16xf32, #tpu.memory_space<vmem_shared>>
      %dma_start3A_281 = arith.constant 0 : i32
      %dma_start3A_282 = tpu.memref_slice %arg6[%add3A_221, %dma_start3A_281] : memref<100096x16xf32, #tpu.memory_space<vmem_shared>> -> memref<368x16xf32, #tpu.memory_space<vmem_shared>>
      tpu.enqueue_dma source(%arg13 : memref<368x16xf32, #tpu.memory_space<vmem>>) target(%dma_start3A_282 : memref<368x16xf32, #tpu.memory_space<vmem_shared>>) target_semaphore(%run_scoped3A : memref<!tpu.dma_semaphore, #tpu.memory_space<semaphore_mem>>)
      %dma_wait3A = arith.constant 0 : i32
      %dma_wait3A_283 = tpu.memref_slice %arg6[%add3A_221, %dma_wait3A] : memref<100096x16xf32, #tpu.memory_space<vmem_shared>> -> memref<368x16xf32, #tpu.memory_space<vmem_shared>>
      %dma_wait3A_284 = arith.constant 0 : i32
      %dma_wait3A_285 = tpu.memref_slice %arg6[%add3A_221, %dma_wait3A_284] : memref<100096x16xf32, #tpu.memory_space<vmem_shared>> -> memref<368x16xf32, #tpu.memory_space<vmem_shared>>
      tpu.wait_dma2 semaphore(%run_scoped3A : memref<!tpu.dma_semaphore, #tpu.memory_space<semaphore_mem>>) src(%arg13 : memref<368x16xf32, #tpu.memory_space<vmem>>) dst(%dma_wait3A_285 : memref<368x16xf32, #tpu.memory_space<vmem_shared>>)
      tpu.yield
    }) : () -> ()
    %mul3A_222 = arith.constant 6256 : i32
    %mul3A_223 = arith.muli %arg1, %mul3A_222 : i32
    %add3A_224 = arith.constant 2576 : i32
    %add3A_225 = arith.addi %mul3A_223, %add3A_224 : i32
    "tpu.region"() ({
      %run_scoped3A = tpu.sem_alloc : memref<!tpu.dma_semaphore, #tpu.memory_space<semaphore_mem>>
      %dma_start3A = arith.constant 0 : i32
      %dma_start3A_280 = tpu.memref_slice %arg6[%add3A_225, %dma_start3A] : memref<100096x16xf32, #tpu.memory_space<vmem_shared>> -> memref<368x16xf32, #tpu.memory_space<vmem_shared>>
      %dma_start3A_281 = arith.constant 0 : i32
      %dma_start3A_282 = tpu.memref_slice %arg6[%add3A_225, %dma_start3A_281] : memref<100096x16xf32, #tpu.memory_space<vmem_shared>> -> memref<368x16xf32, #tpu.memory_space<vmem_shared>>
      tpu.enqueue_dma source(%arg13 : memref<368x16xf32, #tpu.memory_space<vmem>>) target(%dma_start3A_282 : memref<368x16xf32, #tpu.memory_space<vmem_shared>>) target_semaphore(%run_scoped3A : memref<!tpu.dma_semaphore, #tpu.memory_space<semaphore_mem>>)
      %dma_wait3A = arith.constant 0 : i32
      %dma_wait3A_283 = tpu.memref_slice %arg6[%add3A_225, %dma_wait3A] : memref<100096x16xf32, #tpu.memory_space<vmem_shared>> -> memref<368x16xf32, #tpu.memory_space<vmem_shared>>
      %dma_wait3A_284 = arith.constant 0 : i32
      %dma_wait3A_285 = tpu.memref_slice %arg6[%add3A_225, %dma_wait3A_284] : memref<100096x16xf32, #tpu.memory_space<vmem_shared>> -> memref<368x16xf32, #tpu.memory_space<vmem_shared>>
      tpu.wait_dma2 semaphore(%run_scoped3A : memref<!tpu.dma_semaphore, #tpu.memory_space<semaphore_mem>>) src(%arg13 : memref<368x16xf32, #tpu.memory_space<vmem>>) dst(%dma_wait3A_285 : memref<368x16xf32, #tpu.memory_space<vmem_shared>>)
      tpu.yield
    }) : () -> ()
    %mul3A_226 = arith.constant 6256 : i32
    %mul3A_227 = arith.muli %arg1, %mul3A_226 : i32
    %add3A_228 = arith.constant 2944 : i32
    %add3A_229 = arith.addi %mul3A_227, %add3A_228 : i32
    "tpu.region"() ({
      %run_scoped3A = tpu.sem_alloc : memref<!tpu.dma_semaphore, #tpu.memory_space<semaphore_mem>>
      %dma_start3A = arith.constant 0 : i32
      %dma_start3A_280 = tpu.memref_slice %arg6[%add3A_229, %dma_start3A] : memref<100096x16xf32, #tpu.memory_space<vmem_shared>> -> memref<368x16xf32, #tpu.memory_space<vmem_shared>>
      %dma_start3A_281 = arith.constant 0 : i32
      %dma_start3A_282 = tpu.memref_slice %arg6[%add3A_229, %dma_start3A_281] : memref<100096x16xf32, #tpu.memory_space<vmem_shared>> -> memref<368x16xf32, #tpu.memory_space<vmem_shared>>
      tpu.enqueue_dma source(%arg13 : memref<368x16xf32, #tpu.memory_space<vmem>>) target(%dma_start3A_282 : memref<368x16xf32, #tpu.memory_space<vmem_shared>>) target_semaphore(%run_scoped3A : memref<!tpu.dma_semaphore, #tpu.memory_space<semaphore_mem>>)
      %dma_wait3A = arith.constant 0 : i32
      %dma_wait3A_283 = tpu.memref_slice %arg6[%add3A_229, %dma_wait3A] : memref<100096x16xf32, #tpu.memory_space<vmem_shared>> -> memref<368x16xf32, #tpu.memory_space<vmem_shared>>
      %dma_wait3A_284 = arith.constant 0 : i32
      %dma_wait3A_285 = tpu.memref_slice %arg6[%add3A_229, %dma_wait3A_284] : memref<100096x16xf32, #tpu.memory_space<vmem_shared>> -> memref<368x16xf32, #tpu.memory_space<vmem_shared>>
      tpu.wait_dma2 semaphore(%run_scoped3A : memref<!tpu.dma_semaphore, #tpu.memory_space<semaphore_mem>>) src(%arg13 : memref<368x16xf32, #tpu.memory_space<vmem>>) dst(%dma_wait3A_285 : memref<368x16xf32, #tpu.memory_space<vmem_shared>>)
      tpu.yield
    }) : () -> ()
    %mul3A_230 = arith.constant 6256 : i32
    %mul3A_231 = arith.muli %arg1, %mul3A_230 : i32
    %add3A_232 = arith.constant 3312 : i32
    %add3A_233 = arith.addi %mul3A_231, %add3A_232 : i32
    "tpu.region"() ({
      %run_scoped3A = tpu.sem_alloc : memref<!tpu.dma_semaphore, #tpu.memory_space<semaphore_mem>>
      %dma_start3A = arith.constant 0 : i32
      %dma_start3A_280 = tpu.memref_slice %arg6[%add3A_233, %dma_start3A] : memref<100096x16xf32, #tpu.memory_space<vmem_shared>> -> memref<368x16xf32, #tpu.memory_space<vmem_shared>>
      %dma_start3A_281 = arith.constant 0 : i32
      %dma_start3A_282 = tpu.memref_slice %arg6[%add3A_233, %dma_start3A_281] : memref<100096x16xf32, #tpu.memory_space<vmem_shared>> -> memref<368x16xf32, #tpu.memory_space<vmem_shared>>
      tpu.enqueue_dma source(%arg13 : memref<368x16xf32, #tpu.memory_space<vmem>>) target(%dma_start3A_282 : memref<368x16xf32, #tpu.memory_space<vmem_shared>>) target_semaphore(%run_scoped3A : memref<!tpu.dma_semaphore, #tpu.memory_space<semaphore_mem>>)
      %dma_wait3A = arith.constant 0 : i32
      %dma_wait3A_283 = tpu.memref_slice %arg6[%add3A_233, %dma_wait3A] : memref<100096x16xf32, #tpu.memory_space<vmem_shared>> -> memref<368x16xf32, #tpu.memory_space<vmem_shared>>
      %dma_wait3A_284 = arith.constant 0 : i32
      %dma_wait3A_285 = tpu.memref_slice %arg6[%add3A_233, %dma_wait3A_284] : memref<100096x16xf32, #tpu.memory_space<vmem_shared>> -> memref<368x16xf32, #tpu.memory_space<vmem_shared>>
      tpu.wait_dma2 semaphore(%run_scoped3A : memref<!tpu.dma_semaphore, #tpu.memory_space<semaphore_mem>>) src(%arg13 : memref<368x16xf32, #tpu.memory_space<vmem>>) dst(%dma_wait3A_285 : memref<368x16xf32, #tpu.memory_space<vmem_shared>>)
      tpu.yield
    }) : () -> ()
    %mul3A_234 = arith.constant 6256 : i32
    %mul3A_235 = arith.muli %arg1, %mul3A_234 : i32
    %add3A_236 = arith.constant 3680 : i32
    %add3A_237 = arith.addi %mul3A_235, %add3A_236 : i32
    "tpu.region"() ({
      %run_scoped3A = tpu.sem_alloc : memref<!tpu.dma_semaphore, #tpu.memory_space<semaphore_mem>>
      %dma_start3A = arith.constant 0 : i32
      %dma_start3A_280 = tpu.memref_slice %arg6[%add3A_237, %dma_start3A] : memref<100096x16xf32, #tpu.memory_space<vmem_shared>> -> memref<368x16xf32, #tpu.memory_space<vmem_shared>>
      %dma_start3A_281 = arith.constant 0 : i32
      %dma_start3A_282 = tpu.memref_slice %arg6[%add3A_237, %dma_start3A_281] : memref<100096x16xf32, #tpu.memory_space<vmem_shared>> -> memref<368x16xf32, #tpu.memory_space<vmem_shared>>
      tpu.enqueue_dma source(%arg13 : memref<368x16xf32, #tpu.memory_space<vmem>>) target(%dma_start3A_282 : memref<368x16xf32, #tpu.memory_space<vmem_shared>>) target_semaphore(%run_scoped3A : memref<!tpu.dma_semaphore, #tpu.memory_space<semaphore_mem>>)
      %dma_wait3A = arith.constant 0 : i32
      %dma_wait3A_283 = tpu.memref_slice %arg6[%add3A_237, %dma_wait3A] : memref<100096x16xf32, #tpu.memory_space<vmem_shared>> -> memref<368x16xf32, #tpu.memory_space<vmem_shared>>
      %dma_wait3A_284 = arith.constant 0 : i32
      %dma_wait3A_285 = tpu.memref_slice %arg6[%add3A_237, %dma_wait3A_284] : memref<100096x16xf32, #tpu.memory_space<vmem_shared>> -> memref<368x16xf32, #tpu.memory_space<vmem_shared>>
      tpu.wait_dma2 semaphore(%run_scoped3A : memref<!tpu.dma_semaphore, #tpu.memory_space<semaphore_mem>>) src(%arg13 : memref<368x16xf32, #tpu.memory_space<vmem>>) dst(%dma_wait3A_285 : memref<368x16xf32, #tpu.memory_space<vmem_shared>>)
      tpu.yield
    }) : () -> ()
    %mul3A_238 = arith.constant 6256 : i32
    %mul3A_239 = arith.muli %arg1, %mul3A_238 : i32
    %add3A_240 = arith.constant 4048 : i32
    %add3A_241 = arith.addi %mul3A_239, %add3A_240 : i32
    "tpu.region"() ({
      %run_scoped3A = tpu.sem_alloc : memref<!tpu.dma_semaphore, #tpu.memory_space<semaphore_mem>>
      %dma_start3A = arith.constant 0 : i32
      %dma_start3A_280 = tpu.memref_slice %arg6[%add3A_241, %dma_start3A] : memref<100096x16xf32, #tpu.memory_space<vmem_shared>> -> memref<368x16xf32, #tpu.memory_space<vmem_shared>>
      %dma_start3A_281 = arith.constant 0 : i32
      %dma_start3A_282 = tpu.memref_slice %arg6[%add3A_241, %dma_start3A_281] : memref<100096x16xf32, #tpu.memory_space<vmem_shared>> -> memref<368x16xf32, #tpu.memory_space<vmem_shared>>
      tpu.enqueue_dma source(%arg13 : memref<368x16xf32, #tpu.memory_space<vmem>>) target(%dma_start3A_282 : memref<368x16xf32, #tpu.memory_space<vmem_shared>>) target_semaphore(%run_scoped3A : memref<!tpu.dma_semaphore, #tpu.memory_space<semaphore_mem>>)
      %dma_wait3A = arith.constant 0 : i32
      %dma_wait3A_283 = tpu.memref_slice %arg6[%add3A_241, %dma_wait3A] : memref<100096x16xf32, #tpu.memory_space<vmem_shared>> -> memref<368x16xf32, #tpu.memory_space<vmem_shared>>
      %dma_wait3A_284 = arith.constant 0 : i32
      %dma_wait3A_285 = tpu.memref_slice %arg6[%add3A_241, %dma_wait3A_284] : memref<100096x16xf32, #tpu.memory_space<vmem_shared>> -> memref<368x16xf32, #tpu.memory_space<vmem_shared>>
      tpu.wait_dma2 semaphore(%run_scoped3A : memref<!tpu.dma_semaphore, #tpu.memory_space<semaphore_mem>>) src(%arg13 : memref<368x16xf32, #tpu.memory_space<vmem>>) dst(%dma_wait3A_285 : memref<368x16xf32, #tpu.memory_space<vmem_shared>>)
      tpu.yield
    }) : () -> ()
    %mul3A_242 = arith.constant 6256 : i32
    %mul3A_243 = arith.muli %arg1, %mul3A_242 : i32
    %add3A_244 = arith.constant 4416 : i32
    %add3A_245 = arith.addi %mul3A_243, %add3A_244 : i32
    "tpu.region"() ({
      %run_scoped3A = tpu.sem_alloc : memref<!tpu.dma_semaphore, #tpu.memory_space<semaphore_mem>>
      %dma_start3A = arith.constant 0 : i32
      %dma_start3A_280 = tpu.memref_slice %arg6[%add3A_245, %dma_start3A] : memref<100096x16xf32, #tpu.memory_space<vmem_shared>> -> memref<368x16xf32, #tpu.memory_space<vmem_shared>>
      %dma_start3A_281 = arith.constant 0 : i32
      %dma_start3A_282 = tpu.memref_slice %arg6[%add3A_245, %dma_start3A_281] : memref<100096x16xf32, #tpu.memory_space<vmem_shared>> -> memref<368x16xf32, #tpu.memory_space<vmem_shared>>
      tpu.enqueue_dma source(%arg13 : memref<368x16xf32, #tpu.memory_space<vmem>>) target(%dma_start3A_282 : memref<368x16xf32, #tpu.memory_space<vmem_shared>>) target_semaphore(%run_scoped3A : memref<!tpu.dma_semaphore, #tpu.memory_space<semaphore_mem>>)
      %dma_wait3A = arith.constant 0 : i32
      %dma_wait3A_283 = tpu.memref_slice %arg6[%add3A_245, %dma_wait3A] : memref<100096x16xf32, #tpu.memory_space<vmem_shared>> -> memref<368x16xf32, #tpu.memory_space<vmem_shared>>
      %dma_wait3A_284 = arith.constant 0 : i32
      %dma_wait3A_285 = tpu.memref_slice %arg6[%add3A_245, %dma_wait3A_284] : memref<100096x16xf32, #tpu.memory_space<vmem_shared>> -> memref<368x16xf32, #tpu.memory_space<vmem_shared>>
      tpu.wait_dma2 semaphore(%run_scoped3A : memref<!tpu.dma_semaphore, #tpu.memory_space<semaphore_mem>>) src(%arg13 : memref<368x16xf32, #tpu.memory_space<vmem>>) dst(%dma_wait3A_285 : memref<368x16xf32, #tpu.memory_space<vmem_shared>>)
      tpu.yield
    }) : () -> ()
    %mul3A_246 = arith.constant 6256 : i32
    %mul3A_247 = arith.muli %arg1, %mul3A_246 : i32
    %add3A_248 = arith.constant 4784 : i32
    %add3A_249 = arith.addi %mul3A_247, %add3A_248 : i32
    "tpu.region"() ({
      %run_scoped3A = tpu.sem_alloc : memref<!tpu.dma_semaphore, #tpu.memory_space<semaphore_mem>>
      %dma_start3A = arith.constant 0 : i32
      %dma_start3A_280 = tpu.memref_slice %arg6[%add3A_249, %dma_start3A] : memref<100096x16xf32, #tpu.memory_space<vmem_shared>> -> memref<368x16xf32, #tpu.memory_space<vmem_shared>>
      %dma_start3A_281 = arith.constant 0 : i32
      %dma_start3A_282 = tpu.memref_slice %arg6[%add3A_249, %dma_start3A_281] : memref<100096x16xf32, #tpu.memory_space<vmem_shared>> -> memref<368x16xf32, #tpu.memory_space<vmem_shared>>
      tpu.enqueue_dma source(%arg13 : memref<368x16xf32, #tpu.memory_space<vmem>>) target(%dma_start3A_282 : memref<368x16xf32, #tpu.memory_space<vmem_shared>>) target_semaphore(%run_scoped3A : memref<!tpu.dma_semaphore, #tpu.memory_space<semaphore_mem>>)
      %dma_wait3A = arith.constant 0 : i32
      %dma_wait3A_283 = tpu.memref_slice %arg6[%add3A_249, %dma_wait3A] : memref<100096x16xf32, #tpu.memory_space<vmem_shared>> -> memref<368x16xf32, #tpu.memory_space<vmem_shared>>
      %dma_wait3A_284 = arith.constant 0 : i32
      %dma_wait3A_285 = tpu.memref_slice %arg6[%add3A_249, %dma_wait3A_284] : memref<100096x16xf32, #tpu.memory_space<vmem_shared>> -> memref<368x16xf32, #tpu.memory_space<vmem_shared>>
      tpu.wait_dma2 semaphore(%run_scoped3A : memref<!tpu.dma_semaphore, #tpu.memory_space<semaphore_mem>>) src(%arg13 : memref<368x16xf32, #tpu.memory_space<vmem>>) dst(%dma_wait3A_285 : memref<368x16xf32, #tpu.memory_space<vmem_shared>>)
      tpu.yield
    }) : () -> ()
    %mul3A_250 = arith.constant 6256 : i32
    %mul3A_251 = arith.muli %arg1, %mul3A_250 : i32
    %add3A_252 = arith.constant 5152 : i32
    %add3A_253 = arith.addi %mul3A_251, %add3A_252 : i32
    "tpu.region"() ({
      %run_scoped3A = tpu.sem_alloc : memref<!tpu.dma_semaphore, #tpu.memory_space<semaphore_mem>>
      %dma_start3A = arith.constant 0 : i32
      %dma_start3A_280 = tpu.memref_slice %arg6[%add3A_253, %dma_start3A] : memref<100096x16xf32, #tpu.memory_space<vmem_shared>> -> memref<368x16xf32, #tpu.memory_space<vmem_shared>>
      %dma_start3A_281 = arith.constant 0 : i32
      %dma_start3A_282 = tpu.memref_slice %arg6[%add3A_253, %dma_start3A_281] : memref<100096x16xf32, #tpu.memory_space<vmem_shared>> -> memref<368x16xf32, #tpu.memory_space<vmem_shared>>
      tpu.enqueue_dma source(%arg13 : memref<368x16xf32, #tpu.memory_space<vmem>>) target(%dma_start3A_282 : memref<368x16xf32, #tpu.memory_space<vmem_shared>>) target_semaphore(%run_scoped3A : memref<!tpu.dma_semaphore, #tpu.memory_space<semaphore_mem>>)
      %dma_wait3A = arith.constant 0 : i32
      %dma_wait3A_283 = tpu.memref_slice %arg6[%add3A_253, %dma_wait3A] : memref<100096x16xf32, #tpu.memory_space<vmem_shared>> -> memref<368x16xf32, #tpu.memory_space<vmem_shared>>
      %dma_wait3A_284 = arith.constant 0 : i32
      %dma_wait3A_285 = tpu.memref_slice %arg6[%add3A_253, %dma_wait3A_284] : memref<100096x16xf32, #tpu.memory_space<vmem_shared>> -> memref<368x16xf32, #tpu.memory_space<vmem_shared>>
      tpu.wait_dma2 semaphore(%run_scoped3A : memref<!tpu.dma_semaphore, #tpu.memory_space<semaphore_mem>>) src(%arg13 : memref<368x16xf32, #tpu.memory_space<vmem>>) dst(%dma_wait3A_285 : memref<368x16xf32, #tpu.memory_space<vmem_shared>>)
      tpu.yield
    }) : () -> ()
    %mul3A_254 = arith.constant 6256 : i32
    %mul3A_255 = arith.muli %arg1, %mul3A_254 : i32
    %add3A_256 = arith.constant 5520 : i32
    %add3A_257 = arith.addi %mul3A_255, %add3A_256 : i32
    "tpu.region"() ({
      %run_scoped3A = tpu.sem_alloc : memref<!tpu.dma_semaphore, #tpu.memory_space<semaphore_mem>>
      %dma_start3A = arith.constant 0 : i32
      %dma_start3A_280 = tpu.memref_slice %arg6[%add3A_257, %dma_start3A] : memref<100096x16xf32, #tpu.memory_space<vmem_shared>> -> memref<368x16xf32, #tpu.memory_space<vmem_shared>>
      %dma_start3A_281 = arith.constant 0 : i32
      %dma_start3A_282 = tpu.memref_slice %arg6[%add3A_257, %dma_start3A_281] : memref<100096x16xf32, #tpu.memory_space<vmem_shared>> -> memref<368x16xf32, #tpu.memory_space<vmem_shared>>
      tpu.enqueue_dma source(%arg13 : memref<368x16xf32, #tpu.memory_space<vmem>>) target(%dma_start3A_282 : memref<368x16xf32, #tpu.memory_space<vmem_shared>>) target_semaphore(%run_scoped3A : memref<!tpu.dma_semaphore, #tpu.memory_space<semaphore_mem>>)
      %dma_wait3A = arith.constant 0 : i32
      %dma_wait3A_283 = tpu.memref_slice %arg6[%add3A_257, %dma_wait3A] : memref<100096x16xf32, #tpu.memory_space<vmem_shared>> -> memref<368x16xf32, #tpu.memory_space<vmem_shared>>
      %dma_wait3A_284 = arith.constant 0 : i32
      %dma_wait3A_285 = tpu.memref_slice %arg6[%add3A_257, %dma_wait3A_284] : memref<100096x16xf32, #tpu.memory_space<vmem_shared>> -> memref<368x16xf32, #tpu.memory_space<vmem_shared>>
      tpu.wait_dma2 semaphore(%run_scoped3A : memref<!tpu.dma_semaphore, #tpu.memory_space<semaphore_mem>>) src(%arg13 : memref<368x16xf32, #tpu.memory_space<vmem>>) dst(%dma_wait3A_285 : memref<368x16xf32, #tpu.memory_space<vmem_shared>>)
      tpu.yield
    }) : () -> ()
    %mul3A_258 = arith.constant 6256 : i32
    %mul3A_259 = arith.muli %arg1, %mul3A_258 : i32
    %add3A_260 = arith.constant 5888 : i32
    %add3A_261 = arith.addi %mul3A_259, %add3A_260 : i32
    "tpu.region"() ({
      %run_scoped3A = tpu.sem_alloc : memref<!tpu.dma_semaphore, #tpu.memory_space<semaphore_mem>>
      %dma_start3A = arith.constant 0 : i32
      %dma_start3A_280 = tpu.memref_slice %arg6[%add3A_261, %dma_start3A] : memref<100096x16xf32, #tpu.memory_space<vmem_shared>> -> memref<368x16xf32, #tpu.memory_space<vmem_shared>>
      %dma_start3A_281 = arith.constant 0 : i32
      %dma_start3A_282 = tpu.memref_slice %arg6[%add3A_261, %dma_start3A_281] : memref<100096x16xf32, #tpu.memory_space<vmem_shared>> -> memref<368x16xf32, #tpu.memory_space<vmem_shared>>
      tpu.enqueue_dma source(%arg13 : memref<368x16xf32, #tpu.memory_space<vmem>>) target(%dma_start3A_282 : memref<368x16xf32, #tpu.memory_space<vmem_shared>>) target_semaphore(%run_scoped3A : memref<!tpu.dma_semaphore, #tpu.memory_space<semaphore_mem>>)
      %dma_wait3A = arith.constant 0 : i32
      %dma_wait3A_283 = tpu.memref_slice %arg6[%add3A_261, %dma_wait3A] : memref<100096x16xf32, #tpu.memory_space<vmem_shared>> -> memref<368x16xf32, #tpu.memory_space<vmem_shared>>
      %dma_wait3A_284 = arith.constant 0 : i32
      %dma_wait3A_285 = tpu.memref_slice %arg6[%add3A_261, %dma_wait3A_284] : memref<100096x16xf32, #tpu.memory_space<vmem_shared>> -> memref<368x16xf32, #tpu.memory_space<vmem_shared>>
      tpu.wait_dma2 semaphore(%run_scoped3A : memref<!tpu.dma_semaphore, #tpu.memory_space<semaphore_mem>>) src(%arg13 : memref<368x16xf32, #tpu.memory_space<vmem>>) dst(%dma_wait3A_285 : memref<368x16xf32, #tpu.memory_space<vmem_shared>>)
      tpu.yield
    }) : () -> ()
    %barrier3A_262 = arith.constant 0 : index
    tpu.barrier barrier_id(%barrier3A_262)
    %scan3A_263 = arith.constant 2 : i32
    %scan3A_264 = arith.constant 0 : i32
    %scan3A_265 = arith.constant 0 : i32
    %scan3A_266 = arith.constant 49 : i32
    %scan3A_267 = arith.addi %scan3A_265, %scan3A_266 : i32
    %scan3A_268 = arith.constant 1 : i32
    %scan3A_269 = scf.for %scan3A_280 = %scan3A_265 to %scan3A_267 step %scan3A_268 iter_args(%scan3A_281 = %scan3A_264) -> (i32)  : i32 {
      %mul3A_282 = arith.constant 8 : i32
      %mul3A_283 = arith.muli %scan3A_280, %mul3A_282 : i32
      %add3A_284 = arith.addi %mul3A_2, %mul3A_283 : i32
      "tpu.region"() ({
        %run_scoped3A = tpu.sem_alloc : memref<!tpu.dma_semaphore, #tpu.memory_space<semaphore_mem>>
        %dma_start3A_572 = arith.constant 0 : i32
        %dma_start3A_573 = tpu.memref_slice %arg3[%add3A_284, %dma_start3A_572] : memref<12544x128xi32, #tpu.memory_space<hbm>> -> memref<8x128xi32, #tpu.memory_space<hbm>>
        %dma_start3A_574 = arith.constant 0 : i32
        %dma_start3A_575 = tpu.memref_slice %arg3[%add3A_284, %dma_start3A_574] : memref<12544x128xi32, #tpu.memory_space<hbm>> -> memref<8x128xi32, #tpu.memory_space<hbm>>
        tpu.enqueue_dma source(%dma_start3A_575 : memref<8x128xi32, #tpu.memory_space<hbm>>) target(%arg7 : memref<8x128xi32, #tpu.memory_space<vmem>>) target_semaphore(%run_scoped3A : memref<!tpu.dma_semaphore, #tpu.memory_space<semaphore_mem>>)
        %dma_wait3A_576 = arith.constant 0 : i32
        %dma_wait3A_577 = tpu.memref_slice %arg3[%add3A_284, %dma_wait3A_576] : memref<12544x128xi32, #tpu.memory_space<hbm>> -> memref<8x128xi32, #tpu.memory_space<hbm>>
        %dma_wait3A_578 = arith.constant 0 : i32
        %dma_wait3A_579 = tpu.memref_slice %arg3[%add3A_284, %dma_wait3A_578] : memref<12544x128xi32, #tpu.memory_space<hbm>> -> memref<8x128xi32, #tpu.memory_space<hbm>>
        tpu.wait_dma2 semaphore(%run_scoped3A : memref<!tpu.dma_semaphore, #tpu.memory_space<semaphore_mem>>) src(%dma_wait3A_579 : memref<8x128xi32, #tpu.memory_space<hbm>>) dst(%arg7 : memref<8x128xi32, #tpu.memory_space<vmem>>)
        tpu.yield
      }) : () -> ()
      "tpu.region"() ({
        %run_scoped3A = tpu.sem_alloc : memref<!tpu.dma_semaphore, #tpu.memory_space<semaphore_mem>>
        %dma_start3A_572 = arith.constant 0 : i32
        %dma_start3A_573 = tpu.memref_slice %arg4[%add3A_284, %dma_start3A_572] : memref<12544x128xi32, #tpu.memory_space<hbm>> -> memref<8x128xi32, #tpu.memory_space<hbm>>
        %dma_start3A_574 = arith.constant 0 : i32
        %dma_start3A_575 = tpu.memref_slice %arg4[%add3A_284, %dma_start3A_574] : memref<12544x128xi32, #tpu.memory_space<hbm>> -> memref<8x128xi32, #tpu.memory_space<hbm>>
        tpu.enqueue_dma source(%dma_start3A_575 : memref<8x128xi32, #tpu.memory_space<hbm>>) target(%arg8 : memref<8x128xi32, #tpu.memory_space<vmem>>) target_semaphore(%run_scoped3A : memref<!tpu.dma_semaphore, #tpu.memory_space<semaphore_mem>>)
        %dma_wait3A_576 = arith.constant 0 : i32
        %dma_wait3A_577 = tpu.memref_slice %arg4[%add3A_284, %dma_wait3A_576] : memref<12544x128xi32, #tpu.memory_space<hbm>> -> memref<8x128xi32, #tpu.memory_space<hbm>>
        %dma_wait3A_578 = arith.constant 0 : i32
        %dma_wait3A_579 = tpu.memref_slice %arg4[%add3A_284, %dma_wait3A_578] : memref<12544x128xi32, #tpu.memory_space<hbm>> -> memref<8x128xi32, #tpu.memory_space<hbm>>
        tpu.wait_dma2 semaphore(%run_scoped3A : memref<!tpu.dma_semaphore, #tpu.memory_space<semaphore_mem>>) src(%dma_wait3A_579 : memref<8x128xi32, #tpu.memory_space<hbm>>) dst(%arg8 : memref<8x128xi32, #tpu.memory_space<vmem>>)
        tpu.yield
      }) : () -> ()
      %dma_start3A = arith.constant 0 : i32
      %dma_start3A_285 = arith.constant 0 : i32
      %dma_start3A_286 = tpu.memref_slice %arg7[%dma_start3A, %dma_start3A_285] : memref<8x128xi32, #tpu.memory_space<vmem>> -> memref<1x128xi32, #tpu.memory_space<vmem>>
      %dma_start3A_287 = tpu.memref_squeeze %dma_start3A_286 : memref<1x128xi32, #tpu.memory_space<vmem>> -> memref<128xi32, #tpu.memory_space<vmem>>
      %dma_start3A_288 = arith.constant 0 : i32
      %dma_start3A_289 = arith.constant 0 : i32
      %dma_start3A_290 = tpu.memref_slice %arg2[%scan3A_263, %dma_start3A_288, %dma_start3A_289] : memref<3x100000x16xf32, #tpu.memory_space<hbm>> -> memref<1x100000x16xf32, #tpu.memory_space<hbm>>
      %dma_start3A_291 = tpu.memref_squeeze %dma_start3A_290 : memref<1x100000x16xf32, #tpu.memory_space<hbm>> -> memref<100000x16xf32, #tpu.memory_space<hbm>>
      %dma_start3A_292 = arith.constant 0 : i32
      %dma_start3A_293 = arith.constant 0 : i32
      %dma_start3A_294 = tpu.memref_slice %dma_start3A_291[%dma_start3A_292, %dma_start3A_293] : memref<100000x16xf32, #tpu.memory_space<hbm>> -> memref<100000x16xf32, #tpu.memory_space<hbm>>
      tpu.enqueue_indirect_dma source(%dma_start3A_294 : memref<100000x16xf32, #tpu.memory_space<hbm>>) target(%arg9 : memref<128x16xf32, #tpu.memory_space<vmem>>) offsets(%dma_start3A_287 : memref<128xi32, #tpu.memory_space<vmem>>) semaphore(%arg15 : memref<!tpu.dma_semaphore, #tpu.memory_space<semaphore_mem>>)
      %dma_start3A_295 = arith.constant 1 : i32
      %dma_start3A_296 = arith.constant 0 : i32
      %dma_start3A_297 = tpu.memref_slice %arg7[%dma_start3A_295, %dma_start3A_296] : memref<8x128xi32, #tpu.memory_space<vmem>> -> memref<1x128xi32, #tpu.memory_space<vmem>>
      %dma_start3A_298 = tpu.memref_squeeze %dma_start3A_297 : memref<1x128xi32, #tpu.memory_space<vmem>> -> memref<128xi32, #tpu.memory_space<vmem>>
      %dma_start3A_299 = arith.constant 0 : i32
      %dma_start3A_300 = arith.constant 0 : i32
      %dma_start3A_301 = tpu.memref_slice %arg2[%scan3A_263, %dma_start3A_299, %dma_start3A_300] : memref<3x100000x16xf32, #tpu.memory_space<hbm>> -> memref<1x100000x16xf32, #tpu.memory_space<hbm>>
      %dma_start3A_302 = tpu.memref_squeeze %dma_start3A_301 : memref<1x100000x16xf32, #tpu.memory_space<hbm>> -> memref<100000x16xf32, #tpu.memory_space<hbm>>
      %dma_start3A_303 = arith.constant 0 : i32
      %dma_start3A_304 = arith.constant 0 : i32
      %dma_start3A_305 = tpu.memref_slice %dma_start3A_302[%dma_start3A_303, %dma_start3A_304] : memref<100000x16xf32, #tpu.memory_space<hbm>> -> memref<100000x16xf32, #tpu.memory_space<hbm>>
      tpu.enqueue_indirect_dma source(%dma_start3A_305 : memref<100000x16xf32, #tpu.memory_space<hbm>>) target(%arg10 : memref<128x16xf32, #tpu.memory_space<vmem>>) offsets(%dma_start3A_298 : memref<128xi32, #tpu.memory_space<vmem>>) semaphore(%arg16 : memref<!tpu.dma_semaphore, #tpu.memory_space<semaphore_mem>>)
      %dma_start3A_306 = arith.constant 2 : i32
      %dma_start3A_307 = arith.constant 0 : i32
      %dma_start3A_308 = tpu.memref_slice %arg7[%dma_start3A_306, %dma_start3A_307] : memref<8x128xi32, #tpu.memory_space<vmem>> -> memref<1x128xi32, #tpu.memory_space<vmem>>
      %dma_start3A_309 = tpu.memref_squeeze %dma_start3A_308 : memref<1x128xi32, #tpu.memory_space<vmem>> -> memref<128xi32, #tpu.memory_space<vmem>>
      %dma_start3A_310 = arith.constant 0 : i32
      %dma_start3A_311 = arith.constant 0 : i32
      %dma_start3A_312 = tpu.memref_slice %arg2[%scan3A_263, %dma_start3A_310, %dma_start3A_311] : memref<3x100000x16xf32, #tpu.memory_space<hbm>> -> memref<1x100000x16xf32, #tpu.memory_space<hbm>>
      %dma_start3A_313 = tpu.memref_squeeze %dma_start3A_312 : memref<1x100000x16xf32, #tpu.memory_space<hbm>> -> memref<100000x16xf32, #tpu.memory_space<hbm>>
      %dma_start3A_314 = arith.constant 0 : i32
      %dma_start3A_315 = arith.constant 0 : i32
      %dma_start3A_316 = tpu.memref_slice %dma_start3A_313[%dma_start3A_314, %dma_start3A_315] : memref<100000x16xf32, #tpu.memory_space<hbm>> -> memref<100000x16xf32, #tpu.memory_space<hbm>>
      tpu.enqueue_indirect_dma source(%dma_start3A_316 : memref<100000x16xf32, #tpu.memory_space<hbm>>) target(%arg11 : memref<128x16xf32, #tpu.memory_space<vmem>>) offsets(%dma_start3A_309 : memref<128xi32, #tpu.memory_space<vmem>>) semaphore(%arg17 : memref<!tpu.dma_semaphore, #tpu.memory_space<semaphore_mem>>)
      %dma_wait3A = arith.constant 0 : i32
      %dma_wait3A_317 = arith.constant 0 : i32
      %dma_wait3A_318 = tpu.memref_slice %arg7[%dma_wait3A, %dma_wait3A_317] : memref<8x128xi32, #tpu.memory_space<vmem>> -> memref<1x128xi32, #tpu.memory_space<vmem>>
      %dma_wait3A_319 = tpu.memref_squeeze %dma_wait3A_318 : memref<1x128xi32, #tpu.memory_space<vmem>> -> memref<128xi32, #tpu.memory_space<vmem>>
      %dma_wait3A_320 = arith.constant 0 : i32
      %dma_wait3A_321 = arith.constant 0 : i32
      %dma_wait3A_322 = tpu.memref_slice %arg2[%scan3A_263, %dma_wait3A_320, %dma_wait3A_321] : memref<3x100000x16xf32, #tpu.memory_space<hbm>> -> memref<1x100000x16xf32, #tpu.memory_space<hbm>>
      %dma_wait3A_323 = tpu.memref_squeeze %dma_wait3A_322 : memref<1x100000x16xf32, #tpu.memory_space<hbm>> -> memref<100000x16xf32, #tpu.memory_space<hbm>>
      %dma_wait3A_324 = arith.constant 0 : i32
      %dma_wait3A_325 = arith.constant 0 : i32
      %dma_wait3A_326 = tpu.memref_slice %dma_wait3A_323[%dma_wait3A_324, %dma_wait3A_325] : memref<100000x16xf32, #tpu.memory_space<hbm>> -> memref<100000x16xf32, #tpu.memory_space<hbm>>
      tpu.wait_indirect_dma semaphore(%arg15 : memref<!tpu.dma_semaphore, #tpu.memory_space<semaphore_mem>>) src(%dma_wait3A_326 : memref<100000x16xf32, #tpu.memory_space<hbm>>) dst(%arg9 : memref<128x16xf32, #tpu.memory_space<vmem>>)
      %dma_start3A_327 = arith.constant 0 : i32
      %dma_start3A_328 = arith.constant 0 : i32
      %dma_start3A_329 = tpu.memref_slice %arg8[%dma_start3A_327, %dma_start3A_328] : memref<8x128xi32, #tpu.memory_space<vmem>> -> memref<1x128xi32, #tpu.memory_space<vmem>>
      %dma_start3A_330 = tpu.memref_squeeze %dma_start3A_329 : memref<1x128xi32, #tpu.memory_space<vmem>> -> memref<128xi32, #tpu.memory_space<vmem>>
      %dma_start3A_331 = arith.constant 0 : i32
      %dma_start3A_332 = arith.constant 0 : i32
      %dma_start3A_333 = tpu.memref_slice %arg6[%dma_start3A_331, %dma_start3A_332] : memref<100096x16xf32, #tpu.memory_space<vmem_shared>> -> memref<100096x16xf32, #tpu.memory_space<vmem_shared>>
      tpu.enqueue_indirect_dma source(%arg9 : memref<128x16xf32, #tpu.memory_space<vmem>>) target(%dma_start3A_333 : memref<100096x16xf32, #tpu.memory_space<vmem_shared>>) offsets(%dma_start3A_330 : memref<128xi32, #tpu.memory_space<vmem>>) semaphore(%arg19 : memref<!tpu.dma_semaphore, #tpu.memory_space<semaphore_mem>>) {add = true}
      %dma_start3A_334 = arith.constant 3 : i32
      %dma_start3A_335 = arith.constant 0 : i32
      %dma_start3A_336 = tpu.memref_slice %arg7[%dma_start3A_334, %dma_start3A_335] : memref<8x128xi32, #tpu.memory_space<vmem>> -> memref<1x128xi32, #tpu.memory_space<vmem>>
      %dma_start3A_337 = tpu.memref_squeeze %dma_start3A_336 : memref<1x128xi32, #tpu.memory_space<vmem>> -> memref<128xi32, #tpu.memory_space<vmem>>
      %dma_start3A_338 = arith.constant 0 : i32
      %dma_start3A_339 = arith.constant 0 : i32
      %dma_start3A_340 = tpu.memref_slice %arg2[%scan3A_263, %dma_start3A_338, %dma_start3A_339] : memref<3x100000x16xf32, #tpu.memory_space<hbm>> -> memref<1x100000x16xf32, #tpu.memory_space<hbm>>
      %dma_start3A_341 = tpu.memref_squeeze %dma_start3A_340 : memref<1x100000x16xf32, #tpu.memory_space<hbm>> -> memref<100000x16xf32, #tpu.memory_space<hbm>>
      %dma_start3A_342 = arith.constant 0 : i32
      %dma_start3A_343 = arith.constant 0 : i32
      %dma_start3A_344 = tpu.memref_slice %dma_start3A_341[%dma_start3A_342, %dma_start3A_343] : memref<100000x16xf32, #tpu.memory_space<hbm>> -> memref<100000x16xf32, #tpu.memory_space<hbm>>
      tpu.enqueue_indirect_dma source(%dma_start3A_344 : memref<100000x16xf32, #tpu.memory_space<hbm>>) target(%arg12 : memref<128x16xf32, #tpu.memory_space<vmem>>) offsets(%dma_start3A_337 : memref<128xi32, #tpu.memory_space<vmem>>) semaphore(%arg18 : memref<!tpu.dma_semaphore, #tpu.memory_space<semaphore_mem>>)
      %dma_wait3A_345 = arith.constant 1 : i32
      %dma_wait3A_346 = arith.constant 0 : i32
      %dma_wait3A_347 = tpu.memref_slice %arg7[%dma_wait3A_345, %dma_wait3A_346] : memref<8x128xi32, #tpu.memory_space<vmem>> -> memref<1x128xi32, #tpu.memory_space<vmem>>
      %dma_wait3A_348 = tpu.memref_squeeze %dma_wait3A_347 : memref<1x128xi32, #tpu.memory_space<vmem>> -> memref<128xi32, #tpu.memory_space<vmem>>
      %dma_wait3A_349 = arith.constant 0 : i32
      %dma_wait3A_350 = arith.constant 0 : i32
      %dma_wait3A_351 = tpu.memref_slice %arg2[%scan3A_263, %dma_wait3A_349, %dma_wait3A_350] : memref<3x100000x16xf32, #tpu.memory_space<hbm>> -> memref<1x100000x16xf32, #tpu.memory_space<hbm>>
      %dma_wait3A_352 = tpu.memref_squeeze %dma_wait3A_351 : memref<1x100000x16xf32, #tpu.memory_space<hbm>> -> memref<100000x16xf32, #tpu.memory_space<hbm>>
      %dma_wait3A_353 = arith.constant 0 : i32
      %dma_wait3A_354 = arith.constant 0 : i32
      %dma_wait3A_355 = tpu.memref_slice %dma_wait3A_352[%dma_wait3A_353, %dma_wait3A_354] : memref<100000x16xf32, #tpu.memory_space<hbm>> -> memref<100000x16xf32, #tpu.memory_space<hbm>>
      tpu.wait_indirect_dma semaphore(%arg16 : memref<!tpu.dma_semaphore, #tpu.memory_space<semaphore_mem>>) src(%dma_wait3A_355 : memref<100000x16xf32, #tpu.memory_space<hbm>>) dst(%arg10 : memref<128x16xf32, #tpu.memory_space<vmem>>)
      %dma_start3A_356 = arith.constant 1 : i32
      %dma_start3A_357 = arith.constant 0 : i32
      %dma_start3A_358 = tpu.memref_slice %arg8[%dma_start3A_356, %dma_start3A_357] : memref<8x128xi32, #tpu.memory_space<vmem>> -> memref<1x128xi32, #tpu.memory_space<vmem>>
      %dma_start3A_359 = tpu.memref_squeeze %dma_start3A_358 : memref<1x128xi32, #tpu.memory_space<vmem>> -> memref<128xi32, #tpu.memory_space<vmem>>
      %dma_start3A_360 = arith.constant 0 : i32
      %dma_start3A_361 = arith.constant 0 : i32
      %dma_start3A_362 = tpu.memref_slice %arg6[%dma_start3A_360, %dma_start3A_361] : memref<100096x16xf32, #tpu.memory_space<vmem_shared>> -> memref<100096x16xf32, #tpu.memory_space<vmem_shared>>
      tpu.enqueue_indirect_dma source(%arg10 : memref<128x16xf32, #tpu.memory_space<vmem>>) target(%dma_start3A_362 : memref<100096x16xf32, #tpu.memory_space<vmem_shared>>) offsets(%dma_start3A_359 : memref<128xi32, #tpu.memory_space<vmem>>) semaphore(%arg20 : memref<!tpu.dma_semaphore, #tpu.memory_space<semaphore_mem>>) {add = true}
      %dma_wait3A_363 = arith.constant 0 : i32
      %dma_wait3A_364 = arith.constant 0 : i32
      %dma_wait3A_365 = tpu.memref_slice %arg8[%dma_wait3A_363, %dma_wait3A_364] : memref<8x128xi32, #tpu.memory_space<vmem>> -> memref<1x128xi32, #tpu.memory_space<vmem>>
      %dma_wait3A_366 = tpu.memref_squeeze %dma_wait3A_365 : memref<1x128xi32, #tpu.memory_space<vmem>> -> memref<128xi32, #tpu.memory_space<vmem>>
      %dma_wait3A_367 = arith.constant 0 : i32
      %dma_wait3A_368 = arith.constant 0 : i32
      %dma_wait3A_369 = tpu.memref_slice %arg6[%dma_wait3A_367, %dma_wait3A_368] : memref<100096x16xf32, #tpu.memory_space<vmem_shared>> -> memref<100096x16xf32, #tpu.memory_space<vmem_shared>>
      tpu.wait_indirect_dma semaphore(%arg19 : memref<!tpu.dma_semaphore, #tpu.memory_space<semaphore_mem>>) src(%arg9 : memref<128x16xf32, #tpu.memory_space<vmem>>) dst(%dma_wait3A_369 : memref<100096x16xf32, #tpu.memory_space<vmem_shared>>)
      %dma_start3A_370 = arith.constant 4 : i32
      %dma_start3A_371 = arith.constant 0 : i32
      %dma_start3A_372 = tpu.memref_slice %arg7[%dma_start3A_370, %dma_start3A_371] : memref<8x128xi32, #tpu.memory_space<vmem>> -> memref<1x128xi32, #tpu.memory_space<vmem>>
      %dma_start3A_373 = tpu.memref_squeeze %dma_start3A_372 : memref<1x128xi32, #tpu.memory_space<vmem>> -> memref<128xi32, #tpu.memory_space<vmem>>
      %dma_start3A_374 = arith.constant 0 : i32
      %dma_start3A_375 = arith.constant 0 : i32
      %dma_start3A_376 = tpu.memref_slice %arg2[%scan3A_263, %dma_start3A_374, %dma_start3A_375] : memref<3x100000x16xf32, #tpu.memory_space<hbm>> -> memref<1x100000x16xf32, #tpu.memory_space<hbm>>
      %dma_start3A_377 = tpu.memref_squeeze %dma_start3A_376 : memref<1x100000x16xf32, #tpu.memory_space<hbm>> -> memref<100000x16xf32, #tpu.memory_space<hbm>>
      %dma_start3A_378 = arith.constant 0 : i32
      %dma_start3A_379 = arith.constant 0 : i32
      %dma_start3A_380 = tpu.memref_slice %dma_start3A_377[%dma_start3A_378, %dma_start3A_379] : memref<100000x16xf32, #tpu.memory_space<hbm>> -> memref<100000x16xf32, #tpu.memory_space<hbm>>
      tpu.enqueue_indirect_dma source(%dma_start3A_380 : memref<100000x16xf32, #tpu.memory_space<hbm>>) target(%arg9 : memref<128x16xf32, #tpu.memory_space<vmem>>) offsets(%dma_start3A_373 : memref<128xi32, #tpu.memory_space<vmem>>) semaphore(%arg15 : memref<!tpu.dma_semaphore, #tpu.memory_space<semaphore_mem>>)
      %dma_wait3A_381 = arith.constant 2 : i32
      %dma_wait3A_382 = arith.constant 0 : i32
      %dma_wait3A_383 = tpu.memref_slice %arg7[%dma_wait3A_381, %dma_wait3A_382] : memref<8x128xi32, #tpu.memory_space<vmem>> -> memref<1x128xi32, #tpu.memory_space<vmem>>
      %dma_wait3A_384 = tpu.memref_squeeze %dma_wait3A_383 : memref<1x128xi32, #tpu.memory_space<vmem>> -> memref<128xi32, #tpu.memory_space<vmem>>
      %dma_wait3A_385 = arith.constant 0 : i32
      %dma_wait3A_386 = arith.constant 0 : i32
      %dma_wait3A_387 = tpu.memref_slice %arg2[%scan3A_263, %dma_wait3A_385, %dma_wait3A_386] : memref<3x100000x16xf32, #tpu.memory_space<hbm>> -> memref<1x100000x16xf32, #tpu.memory_space<hbm>>
      %dma_wait3A_388 = tpu.memref_squeeze %dma_wait3A_387 : memref<1x100000x16xf32, #tpu.memory_space<hbm>> -> memref<100000x16xf32, #tpu.memory_space<hbm>>
      %dma_wait3A_389 = arith.constant 0 : i32
      %dma_wait3A_390 = arith.constant 0 : i32
      %dma_wait3A_391 = tpu.memref_slice %dma_wait3A_388[%dma_wait3A_389, %dma_wait3A_390] : memref<100000x16xf32, #tpu.memory_space<hbm>> -> memref<100000x16xf32, #tpu.memory_space<hbm>>
      tpu.wait_indirect_dma semaphore(%arg17 : memref<!tpu.dma_semaphore, #tpu.memory_space<semaphore_mem>>) src(%dma_wait3A_391 : memref<100000x16xf32, #tpu.memory_space<hbm>>) dst(%arg11 : memref<128x16xf32, #tpu.memory_space<vmem>>)
      %dma_start3A_392 = arith.constant 2 : i32
      %dma_start3A_393 = arith.constant 0 : i32
      %dma_start3A_394 = tpu.memref_slice %arg8[%dma_start3A_392, %dma_start3A_393] : memref<8x128xi32, #tpu.memory_space<vmem>> -> memref<1x128xi32, #tpu.memory_space<vmem>>
      %dma_start3A_395 = tpu.memref_squeeze %dma_start3A_394 : memref<1x128xi32, #tpu.memory_space<vmem>> -> memref<128xi32, #tpu.memory_space<vmem>>
      %dma_start3A_396 = arith.constant 0 : i32
      %dma_start3A_397 = arith.constant 0 : i32
      %dma_start3A_398 = tpu.memref_slice %arg6[%dma_start3A_396, %dma_start3A_397] : memref<100096x16xf32, #tpu.memory_space<vmem_shared>> -> memref<100096x16xf32, #tpu.memory_space<vmem_shared>>
      tpu.enqueue_indirect_dma source(%arg11 : memref<128x16xf32, #tpu.memory_space<vmem>>) target(%dma_start3A_398 : memref<100096x16xf32, #tpu.memory_space<vmem_shared>>) offsets(%dma_start3A_395 : memref<128xi32, #tpu.memory_space<vmem>>) semaphore(%arg19 : memref<!tpu.dma_semaphore, #tpu.memory_space<semaphore_mem>>) {add = true}
      %dma_wait3A_399 = arith.constant 1 : i32
      %dma_wait3A_400 = arith.constant 0 : i32
      %dma_wait3A_401 = tpu.memref_slice %arg8[%dma_wait3A_399, %dma_wait3A_400] : memref<8x128xi32, #tpu.memory_space<vmem>> -> memref<1x128xi32, #tpu.memory_space<vmem>>
      %dma_wait3A_402 = tpu.memref_squeeze %dma_wait3A_401 : memref<1x128xi32, #tpu.memory_space<vmem>> -> memref<128xi32, #tpu.memory_space<vmem>>
      %dma_wait3A_403 = arith.constant 0 : i32
      %dma_wait3A_404 = arith.constant 0 : i32
      %dma_wait3A_405 = tpu.memref_slice %arg6[%dma_wait3A_403, %dma_wait3A_404] : memref<100096x16xf32, #tpu.memory_space<vmem_shared>> -> memref<100096x16xf32, #tpu.memory_space<vmem_shared>>
      tpu.wait_indirect_dma semaphore(%arg20 : memref<!tpu.dma_semaphore, #tpu.memory_space<semaphore_mem>>) src(%arg10 : memref<128x16xf32, #tpu.memory_space<vmem>>) dst(%dma_wait3A_405 : memref<100096x16xf32, #tpu.memory_space<vmem_shared>>)
      %dma_start3A_406 = arith.constant 5 : i32
      %dma_start3A_407 = arith.constant 0 : i32
      %dma_start3A_408 = tpu.memref_slice %arg7[%dma_start3A_406, %dma_start3A_407] : memref<8x128xi32, #tpu.memory_space<vmem>> -> memref<1x128xi32, #tpu.memory_space<vmem>>
      %dma_start3A_409 = tpu.memref_squeeze %dma_start3A_408 : memref<1x128xi32, #tpu.memory_space<vmem>> -> memref<128xi32, #tpu.memory_space<vmem>>
      %dma_start3A_410 = arith.constant 0 : i32
      %dma_start3A_411 = arith.constant 0 : i32
      %dma_start3A_412 = tpu.memref_slice %arg2[%scan3A_263, %dma_start3A_410, %dma_start3A_411] : memref<3x100000x16xf32, #tpu.memory_space<hbm>> -> memref<1x100000x16xf32, #tpu.memory_space<hbm>>
      %dma_start3A_413 = tpu.memref_squeeze %dma_start3A_412 : memref<1x100000x16xf32, #tpu.memory_space<hbm>> -> memref<100000x16xf32, #tpu.memory_space<hbm>>
      %dma_start3A_414 = arith.constant 0 : i32
      %dma_start3A_415 = arith.constant 0 : i32
      %dma_start3A_416 = tpu.memref_slice %dma_start3A_413[%dma_start3A_414, %dma_start3A_415] : memref<100000x16xf32, #tpu.memory_space<hbm>> -> memref<100000x16xf32, #tpu.memory_space<hbm>>
      tpu.enqueue_indirect_dma source(%dma_start3A_416 : memref<100000x16xf32, #tpu.memory_space<hbm>>) target(%arg10 : memref<128x16xf32, #tpu.memory_space<vmem>>) offsets(%dma_start3A_409 : memref<128xi32, #tpu.memory_space<vmem>>) semaphore(%arg16 : memref<!tpu.dma_semaphore, #tpu.memory_space<semaphore_mem>>)
      %dma_wait3A_417 = arith.constant 3 : i32
      %dma_wait3A_418 = arith.constant 0 : i32
      %dma_wait3A_419 = tpu.memref_slice %arg7[%dma_wait3A_417, %dma_wait3A_418] : memref<8x128xi32, #tpu.memory_space<vmem>> -> memref<1x128xi32, #tpu.memory_space<vmem>>
      %dma_wait3A_420 = tpu.memref_squeeze %dma_wait3A_419 : memref<1x128xi32, #tpu.memory_space<vmem>> -> memref<128xi32, #tpu.memory_space<vmem>>
      %dma_wait3A_421 = arith.constant 0 : i32
      %dma_wait3A_422 = arith.constant 0 : i32
      %dma_wait3A_423 = tpu.memref_slice %arg2[%scan3A_263, %dma_wait3A_421, %dma_wait3A_422] : memref<3x100000x16xf32, #tpu.memory_space<hbm>> -> memref<1x100000x16xf32, #tpu.memory_space<hbm>>
      %dma_wait3A_424 = tpu.memref_squeeze %dma_wait3A_423 : memref<1x100000x16xf32, #tpu.memory_space<hbm>> -> memref<100000x16xf32, #tpu.memory_space<hbm>>
      %dma_wait3A_425 = arith.constant 0 : i32
      %dma_wait3A_426 = arith.constant 0 : i32
      %dma_wait3A_427 = tpu.memref_slice %dma_wait3A_424[%dma_wait3A_425, %dma_wait3A_426] : memref<100000x16xf32, #tpu.memory_space<hbm>> -> memref<100000x16xf32, #tpu.memory_space<hbm>>
      tpu.wait_indirect_dma semaphore(%arg18 : memref<!tpu.dma_semaphore, #tpu.memory_space<semaphore_mem>>) src(%dma_wait3A_427 : memref<100000x16xf32, #tpu.memory_space<hbm>>) dst(%arg12 : memref<128x16xf32, #tpu.memory_space<vmem>>)
      %dma_start3A_428 = arith.constant 3 : i32
      %dma_start3A_429 = arith.constant 0 : i32
      %dma_start3A_430 = tpu.memref_slice %arg8[%dma_start3A_428, %dma_start3A_429] : memref<8x128xi32, #tpu.memory_space<vmem>> -> memref<1x128xi32, #tpu.memory_space<vmem>>
      %dma_start3A_431 = tpu.memref_squeeze %dma_start3A_430 : memref<1x128xi32, #tpu.memory_space<vmem>> -> memref<128xi32, #tpu.memory_space<vmem>>
      %dma_start3A_432 = arith.constant 0 : i32
      %dma_start3A_433 = arith.constant 0 : i32
      %dma_start3A_434 = tpu.memref_slice %arg6[%dma_start3A_432, %dma_start3A_433] : memref<100096x16xf32, #tpu.memory_space<vmem_shared>> -> memref<100096x16xf32, #tpu.memory_space<vmem_shared>>
      tpu.enqueue_indirect_dma source(%arg12 : memref<128x16xf32, #tpu.memory_space<vmem>>) target(%dma_start3A_434 : memref<100096x16xf32, #tpu.memory_space<vmem_shared>>) offsets(%dma_start3A_431 : memref<128xi32, #tpu.memory_space<vmem>>) semaphore(%arg20 : memref<!tpu.dma_semaphore, #tpu.memory_space<semaphore_mem>>) {add = true}
      %dma_wait3A_435 = arith.constant 2 : i32
      %dma_wait3A_436 = arith.constant 0 : i32
      %dma_wait3A_437 = tpu.memref_slice %arg8[%dma_wait3A_435, %dma_wait3A_436] : memref<8x128xi32, #tpu.memory_space<vmem>> -> memref<1x128xi32, #tpu.memory_space<vmem>>
      %dma_wait3A_438 = tpu.memref_squeeze %dma_wait3A_437 : memref<1x128xi32, #tpu.memory_space<vmem>> -> memref<128xi32, #tpu.memory_space<vmem>>
      %dma_wait3A_439 = arith.constant 0 : i32
      %dma_wait3A_440 = arith.constant 0 : i32
      %dma_wait3A_441 = tpu.memref_slice %arg6[%dma_wait3A_439, %dma_wait3A_440] : memref<100096x16xf32, #tpu.memory_space<vmem_shared>> -> memref<100096x16xf32, #tpu.memory_space<vmem_shared>>
      tpu.wait_indirect_dma semaphore(%arg19 : memref<!tpu.dma_semaphore, #tpu.memory_space<semaphore_mem>>) src(%arg11 : memref<128x16xf32, #tpu.memory_space<vmem>>) dst(%dma_wait3A_441 : memref<100096x16xf32, #tpu.memory_space<vmem_shared>>)
      %dma_start3A_442 = arith.constant 6 : i32
      %dma_start3A_443 = arith.constant 0 : i32
      %dma_start3A_444 = tpu.memref_slice %arg7[%dma_start3A_442, %dma_start3A_443] : memref<8x128xi32, #tpu.memory_space<vmem>> -> memref<1x128xi32, #tpu.memory_space<vmem>>
      %dma_start3A_445 = tpu.memref_squeeze %dma_start3A_444 : memref<1x128xi32, #tpu.memory_space<vmem>> -> memref<128xi32, #tpu.memory_space<vmem>>
      %dma_start3A_446 = arith.constant 0 : i32
      %dma_start3A_447 = arith.constant 0 : i32
      %dma_start3A_448 = tpu.memref_slice %arg2[%scan3A_263, %dma_start3A_446, %dma_start3A_447] : memref<3x100000x16xf32, #tpu.memory_space<hbm>> -> memref<1x100000x16xf32, #tpu.memory_space<hbm>>
      %dma_start3A_449 = tpu.memref_squeeze %dma_start3A_448 : memref<1x100000x16xf32, #tpu.memory_space<hbm>> -> memref<100000x16xf32, #tpu.memory_space<hbm>>
      %dma_start3A_450 = arith.constant 0 : i32
      %dma_start3A_451 = arith.constant 0 : i32
      %dma_start3A_452 = tpu.memref_slice %dma_start3A_449[%dma_start3A_450, %dma_start3A_451] : memref<100000x16xf32, #tpu.memory_space<hbm>> -> memref<100000x16xf32, #tpu.memory_space<hbm>>
      tpu.enqueue_indirect_dma source(%dma_start3A_452 : memref<100000x16xf32, #tpu.memory_space<hbm>>) target(%arg11 : memref<128x16xf32, #tpu.memory_space<vmem>>) offsets(%dma_start3A_445 : memref<128xi32, #tpu.memory_space<vmem>>) semaphore(%arg17 : memref<!tpu.dma_semaphore, #tpu.memory_space<semaphore_mem>>)
      %dma_wait3A_453 = arith.constant 4 : i32
      %dma_wait3A_454 = arith.constant 0 : i32
      %dma_wait3A_455 = tpu.memref_slice %arg7[%dma_wait3A_453, %dma_wait3A_454] : memref<8x128xi32, #tpu.memory_space<vmem>> -> memref<1x128xi32, #tpu.memory_space<vmem>>
      %dma_wait3A_456 = tpu.memref_squeeze %dma_wait3A_455 : memref<1x128xi32, #tpu.memory_space<vmem>> -> memref<128xi32, #tpu.memory_space<vmem>>
      %dma_wait3A_457 = arith.constant 0 : i32
      %dma_wait3A_458 = arith.constant 0 : i32
      %dma_wait3A_459 = tpu.memref_slice %arg2[%scan3A_263, %dma_wait3A_457, %dma_wait3A_458] : memref<3x100000x16xf32, #tpu.memory_space<hbm>> -> memref<1x100000x16xf32, #tpu.memory_space<hbm>>
      %dma_wait3A_460 = tpu.memref_squeeze %dma_wait3A_459 : memref<1x100000x16xf32, #tpu.memory_space<hbm>> -> memref<100000x16xf32, #tpu.memory_space<hbm>>
      %dma_wait3A_461 = arith.constant 0 : i32
      %dma_wait3A_462 = arith.constant 0 : i32
      %dma_wait3A_463 = tpu.memref_slice %dma_wait3A_460[%dma_wait3A_461, %dma_wait3A_462] : memref<100000x16xf32, #tpu.memory_space<hbm>> -> memref<100000x16xf32, #tpu.memory_space<hbm>>
      tpu.wait_indirect_dma semaphore(%arg15 : memref<!tpu.dma_semaphore, #tpu.memory_space<semaphore_mem>>) src(%dma_wait3A_463 : memref<100000x16xf32, #tpu.memory_space<hbm>>) dst(%arg9 : memref<128x16xf32, #tpu.memory_space<vmem>>)
      %dma_start3A_464 = arith.constant 4 : i32
      %dma_start3A_465 = arith.constant 0 : i32
      %dma_start3A_466 = tpu.memref_slice %arg8[%dma_start3A_464, %dma_start3A_465] : memref<8x128xi32, #tpu.memory_space<vmem>> -> memref<1x128xi32, #tpu.memory_space<vmem>>
      %dma_start3A_467 = tpu.memref_squeeze %dma_start3A_466 : memref<1x128xi32, #tpu.memory_space<vmem>> -> memref<128xi32, #tpu.memory_space<vmem>>
      %dma_start3A_468 = arith.constant 0 : i32
      %dma_start3A_469 = arith.constant 0 : i32
      %dma_start3A_470 = tpu.memref_slice %arg6[%dma_start3A_468, %dma_start3A_469] : memref<100096x16xf32, #tpu.memory_space<vmem_shared>> -> memref<100096x16xf32, #tpu.memory_space<vmem_shared>>
      tpu.enqueue_indirect_dma source(%arg9 : memref<128x16xf32, #tpu.memory_space<vmem>>) target(%dma_start3A_470 : memref<100096x16xf32, #tpu.memory_space<vmem_shared>>) offsets(%dma_start3A_467 : memref<128xi32, #tpu.memory_space<vmem>>) semaphore(%arg19 : memref<!tpu.dma_semaphore, #tpu.memory_space<semaphore_mem>>) {add = true}
      %dma_wait3A_471 = arith.constant 3 : i32
      %dma_wait3A_472 = arith.constant 0 : i32
      %dma_wait3A_473 = tpu.memref_slice %arg8[%dma_wait3A_471, %dma_wait3A_472] : memref<8x128xi32, #tpu.memory_space<vmem>> -> memref<1x128xi32, #tpu.memory_space<vmem>>
      %dma_wait3A_474 = tpu.memref_squeeze %dma_wait3A_473 : memref<1x128xi32, #tpu.memory_space<vmem>> -> memref<128xi32, #tpu.memory_space<vmem>>
      %dma_wait3A_475 = arith.constant 0 : i32
      %dma_wait3A_476 = arith.constant 0 : i32
      %dma_wait3A_477 = tpu.memref_slice %arg6[%dma_wait3A_475, %dma_wait3A_476] : memref<100096x16xf32, #tpu.memory_space<vmem_shared>> -> memref<100096x16xf32, #tpu.memory_space<vmem_shared>>
      tpu.wait_indirect_dma semaphore(%arg20 : memref<!tpu.dma_semaphore, #tpu.memory_space<semaphore_mem>>) src(%arg12 : memref<128x16xf32, #tpu.memory_space<vmem>>) dst(%dma_wait3A_477 : memref<100096x16xf32, #tpu.memory_space<vmem_shared>>)
      %dma_start3A_478 = arith.constant 7 : i32
      %dma_start3A_479 = arith.constant 0 : i32
      %dma_start3A_480 = tpu.memref_slice %arg7[%dma_start3A_478, %dma_start3A_479] : memref<8x128xi32, #tpu.memory_space<vmem>> -> memref<1x128xi32, #tpu.memory_space<vmem>>
      %dma_start3A_481 = tpu.memref_squeeze %dma_start3A_480 : memref<1x128xi32, #tpu.memory_space<vmem>> -> memref<128xi32, #tpu.memory_space<vmem>>
      %dma_start3A_482 = arith.constant 0 : i32
      %dma_start3A_483 = arith.constant 0 : i32
      %dma_start3A_484 = tpu.memref_slice %arg2[%scan3A_263, %dma_start3A_482, %dma_start3A_483] : memref<3x100000x16xf32, #tpu.memory_space<hbm>> -> memref<1x100000x16xf32, #tpu.memory_space<hbm>>
      %dma_start3A_485 = tpu.memref_squeeze %dma_start3A_484 : memref<1x100000x16xf32, #tpu.memory_space<hbm>> -> memref<100000x16xf32, #tpu.memory_space<hbm>>
      %dma_start3A_486 = arith.constant 0 : i32
      %dma_start3A_487 = arith.constant 0 : i32
      %dma_start3A_488 = tpu.memref_slice %dma_start3A_485[%dma_start3A_486, %dma_start3A_487] : memref<100000x16xf32, #tpu.memory_space<hbm>> -> memref<100000x16xf32, #tpu.memory_space<hbm>>
      tpu.enqueue_indirect_dma source(%dma_start3A_488 : memref<100000x16xf32, #tpu.memory_space<hbm>>) target(%arg12 : memref<128x16xf32, #tpu.memory_space<vmem>>) offsets(%dma_start3A_481 : memref<128xi32, #tpu.memory_space<vmem>>) semaphore(%arg18 : memref<!tpu.dma_semaphore, #tpu.memory_space<semaphore_mem>>)
      %dma_wait3A_489 = arith.constant 5 : i32
      %dma_wait3A_490 = arith.constant 0 : i32
      %dma_wait3A_491 = tpu.memref_slice %arg7[%dma_wait3A_489, %dma_wait3A_490] : memref<8x128xi32, #tpu.memory_space<vmem>> -> memref<1x128xi32, #tpu.memory_space<vmem>>
      %dma_wait3A_492 = tpu.memref_squeeze %dma_wait3A_491 : memref<1x128xi32, #tpu.memory_space<vmem>> -> memref<128xi32, #tpu.memory_space<vmem>>
      %dma_wait3A_493 = arith.constant 0 : i32
      %dma_wait3A_494 = arith.constant 0 : i32
      %dma_wait3A_495 = tpu.memref_slice %arg2[%scan3A_263, %dma_wait3A_493, %dma_wait3A_494] : memref<3x100000x16xf32, #tpu.memory_space<hbm>> -> memref<1x100000x16xf32, #tpu.memory_space<hbm>>
      %dma_wait3A_496 = tpu.memref_squeeze %dma_wait3A_495 : memref<1x100000x16xf32, #tpu.memory_space<hbm>> -> memref<100000x16xf32, #tpu.memory_space<hbm>>
      %dma_wait3A_497 = arith.constant 0 : i32
      %dma_wait3A_498 = arith.constant 0 : i32
      %dma_wait3A_499 = tpu.memref_slice %dma_wait3A_496[%dma_wait3A_497, %dma_wait3A_498] : memref<100000x16xf32, #tpu.memory_space<hbm>> -> memref<100000x16xf32, #tpu.memory_space<hbm>>
      tpu.wait_indirect_dma semaphore(%arg16 : memref<!tpu.dma_semaphore, #tpu.memory_space<semaphore_mem>>) src(%dma_wait3A_499 : memref<100000x16xf32, #tpu.memory_space<hbm>>) dst(%arg10 : memref<128x16xf32, #tpu.memory_space<vmem>>)
      %dma_start3A_500 = arith.constant 5 : i32
      %dma_start3A_501 = arith.constant 0 : i32
      %dma_start3A_502 = tpu.memref_slice %arg8[%dma_start3A_500, %dma_start3A_501] : memref<8x128xi32, #tpu.memory_space<vmem>> -> memref<1x128xi32, #tpu.memory_space<vmem>>
      %dma_start3A_503 = tpu.memref_squeeze %dma_start3A_502 : memref<1x128xi32, #tpu.memory_space<vmem>> -> memref<128xi32, #tpu.memory_space<vmem>>
      %dma_start3A_504 = arith.constant 0 : i32
      %dma_start3A_505 = arith.constant 0 : i32
      %dma_start3A_506 = tpu.memref_slice %arg6[%dma_start3A_504, %dma_start3A_505] : memref<100096x16xf32, #tpu.memory_space<vmem_shared>> -> memref<100096x16xf32, #tpu.memory_space<vmem_shared>>
      tpu.enqueue_indirect_dma source(%arg10 : memref<128x16xf32, #tpu.memory_space<vmem>>) target(%dma_start3A_506 : memref<100096x16xf32, #tpu.memory_space<vmem_shared>>) offsets(%dma_start3A_503 : memref<128xi32, #tpu.memory_space<vmem>>) semaphore(%arg20 : memref<!tpu.dma_semaphore, #tpu.memory_space<semaphore_mem>>) {add = true}
      %dma_wait3A_507 = arith.constant 6 : i32
      %dma_wait3A_508 = arith.constant 0 : i32
      %dma_wait3A_509 = tpu.memref_slice %arg7[%dma_wait3A_507, %dma_wait3A_508] : memref<8x128xi32, #tpu.memory_space<vmem>> -> memref<1x128xi32, #tpu.memory_space<vmem>>
      %dma_wait3A_510 = tpu.memref_squeeze %dma_wait3A_509 : memref<1x128xi32, #tpu.memory_space<vmem>> -> memref<128xi32, #tpu.memory_space<vmem>>
      %dma_wait3A_511 = arith.constant 0 : i32
      %dma_wait3A_512 = arith.constant 0 : i32
      %dma_wait3A_513 = tpu.memref_slice %arg2[%scan3A_263, %dma_wait3A_511, %dma_wait3A_512] : memref<3x100000x16xf32, #tpu.memory_space<hbm>> -> memref<1x100000x16xf32, #tpu.memory_space<hbm>>
      %dma_wait3A_514 = tpu.memref_squeeze %dma_wait3A_513 : memref<1x100000x16xf32, #tpu.memory_space<hbm>> -> memref<100000x16xf32, #tpu.memory_space<hbm>>
      %dma_wait3A_515 = arith.constant 0 : i32
      %dma_wait3A_516 = arith.constant 0 : i32
      %dma_wait3A_517 = tpu.memref_slice %dma_wait3A_514[%dma_wait3A_515, %dma_wait3A_516] : memref<100000x16xf32, #tpu.memory_space<hbm>> -> memref<100000x16xf32, #tpu.memory_space<hbm>>
      tpu.wait_indirect_dma semaphore(%arg17 : memref<!tpu.dma_semaphore, #tpu.memory_space<semaphore_mem>>) src(%dma_wait3A_517 : memref<100000x16xf32, #tpu.memory_space<hbm>>) dst(%arg11 : memref<128x16xf32, #tpu.memory_space<vmem>>)
      %dma_start3A_518 = arith.constant 6 : i32
      %dma_start3A_519 = arith.constant 0 : i32
      %dma_start3A_520 = tpu.memref_slice %arg8[%dma_start3A_518, %dma_start3A_519] : memref<8x128xi32, #tpu.memory_space<vmem>> -> memref<1x128xi32, #tpu.memory_space<vmem>>
      %dma_start3A_521 = tpu.memref_squeeze %dma_start3A_520 : memref<1x128xi32, #tpu.memory_space<vmem>> -> memref<128xi32, #tpu.memory_space<vmem>>
      %dma_start3A_522 = arith.constant 0 : i32
      %dma_start3A_523 = arith.constant 0 : i32
      %dma_start3A_524 = tpu.memref_slice %arg6[%dma_start3A_522, %dma_start3A_523] : memref<100096x16xf32, #tpu.memory_space<vmem_shared>> -> memref<100096x16xf32, #tpu.memory_space<vmem_shared>>
      tpu.enqueue_indirect_dma source(%arg11 : memref<128x16xf32, #tpu.memory_space<vmem>>) target(%dma_start3A_524 : memref<100096x16xf32, #tpu.memory_space<vmem_shared>>) offsets(%dma_start3A_521 : memref<128xi32, #tpu.memory_space<vmem>>) semaphore(%arg19 : memref<!tpu.dma_semaphore, #tpu.memory_space<semaphore_mem>>) {add = true}
      %dma_wait3A_525 = arith.constant 7 : i32
      %dma_wait3A_526 = arith.constant 0 : i32
      %dma_wait3A_527 = tpu.memref_slice %arg7[%dma_wait3A_525, %dma_wait3A_526] : memref<8x128xi32, #tpu.memory_space<vmem>> -> memref<1x128xi32, #tpu.memory_space<vmem>>
      %dma_wait3A_528 = tpu.memref_squeeze %dma_wait3A_527 : memref<1x128xi32, #tpu.memory_space<vmem>> -> memref<128xi32, #tpu.memory_space<vmem>>
      %dma_wait3A_529 = arith.constant 0 : i32
      %dma_wait3A_530 = arith.constant 0 : i32
      %dma_wait3A_531 = tpu.memref_slice %arg2[%scan3A_263, %dma_wait3A_529, %dma_wait3A_530] : memref<3x100000x16xf32, #tpu.memory_space<hbm>> -> memref<1x100000x16xf32, #tpu.memory_space<hbm>>
      %dma_wait3A_532 = tpu.memref_squeeze %dma_wait3A_531 : memref<1x100000x16xf32, #tpu.memory_space<hbm>> -> memref<100000x16xf32, #tpu.memory_space<hbm>>
      %dma_wait3A_533 = arith.constant 0 : i32
      %dma_wait3A_534 = arith.constant 0 : i32
      %dma_wait3A_535 = tpu.memref_slice %dma_wait3A_532[%dma_wait3A_533, %dma_wait3A_534] : memref<100000x16xf32, #tpu.memory_space<hbm>> -> memref<100000x16xf32, #tpu.memory_space<hbm>>
      tpu.wait_indirect_dma semaphore(%arg18 : memref<!tpu.dma_semaphore, #tpu.memory_space<semaphore_mem>>) src(%dma_wait3A_535 : memref<100000x16xf32, #tpu.memory_space<hbm>>) dst(%arg12 : memref<128x16xf32, #tpu.memory_space<vmem>>)
      %dma_start3A_536 = arith.constant 7 : i32
      %dma_start3A_537 = arith.constant 0 : i32
      %dma_start3A_538 = tpu.memref_slice %arg8[%dma_start3A_536, %dma_start3A_537] : memref<8x128xi32, #tpu.memory_space<vmem>> -> memref<1x128xi32, #tpu.memory_space<vmem>>
      %dma_start3A_539 = tpu.memref_squeeze %dma_start3A_538 : memref<1x128xi32, #tpu.memory_space<vmem>> -> memref<128xi32, #tpu.memory_space<vmem>>
      %dma_start3A_540 = arith.constant 0 : i32
      %dma_start3A_541 = arith.constant 0 : i32
      %dma_start3A_542 = tpu.memref_slice %arg6[%dma_start3A_540, %dma_start3A_541] : memref<100096x16xf32, #tpu.memory_space<vmem_shared>> -> memref<100096x16xf32, #tpu.memory_space<vmem_shared>>
      tpu.enqueue_indirect_dma source(%arg12 : memref<128x16xf32, #tpu.memory_space<vmem>>) target(%dma_start3A_542 : memref<100096x16xf32, #tpu.memory_space<vmem_shared>>) offsets(%dma_start3A_539 : memref<128xi32, #tpu.memory_space<vmem>>) semaphore(%arg20 : memref<!tpu.dma_semaphore, #tpu.memory_space<semaphore_mem>>) {add = true}
      %dma_wait3A_543 = arith.constant 4 : i32
      %dma_wait3A_544 = arith.constant 0 : i32
      %dma_wait3A_545 = tpu.memref_slice %arg8[%dma_wait3A_543, %dma_wait3A_544] : memref<8x128xi32, #tpu.memory_space<vmem>> -> memref<1x128xi32, #tpu.memory_space<vmem>>
      %dma_wait3A_546 = tpu.memref_squeeze %dma_wait3A_545 : memref<1x128xi32, #tpu.memory_space<vmem>> -> memref<128xi32, #tpu.memory_space<vmem>>
      %dma_wait3A_547 = arith.constant 0 : i32
      %dma_wait3A_548 = arith.constant 0 : i32
      %dma_wait3A_549 = tpu.memref_slice %arg6[%dma_wait3A_547, %dma_wait3A_548] : memref<100096x16xf32, #tpu.memory_space<vmem_shared>> -> memref<100096x16xf32, #tpu.memory_space<vmem_shared>>
      tpu.wait_indirect_dma semaphore(%arg19 : memref<!tpu.dma_semaphore, #tpu.memory_space<semaphore_mem>>) src(%arg9 : memref<128x16xf32, #tpu.memory_space<vmem>>) dst(%dma_wait3A_549 : memref<100096x16xf32, #tpu.memory_space<vmem_shared>>)
      %dma_wait3A_550 = arith.constant 5 : i32
      %dma_wait3A_551 = arith.constant 0 : i32
      %dma_wait3A_552 = tpu.memref_slice %arg8[%dma_wait3A_550, %dma_wait3A_551] : memref<8x128xi32, #tpu.memory_space<vmem>> -> memref<1x128xi32, #tpu.memory_space<vmem>>
      %dma_wait3A_553 = tpu.memref_squeeze %dma_wait3A_552 : memref<1x128xi32, #tpu.memory_space<vmem>> -> memref<128xi32, #tpu.memory_space<vmem>>
      %dma_wait3A_554 = arith.constant 0 : i32
      %dma_wait3A_555 = arith.constant 0 : i32
      %dma_wait3A_556 = tpu.memref_slice %arg6[%dma_wait3A_554, %dma_wait3A_555] : memref<100096x16xf32, #tpu.memory_space<vmem_shared>> -> memref<100096x16xf32, #tpu.memory_space<vmem_shared>>
      tpu.wait_indirect_dma semaphore(%arg20 : memref<!tpu.dma_semaphore, #tpu.memory_space<semaphore_mem>>) src(%arg10 : memref<128x16xf32, #tpu.memory_space<vmem>>) dst(%dma_wait3A_556 : memref<100096x16xf32, #tpu.memory_space<vmem_shared>>)
      %dma_wait3A_557 = arith.constant 6 : i32
      %dma_wait3A_558 = arith.constant 0 : i32
      %dma_wait3A_559 = tpu.memref_slice %arg8[%dma_wait3A_557, %dma_wait3A_558] : memref<8x128xi32, #tpu.memory_space<vmem>> -> memref<1x128xi32, #tpu.memory_space<vmem>>
      %dma_wait3A_560 = tpu.memref_squeeze %dma_wait3A_559 : memref<1x128xi32, #tpu.memory_space<vmem>> -> memref<128xi32, #tpu.memory_space<vmem>>
      %dma_wait3A_561 = arith.constant 0 : i32
      %dma_wait3A_562 = arith.constant 0 : i32
      %dma_wait3A_563 = tpu.memref_slice %arg6[%dma_wait3A_561, %dma_wait3A_562] : memref<100096x16xf32, #tpu.memory_space<vmem_shared>> -> memref<100096x16xf32, #tpu.memory_space<vmem_shared>>
      tpu.wait_indirect_dma semaphore(%arg19 : memref<!tpu.dma_semaphore, #tpu.memory_space<semaphore_mem>>) src(%arg11 : memref<128x16xf32, #tpu.memory_space<vmem>>) dst(%dma_wait3A_563 : memref<100096x16xf32, #tpu.memory_space<vmem_shared>>)
      %dma_wait3A_564 = arith.constant 7 : i32
      %dma_wait3A_565 = arith.constant 0 : i32
      %dma_wait3A_566 = tpu.memref_slice %arg8[%dma_wait3A_564, %dma_wait3A_565] : memref<8x128xi32, #tpu.memory_space<vmem>> -> memref<1x128xi32, #tpu.memory_space<vmem>>
      %dma_wait3A_567 = tpu.memref_squeeze %dma_wait3A_566 : memref<1x128xi32, #tpu.memory_space<vmem>> -> memref<128xi32, #tpu.memory_space<vmem>>
      %dma_wait3A_568 = arith.constant 0 : i32
      %dma_wait3A_569 = arith.constant 0 : i32
      %dma_wait3A_570 = tpu.memref_slice %arg6[%dma_wait3A_568, %dma_wait3A_569] : memref<100096x16xf32, #tpu.memory_space<vmem_shared>> -> memref<100096x16xf32, #tpu.memory_space<vmem_shared>>
      tpu.wait_indirect_dma semaphore(%arg20 : memref<!tpu.dma_semaphore, #tpu.memory_space<semaphore_mem>>) src(%arg12 : memref<128x16xf32, #tpu.memory_space<vmem>>) dst(%dma_wait3A_570 : memref<100096x16xf32, #tpu.memory_space<vmem_shared>>)
      %scan3A_571 = arith.constant 0 : i32
      scf.yield %scan3A_571 : i32
    }
    %scan3A_270 = arith.constant 49 : i32
    %barrier3A_271 = arith.constant 0 : index
    tpu.barrier barrier_id(%barrier3A_271)
    %scan3A_272 = arith.constant 0 : i32
    %scan3A_273 = arith.constant 0 : i32
    %scan3A_274 = arith.constant 17 : i32
    %scan3A_275 = arith.addi %scan3A_273, %scan3A_274 : i32
    %scan3A_276 = arith.constant 1 : i32
    %scan3A_277 = scf.for %scan3A_280 = %scan3A_273 to %scan3A_275 step %scan3A_276 iter_args(%scan3A_281 = %scan3A_272) -> (i32)  : i32 {
      %mul3A_282 = arith.constant 6256 : i32
      %mul3A_283 = arith.muli %arg1, %mul3A_282 : i32
      %mul3A_284 = arith.constant 368 : i32
      %mul3A_285 = arith.muli %scan3A_280, %mul3A_284 : i32
      %add3A_286 = arith.addi %mul3A_283, %mul3A_285 : i32
      "tpu.region"() ({
        %run_scoped3A_300 = tpu.sem_alloc : memref<!tpu.dma_semaphore, #tpu.memory_space<semaphore_mem>>
        %dma_start3A = arith.constant 0 : i32
        %dma_start3A_301 = tpu.memref_slice %arg6[%add3A_286, %dma_start3A] : memref<100096x16xf32, #tpu.memory_space<vmem_shared>> -> memref<368x16xf32, #tpu.memory_space<vmem_shared>>
        %dma_start3A_302 = arith.constant 0 : i32
        %dma_start3A_303 = tpu.memref_slice %arg6[%add3A_286, %dma_start3A_302] : memref<100096x16xf32, #tpu.memory_space<vmem_shared>> -> memref<368x16xf32, #tpu.memory_space<vmem_shared>>
        tpu.enqueue_dma source(%dma_start3A_303 : memref<368x16xf32, #tpu.memory_space<vmem_shared>>) target(%arg13 : memref<368x16xf32, #tpu.memory_space<vmem>>) target_semaphore(%run_scoped3A_300 : memref<!tpu.dma_semaphore, #tpu.memory_space<semaphore_mem>>)
        %dma_wait3A = arith.constant 0 : i32
        %dma_wait3A_304 = tpu.memref_slice %arg6[%add3A_286, %dma_wait3A] : memref<100096x16xf32, #tpu.memory_space<vmem_shared>> -> memref<368x16xf32, #tpu.memory_space<vmem_shared>>
        %dma_wait3A_305 = arith.constant 0 : i32
        %dma_wait3A_306 = tpu.memref_slice %arg6[%add3A_286, %dma_wait3A_305] : memref<100096x16xf32, #tpu.memory_space<vmem_shared>> -> memref<368x16xf32, #tpu.memory_space<vmem_shared>>
        tpu.wait_dma2 semaphore(%run_scoped3A_300 : memref<!tpu.dma_semaphore, #tpu.memory_space<semaphore_mem>>) src(%dma_wait3A_306 : memref<368x16xf32, #tpu.memory_space<vmem_shared>>) dst(%arg13 : memref<368x16xf32, #tpu.memory_space<vmem>>)
        tpu.yield
      }) : () -> ()
      %scan3A_287 = arith.constant 0 : i32
      %scan3A_288 = arith.constant 0 : i32
      %scan3A_289 = arith.constant 46 : i32
      %scan3A_290 = arith.addi %scan3A_288, %scan3A_289 : i32
      %scan3A_291 = arith.constant 1 : i32
      %scan3A_292 = scf.for %scan3A_300 = %scan3A_288 to %scan3A_290 step %scan3A_291 iter_args(%scan3A_301 = %scan3A_287) -> (i32)  : i32 {
        %mul3A_302 = arith.constant 8 : i32
        %mul3A_303 = arith.muli %scan3A_300, %mul3A_302 : i32
        %add3A_304 = arith.constant 0 : i32
        %add3A_305 = arith.addi %mul3A_303, %add3A_304 : i32
        %get3A = arith.index_cast %add3A_305 : i32 to index
        %get3A_306 = arith.constant 0 : index
        %get3A_307 = tpu.vector_load %arg13[%get3A, %get3A_306] {strides = array<i32>} : memref<368x16xf32, #tpu.memory_space<vmem>>, vector<1x16xf32>,
        %get3A_308 = vector.shape_cast %get3A_307 : vector<1x16xf32> to vector<16xf32>
        %swap3A = arith.index_cast %scan3A_300 : i32 to index
        %swap3A_309 = arith.constant 0 : index
        %swap3A_310 = tpu.vector_load %arg14[%swap3A, %swap3A_309] {strides = array<i32>} : memref<46x128xf32, #tpu.memory_space<vmem>>, vector<1x16xf32>,
        %swap3A_311 = vector.shape_cast %swap3A_310 : vector<1x16xf32> to vector<16xf32>
        %swap3A_312 = vector.shape_cast %get3A_308 : vector<16xf32> to vector<1x16xf32>
        tpu.vector_store %arg14[%swap3A, %swap3A_309], %swap3A_312 {strides = array<i32>} : memref<46x128xf32, #tpu.memory_space<vmem>>, vector<1x16xf32>,
        %mul3A_313 = arith.constant 8 : i32
        %mul3A_314 = arith.muli %scan3A_300, %mul3A_313 : i32
        %add3A_315 = arith.constant 1 : i32
        %add3A_316 = arith.addi %mul3A_314, %add3A_315 : i32
        %get3A_317 = arith.index_cast %add3A_316 : i32 to index
        %get3A_318 = arith.constant 0 : index
        %get3A_319 = tpu.vector_load %arg13[%get3A_317, %get3A_318] {strides = array<i32>} : memref<368x16xf32, #tpu.memory_space<vmem>>, vector<1x16xf32>,
        %get3A_320 = vector.shape_cast %get3A_319 : vector<1x16xf32> to vector<16xf32>
        %swap3A_321 = arith.index_cast %scan3A_300 : i32 to index
        %swap3A_322 = arith.constant 16 : index
        %swap3A_323 = tpu.vector_load %arg14[%swap3A_321, %swap3A_322] {strides = array<i32>} : memref<46x128xf32, #tpu.memory_space<vmem>>, vector<1x16xf32>,
        %swap3A_324 = vector.shape_cast %swap3A_323 : vector<1x16xf32> to vector<16xf32>
        %swap3A_325 = vector.shape_cast %get3A_320 : vector<16xf32> to vector<1x16xf32>
        tpu.vector_store %arg14[%swap3A_321, %swap3A_322], %swap3A_325 {strides = array<i32>} : memref<46x128xf32, #tpu.memory_space<vmem>>, vector<1x16xf32>,
        %mul3A_326 = arith.constant 8 : i32
        %mul3A_327 = arith.muli %scan3A_300, %mul3A_326 : i32
        %add3A_328 = arith.constant 2 : i32
        %add3A_329 = arith.addi %mul3A_327, %add3A_328 : i32
        %get3A_330 = arith.index_cast %add3A_329 : i32 to index
        %get3A_331 = arith.constant 0 : index
        %get3A_332 = tpu.vector_load %arg13[%get3A_330, %get3A_331] {strides = array<i32>} : memref<368x16xf32, #tpu.memory_space<vmem>>, vector<1x16xf32>,
        %get3A_333 = vector.shape_cast %get3A_332 : vector<1x16xf32> to vector<16xf32>
        %swap3A_334 = arith.index_cast %scan3A_300 : i32 to index
        %swap3A_335 = arith.constant 32 : index
        %swap3A_336 = tpu.vector_load %arg14[%swap3A_334, %swap3A_335] {strides = array<i32>} : memref<46x128xf32, #tpu.memory_space<vmem>>, vector<1x16xf32>,
        %swap3A_337 = vector.shape_cast %swap3A_336 : vector<1x16xf32> to vector<16xf32>
        %swap3A_338 = vector.shape_cast %get3A_333 : vector<16xf32> to vector<1x16xf32>
        tpu.vector_store %arg14[%swap3A_334, %swap3A_335], %swap3A_338 {strides = array<i32>} : memref<46x128xf32, #tpu.memory_space<vmem>>, vector<1x16xf32>,
        %mul3A_339 = arith.constant 8 : i32
        %mul3A_340 = arith.muli %scan3A_300, %mul3A_339 : i32
        %add3A_341 = arith.constant 3 : i32
        %add3A_342 = arith.addi %mul3A_340, %add3A_341 : i32
        %get3A_343 = arith.index_cast %add3A_342 : i32 to index
        %get3A_344 = arith.constant 0 : index
        %get3A_345 = tpu.vector_load %arg13[%get3A_343, %get3A_344] {strides = array<i32>} : memref<368x16xf32, #tpu.memory_space<vmem>>, vector<1x16xf32>,
        %get3A_346 = vector.shape_cast %get3A_345 : vector<1x16xf32> to vector<16xf32>
        %swap3A_347 = arith.index_cast %scan3A_300 : i32 to index
        %swap3A_348 = arith.constant 48 : index
        %swap3A_349 = tpu.vector_load %arg14[%swap3A_347, %swap3A_348] {strides = array<i32>} : memref<46x128xf32, #tpu.memory_space<vmem>>, vector<1x16xf32>,
        %swap3A_350 = vector.shape_cast %swap3A_349 : vector<1x16xf32> to vector<16xf32>
        %swap3A_351 = vector.shape_cast %get3A_346 : vector<16xf32> to vector<1x16xf32>
        tpu.vector_store %arg14[%swap3A_347, %swap3A_348], %swap3A_351 {strides = array<i32>} : memref<46x128xf32, #tpu.memory_space<vmem>>, vector<1x16xf32>,
        %mul3A_352 = arith.constant 8 : i32
        %mul3A_353 = arith.muli %scan3A_300, %mul3A_352 : i32
        %add3A_354 = arith.constant 4 : i32
        %add3A_355 = arith.addi %mul3A_353, %add3A_354 : i32
        %get3A_356 = arith.index_cast %add3A_355 : i32 to index
        %get3A_357 = arith.constant 0 : index
        %get3A_358 = tpu.vector_load %arg13[%get3A_356, %get3A_357] {strides = array<i32>} : memref<368x16xf32, #tpu.memory_space<vmem>>, vector<1x16xf32>,
        %get3A_359 = vector.shape_cast %get3A_358 : vector<1x16xf32> to vector<16xf32>
        %swap3A_360 = arith.index_cast %scan3A_300 : i32 to index
        %swap3A_361 = arith.constant 64 : index
        %swap3A_362 = tpu.vector_load %arg14[%swap3A_360, %swap3A_361] {strides = array<i32>} : memref<46x128xf32, #tpu.memory_space<vmem>>, vector<1x16xf32>,
        %swap3A_363 = vector.shape_cast %swap3A_362 : vector<1x16xf32> to vector<16xf32>
        %swap3A_364 = vector.shape_cast %get3A_359 : vector<16xf32> to vector<1x16xf32>
        tpu.vector_store %arg14[%swap3A_360, %swap3A_361], %swap3A_364 {strides = array<i32>} : memref<46x128xf32, #tpu.memory_space<vmem>>, vector<1x16xf32>,
        %mul3A_365 = arith.constant 8 : i32
        %mul3A_366 = arith.muli %scan3A_300, %mul3A_365 : i32
        %add3A_367 = arith.constant 5 : i32
        %add3A_368 = arith.addi %mul3A_366, %add3A_367 : i32
        %get3A_369 = arith.index_cast %add3A_368 : i32 to index
        %get3A_370 = arith.constant 0 : index
        %get3A_371 = tpu.vector_load %arg13[%get3A_369, %get3A_370] {strides = array<i32>} : memref<368x16xf32, #tpu.memory_space<vmem>>, vector<1x16xf32>,
        %get3A_372 = vector.shape_cast %get3A_371 : vector<1x16xf32> to vector<16xf32>
        %swap3A_373 = arith.index_cast %scan3A_300 : i32 to index
        %swap3A_374 = arith.constant 80 : index
        %swap3A_375 = tpu.vector_load %arg14[%swap3A_373, %swap3A_374] {strides = array<i32>} : memref<46x128xf32, #tpu.memory_space<vmem>>, vector<1x16xf32>,
        %swap3A_376 = vector.shape_cast %swap3A_375 : vector<1x16xf32> to vector<16xf32>
        %swap3A_377 = vector.shape_cast %get3A_372 : vector<16xf32> to vector<1x16xf32>
        tpu.vector_store %arg14[%swap3A_373, %swap3A_374], %swap3A_377 {strides = array<i32>} : memref<46x128xf32, #tpu.memory_space<vmem>>, vector<1x16xf32>,
        %mul3A_378 = arith.constant 8 : i32
        %mul3A_379 = arith.muli %scan3A_300, %mul3A_378 : i32
        %add3A_380 = arith.constant 6 : i32
        %add3A_381 = arith.addi %mul3A_379, %add3A_380 : i32
        %get3A_382 = arith.index_cast %add3A_381 : i32 to index
        %get3A_383 = arith.constant 0 : index
        %get3A_384 = tpu.vector_load %arg13[%get3A_382, %get3A_383] {strides = array<i32>} : memref<368x16xf32, #tpu.memory_space<vmem>>, vector<1x16xf32>,
        %get3A_385 = vector.shape_cast %get3A_384 : vector<1x16xf32> to vector<16xf32>
        %swap3A_386 = arith.index_cast %scan3A_300 : i32 to index
        %swap3A_387 = arith.constant 96 : index
        %swap3A_388 = tpu.vector_load %arg14[%swap3A_386, %swap3A_387] {strides = array<i32>} : memref<46x128xf32, #tpu.memory_space<vmem>>, vector<1x16xf32>,
        %swap3A_389 = vector.shape_cast %swap3A_388 : vector<1x16xf32> to vector<16xf32>
        %swap3A_390 = vector.shape_cast %get3A_385 : vector<16xf32> to vector<1x16xf32>
        tpu.vector_store %arg14[%swap3A_386, %swap3A_387], %swap3A_390 {strides = array<i32>} : memref<46x128xf32, #tpu.memory_space<vmem>>, vector<1x16xf32>,
        %mul3A_391 = arith.constant 8 : i32
        %mul3A_392 = arith.muli %scan3A_300, %mul3A_391 : i32
        %add3A_393 = arith.constant 7 : i32
        %add3A_394 = arith.addi %mul3A_392, %add3A_393 : i32
        %get3A_395 = arith.index_cast %add3A_394 : i32 to index
        %get3A_396 = arith.constant 0 : index
        %get3A_397 = tpu.vector_load %arg13[%get3A_395, %get3A_396] {strides = array<i32>} : memref<368x16xf32, #tpu.memory_space<vmem>>, vector<1x16xf32>,
        %get3A_398 = vector.shape_cast %get3A_397 : vector<1x16xf32> to vector<16xf32>
        %swap3A_399 = arith.index_cast %scan3A_300 : i32 to index
        %swap3A_400 = arith.constant 112 : index
        %swap3A_401 = tpu.vector_load %arg14[%swap3A_399, %swap3A_400] {strides = array<i32>} : memref<46x128xf32, #tpu.memory_space<vmem>>, vector<1x16xf32>,
        %swap3A_402 = vector.shape_cast %swap3A_401 : vector<1x16xf32> to vector<16xf32>
        %swap3A_403 = vector.shape_cast %get3A_398 : vector<16xf32> to vector<1x16xf32>
        tpu.vector_store %arg14[%swap3A_399, %swap3A_400], %swap3A_403 {strides = array<i32>} : memref<46x128xf32, #tpu.memory_space<vmem>>, vector<1x16xf32>,
        %scan3A_404 = arith.constant 0 : i32
        scf.yield %scan3A_404 : i32
      }
      %scan3A_293 = arith.constant 46 : i32
      %mul3A_294 = arith.constant 782 : i32
      %mul3A_295 = arith.muli %arg1, %mul3A_294 : i32
      %mul3A_296 = arith.constant 46 : i32
      %mul3A_297 = arith.muli %scan3A_280, %mul3A_296 : i32
      %add3A_298 = arith.addi %mul3A_295, %mul3A_297 : i32
      %run_scoped3A = arith.constant 2 : i32
      "tpu.region"() ({
        %run_scoped3A_300 = tpu.sem_alloc : memref<!tpu.dma_semaphore, #tpu.memory_space<semaphore_mem>>
        %dma_start3A = arith.constant 0 : i32
        %dma_start3A_301 = tpu.memref_slice %arg5[%arg0, %run_scoped3A, %add3A_298, %dma_start3A] : memref<2x3x12512x128xf32, #tpu.memory_space<hbm>> -> memref<1x1x46x128xf32, #tpu.memory_space<hbm>>
        %dma_start3A_302 = tpu.memref_squeeze %dma_start3A_301 : memref<1x1x46x128xf32, #tpu.memory_space<hbm>> -> memref<46x128xf32, #tpu.memory_space<hbm>>
        %dma_start3A_303 = arith.constant 0 : i32
        %dma_start3A_304 = tpu.memref_slice %arg5[%arg0, %run_scoped3A, %add3A_298, %dma_start3A_303] : memref<2x3x12512x128xf32, #tpu.memory_space<hbm>> -> memref<1x1x46x128xf32, #tpu.memory_space<hbm>>
        %dma_start3A_305 = tpu.memref_squeeze %dma_start3A_304 : memref<1x1x46x128xf32, #tpu.memory_space<hbm>> -> memref<46x128xf32, #tpu.memory_space<hbm>>
        tpu.enqueue_dma source(%arg14 : memref<46x128xf32, #tpu.memory_space<vmem>>) target(%dma_start3A_305 : memref<46x128xf32, #tpu.memory_space<hbm>>) target_semaphore(%run_scoped3A_300 : memref<!tpu.dma_semaphore, #tpu.memory_space<semaphore_mem>>)
        %dma_wait3A = arith.constant 0 : i32
        %dma_wait3A_306 = tpu.memref_slice %arg5[%arg0, %run_scoped3A, %add3A_298, %dma_wait3A] : memref<2x3x12512x128xf32, #tpu.memory_space<hbm>> -> memref<1x1x46x128xf32, #tpu.memory_space<hbm>>
        %dma_wait3A_307 = tpu.memref_squeeze %dma_wait3A_306 : memref<1x1x46x128xf32, #tpu.memory_space<hbm>> -> memref<46x128xf32, #tpu.memory_space<hbm>>
        %dma_wait3A_308 = arith.constant 0 : i32
        %dma_wait3A_309 = tpu.memref_slice %arg5[%arg0, %run_scoped3A, %add3A_298, %dma_wait3A_308] : memref<2x3x12512x128xf32, #tpu.memory_space<hbm>> -> memref<1x1x46x128xf32, #tpu.memory_space<hbm>>
        %dma_wait3A_310 = tpu.memref_squeeze %dma_wait3A_309 : memref<1x1x46x128xf32, #tpu.memory_space<hbm>> -> memref<46x128xf32, #tpu.memory_space<hbm>>
        tpu.wait_dma2 semaphore(%run_scoped3A_300 : memref<!tpu.dma_semaphore, #tpu.memory_space<semaphore_mem>>) src(%arg14 : memref<46x128xf32, #tpu.memory_space<vmem>>) dst(%dma_wait3A_310 : memref<46x128xf32, #tpu.memory_space<hbm>>)
        tpu.yield
      }) : () -> ()
      %scan3A_299 = arith.constant 0 : i32
      scf.yield %scan3A_299 : i32
    }
    %scan3A_278 = arith.constant 17 : i32
    %barrier3A_279 = arith.constant 0 : index
    tpu.barrier barrier_id(%barrier3A_279)
    return
  }
}

module attributes {stable_mosaic.version = 14 : i64} {
  func.func @_tc_body(%arg0: i32, %arg1: i32, %arg2: memref<1x3128x128xf32, #tpu.memory_space<vmem>>, %arg3: memref<2x1x3128x128xf32, #tpu.memory_space<vmem>>, %arg4: memref<3128x128xf32, #tpu.memory_space<vmem>>, %arg5: memref<128x128xf32, #tpu.memory_space<vmem>>, %arg6: memref<128x128xf32, #tpu.memory_space<vmem>>, %arg7: memref<1x3128x128xf32, #tpu.memory_space<vmem>>) attributes {dimension_semantics = [#tpu.dimension_semantics<arbitrary>, #tpu.dimension_semantics<arbitrary>], iteration_bounds = array<i64: 3, 4>, scalar_prefetch = 0 : i64, scratch_operands = 0 : i64, tpu.core_type = #tpu.core_type<tc>, window_params = [{transform_indices = @transform_0, window_bounds = array<i64: 1, 3128, 128>}, {transform_indices = @transform_1, window_bounds = array<i64: 2, 1, 3128, 128>}, {transform_indices = @transform_2, window_bounds = array<i64: 3128, 128>}, {pipeline_mode = #tpu.pipeline_mode<synchronous>, transform_indices = @transform_3, window_bounds = array<i64: 128, 128>}, {pipeline_mode = #tpu.pipeline_mode<synchronous>, transform_indices = @transform_4, window_bounds = array<i64: 128, 128>}, {transform_indices = @transform_5, window_bounds = array<i64: 1, 3128, 128>}]} {
    %get3A = arith.constant 0 : index
    %get3A_0 = arith.constant 0 : index
    %get3A_1 = arith.constant 0 : index
    %get3A_2 = vector.load %arg2[%get3A, %get3A_0, %get3A_1] : memref<1x3128x128xf32, #tpu.memory_space<vmem>>, vector<1x3128x128xf32>
    %get3A_3 = vector.shape_cast %get3A_2 : vector<1x3128x128xf32> to vector<3128x128xf32>
    %get3A_4 = arith.constant 0 : index
    %get3A_5 = arith.constant 0 : index
    %get3A_6 = arith.constant 0 : index
    %get3A_7 = arith.constant 0 : index
    %get3A_8 = vector.load %arg3[%get3A_4, %get3A_5, %get3A_6, %get3A_7] : memref<2x1x3128x128xf32, #tpu.memory_space<vmem>>, vector<1x1x3128x128xf32>
    %get3A_9 = vector.shape_cast %get3A_8 : vector<1x1x3128x128xf32> to vector<3128x128xf32>
    %get3A_10 = arith.constant 1 : index
    %get3A_11 = arith.constant 0 : index
    %get3A_12 = arith.constant 0 : index
    %get3A_13 = arith.constant 0 : index
    %get3A_14 = vector.load %arg3[%get3A_10, %get3A_11, %get3A_12, %get3A_13] : memref<2x1x3128x128xf32, #tpu.memory_space<vmem>>, vector<1x1x3128x128xf32>
    %get3A_15 = vector.shape_cast %get3A_14 : vector<1x1x3128x128xf32> to vector<3128x128xf32>
    %add3A = arith.addf %get3A_9, %get3A_15 : vector<3128x128xf32>
    %get3A_16 = arith.constant 0 : index
    %get3A_17 = arith.constant 0 : index
    %get3A_18 = vector.load %arg5[%get3A_16, %get3A_17] : memref<128x128xf32, #tpu.memory_space<vmem>>, vector<128x128xf32>
    %dot_general3A = arith.constant dense<0.000000e+00> : vector<3128x128xf32>
    %dot_general3A_19 = tpu.matmul %get3A_3, %get3A_18, %dot_general3A {dimension_numbers = #tpu.dot_dimension_numbers<[1], [0], [0], [1], [0, 0, 1, 1], [], []>, precision = #tpu.contract_precision<fp32>, transpose_lhs_hint = false} : vector<3128x128xf32>, vector<128x128xf32>, vector<3128x128xf32> -> vector<3128x128xf32>
    %get3A_20 = arith.constant 0 : index
    %get3A_21 = arith.constant 0 : index
    %get3A_22 = vector.load %arg6[%get3A_20, %get3A_21] : memref<128x128xf32, #tpu.memory_space<vmem>>, vector<128x128xf32>
    %dot_general3A_23 = arith.constant dense<0.000000e+00> : vector<3128x128xf32>
    %dot_general3A_24 = tpu.matmul %add3A, %get3A_22, %dot_general3A_23 {dimension_numbers = #tpu.dot_dimension_numbers<[1], [0], [0], [1], [0, 0, 1, 1], [], []>, precision = #tpu.contract_precision<fp32>, transpose_lhs_hint = false} : vector<3128x128xf32>, vector<128x128xf32>, vector<3128x128xf32> -> vector<3128x128xf32>
    %get3A_25 = arith.constant 0 : index
    %get3A_26 = arith.constant 0 : index
    %get3A_27 = vector.load %arg4[%get3A_25, %get3A_26] : memref<3128x128xf32, #tpu.memory_space<vmem>>, vector<3128x128xf32>
    %mul3A = arith.mulf %get3A_27, %dot_general3A_24 : vector<3128x128xf32>
    %add3A_28 = arith.addf %dot_general3A_19, %mul3A : vector<3128x128xf32>
    %swap3A = arith.constant 0 : index
    %swap3A_29 = arith.constant 0 : index
    %swap3A_30 = arith.constant 0 : index
    %swap3A_31 = vector.load %arg7[%swap3A, %swap3A_29, %swap3A_30] : memref<1x3128x128xf32, #tpu.memory_space<vmem>>, vector<1x3128x128xf32>
    %swap3A_32 = vector.shape_cast %swap3A_31 : vector<1x3128x128xf32> to vector<3128x128xf32>
    %swap3A_33 = vector.shape_cast %add3A_28 : vector<3128x128xf32> to vector<1x3128x128xf32>
    tpu.vector_store %arg7[%swap3A, %swap3A_29, %swap3A_30], %swap3A_33 {strides = array<i32>} : memref<1x3128x128xf32, #tpu.memory_space<vmem>>, vector<1x3128x128xf32>,
    return
  }
  func.func @transform_0(%arg0: i32, %arg1: i32) -> (i32, i32, i32) {
    %c0_i32 = arith.constant 0 : i32
    %c0_i32_0 = arith.constant 0 : i32
    return %arg0, %arg1, %c0_i32 : i32, i32, i32
  }
  func.func @transform_1(%arg0: i32, %arg1: i32) -> (i32, i32, i32, i32) {
    %c0_i32 = arith.constant 0 : i32
    %c0_i32_0 = arith.constant 0 : i32
    %c0_i32_1 = arith.constant 0 : i32
    return %c0_i32, %arg0, %arg1, %c0_i32_0 : i32, i32, i32, i32
  }
  func.func @transform_2(%arg0: i32, %arg1: i32) -> (i32, i32) {
    %c0_i32 = arith.constant 0 : i32
    %c0_i32_0 = arith.constant 0 : i32
    return %arg1, %c0_i32 : i32, i32
  }
  func.func @transform_3(%arg0: i32, %arg1: i32) -> (i32, i32) {
    %c0_i32 = arith.constant 0 : i32
    %c0_i32_0 = arith.constant 0 : i32
    %c0_i32_1 = arith.constant 0 : i32
    return %c0_i32, %c0_i32_0 : i32, i32
  }
  func.func @transform_4(%arg0: i32, %arg1: i32) -> (i32, i32) {
    %c0_i32 = arith.constant 0 : i32
    %c0_i32_0 = arith.constant 0 : i32
    %c0_i32_1 = arith.constant 0 : i32
    return %c0_i32, %c0_i32_0 : i32, i32
  }
  func.func @transform_5(%arg0: i32, %arg1: i32) -> (i32, i32, i32) {
    %c0_i32 = arith.constant 0 : i32
    %c0_i32_0 = arith.constant 0 : i32
    return %arg0, %arg1, %c0_i32 : i32, i32, i32
  }
}

</mosaic_0001>

<sc_bundles>
// kernel: kernel.4.cloned.1.call-start
scs
__scs_entry_jumppad:
0x0: {  	(pc) =	sbr.rel $0x88, $3  }
0x1: {  	(tag) =	ssettag $0x0;
	lr =	simm.s32 $0x1  }
0x2: {  	[smem:$0x3F9B] =	sst lr;
	_ =	strace $0xD0000000  }
0x3: {  	_ = 	snop  }
0x4: {  	_ = 	snop  }
0x5: {  	_ = 	snop  }
0x6: {  	_ = 	snop  }
0x7: {  	_ = 	snop  }
__scs_overlays_trampoline_lowered:
0x8: {  	[smem:$0x3FAA] =	sst s0  }
0x9: {  	[smem:$0x3FAB] =	sst s1  }
0xa: {  	[smem:$0x3FAC] =	sst s2  }
0xb: {  	[smem:$0x3FAD] =	sst s3  }
0xc: {  	[smem:$0x3FAE] =	sst s4  }
0xd: {  	[smem:$0x3FAF] =	sst s5  }
0xe: {  	[smem:$0x3FB0] =	sst s6  }
0xf: {  	[smem:$0x3FB1] =	sst s7  }
0x10: {  	[smem:$0x3FB2] =	sst s8  }
0x11: {  	[smem:$0x3FB3] =	sst s9;
	s0 =	simm.s32 @!p0 $0x0  }
0x12: {  	s1 =	sld [smem:$0x3F99];
	s0 =	simm.s32 @p0 $0x1  }
0x13: {  	[smem:$0x3FB4] =	sst s0;
	s0 =	simm.s32 @!p1 $0x0  }
0x14: {  	s2 =	sld [smem:$0x3F98];
	s0 =	simm.s32 @p1 $0x1  }
0x15: {  	[smem:$0x3FB5] =	sst s0;
	s0 =	simm.s32 @!p2 $0x0  }
0x16: {  	s3 =	sld [smem:$0x3FDB];
	s0 =	simm.s32 @p2 $0x1  }
0x17: {  	s4 =	simm.s32 $0x1BF5;
	[smem:$0x3FB7] =	sst s0  }
0x18: {  	s0 =	sld [smem:$0x3F9A];
	_ =	swait.ge [sflag:s4], $0x0  }
0x19: {  	s7 =	sld [smem:$0x3F9B]  }
0x1a: {  	s8 =	sadd.s32 $0xFFFFE003, lr  }
0x1b: {  	s9 =	sadd.s32 $0xFFFFFEF7, lr;
	s5 =	simm.s32 $0xFFFFFFFF;
	p2 =	slt.u32 s8, $0xFFFFF086  }
0x1c: {  	p1 =	slt.u32 s9, $0xF7A;
	s5 =	simm.s32 @!p2 $0x0  }
0x1d: {  	s5 =	simm.s32 @p1 $0x1;
	p0 =	seq.s32 s7, s2  }
0x1e: {  	s7 =	smul.u32 @!p0 $0xF7A, s2;
	p2 =	seq.s32 @!p0 s5, $0x0  }
0x1f: {  	s9 =	smul.u32 $0xF7A, s1;
	s8 =	simm.s32 @!p0 $0x1BF5;
	p2 =	por !p2, p0  }
0x20: {  	[sflag:s8] =	ssyncset.s32 @!p0 $0xFFFFF086;
	s6 =	sadd.s32 @!p0 s3, s7;
	s7 =	simm.s32 @!p0 $0x108  }
0x21: {  	s3 =	sadd.s32 s3, s9;
	s6 =	sadd.s32 @!p0 $0x88, s6;
	s7 =	simm.s32 @p2 $0x1082  }
0x22: {  	[simem:s7], [sflag:s8] =	dma.local @!p0 [hbm:s6], $0xF7A  }
0x23: {  	s9 =	sor.u32 $0xD0000000, s2;
	s6 =	simm.s32 $0x108;
	_ =	swait.ge @!p0 [sflag:s8], $0x0  }
0x24: {  	s3 =	sadd.s32 $0x88, s3;
	s6 =	simm.s32 @!p1 $0x1082;
	[sflag:s4] =	ssyncset.s32 $0xFFFFF086  }
0x25: {  	[simem:s6], [sflag:s4] =	dma.local [hbm:s3], $0xF7A  }
0x26: {  	[smem:$0x3F9B] =	sst s1;
	(tag) =	ssettag s2;
	_ =	strace s9  }
0x27: {  	s1 =	sld [smem:$0x3FAB]  }
0x28: {  	s2 =	sld [smem:$0x3FAC]  }
0x29: {  	s4 =	sld [smem:$0x3FAE]  }
0x2a: {  	p0 =	seq.s32 s5, $0x0;
	s5 =	sld [smem:$0x3FAF]  }
0x2b: {  	s6 =	sld [smem:$0x3FB0]  }
0x2c: {  	s7 =	sld [smem:$0x3FB1]  }
0x2d: {  	s3 =	simm.s32 $0x108;
	s8 =	sld [smem:$0x3FB2]  }
0x2e: {  	s3 =	simm.s32 @!p0 $0x1082;
	s9 =	sld [smem:$0x3FB3]  }
0x2f: {  	lr =	sadd.s32 s0, s3;
	s0 =	sld [smem:$0x3FAA]  }
0x30: {  	s3 =	sld [smem:$0x3FAD]  }
0x31: {  	[smem:$0x3FB6] =	sst s10  }
0x32: {  	s10 =	sld [smem:$0x3FB4];
	_ =	sdelay $0x3  }
0x33: {  	p0 =	seq.s32 s10, $0x1;
	s10 =	sld [smem:$0x3FB6];
	_ =	sdelay $0x3  }
0x34: {  	[smem:$0x3FB6] =	sst s10  }
0x35: {  	s10 =	sld [smem:$0x3FB5];
	_ =	sdelay $0x3  }
0x36: {  	p1 =	seq.s32 s10, $0x1;
	s10 =	sld [smem:$0x3FB6];
	_ =	sdelay $0x3  }
0x37: {  	[smem:$0x3FB6] =	sst s10  }
0x38: {  	s10 =	sld [smem:$0x3FB7]  }
0x39: {  	_ = 	snop;
	(pc) =	sbr.ind lr, $3  }
0x3a: {  	_ = 	snop  }
0x3b: {  	_ = 	snop  }
0x3c: {  	p2 =	seq.s32 s10, $0x1;
	s10 =	sld [smem:$0x3FB6]  }
0x3d: {  	_ =	shalt  }
0x3e: {  	_ =	shalt  }
0x3f: {  	_ =	shalt  }
0x40: {  	_ =	shalt  }
0x41: {  	_ =	shalt  }
0x42: {  	_ =	shalt  }
0x43: {  	_ =	shalt  }
0x44: {  	_ =	shalt  }
0x45: {  	_ =	shalt  }
0x46: {  	_ =	shalt  }
0x47: {  	_ =	shalt  }
0x48: {  	_ =	shalt  }
0x49: {  	_ =	shalt  }
0x4a: {  	_ =	shalt  }
0x4b: {  	_ =	shalt  }
0x4c: {  	_ =	shalt  }
0x4d: {  	_ =	shalt  }
0x4e: {  	_ =	shalt  }
0x4f: {  	_ =	shalt  }
0x50: {  	_ =	shalt  }
0x51: {  	_ =	shalt  }
0x52: {  	_ =	shalt  }
0x53: {  	_ =	shalt  }
0x54: {  	_ =	shalt  }
0x55: {  	_ =	shalt  }
0x56: {  	_ =	shalt  }
0x57: {  	_ =	shalt  }
0x58: {  	_ =	shalt  }
0x59: {  	_ =	shalt  }
0x5a: {  	_ =	shalt  }
0x5b: {  	_ =	shalt  }
0x5c: {  	_ =	shalt  }
0x5d: {  	_ =	shalt  }
0x5e: {  	_ =	shalt  }
0x5f: {  	_ =	shalt  }
0x60: {  	_ =	shalt  }
0x61: {  	_ =	shalt  }
0x62: {  	_ =	shalt  }
0x63: {  	_ =	shalt  }
0x64: {  	_ =	shalt  }
0x65: {  	_ =	shalt  }
0x66: {  	_ =	shalt  }
0x67: {  	_ =	shalt  }
0x68: {  	_ =	shalt  }
0x69: {  	_ =	shalt  }
0x6a: {  	_ =	shalt  }
0x6b: {  	_ =	shalt  }
0x6c: {  	_ =	shalt  }
0x6d: {  	_ =	shalt  }
0x6e: {  	_ =	shalt  }
0x6f: {  	_ =	shalt  }
0x70: {  	_ =	shalt  }
0x71: {  	_ =	shalt  }
0x72: {  	_ =	shalt  }
0x73: {  	_ =	shalt  }
0x74: {  	_ =	shalt  }
0x75: {  	_ =	shalt  }
0x76: {  	_ =	shalt  }
0x77: {  	_ =	shalt  }
0x78: {  	_ =	shalt  }
0x79: {  	_ =	shalt  }
0x7a: {  	_ =	shalt  }
0x7b: {  	_ =	shalt  }
0x7c: {  	_ =	shalt  }
0x7d: {  	_ =	shalt  }
0x7e: {  	_ =	shalt  }
0x7f: {  	_ =	shalt  }
0x80: {  	_ =	shalt  }
0x81: {  	_ =	shalt  }
0x82: {  	_ =	shalt  }
0x83: {  	_ =	shalt  }
0x84: {  	_ =	shalt  }
0x85: {  	_ =	shalt  }
0x86: {  	_ =	shalt  }
0x87: {  	_ =	shalt  }
.Lfunc_end0:
.L_simem_size_0:
called_computation_lowered:
.L_overlay_start_0:
0x88: {  	s2 =	sld [smem:$0x3FD9]  }
0x89: {  	s3 =	sld [smem:$0x3FFE];
	_ =	sdelay $0x1  }
0x8a: {  	s1 =	srdreg.scid  }
0x8b: {  	s0 =	sand.u32 $0x1, s1  }
0x8c: {  	s16 =	sshll.u32 s0, $0xA;
	s2 =	sadd.s32 s3, s2  }
0x8d: {  	s2 =	sadd.s32 s2, s16  }
0x8e: {  	[smem:$0x3FC2] =	sst s2  }
0x8f: {  	_ = 	snop  }
0x90: {  	(tm) =	ssettm $0x1  }
0x91: {  	s17 =	sld [smem:$0x3FFB];
	_ =	sdelay $0x3  }
0x92: {  	_ =	strace s17  }
0x93: {  	s2 =	sld [smem:$0x3FFC];
	_ =	sdelay $0x3  }
0x94: {  	_ =	strace s2  }
0x95: {  	s2 =	sld [smem:$0x3FFD];
	_ =	sdelay $0x3  }
0x96: {  	_ =	strace s2  }
0x97: {  	_ =	strace $0x8FFFFFFF  }
0x98: {  	s18 =	sld [smem:$0x3FDB];
	_ =	sdelay $0x1  }
0x99: {  	s19 =	simm.s32 $_scs_section_size  }
0x9a: {  	s4 =	simm.s32 $_size__tile_overlayer_lowered;
	s5 =	simm.s32 $_tile_overlayer_lowered  }
0x9b: {  	s22 =	simm.s32 $0x1BFF;
	s21 =	sshll.u32 s5, $0x1;
	s2 =	sadd.s32 s19, s18  }
0x9c: {  	s6 =	simm.s32 $0x0;
	s20 =	sshll.u32 s4, $0x1;
	s4 =	sadd.s32 s21, s2  }
0x9d: {  	[timem:s6], [sflag:s22] =	dma.local [hbm:s4], s20  }
0x9e: {  	_ =	swait.ge [sflag:s22], s20  }
0x9f: {  	s3 =	ssub.s32 $0x0, s20;
	[sflag:s22] =	ssyncset.done $0x0  }
0xa0: {  	[sflag:s22] =	ssyncadd.s32 s3;
	_ =	sdelay $0x1  }
0xa1: {  	s23 =	simm.s32 $0x1B8B  }
0xa2: {  	_ =	swait.ge [sflag:s23], $0x1  }
0xa3: {  	[sflag:s23] =	ssyncset.done $0x0  }
0xa4: {  	s25 =	simm.s32 $0x1B8E;
	s24 =	sld [smem:$0x3FFE];
	[sflag:s23] =	ssyncadd.s32 $0xFFFFFFFF  }
0xa5: {  	s26 =	simm.s32 $execute0_lowered;
	[smem:$0x3FD2] =	sst s25  }
0xa6: {  	s4 =	sshll.u32 s26, $0x1;
	_ =	strace $0x80000046;
	[dreg:$0x1] =	wrdreg $0xFFFFFFFF  }
0xa7: {  	s28 =	simm.s32 $_size_execute0_lowered;
	s2 =	sadd.s32 s2, s4;
	[dreg:$0x0] =	wrdreg $0x0  }
0xa8: {  	s4 =	sshll.u32 s28, $0x1;
	[dreg:$0x2] =	wrdreg s2  }
0xa9: {  	[dreg:$0x3] =	wrdreg s4  }
0xaa: {  	[dreg:$0x4] =	wrdreg $0xC0  }
0xab: {  	_ =	task [dreg:s6], $0x5FFFF  }
0xac: {  	[dreg:$0x1] =	wrdreg $0xFFFFFFFF  }
0xad: {  	[dreg:$0x0] =	wrdreg $0x60  }
0xae: {  	[dreg:$0x2] =	wrdreg s24  }
0xaf: {  	[dreg:$0x3] =	wrdreg $0x0  }
0xb0: {  	[dreg:$0x4] =	wrdreg $0x9  }
0xb1: {  	_ =	task.clear_ibuf [dreg:s6], $0x5FFFF;
	_ =	strace $0x90000046  }
0xb2: {  	s29 =	simm.s32 $0x9;
	_ =	strace $0x80000048  }
0xb3: {  	_ =	swait.ge [sflag:s29], $0x1  }
0xb4: {  	[sflag:s29] =	ssyncadd.s32 $0xFFFFFFFF  }
0xb5: {  	_ =	strace $0x90000048  }
0xb6: {  	_ =	sfence  }
0xb7: {  	s30 =	sld [smem:$0x0];
	_ =	sdelay $0x2  }
0xb8: {  	s31 =	sshll.u32 s1, $0xD;
	s1 =	sshrl.u32 s1, $0x2  }
0xb9: {  	s3 =	sand.u32 $0x4000, s31;
	s1 =	sadd.s32 s1, s30  }
0xba: {  	s0 =	sor.u32 s3, s0;
	s1 =	sshll.u32 s1, $0x11  }
0xbb: {  	s0 =	sor.u32 s1, s0  }
0xbc: {  	s0 =	sadd.s32 $0x8F2B, s0  }
0xbd: {  	[sflag:s0] =	ssyncadd.remote.s32 $0x1  }
0xbe: {  	_ =	sfence.sel $0xFFFF  }
0xbf: {  	[dreg:$0x0] =	wrdreg $0xFFFFFFFF;
	(pc) =	sbr.abs _section_cstart, $3  }
0xc0: {  	[dreg:$0x1] =	wrdreg $0xFFFFFFFF  }
0xc1: {  	_ =	task.clear_ibuf [dreg:s6], $0x2FFFF;
	_ =	strace $0x9FFFFFFF  }
0xc2: {  	(tm) =	ssettm $0x7FFFFFFF  }
0xc3: {  	_ =	shalt  }
tec
execute0_lowered:
.L_overlay_start_1:
0x0: {  	(tag) =	ssettag $0x1  }
0x1: {  	s9 =	stileid.u32  }
0x2: {  	s0 =	srdreg.scid;
	s5 =	smul.u32 $0xC400, s9  }
0x3: {  	s1 =	rddreg [dreg:$0x0];
	s6 =	smul.u32 $0x61C00, s9  }
0x4: {  	s2 =	rddreg [dreg:$0x1];
	s3 =	simm.s32 $0x0;
	s13 =	smul.u32 $0x1870, s9  }
0x5: {  	s11 =	simm.s32 $0x18F00;
	s0 =	sand.u32 $0x1, s0;
	s22 =	smul.u32 $0x18700, s9  }
0x6: {  	[smem:$0x7FF] =	sst s3;
	s10 =	sadd.s32 $0x589C00, s1;
	s4 =	smul.u32 $0xC4000, s0  }
0x7: {  	_ =	strace $0x80000047;
	s7 =	ssub.s32 $0x2, s0;
	s0 =	smul.u32 $0x495000, s0  }
0x8: {  	s9 =	smov.u32 s10;
	s6 =	sshrl.u32 s6, $0x2;
	[dreg:$0x5] =	wrdreg s13  }
0x9: {  	s29 =	simm.s32 $0x18780;
	[dreg:$0x4] =	wrdreg s9;
	s14 =	sadd.s32 s6, s2  }
0xa: {  	s12 =	simm.s32 $0x18880;
	s0 =	sadd.s32 s0, s22;
	[dreg:$0x6] =	wrdreg s14  }
0xb: {  	s28 =	simm.s32 $0x5;
	s6 =	sadd.s32 $0x1700, s14;
	[dreg:$0x13] =	wrdreg s0  }
0xc: {  	s30 =	simm.s32 $0x3;
	s15 =	sadd.s32 $0x2E00, s14;
	[dreg:$0x7] =	wrdreg s6  }
0xd: {  	s31 =	simm.s32 $0x18E00;
	s16 =	sadd.s32 $0x4500, s14;
	[dreg:$0x8] =	wrdreg s15  }
0xe: {  	s3 =	simm.s32 $0x18980;
	s17 =	sadd.s32 $0x5C00, s14;
	[dreg:$0x9] =	wrdreg s16  }
0xf: {  	s10 =	simm.s32 $0x80;
	s18 =	sadd.s32 $0x7300, s14;
	[dreg:$0xa] =	wrdreg s17  }
0x10: {  	s8 =	sshrl.u32 s7, $0x1;
	s19 =	sadd.s32 $0x8A00, s14;
	[dreg:$0xb] =	wrdreg s18  }
0x11: {  	s13 =	simm.s32 $0x19700;
	s20 =	sadd.s32 $0xA100, s14;
	[dreg:$0xc] =	wrdreg s19  }
0x12: {  	s4 =	sadd.s32 s5, s4;
	s21 =	sadd.s32 $0xB800, s14;
	[dreg:$0xd] =	wrdreg s20  }
0x13: {  	s7 =	ssub.s32 s7, s8;
	s23 =	sadd.s32 $0xCF00, s14;
	[dreg:$0xe] =	wrdreg s21  }
0x14: {  	s22 =	sadd.s32 $0x4F6E80, s1;
	s24 =	sadd.s32 $0xE600, s14;
	[dreg:$0xf] =	wrdreg s23  }
0x15: {  	s5 =	sshrl.u32 s4, $0x3;
	s25 =	sadd.s32 $0xFD00, s14;
	[dreg:$0x10] =	wrdreg s24  }
0x16: {  	s4 =	sadd.s32 $0x495400, s1;
	s26 =	sadd.s32 $0x11400, s14;
	[dreg:$0x11] =	wrdreg s25  }
0x17: {  	s7 =	smax.u32 s7, $0x1;
	s5 =	sadd.s32 s5, s1;
	[dreg:$0x12] =	wrdreg s26  }
0x18: {  	s20 =	sadd.s32 $0x4C6140, s1;
	[dreg:$0x14] =	wrdreg s7;
	s19 =	sadd.s32 $0x12B00, s14  }
0x19: {  	s21 =	sadd.s32 $0x14200, s14;
	s23 =	sadd.s32 $0x15900, s14;
	s24 =	sadd.s32 $0x17000, s14  }
0x1a: {  	s26 =	sadd.s32 $0x187000, s0;
	s0 =	sadd.s32 $0x30E000, s0;
	[dreg:$0x15] =	wrdreg s19  }
0x1b: {  	s6 =	simm.s32 $0x18800;
	s15 =	simm.s32 $0x19F00;
	[dreg:$0x16] =	wrdreg s21  }
0x1c: {  	s16 =	simm.s32 $0x1;
	s18 =	simm.s32 $0x1A700;
	[dreg:$0x17] =	wrdreg s23  }
0x1d: {  	s14 =	simm.s32 $0x18B80;
	s17 =	simm.s32 $0x18900;
	[dreg:$0x18] =	wrdreg s24  }
0x1e: {  	s1 =	simm.s32 $0x4;
	s7 =	simm.s32 $0x0;
	[dreg:$0x19] =	wrdreg s26  }
0x1f: {  	s25 =	sadd.s32 $0x527C00, s5;
	s8 =	sadd.s32 $0x558C00, s5;
	[dreg:$0x1a] =	wrdreg s0  }
0x20: {  	s24 =	simm.s32 $0x7;
	s19 =	simm.s32 $0x2;
	[dreg:$0x3] =	wrdreg s8  }
0x21: {  	v0 =	vimm.f32 $0.0e+00;
	s26 =	simm.s32 $0x18C00;
	s21 =	simm.s32 $0x6;
	[dreg:$0x1b] =	wrdreg s25  }
.LBB2_1:
0x22: {  	[dreg:$0x1c] =	wrdreg s7;
	s0 =	simm.s32 $0x40;
	s7 =	simm.s32 $0x0  }
.LBB2_2:
0x23: {  	p0 =	sne.s32 s0, $0x5BC0;
	[tilespmem:s7+$0x1AF00] =	vst v0;
	s7 =	smov.u32 s0;
	s0 =	sadd.s32 $0x40, s0  }
.Ltmp0:
0x24: {  	(pc) =	sbr.rel @p0 .LBB2_2-.Ltmp0, $2  }
0x25: {  	_ =	sdelay $0x2  }
0x26: {  	s7 =	sshra.s32 s7, $0x2  }
0x27: {  	[tilespmem:s7+$0x1AF00] =	vst v0;
	s0 =	rddreg [dreg:$0x6];
	s5 =	simm.s32 $0x1AF00  }
0x28: {  	[spmem:s0] =	stream.linear.scatter [tilespmem:s5], [sflag:$0x7], $0x1700, $0x38;
	[tilespmem:$0x1DD00] =	vst v63  }
0x29: {  	_ =	swait.ge [sflag:s24], $0x1700  }
0x2a: {  	[sflag:s24] =	ssyncset.done $0x0  }
0x2b: {  	s8 =	rddreg [dreg:$0x7];
	[sflag:s24] =	ssyncadd.s32 $0xFFFFE900  }
0x2c: {  	[spmem:s8] =	stream.linear.scatter [tilespmem:s5], [sflag:$0x7], $0x1700, $0x38;
	[tilespmem:$0x1DD00] =	vst v63  }
0x2d: {  	_ =	swait.ge [sflag:s24], $0x1700  }
0x2e: {  	[sflag:s24] =	ssyncset.done $0x0  }
0x2f: {  	s9 =	rddreg [dreg:$0x8];
	[sflag:s24] =	ssyncadd.s32 $0xFFFFE900  }
0x30: {  	[spmem:s9] =	stream.linear.scatter [tilespmem:s5], [sflag:$0x7], $0x1700, $0x38;
	[tilespmem:$0x1DD00] =	vst v63  }
0x31: {  	_ =	swait.ge [sflag:s24], $0x1700  }
0x32: {  	[sflag:s24] =	ssyncset.done $0x0  }
0x33: {  	s23 =	rddreg [dreg:$0x9];
	[sflag:s24] =	ssyncadd.s32 $0xFFFFE900  }
0x34: {  	[spmem:s23] =	stream.linear.scatter [tilespmem:s5], [sflag:$0x7], $0x1700, $0x38;
	[tilespmem:$0x1DD00] =	vst v63  }
0x35: {  	_ =	swait.ge [sflag:s24], $0x1700  }
0x36: {  	[sflag:s24] =	ssyncset.done $0x0  }
0x37: {  	s7 =	rddreg [dreg:$0xa];
	[sflag:s24] =	ssyncadd.s32 $0xFFFFE900  }
0x38: {  	[spmem:s7] =	stream.linear.scatter [tilespmem:s5], [sflag:$0x7], $0x1700, $0x38;
	[tilespmem:$0x1DD00] =	vst v63  }
0x39: {  	_ =	swait.ge [sflag:s24], $0x1700  }
0x3a: {  	[sflag:s24] =	ssyncset.done $0x0  }
0x3b: {  	s8 =	rddreg [dreg:$0xb];
	[sflag:s24] =	ssyncadd.s32 $0xFFFFE900  }
0x3c: {  	[spmem:s8] =	stream.linear.scatter [tilespmem:s5], [sflag:$0x7], $0x1700, $0x38;
	[tilespmem:$0x1DD00] =	vst v63  }
0x3d: {  	_ =	swait.ge [sflag:s24], $0x1700  }
0x3e: {  	[sflag:s24] =	ssyncset.done $0x0  }
0x3f: {  	s9 =	rddreg [dreg:$0xc];
	[sflag:s24] =	ssyncadd.s32 $0xFFFFE900  }
0x40: {  	[spmem:s9] =	stream.linear.scatter [tilespmem:s5], [sflag:$0x7], $0x1700, $0x38;
	[tilespmem:$0x1DD00] =	vst v63  }
0x41: {  	_ =	swait.ge [sflag:s24], $0x1700  }
0x42: {  	[sflag:s24] =	ssyncset.done $0x0  }
0x43: {  	s23 =	rddreg [dreg:$0xd];
	[sflag:s24] =	ssyncadd.s32 $0xFFFFE900  }
0x44: {  	[spmem:s23] =	stream.linear.scatter [tilespmem:s5], [sflag:$0x7], $0x1700, $0x38;
	[tilespmem:$0x1DD00] =	vst v63  }
0x45: {  	_ =	swait.ge [sflag:s24], $0x1700  }
0x46: {  	[sflag:s24] =	ssyncset.done $0x0  }
0x47: {  	s7 =	rddreg [dreg:$0xe];
	[sflag:s24] =	ssyncadd.s32 $0xFFFFE900  }
0x48: {  	[spmem:s7] =	stream.linear.scatter [tilespmem:s5], [sflag:$0x7], $0x1700, $0x38;
	[tilespmem:$0x1DD00] =	vst v63  }
0x49: {  	_ =	swait.ge [sflag:s24], $0x1700  }
0x4a: {  	[sflag:s24] =	ssyncset.done $0x0  }
0x4b: {  	s8 =	rddreg [dreg:$0xf];
	[sflag:s24] =	ssyncadd.s32 $0xFFFFE900  }
0x4c: {  	[spmem:s8] =	stream.linear.scatter [tilespmem:s5], [sflag:$0x7], $0x1700, $0x38;
	[tilespmem:$0x1DD00] =	vst v63  }
0x4d: {  	_ =	swait.ge [sflag:s24], $0x1700  }
0x4e: {  	[sflag:s24] =	ssyncset.done $0x0  }
0x4f: {  	s9 =	rddreg [dreg:$0x10];
	[sflag:s24] =	ssyncadd.s32 $0xFFFFE900  }
0x50: {  	[spmem:s9] =	stream.linear.scatter [tilespmem:s5], [sflag:$0x7], $0x1700, $0x38;
	[tilespmem:$0x1DD00] =	vst v63  }
0x51: {  	_ =	swait.ge [sflag:s24], $0x1700  }
0x52: {  	[sflag:s24] =	ssyncset.done $0x0  }
0x53: {  	s23 =	rddreg [dreg:$0x11];
	[sflag:s24] =	ssyncadd.s32 $0xFFFFE900  }
0x54: {  	[spmem:s23] =	stream.linear.scatter [tilespmem:s5], [sflag:$0x7], $0x1700, $0x38;
	[tilespmem:$0x1DD00] =	vst v63  }
0x55: {  	_ =	swait.ge [sflag:s24], $0x1700  }
0x56: {  	[sflag:s24] =	ssyncset.done $0x0  }
0x57: {  	s7 =	rddreg [dreg:$0x12];
	[sflag:s24] =	ssyncadd.s32 $0xFFFFE900  }
0x58: {  	[spmem:s7] =	stream.linear.scatter [tilespmem:s5], [sflag:$0x7], $0x1700, $0x38;
	[tilespmem:$0x1DD00] =	vst v63  }
0x59: {  	_ =	swait.ge [sflag:s24], $0x1700  }
0x5a: {  	[sflag:s24] =	ssyncset.done $0x0  }
0x5b: {  	s8 =	rddreg [dreg:$0x15];
	[sflag:s24] =	ssyncadd.s32 $0xFFFFE900  }
0x5c: {  	[spmem:s8] =	stream.linear.scatter [tilespmem:s5], [sflag:$0x7], $0x1700, $0x38;
	[tilespmem:$0x1DD00] =	vst v63  }
0x5d: {  	_ =	swait.ge [sflag:s24], $0x1700  }
0x5e: {  	[sflag:s24] =	ssyncset.done $0x0  }
0x5f: {  	s9 =	rddreg [dreg:$0x16];
	[sflag:s24] =	ssyncadd.s32 $0xFFFFE900  }
0x60: {  	[spmem:s9] =	stream.linear.scatter [tilespmem:s5], [sflag:$0x7], $0x1700, $0x38;
	[tilespmem:$0x1DD00] =	vst v63  }
0x61: {  	_ =	swait.ge [sflag:s24], $0x1700  }
0x62: {  	[sflag:s24] =	ssyncset.done $0x0  }
0x63: {  	s23 =	rddreg [dreg:$0x17];
	[sflag:s24] =	ssyncadd.s32 $0xFFFFE900  }
0x64: {  	[spmem:s23] =	stream.linear.scatter [tilespmem:s5], [sflag:$0x7], $0x1700, $0x38;
	[tilespmem:$0x1DD00] =	vst v63  }
0x65: {  	_ =	swait.ge [sflag:s24], $0x1700  }
0x66: {  	[sflag:s24] =	ssyncset.done $0x0  }
0x67: {  	s7 =	rddreg [dreg:$0x18];
	[sflag:s24] =	ssyncadd.s32 $0xFFFFE900  }
0x68: {  	[spmem:s7] =	stream.linear.scatter [tilespmem:s5], [sflag:$0x7], $0x1700, $0x38;
	[tilespmem:$0x1DD00] =	vst v63  }
0x69: {  	_ =	swait.ge [sflag:s24], $0x1700  }
0x6a: {  	[sflag:s24] =	ssyncset.done $0x0  }
0x6b: {  	[sflag:s24] =	ssyncadd.s32 $0xFFFFE900  }
0x6c: {  	[bflag:$0x0] =	sbarrier.arrive $0xFFFF  }
0x6d: {  	s5 =	rddreg [dreg:$0x3]  }
0x6e: {  	s9 =	simm.s32 $0x18700;
	s23 =	simm.s32 $0x0;
	s8 =	sadd.s32 $0x0, s5  }
0x6f: {  	[tilespmem:s9], [sflag:$0x7] =	stream.linear.gather [hbm4b:s8+s23], $0x400, $0x38;
	[tilespmem:$0x1DD00] =	vst v63  }
0x70: {  	_ =	swait.ge [sflag:s24], $0x400  }
0x71: {  	[sflag:s24] =	ssyncset.done $0x0  }
0x72: {  	s7 =	sadd.s32 $0x0, s25;
	s8 =	simm.s32 $0x18B00;
	[sflag:s24] =	ssyncadd.s32 $0xFFFFFC00  }
0x73: {  	[tilespmem:s8], [sflag:$0x7] =	stream.linear.gather [hbm4b:s7+s23], $0x400, $0x38;
	[tilespmem:$0x1DD00] =	vst v63  }
0x74: {  	_ =	swait.ge [sflag:s24], $0x400  }
0x75: {  	[sflag:s24] =	ssyncset.done $0x0  }
0x76: {  	[sflag:s24] =	ssyncadd.s32 $0xFFFFFC00  }
0x77: {  	[tilespmem:s11], [sflag:$0x1] =	stream.indirect.gather [hbm4b:s4+s10], $0x10, s9, s10, $0xb8;
	[tilespmem:$0x1DD00] =	vst v63  }
0x78: {  	_ = 	snop  }
0x79: {  	[tilespmem:s13], [sflag:$0x2] =	stream.indirect.gather [hbm4b:s4+s10], $0x10, s29, s10, $0xb8;
	[tilespmem:$0x1DD00] =	vst v63  }
0x7a: {  	_ = 	snop  }
0x7b: {  	[tilespmem:s15], [sflag:$0x3] =	stream.indirect.gather [hbm4b:s4+s10], $0x10, s6, s10, $0xb8;
	[tilespmem:$0x1DD00] =	vst v63  }
0x7c: {  	_ =	swait.ge [sflag:s16], $0x800  }
0x7d: {  	[sflag:s16] =	ssyncset.done $0x0  }
0x7e: {  	[sflag:s16] =	ssyncadd.s32 $0xFFFFF800  }
0x7f: {  	[spmem:s2] =	stream.indirect.scatter.add.f32 [tilespmem:s11], [sflag:$0x5], $0x10, s8, s10, $0xb8;
	[tilespmem:$0x1DD00] =	vst v63  }
0x80: {  	_ = 	snop  }
0x81: {  	[tilespmem:s18], [sflag:$0x4] =	stream.indirect.gather [hbm4b:s4+s10], $0x10, s12, s10, $0xb8;
	[tilespmem:$0x1DD00] =	vst v63  }
0x82: {  	_ =	swait.ge [sflag:s19], $0x800  }
0x83: {  	[sflag:s19] =	ssyncset.done $0x0  }
0x84: {  	[sflag:s19] =	ssyncadd.s32 $0xFFFFF800  }
0x85: {  	[spmem:s2] =	stream.indirect.scatter.add.f32 [tilespmem:s13], [sflag:$0x6], $0x10, s14, s10, $0xb8;
	[tilespmem:$0x1DD00] =	vst v63  }
0x86: {  	_ =	swait.ge [sflag:s28], $0x800  }
0x87: {  	[sflag:s28] =	ssyncset.done $0x0  }
0x88: {  	[sflag:s28] =	ssyncadd.s32 $0xFFFFF800  }
0x89: {  	[tilespmem:s11], [sflag:$0x1] =	stream.indirect.gather [hbm4b:s4+s10], $0x10, s17, s10, $0xb8;
	[tilespmem:$0x1DD00] =	vst v63  }
0x8a: {  	_ =	swait.ge [sflag:s30], $0x800  }
0x8b: {  	[sflag:s30] =	ssyncset.done $0x0  }
0x8c: {  	[sflag:s30] =	ssyncadd.s32 $0xFFFFF800  }
0x8d: {  	[spmem:s2] =	stream.indirect.scatter.add.f32 [tilespmem:s15], [sflag:$0x5], $0x10, s26, s10, $0xb8;
	[tilespmem:$0x1DD00] =	vst v63  }
0x8e: {  	_ =	swait.ge [sflag:s21], $0x800  }
0x8f: {  	[sflag:s21] =	ssyncset.done $0x0  }
0x90: {  	[sflag:s21] =	ssyncadd.s32 $0xFFFFF800  }
0x91: {  	[tilespmem:s13], [sflag:$0x2] =	stream.indirect.gather [hbm4b:s4+s10], $0x10, s3, s10, $0xb8;
	[tilespmem:$0x1DD00] =	vst v63  }
0x92: {  	_ =	swait.ge [sflag:s1], $0x800  }
0x93: {  	[sflag:s1] =	ssyncset.done $0x0  }
0x94: {  	s7 =	simm.s32 $0x18C80;
	[sflag:s1] =	ssyncadd.s32 $0xFFFFF800  }
0x95: {  	[spmem:s2] =	stream.indirect.scatter.add.f32 [tilespmem:s18], [sflag:$0x6], $0x10, s7, s10, $0xb8;
	[tilespmem:$0x1DD00] =	vst v63  }
0x96: {  	_ =	swait.ge [sflag:s28], $0x800  }
0x97: {  	[sflag:s28] =	ssyncset.done $0x0  }
0x98: {  	s12 =	simm.s32 $0x18A00;
	[sflag:s28] =	ssyncadd.s32 $0xFFFFF800  }
0x99: {  	[tilespmem:s15], [sflag:$0x3] =	stream.indirect.gather [hbm4b:s4+s10], $0x10, s12, s10, $0xb8;
	[tilespmem:$0x1DD00] =	vst v63  }
0x9a: {  	_ =	swait.ge [sflag:s16], $0x800  }
0x9b: {  	[sflag:s16] =	ssyncset.done $0x0  }
0x9c: {  	s14 =	simm.s32 $0x18D00;
	[sflag:s16] =	ssyncadd.s32 $0xFFFFF800  }
0x9d: {  	[spmem:s2] =	stream.indirect.scatter.add.f32 [tilespmem:s11], [sflag:$0x5], $0x10, s14, s10, $0xb8;
	[tilespmem:$0x1DD00] =	vst v63  }
0x9e: {  	_ =	swait.ge [sflag:s21], $0x800  }
0x9f: {  	[sflag:s21] =	ssyncset.done $0x0  }
0xa0: {  	s17 =	simm.s32 $0x18A80;
	[sflag:s21] =	ssyncadd.s32 $0xFFFFF800  }
0xa1: {  	[tilespmem:s18], [sflag:$0x4] =	stream.indirect.gather [hbm4b:s4+s10], $0x10, s17, s10, $0xb8;
	[tilespmem:$0x1DD00] =	vst v63  }
0xa2: {  	_ =	swait.ge [sflag:s19], $0x800  }
0xa3: {  	[sflag:s19] =	ssyncset.done $0x0  }
0xa4: {  	s26 =	simm.s32 $0x18D80;
	[sflag:s19] =	ssyncadd.s32 $0xFFFFF800  }
0xa5: {  	[spmem:s2] =	stream.indirect.scatter.add.f32 [tilespmem:s13], [sflag:$0x6], $0x10, s26, s10, $0xb8;
	[tilespmem:$0x1DD00] =	vst v63  }
0xa6: {  	_ =	swait.ge [sflag:s30], $0x800  }
0xa7: {  	[sflag:s30] =	ssyncset.done $0x0  }
0xa8: {  	[sflag:s30] =	ssyncadd.s32 $0xFFFFF800  }
0xa9: {  	[spmem:s2] =	stream.indirect.scatter.add.f32 [tilespmem:s15], [sflag:$0x5], $0x10, s31, s10, $0xb8;
	[tilespmem:$0x1DD00] =	vst v63  }
0xaa: {  	_ =	swait.ge [sflag:s1], $0x800  }
0xab: {  	[sflag:s1] =	ssyncset.done $0x0  }
0xac: {  	s31 =	simm.s32 $0x18E80;
	[sflag:s1] =	ssyncadd.s32 $0xFFFFF800  }
0xad: {  	[spmem:s2] =	stream.indirect.scatter.add.f32 [tilespmem:s18], [sflag:$0x6], $0x10, s31, s10, $0xb8;
	[tilespmem:$0x1DD00] =	vst v63  }
0xae: {  	_ =	swait.ge [sflag:s28], $0x800  }
0xaf: {  	[sflag:s28] =	ssyncset.done $0x0  }
0xb0: {  	[sflag:s28] =	ssyncadd.s32 $0xFFFFF800  }
0xb1: {  	_ =	swait.ge [sflag:s21], $0x800  }
0xb2: {  	[sflag:s21] =	ssyncset.done $0x0  }
0xb3: {  	[sflag:s21] =	ssyncadd.s32 $0xFFFFF800  }
0xb4: {  	_ =	swait.ge [sflag:s28], $0x800  }
0xb5: {  	s0 =	simm.s32 $0x100;
	s29 =	simm.s32 $0x80;
	[sflag:s28] =	ssyncset.done $0x0  }
0xb6: {  	s6 =	simm.s32 $0x18800;
	s3 =	simm.s32 $0x18980;
	[sflag:s28] =	ssyncadd.s32 $0xFFFFF800  }
0xb7: {  	s12 =	simm.s32 $0x18880;
	s14 =	simm.s32 $0x18B80;
	_ =	swait.ge [sflag:s21], $0x800  }
0xb8: {  	s17 =	simm.s32 $0x18900;
	s26 =	simm.s32 $0x18C00;
	[sflag:s21] =	ssyncset.done $0x0  }
.LBB2_4:
0xb9: {  	s31 =	sadd.s32 s29, s5;
	[sflag:s21] =	ssyncadd.s32 $0xFFFFF800  }
0xba: {  	[tilespmem:s9], [sflag:$0x7] =	stream.linear.gather [hbm4b:s31+s23], $0x400, $0x38;
	[tilespmem:$0x1DD00] =	vst v63  }
0xbb: {  	_ =	swait.ge [sflag:s24], $0x400  }
0xbc: {  	s5 =	smov.u32 s0;
	s7 =	sadd.s32 $0x80, s0;
	[sflag:s24] =	ssyncset.done $0x0  }
0xbd: {  	p0 =	sne.s32 s0, $0x1800;
	s0 =	sadd.s32 s29, s25;
	[sflag:s24] =	ssyncadd.s32 $0xFFFFFC00  }
0xbe: {  	[tilespmem:s8], [sflag:$0x7] =	stream.linear.gather [hbm4b:s0+s23], $0x400, $0x38;
	[tilespmem:$0x1DD00] =	vst v63  }
0xbf: {  	_ =	swait.ge [sflag:s24], $0x400  }
0xc0: {  	[sflag:s24] =	ssyncset.done $0x0  }
0xc1: {  	[sflag:s24] =	ssyncadd.s32 $0xFFFFFC00  }
0xc2: {  	[tilespmem:s11], [sflag:$0x1] =	stream.indirect.gather [hbm4b:s4+s10], $0x10, s9, s10, $0xb8;
	[tilespmem:$0x1DD00] =	vst v63  }
0xc3: {  	s31 =	simm.s32 $0x18780  }
0xc4: {  	[tilespmem:s13], [sflag:$0x2] =	stream.indirect.gather [hbm4b:s4+s10], $0x10, s31, s10, $0xb8;
	[tilespmem:$0x1DD00] =	vst v63  }
0xc5: {  	_ = 	snop  }
0xc6: {  	[tilespmem:s15], [sflag:$0x3] =	stream.indirect.gather [hbm4b:s4+s10], $0x10, s6, s10, $0xb8;
	[tilespmem:$0x1DD00] =	vst v63  }
0xc7: {  	_ =	swait.ge [sflag:s16], $0x800  }
0xc8: {  	[sflag:s16] =	ssyncset.done $0x0  }
0xc9: {  	[sflag:s16] =	ssyncadd.s32 $0xFFFFF800  }
0xca: {  	[spmem:s2] =	stream.indirect.scatter.add.f32 [tilespmem:s11], [sflag:$0x5], $0x10, s8, s10, $0xb8;
	[tilespmem:$0x1DD00] =	vst v63  }
0xcb: {  	_ = 	snop  }
0xcc: {  	[tilespmem:s18], [sflag:$0x4] =	stream.indirect.gather [hbm4b:s4+s10], $0x10, s12, s10, $0xb8;
	[tilespmem:$0x1DD00] =	vst v63  }
0xcd: {  	_ =	swait.ge [sflag:s19], $0x800  }
0xce: {  	[sflag:s19] =	ssyncset.done $0x0  }
0xcf: {  	[sflag:s19] =	ssyncadd.s32 $0xFFFFF800  }
0xd0: {  	[spmem:s2] =	stream.indirect.scatter.add.f32 [tilespmem:s13], [sflag:$0x6], $0x10, s14, s10, $0xb8;
	[tilespmem:$0x1DD00] =	vst v63  }
0xd1: {  	_ =	swait.ge [sflag:s28], $0x800  }
0xd2: {  	[sflag:s28] =	ssyncset.done $0x0  }
0xd3: {  	[sflag:s28] =	ssyncadd.s32 $0xFFFFF800  }
0xd4: {  	[tilespmem:s11], [sflag:$0x1] =	stream.indirect.gather [hbm4b:s4+s10], $0x10, s17, s10, $0xb8;
	[tilespmem:$0x1DD00] =	vst v63  }
0xd5: {  	_ =	swait.ge [sflag:s30], $0x800  }
0xd6: {  	[sflag:s30] =	ssyncset.done $0x0  }
0xd7: {  	[sflag:s30] =	ssyncadd.s32 $0xFFFFF800  }
0xd8: {  	[spmem:s2] =	stream.indirect.scatter.add.f32 [tilespmem:s15], [sflag:$0x5], $0x10, s26, s10, $0xb8;
	[tilespmem:$0x1DD00] =	vst v63  }
0xd9: {  	_ =	swait.ge [sflag:s21], $0x800  }
0xda: {  	[sflag:s21] =	ssyncset.done $0x0  }
0xdb: {  	[sflag:s21] =	ssyncadd.s32 $0xFFFFF800  }
0xdc: {  	[tilespmem:s13], [sflag:$0x2] =	stream.indirect.gather [hbm4b:s4+s10], $0x10, s3, s10, $0xb8;
	[tilespmem:$0x1DD00] =	vst v63  }
0xdd: {  	_ =	swait.ge [sflag:s1], $0x800  }
0xde: {  	[sflag:s1] =	ssyncset.done $0x0  }
0xdf: {  	s29 =	smov.u32 s5;
	s5 =	simm.s32 $0x18C80;
	[sflag:s1] =	ssyncadd.s32 $0xFFFFF800  }
0xe0: {  	[spmem:s2] =	stream.indirect.scatter.add.f32 [tilespmem:s18], [sflag:$0x6], $0x10, s5, s10, $0xb8;
	[tilespmem:$0x1DD00] =	vst v63  }
0xe1: {  	_ =	swait.ge [sflag:s28], $0x800  }
0xe2: {  	[sflag:s28] =	ssyncset.done $0x0  }
0xe3: {  	s5 =	simm.s32 $0x18A00;
	[sflag:s28] =	ssyncadd.s32 $0xFFFFF800  }
0xe4: {  	[tilespmem:s15], [sflag:$0x3] =	stream.indirect.gather [hbm4b:s4+s10], $0x10, s5, s10, $0xb8;
	[tilespmem:$0x1DD00] =	vst v63  }
0xe5: {  	_ =	swait.ge [sflag:s16], $0x800  }
0xe6: {  	[sflag:s16] =	ssyncset.done $0x0  }
0xe7: {  	s5 =	simm.s32 $0x18D00;
	[sflag:s16] =	ssyncadd.s32 $0xFFFFF800  }
0xe8: {  	[spmem:s2] =	stream.indirect.scatter.add.f32 [tilespmem:s11], [sflag:$0x5], $0x10, s5, s10, $0xb8;
	[tilespmem:$0x1DD00] =	vst v63  }
0xe9: {  	_ =	swait.ge [sflag:s21], $0x800  }
0xea: {  	[sflag:s21] =	ssyncset.done $0x0  }
0xeb: {  	s5 =	simm.s32 $0x18A80;
	[sflag:s21] =	ssyncadd.s32 $0xFFFFF800  }
0xec: {  	[tilespmem:s18], [sflag:$0x4] =	stream.indirect.gather [hbm4b:s4+s10], $0x10, s5, s10, $0xb8;
	[tilespmem:$0x1DD00] =	vst v63  }
0xed: {  	_ =	swait.ge [sflag:s19], $0x800  }
0xee: {  	[sflag:s19] =	ssyncset.done $0x0  }
0xef: {  	s5 =	simm.s32 $0x18D80;
	[sflag:s19] =	ssyncadd.s32 $0xFFFFF800  }
0xf0: {  	[spmem:s2] =	stream.indirect.scatter.add.f32 [tilespmem:s13], [sflag:$0x6], $0x10, s5, s10, $0xb8;
	[tilespmem:$0x1DD00] =	vst v63  }
0xf1: {  	_ =	swait.ge [sflag:s30], $0x800  }
0xf2: {  	[sflag:s30] =	ssyncset.done $0x0  }
0xf3: {  	s5 =	simm.s32 $0x18E00;
	[sflag:s30] =	ssyncadd.s32 $0xFFFFF800  }
0xf4: {  	[spmem:s2] =	stream.indirect.scatter.add.f32 [tilespmem:s15], [sflag:$0x5], $0x10, s5, s10, $0xb8;
	[tilespmem:$0x1DD00] =	vst v63  }
0xf5: {  	_ =	swait.ge [sflag:s1], $0x800  }
0xf6: {  	[sflag:s1] =	ssyncset.done $0x0  }
0xf7: {  	s5 =	simm.s32 $0x18E80;
	[sflag:s1] =	ssyncadd.s32 $0xFFFFF800  }
0xf8: {  	[spmem:s2] =	stream.indirect.scatter.add.f32 [tilespmem:s18], [sflag:$0x6], $0x10, s5, s10, $0xb8;
	[tilespmem:$0x1DD00] =	vst v63  }
0xf9: {  	_ =	swait.ge [sflag:s28], $0x800  }
0xfa: {  	[sflag:s28] =	ssyncset.done $0x0  }
0xfb: {  	[sflag:s28] =	ssyncadd.s32 $0xFFFFF800  }
0xfc: {  	_ =	swait.ge [sflag:s21], $0x800  }
0xfd: {  	[sflag:s21] =	ssyncset.done $0x0  }
0xfe: {  	[sflag:s21] =	ssyncadd.s32 $0xFFFFF800  }
.Ltmp1:
0xff: {  	_ =	swait.ge [sflag:s28], $0x800;
	(pc) =	sbr.rel @p0 .LBB2_4-.Ltmp1, $4  }
0x100: {  	[sflag:s28] =	ssyncset.done $0x0  }
0x101: {  	[sflag:s28] =	ssyncadd.s32 $0xFFFFF800  }
0x102: {  	_ =	swait.ge [sflag:s21], $0x800  }
0x103: {  	s0 =	smov.u32 s7;
	[sflag:s21] =	ssyncset.done $0x0;
	s5 =	rddreg [dreg:$0x3]  }
0x104: {  	s0 =	sadd.s32 s29, s5;
	[sflag:s21] =	ssyncadd.s32 $0xFFFFF800  }
0x105: {  	[tilespmem:s9], [sflag:$0x7] =	stream.linear.gather [hbm4b:s0+s23], $0x400, $0x38;
	[tilespmem:$0x1DD00] =	vst v63  }
0x106: {  	_ =	swait.ge [sflag:s24], $0x400  }
0x107: {  	[sflag:s24] =	ssyncset.done $0x0  }
0x108: {  	s7 =	sadd.s32 s29, s25;
	[sflag:s24] =	ssyncadd.s32 $0xFFFFFC00  }
0x109: {  	[tilespmem:s8], [sflag:$0x7] =	stream.linear.gather [hbm4b:s7+s23], $0x400, $0x38;
	[tilespmem:$0x1DD00] =	vst v63  }
0x10a: {  	_ =	swait.ge [sflag:s24], $0x400  }
0x10b: {  	[sflag:s24] =	ssyncset.done $0x0  }
0x10c: {  	[sflag:s24] =	ssyncadd.s32 $0xFFFFFC00  }
0x10d: {  	[tilespmem:s11], [sflag:$0x1] =	stream.indirect.gather [hbm4b:s4+s10], $0x10, s9, s10, $0xb8;
	[tilespmem:$0x1DD00] =	vst v63  }
0x10e: {  	_ = 	snop  }
0x10f: {  	[tilespmem:s13], [sflag:$0x2] =	stream.indirect.gather [hbm4b:s4+s10], $0x10, s31, s10, $0xb8;
	[tilespmem:$0x1DD00] =	vst v63  }
0x110: {  	_ = 	snop  }
0x111: {  	[tilespmem:s15], [sflag:$0x3] =	stream.indirect.gather [hbm4b:s4+s10], $0x10, s6, s10, $0xb8;
	[tilespmem:$0x1DD00] =	vst v63  }
0x112: {  	_ =	swait.ge [sflag:s16], $0x800  }
0x113: {  	[sflag:s16] =	ssyncset.done $0x0  }
0x114: {  	[sflag:s16] =	ssyncadd.s32 $0xFFFFF800  }
0x115: {  	[spmem:s2] =	stream.indirect.scatter.add.f32 [tilespmem:s11], [sflag:$0x5], $0x10, s8, s10, $0xb8;
	[tilespmem:$0x1DD00] =	vst v63  }
0x116: {  	_ = 	snop  }
0x117: {  	[tilespmem:s18], [sflag:$0x4] =	stream.indirect.gather [hbm4b:s4+s10], $0x10, s12, s10, $0xb8;
	[tilespmem:$0x1DD00] =	vst v63  }
0x118: {  	_ =	swait.ge [sflag:s19], $0x800  }
0x119: {  	[sflag:s19] =	ssyncset.done $0x0  }
0x11a: {  	[sflag:s19] =	ssyncadd.s32 $0xFFFFF800  }
0x11b: {  	[spmem:s2] =	stream.indirect.scatter.add.f32 [tilespmem:s13], [sflag:$0x6], $0x10, s14, s10, $0xb8;
	[tilespmem:$0x1DD00] =	vst v63  }
0x11c: {  	_ =	swait.ge [sflag:s28], $0x800  }
0x11d: {  	[sflag:s28] =	ssyncset.done $0x0  }
0x11e: {  	[sflag:s28] =	ssyncadd.s32 $0xFFFFF800  }
0x11f: {  	[tilespmem:s11], [sflag:$0x1] =	stream.indirect.gather [hbm4b:s4+s10], $0x10, s17, s10, $0xb8;
	[tilespmem:$0x1DD00] =	vst v63  }
0x120: {  	_ =	swait.ge [sflag:s30], $0x800  }
0x121: {  	[sflag:s30] =	ssyncset.done $0x0  }
0x122: {  	[sflag:s30] =	ssyncadd.s32 $0xFFFFF800  }
0x123: {  	[spmem:s2] =	stream.indirect.scatter.add.f32 [tilespmem:s15], [sflag:$0x5], $0x10, s26, s10, $0xb8;
	[tilespmem:$0x1DD00] =	vst v63  }
0x124: {  	_ =	swait.ge [sflag:s21], $0x800  }
0x125: {  	[sflag:s21] =	ssyncset.done $0x0  }
0x126: {  	[sflag:s21] =	ssyncadd.s32 $0xFFFFF800  }
0x127: {  	[tilespmem:s13], [sflag:$0x2] =	stream.indirect.gather [hbm4b:s4+s10], $0x10, s3, s10, $0xb8;
	[tilespmem:$0x1DD00] =	vst v63  }
0x128: {  	_ =	swait.ge [sflag:s1], $0x800  }
0x129: {  	[sflag:s1] =	ssyncset.done $0x0  }
0x12a: {  	s14 =	simm.s32 $0x18C80;
	[sflag:s1] =	ssyncadd.s32 $0xFFFFF800  }
0x12b: {  	[spmem:s2] =	stream.indirect.scatter.add.f32 [tilespmem:s18], [sflag:$0x6], $0x10, s14, s10, $0xb8;
	[tilespmem:$0x1DD00] =	vst v63  }
0x12c: {  	_ =	swait.ge [sflag:s28], $0x800  }
0x12d: {  	[sflag:s28] =	ssyncset.done $0x0  }
0x12e: {  	s17 =	simm.s32 $0x18A00;
	[sflag:s28] =	ssyncadd.s32 $0xFFFFF800  }
0x12f: {  	[tilespmem:s15], [sflag:$0x3] =	stream.indirect.gather [hbm4b:s4+s10], $0x10, s17, s10, $0xb8;
	[tilespmem:$0x1DD00] =	vst v63  }
0x130: {  	_ =	swait.ge [sflag:s16], $0x800  }
0x131: {  	[sflag:s16] =	ssyncset.done $0x0  }
0x132: {  	s23 =	simm.s32 $0x18D00;
	[sflag:s16] =	ssyncadd.s32 $0xFFFFF800  }
0x133: {  	[spmem:s2] =	stream.indirect.scatter.add.f32 [tilespmem:s11], [sflag:$0x5], $0x10, s23, s10, $0xb8;
	[tilespmem:$0x1DD00] =	vst v63  }
0x134: {  	_ =	swait.ge [sflag:s21], $0x800  }
0x135: {  	[sflag:s21] =	ssyncset.done $0x0  }
0x136: {  	s25 =	simm.s32 $0x18A80;
	[sflag:s21] =	ssyncadd.s32 $0xFFFFF800  }
0x137: {  	[tilespmem:s18], [sflag:$0x4] =	stream.indirect.gather [hbm4b:s4+s10], $0x10, s25, s10, $0xb8;
	[tilespmem:$0x1DD00] =	vst v63  }
0x138: {  	_ =	swait.ge [sflag:s19], $0x800  }
0x139: {  	[sflag:s19] =	ssyncset.done $0x0  }
0x13a: {  	s26 =	simm.s32 $0x18D80;
	[sflag:s19] =	ssyncadd.s32 $0xFFFFF800  }
0x13b: {  	[spmem:s2] =	stream.indirect.scatter.add.f32 [tilespmem:s13], [sflag:$0x6], $0x10, s26, s10, $0xb8;
	[tilespmem:$0x1DD00] =	vst v63  }
0x13c: {  	_ =	swait.ge [sflag:s30], $0x800  }
0x13d: {  	[sflag:s30] =	ssyncset.done $0x0  }
0x13e: {  	s29 =	simm.s32 $0x18E00;
	[sflag:s30] =	ssyncadd.s32 $0xFFFFF800  }
0x13f: {  	[spmem:s2] =	stream.indirect.scatter.add.f32 [tilespmem:s15], [sflag:$0x5], $0x10, s29, s10, $0xb8;
	[tilespmem:$0x1DD00] =	vst v63  }
0x140: {  	_ =	swait.ge [sflag:s1], $0x800  }
0x141: {  	[sflag:s1] =	ssyncset.done $0x0  }
0x142: {  	s31 =	simm.s32 $0x18E80;
	[sflag:s1] =	ssyncadd.s32 $0xFFFFF800  }
0x143: {  	[spmem:s2] =	stream.indirect.scatter.add.f32 [tilespmem:s18], [sflag:$0x6], $0x10, s31, s10, $0xb8;
	[tilespmem:$0x1DD00] =	vst v63  }
0x144: {  	_ =	swait.ge [sflag:s28], $0x800  }
0x145: {  	[sflag:s28] =	ssyncset.done $0x0  }
0x146: {  	[sflag:s28] =	ssyncadd.s32 $0xFFFFF800  }
0x147: {  	_ =	swait.ge [sflag:s21], $0x800  }
0x148: {  	[sflag:s21] =	ssyncset.done $0x0  }
0x149: {  	[sflag:s21] =	ssyncadd.s32 $0xFFFFF800  }
0x14a: {  	_ =	swait.ge [sflag:s28], $0x800  }
0x14b: {  	[sflag:s28] =	ssyncset.done $0x0  }
0x14c: {  	[sflag:s28] =	ssyncadd.s32 $0xFFFFF800  }
0x14d: {  	s7 =	simm.s32 $0x0;
	s9 =	simm.s32 $0x18C80;
	_ =	swait.ge [sflag:s21], $0x800  }
0x14e: {  	s6 =	simm.s32 $0x18700;
	s8 =	simm.s32 $0x18B00;
	[sflag:s21] =	ssyncset.done $0x0  }
0x14f: {  	s12 =	simm.s32 $0x18A00;
	s14 =	simm.s32 $0x18D00;
	[sflag:s21] =	ssyncadd.s32 $0xFFFFF800  }
0x150: {  	s17 =	simm.s32 $0x18A80;
	s23 =	simm.s32 $0x18D80;
	[bflag:$0x0] =	sbarrier.arrive $0xFFFF  }
0x151: {  	s25 =	simm.s32 $0x1C600;
	s26 =	simm.s32 $0x18E80;
	s5 =	rddreg [dreg:$0x4]  }
.LBB2_6:
0x152: {  	s0 =	smul.u32 $0x170, s7  }
0x153: {  	s29 =	rddreg [dreg:$0x5]  }
0x154: {  	s0 =	sadd.s32 s29, s0  }
0x155: {  	s0 =	sshll.u32 s0, $0x4  }
0x156: {  	s0 =	sand.u32 $0x3FFFFFF0, s0  }
0x157: {  	s29 =	simm.s32 $0x1AF00;
	s0 =	sadd.s32 s0, s2  }
0x158: {  	[tilespmem:s29], [sflag:$0x7] =	stream.linear.gather [spmem:s0], $0x1700, $0x38;
	[tilespmem:$0x1DD00] =	vst v63  }
0x159: {  	_ =	swait.ge [sflag:s24], $0x1700  }
0x15a: {  	[sflag:s24] =	ssyncset.done $0x0  }
0x15b: {  	s29 =	simm.s32 $0x0;
	[sflag:s24] =	ssyncadd.s32 $0xFFFFE900  }
0x15c: {  	v4 =	vld [tilespmem:s29+$0x1AF70]  }
0x15d: {  	v5 =	vld [tilespmem:s29+$0x1AF00]  }
0x15e: {  	v6 =	vld [tilespmem:s29+$0x1AF10]  }
0x15f: {  	v3 =	vld [tilespmem:s29+$0x1AF20]  }
0x160: {  	v1 =	vld [tilespmem:s29+$0x1AF30]  }
0x161: {  	v2 =	vld [tilespmem:s29+$0x1AF40];
	[tilespmem:s29+$0x1C670] =	vst v4  }
0x162: {  	[tilespmem:s29+$0x1C600] =	vst v5;
	v4 =	vld [tilespmem:s29+$0x1AF50]  }
0x163: {  	s31 =	simm.s32 $0x80;
	s0 =	simm.s32 $0x400;
	[tilespmem:s29+$0x1C610] =	vst v6;
	v5 =	vld [tilespmem:s29+$0x1AF60]  }
.LBB2_7:
0x164: {  	p0 =	sne.s32 s0, $0x5A00;
	v6 =	vld [tilespmem:s31+$0x1AF70];
	[tilespmem:s29+$0x1C620] =	vst v3  }
0x165: {  	v7 =	vld [tilespmem:s31+$0x1AF00];
	[tilespmem:s29+$0x1C630] =	vst v1  }
0x166: {  	v8 =	vld [tilespmem:s31+$0x1AF10];
	[tilespmem:s29+$0x1C640] =	vst v2  }
.Ltmp2:
0x167: {  	v3 =	vld [tilespmem:s31+$0x1AF20];
	[tilespmem:s29+$0x1C650] =	vst v4;
	(pc) =	sbr.rel @p0 .LBB2_7-.Ltmp2, $4  }
0x168: {  	v1 =	vld [tilespmem:s31+$0x1AF30];
	[tilespmem:s29+$0x1C660] =	vst v5;
	s29 =	smov.u32 s31  }
0x169: {  	v2 =	vld [tilespmem:s29+$0x1AF40];
	[tilespmem:s29+$0x1C670] =	vst v6  }
0x16a: {  	[tilespmem:s29+$0x1C600] =	vst v7;
	v4 =	vld [tilespmem:s29+$0x1AF50]  }
0x16b: {  	s31 =	sshra.s32 s0, $0x2;
	s0 =	sadd.s32 $0x200, s0;
	[tilespmem:s29+$0x1C610] =	vst v8;
	v5 =	vld [tilespmem:s29+$0x1AF60]  }
0x16c: {  	v6 =	vld [tilespmem:s31+$0x1AF70];
	[tilespmem:s29+$0x1C620] =	vst v3  }
0x16d: {  	v3 =	vld [tilespmem:s31+$0x1AF00];
	[tilespmem:s29+$0x1C630] =	vst v1  }
0x16e: {  	v1 =	vld [tilespmem:s31+$0x1AF10];
	[tilespmem:s29+$0x1C640] =	vst v2  }
0x16f: {  	v2 =	vld [tilespmem:s31+$0x1AF20];
	[tilespmem:s29+$0x1C650] =	vst v4  }
0x170: {  	v4 =	vld [tilespmem:s31+$0x1AF30];
	[tilespmem:s29+$0x1C660] =	vst v5  }
0x171: {  	v5 =	vld [tilespmem:s31+$0x1AF40];
	[tilespmem:s31+$0x1C670] =	vst v6  }
0x172: {  	[tilespmem:s31+$0x1C600] =	vst v3;
	v3 =	vld [tilespmem:s31+$0x1AF50]  }
0x173: {  	[tilespmem:s31+$0x1C610] =	vst v1;
	v1 =	vld [tilespmem:s31+$0x1AF60]  }
0x174: {  	s0 =	smul.u32 $0x1700, s7;
	[tilespmem:s31+$0x1C620] =	vst v2  }
0x175: {  	s3 =	rddreg [dreg:$0x13];
	[tilespmem:s31+$0x1C630] =	vst v4  }
0x176: {  	s7 =	sadd.s32 $0x1, s7;
	s0 =	sadd.s32 s3, s0;
	[tilespmem:s31+$0x1C640] =	vst v5  }
0x177: {  	p0 =	sne.s32 s7, $0x11;
	s0 =	sshrl.u32 s0, $0x3;
	[tilespmem:s31+$0x1C650] =	vst v3  }
.Ltmp3:
0x178: {  	s3 =	simm.s32 $0x0;
	s0 =	sadd.s32 s5, s0;
	[tilespmem:s31+$0x1C660] =	vst v1;
	(pc) =	sbr.rel @p0 .LBB2_6-.Ltmp3, $4  }
0x179: {  	[hbm4b:s0+s3] =	stream.linear.scatter [tilespmem:s25], [sflag:$0x7], $0x1700, $0x38;
	[tilespmem:$0x1DD00] =	vst v63  }
0x17a: {  	_ =	swait.ge [sflag:s24], $0x1700  }
0x17b: {  	[sflag:s24] =	ssyncset.done $0x0  }
0x17c: {  	[sflag:s24] =	ssyncadd.s32 $0xFFFFE900  }
0x17d: {  	[bflag:$0x0] =	sbarrier.arrive $0xFFFF;
	s0 =	simm.s32 $0x40;
	s7 =	simm.s32 $0x0  }
.LBB2_10:
0x17e: {  	p0 =	sne.s32 s0, $0x5BC0;
	[tilespmem:s7+$0x1AF00] =	vst v0;
	s5 =	smov.u32 s0;
	s0 =	sadd.s32 $0x40, s0  }
.Ltmp4:
0x17f: {  	(pc) =	sbr.rel @p0 .LBB2_10-.Ltmp4, $2  }
0x180: {  	_ =	sdelay $0x2  }
0x181: {  	s7 =	sshra.s32 s5, $0x2  }
0x182: {  	[tilespmem:s7+$0x1AF00] =	vst v0;
	s0 =	rddreg [dreg:$0x6];
	s5 =	simm.s32 $0x1AF00  }
0x183: {  	[spmem:s0] =	stream.linear.scatter [tilespmem:s5], [sflag:$0x7], $0x1700, $0x38;
	[tilespmem:$0x1DD00] =	vst v63  }
0x184: {  	_ =	swait.ge [sflag:s24], $0x1700  }
0x185: {  	[sflag:s24] =	ssyncset.done $0x0  }
0x186: {  	s7 =	rddreg [dreg:$0x7];
	[sflag:s24] =	ssyncadd.s32 $0xFFFFE900  }
0x187: {  	[spmem:s7] =	stream.linear.scatter [tilespmem:s5], [sflag:$0x7], $0x1700, $0x38;
	[tilespmem:$0x1DD00] =	vst v63  }
0x188: {  	_ =	swait.ge [sflag:s24], $0x1700  }
0x189: {  	[sflag:s24] =	ssyncset.done $0x0  }
0x18a: {  	s25 =	rddreg [dreg:$0x8];
	[sflag:s24] =	ssyncadd.s32 $0xFFFFE900  }
0x18b: {  	[spmem:s25] =	stream.linear.scatter [tilespmem:s5], [sflag:$0x7], $0x1700, $0x38;
	[tilespmem:$0x1DD00] =	vst v63  }
0x18c: {  	_ =	swait.ge [sflag:s24], $0x1700  }
0x18d: {  	[sflag:s24] =	ssyncset.done $0x0  }
0x18e: {  	s31 =	rddreg [dreg:$0x9];
	[sflag:s24] =	ssyncadd.s32 $0xFFFFE900  }
0x18f: {  	[spmem:s31] =	stream.linear.scatter [tilespmem:s5], [sflag:$0x7], $0x1700, $0x38;
	[tilespmem:$0x1DD00] =	vst v63  }
0x190: {  	_ =	swait.ge [sflag:s24], $0x1700  }
0x191: {  	[sflag:s24] =	ssyncset.done $0x0  }
0x192: {  	s7 =	rddreg [dreg:$0xa];
	[sflag:s24] =	ssyncadd.s32 $0xFFFFE900  }
0x193: {  	[spmem:s7] =	stream.linear.scatter [tilespmem:s5], [sflag:$0x7], $0x1700, $0x38;
	[tilespmem:$0x1DD00] =	vst v63  }
0x194: {  	_ =	swait.ge [sflag:s24], $0x1700  }
0x195: {  	[sflag:s24] =	ssyncset.done $0x0  }
0x196: {  	s25 =	rddreg [dreg:$0xb];
	[sflag:s24] =	ssyncadd.s32 $0xFFFFE900  }
0x197: {  	[spmem:s25] =	stream.linear.scatter [tilespmem:s5], [sflag:$0x7], $0x1700, $0x38;
	[tilespmem:$0x1DD00] =	vst v63  }
0x198: {  	_ =	swait.ge [sflag:s24], $0x1700  }
0x199: {  	[sflag:s24] =	ssyncset.done $0x0  }
0x19a: {  	s31 =	rddreg [dreg:$0xc];
	[sflag:s24] =	ssyncadd.s32 $0xFFFFE900  }
0x19b: {  	[spmem:s31] =	stream.linear.scatter [tilespmem:s5], [sflag:$0x7], $0x1700, $0x38;
	[tilespmem:$0x1DD00] =	vst v63  }
0x19c: {  	_ =	swait.ge [sflag:s24], $0x1700  }
0x19d: {  	[sflag:s24] =	ssyncset.done $0x0  }
0x19e: {  	s7 =	rddreg [dreg:$0xd];
	[sflag:s24] =	ssyncadd.s32 $0xFFFFE900  }
0x19f: {  	[spmem:s7] =	stream.linear.scatter [tilespmem:s5], [sflag:$0x7], $0x1700, $0x38;
	[tilespmem:$0x1DD00] =	vst v63  }
0x1a0: {  	_ =	swait.ge [sflag:s24], $0x1700  }
0x1a1: {  	[sflag:s24] =	ssyncset.done $0x0  }
0x1a2: {  	s25 =	rddreg [dreg:$0xe];
	[sflag:s24] =	ssyncadd.s32 $0xFFFFE900  }
0x1a3: {  	[spmem:s25] =	stream.linear.scatter [tilespmem:s5], [sflag:$0x7], $0x1700, $0x38;
	[tilespmem:$0x1DD00] =	vst v63  }
0x1a4: {  	_ =	swait.ge [sflag:s24], $0x1700  }
0x1a5: {  	[sflag:s24] =	ssyncset.done $0x0  }
0x1a6: {  	s31 =	rddreg [dreg:$0xf];
	[sflag:s24] =	ssyncadd.s32 $0xFFFFE900  }
0x1a7: {  	[spmem:s31] =	stream.linear.scatter [tilespmem:s5], [sflag:$0x7], $0x1700, $0x38;
	[tilespmem:$0x1DD00] =	vst v63  }
0x1a8: {  	_ =	swait.ge [sflag:s24], $0x1700  }
0x1a9: {  	[sflag:s24] =	ssyncset.done $0x0  }
0x1aa: {  	s7 =	rddreg [dreg:$0x10];
	[sflag:s24] =	ssyncadd.s32 $0xFFFFE900  }
0x1ab: {  	[spmem:s7] =	stream.linear.scatter [tilespmem:s5], [sflag:$0x7], $0x1700, $0x38;
	[tilespmem:$0x1DD00] =	vst v63  }
0x1ac: {  	_ =	swait.ge [sflag:s24], $0x1700  }
0x1ad: {  	[sflag:s24] =	ssyncset.done $0x0  }
0x1ae: {  	s25 =	rddreg [dreg:$0x11];
	[sflag:s24] =	ssyncadd.s32 $0xFFFFE900  }
0x1af: {  	[spmem:s25] =	stream.linear.scatter [tilespmem:s5], [sflag:$0x7], $0x1700, $0x38;
	[tilespmem:$0x1DD00] =	vst v63  }
0x1b0: {  	_ =	swait.ge [sflag:s24], $0x1700  }
0x1b1: {  	[sflag:s24] =	ssyncset.done $0x0  }
0x1b2: {  	s31 =	rddreg [dreg:$0x12];
	[sflag:s24] =	ssyncadd.s32 $0xFFFFE900  }
0x1b3: {  	[spmem:s31] =	stream.linear.scatter [tilespmem:s5], [sflag:$0x7], $0x1700, $0x38;
	[tilespmem:$0x1DD00] =	vst v63  }
0x1b4: {  	_ =	swait.ge [sflag:s24], $0x1700  }
0x1b5: {  	[sflag:s24] =	ssyncset.done $0x0  }
0x1b6: {  	s7 =	rddreg [dreg:$0x15];
	[sflag:s24] =	ssyncadd.s32 $0xFFFFE900  }
0x1b7: {  	[spmem:s7] =	stream.linear.scatter [tilespmem:s5], [sflag:$0x7], $0x1700, $0x38;
	[tilespmem:$0x1DD00] =	vst v63  }
0x1b8: {  	_ =	swait.ge [sflag:s24], $0x1700  }
0x1b9: {  	[sflag:s24] =	ssyncset.done $0x0  }
0x1ba: {  	s25 =	rddreg [dreg:$0x16];
	[sflag:s24] =	ssyncadd.s32 $0xFFFFE900  }
0x1bb: {  	[spmem:s25] =	stream.linear.scatter [tilespmem:s5], [sflag:$0x7], $0x1700, $0x38;
	[tilespmem:$0x1DD00] =	vst v63  }
0x1bc: {  	_ =	swait.ge [sflag:s24], $0x1700  }
0x1bd: {  	[sflag:s24] =	ssyncset.done $0x0  }
0x1be: {  	s31 =	rddreg [dreg:$0x17];
	[sflag:s24] =	ssyncadd.s32 $0xFFFFE900  }
0x1bf: {  	[spmem:s31] =	stream.linear.scatter [tilespmem:s5], [sflag:$0x7], $0x1700, $0x38;
	[tilespmem:$0x1DD00] =	vst v63  }
0x1c0: {  	_ =	swait.ge [sflag:s24], $0x1700  }
0x1c1: {  	[sflag:s24] =	ssyncset.done $0x0  }
0x1c2: {  	s7 =	rddreg [dreg:$0x18];
	[sflag:s24] =	ssyncadd.s32 $0xFFFFE900  }
0x1c3: {  	[spmem:s7] =	stream.linear.scatter [tilespmem:s5], [sflag:$0x7], $0x1700, $0x38;
	[tilespmem:$0x1DD00] =	vst v63  }
0x1c4: {  	_ =	swait.ge [sflag:s24], $0x1700  }
0x1c5: {  	[sflag:s24] =	ssyncset.done $0x0  }
0x1c6: {  	[sflag:s24] =	ssyncadd.s32 $0xFFFFE900  }
0x1c7: {  	[bflag:$0x0] =	sbarrier.arrive $0xFFFF  }
0x1c8: {  	s7 =	rddreg [dreg:$0x3]  }
0x1c9: {  	s25 =	sadd.s32 $0x0, s7  }
0x1ca: {  	[tilespmem:s6], [sflag:$0x7] =	stream.linear.gather [hbm4b:s25+s3], $0x400, $0x38;
	[tilespmem:$0x1DD00] =	vst v63  }
0x1cb: {  	_ =	swait.ge [sflag:s24], $0x400  }
0x1cc: {  	[sflag:s24] =	ssyncset.done $0x0;
	s25 =	rddreg [dreg:$0x1b]  }
0x1cd: {  	[sflag:s24] =	ssyncadd.s32 $0xFFFFFC00;
	s31 =	sadd.s32 $0x0, s25  }
0x1ce: {  	[tilespmem:s8], [sflag:$0x7] =	stream.linear.gather [hbm4b:s31+s3], $0x400, $0x38;
	[tilespmem:$0x1DD00] =	vst v63  }
0x1cf: {  	_ =	swait.ge [sflag:s24], $0x400  }
0x1d0: {  	[sflag:s24] =	ssyncset.done $0x0  }
0x1d1: {  	[sflag:s24] =	ssyncadd.s32 $0xFFFFFC00  }
0x1d2: {  	[tilespmem:s11], [sflag:$0x1] =	stream.indirect.gather [hbm4b:s20+s10], $0x10, s6, s10, $0xb8;
	[tilespmem:$0x1DD00] =	vst v63  }
0x1d3: {  	s5 =	simm.s32 $0x18780  }
0x1d4: {  	[tilespmem:s13], [sflag:$0x2] =	stream.indirect.gather [hbm4b:s20+s10], $0x10, s5, s10, $0xb8;
	[tilespmem:$0x1DD00] =	vst v63  }
0x1d5: {  	s6 =	simm.s32 $0x18800  }
0x1d6: {  	[tilespmem:s15], [sflag:$0x3] =	stream.indirect.gather [hbm4b:s20+s10], $0x10, s6, s10, $0xb8;
	[tilespmem:$0x1DD00] =	vst v63  }
0x1d7: {  	_ =	swait.ge [sflag:s16], $0x800  }
0x1d8: {  	[sflag:s16] =	ssyncset.done $0x0  }
0x1d9: {  	[sflag:s16] =	ssyncadd.s32 $0xFFFFF800  }
0x1da: {  	[spmem:s2] =	stream.indirect.scatter.add.f32 [tilespmem:s11], [sflag:$0x5], $0x10, s8, s10, $0xb8;
	[tilespmem:$0x1DD00] =	vst v63  }
0x1db: {  	s31 =	simm.s32 $0x18880  }
0x1dc: {  	[tilespmem:s18], [sflag:$0x4] =	stream.indirect.gather [hbm4b:s20+s10], $0x10, s31, s10, $0xb8;
	[tilespmem:$0x1DD00] =	vst v63  }
0x1dd: {  	_ =	swait.ge [sflag:s19], $0x800  }
0x1de: {  	[sflag:s19] =	ssyncset.done $0x0  }
0x1df: {  	s3 =	simm.s32 $0x18B80;
	[sflag:s19] =	ssyncadd.s32 $0xFFFFF800  }
0x1e0: {  	[spmem:s2] =	stream.indirect.scatter.add.f32 [tilespmem:s13], [sflag:$0x6], $0x10, s3, s10, $0xb8;
	[tilespmem:$0x1DD00] =	vst v63  }
0x1e1: {  	_ =	swait.ge [sflag:s28], $0x800  }
0x1e2: {  	[sflag:s28] =	ssyncset.done $0x0  }
0x1e3: {  	s5 =	simm.s32 $0x18900;
	[sflag:s28] =	ssyncadd.s32 $0xFFFFF800  }
0x1e4: {  	[tilespmem:s11], [sflag:$0x1] =	stream.indirect.gather [hbm4b:s20+s10], $0x10, s5, s10, $0xb8;
	[tilespmem:$0x1DD00] =	vst v63  }
0x1e5: {  	_ =	swait.ge [sflag:s30], $0x800  }
0x1e6: {  	[sflag:s30] =	ssyncset.done $0x0  }
0x1e7: {  	s6 =	simm.s32 $0x18C00;
	[sflag:s30] =	ssyncadd.s32 $0xFFFFF800  }
0x1e8: {  	[spmem:s2] =	stream.indirect.scatter.add.f32 [tilespmem:s15], [sflag:$0x5], $0x10, s6, s10, $0xb8;
	[tilespmem:$0x1DD00] =	vst v63  }
0x1e9: {  	_ =	swait.ge [sflag:s21], $0x800  }
0x1ea: {  	[sflag:s21] =	ssyncset.done $0x0  }
0x1eb: {  	s8 =	simm.s32 $0x18980;
	[sflag:s21] =	ssyncadd.s32 $0xFFFFF800  }
0x1ec: {  	[tilespmem:s13], [sflag:$0x2] =	stream.indirect.gather [hbm4b:s20+s10], $0x10, s8, s10, $0xb8;
	[tilespmem:$0x1DD00] =	vst v63  }
0x1ed: {  	_ =	swait.ge [sflag:s1], $0x800  }
0x1ee: {  	[sflag:s1] =	ssyncset.done $0x0  }
0x1ef: {  	[sflag:s1] =	ssyncadd.s32 $0xFFFFF800  }
0x1f0: {  	[spmem:s2] =	stream.indirect.scatter.add.f32 [tilespmem:s18], [sflag:$0x6], $0x10, s9, s10, $0xb8;
	[tilespmem:$0x1DD00] =	vst v63  }
0x1f1: {  	_ =	swait.ge [sflag:s28], $0x800  }
0x1f2: {  	[sflag:s28] =	ssyncset.done $0x0  }
0x1f3: {  	[sflag:s28] =	ssyncadd.s32 $0xFFFFF800  }
0x1f4: {  	[tilespmem:s15], [sflag:$0x3] =	stream.indirect.gather [hbm4b:s20+s10], $0x10, s12, s10, $0xb8;
	[tilespmem:$0x1DD00] =	vst v63  }
0x1f5: {  	_ =	swait.ge [sflag:s16], $0x800  }
0x1f6: {  	[sflag:s16] =	ssyncset.done $0x0  }
0x1f7: {  	[sflag:s16] =	ssyncadd.s32 $0xFFFFF800  }
0x1f8: {  	[spmem:s2] =	stream.indirect.scatter.add.f32 [tilespmem:s11], [sflag:$0x5], $0x10, s14, s10, $0xb8;
	[tilespmem:$0x1DD00] =	vst v63  }
0x1f9: {  	_ =	swait.ge [sflag:s21], $0x800  }
0x1fa: {  	[sflag:s21] =	ssyncset.done $0x0  }
0x1fb: {  	[sflag:s21] =	ssyncadd.s32 $0xFFFFF800  }
0x1fc: {  	[tilespmem:s18], [sflag:$0x4] =	stream.indirect.gather [hbm4b:s20+s10], $0x10, s17, s10, $0xb8;
	[tilespmem:$0x1DD00] =	vst v63  }
0x1fd: {  	_ =	swait.ge [sflag:s19], $0x800  }
0x1fe: {  	[sflag:s19] =	ssyncset.done $0x0  }
0x1ff: {  	[sflag:s19] =	ssyncadd.s32 $0xFFFFF800  }
0x200: {  	[spmem:s2] =	stream.indirect.scatter.add.f32 [tilespmem:s13], [sflag:$0x6], $0x10, s23, s10, $0xb8;
	[tilespmem:$0x1DD00] =	vst v63  }
0x201: {  	_ =	swait.ge [sflag:s30], $0x800  }
0x202: {  	[sflag:s30] =	ssyncset.done $0x0  }
0x203: {  	s31 =	simm.s32 $0x18E00;
	[sflag:s30] =	ssyncadd.s32 $0xFFFFF800  }
0x204: {  	[spmem:s2] =	stream.indirect.scatter.add.f32 [tilespmem:s15], [sflag:$0x5], $0x10, s31, s10, $0xb8;
	[tilespmem:$0x1DD00] =	vst v63  }
0x205: {  	_ =	swait.ge [sflag:s1], $0x800  }
0x206: {  	[sflag:s1] =	ssyncset.done $0x0  }
0x207: {  	[sflag:s1] =	ssyncadd.s32 $0xFFFFF800  }
0x208: {  	[spmem:s2] =	stream.indirect.scatter.add.f32 [tilespmem:s18], [sflag:$0x6], $0x10, s26, s10, $0xb8;
	[tilespmem:$0x1DD00] =	vst v63  }
0x209: {  	_ =	swait.ge [sflag:s28], $0x800  }
0x20a: {  	[sflag:s28] =	ssyncset.done $0x0  }
0x20b: {  	[sflag:s28] =	ssyncadd.s32 $0xFFFFF800  }
0x20c: {  	_ =	swait.ge [sflag:s21], $0x800  }
0x20d: {  	[sflag:s21] =	ssyncset.done $0x0  }
0x20e: {  	[sflag:s21] =	ssyncadd.s32 $0xFFFFF800  }
0x20f: {  	_ =	swait.ge [sflag:s28], $0x800  }
0x210: {  	[sflag:s28] =	ssyncset.done $0x0  }
0x211: {  	s29 =	simm.s32 $0x80;
	[sflag:s28] =	ssyncadd.s32 $0xFFFFF800  }
0x212: {  	s0 =	simm.s32 $0x100;
	s8 =	simm.s32 $0x18B00;
	_ =	swait.ge [sflag:s21], $0x800  }
0x213: {  	s9 =	simm.s32 $0x18700;
	s23 =	simm.s32 $0x0;
	[sflag:s21] =	ssyncset.done $0x0  }
.LBB2_12:
0x214: {  	s5 =	sadd.s32 s29, s7;
	[sflag:s21] =	ssyncadd.s32 $0xFFFFF800  }
0x215: {  	[tilespmem:s9], [sflag:$0x7] =	stream.linear.gather [hbm4b:s5+s23], $0x400, $0x38;
	[tilespmem:$0x1DD00] =	vst v63  }
0x216: {  	_ =	swait.ge [sflag:s24], $0x400  }
0x217: {  	s31 =	smov.u32 s0;
	s7 =	sadd.s32 $0x80, s0;
	[sflag:s24] =	ssyncset.done $0x0  }
0x218: {  	p0 =	sne.s32 s0, $0x1800;
	s0 =	sadd.s32 s29, s25;
	[sflag:s24] =	ssyncadd.s32 $0xFFFFFC00  }
0x219: {  	[tilespmem:s8], [sflag:$0x7] =	stream.linear.gather [hbm4b:s0+s23], $0x400, $0x38;
	[tilespmem:$0x1DD00] =	vst v63  }
0x21a: {  	_ =	swait.ge [sflag:s24], $0x400  }
0x21b: {  	[sflag:s24] =	ssyncset.done $0x0  }
0x21c: {  	[sflag:s24] =	ssyncadd.s32 $0xFFFFFC00  }
0x21d: {  	[tilespmem:s11], [sflag:$0x1] =	stream.indirect.gather [hbm4b:s20+s10], $0x10, s9, s10, $0xb8;
	[tilespmem:$0x1DD00] =	vst v63  }
0x21e: {  	s5 =	simm.s32 $0x18780  }
0x21f: {  	[tilespmem:s13], [sflag:$0x2] =	stream.indirect.gather [hbm4b:s20+s10], $0x10, s5, s10, $0xb8;
	[tilespmem:$0x1DD00] =	vst v63  }
0x220: {  	s6 =	simm.s32 $0x18800  }
0x221: {  	[tilespmem:s15], [sflag:$0x3] =	stream.indirect.gather [hbm4b:s20+s10], $0x10, s6, s10, $0xb8;
	[tilespmem:$0x1DD00] =	vst v63  }
0x222: {  	_ =	swait.ge [sflag:s16], $0x800  }
0x223: {  	[sflag:s16] =	ssyncset.done $0x0  }
0x224: {  	[sflag:s16] =	ssyncadd.s32 $0xFFFFF800  }
0x225: {  	[spmem:s2] =	stream.indirect.scatter.add.f32 [tilespmem:s11], [sflag:$0x5], $0x10, s8, s10, $0xb8;
	[tilespmem:$0x1DD00] =	vst v63  }
0x226: {  	s12 =	simm.s32 $0x18880  }
0x227: {  	[tilespmem:s18], [sflag:$0x4] =	stream.indirect.gather [hbm4b:s20+s10], $0x10, s12, s10, $0xb8;
	[tilespmem:$0x1DD00] =	vst v63  }
0x228: {  	_ =	swait.ge [sflag:s19], $0x800  }
0x229: {  	[sflag:s19] =	ssyncset.done $0x0  }
0x22a: {  	s14 =	simm.s32 $0x18B80;
	[sflag:s19] =	ssyncadd.s32 $0xFFFFF800  }
0x22b: {  	[spmem:s2] =	stream.indirect.scatter.add.f32 [tilespmem:s13], [sflag:$0x6], $0x10, s14, s10, $0xb8;
	[tilespmem:$0x1DD00] =	vst v63  }
0x22c: {  	_ =	swait.ge [sflag:s28], $0x800  }
0x22d: {  	[sflag:s28] =	ssyncset.done $0x0  }
0x22e: {  	s17 =	simm.s32 $0x18900;
	[sflag:s28] =	ssyncadd.s32 $0xFFFFF800  }
0x22f: {  	[tilespmem:s11], [sflag:$0x1] =	stream.indirect.gather [hbm4b:s20+s10], $0x10, s17, s10, $0xb8;
	[tilespmem:$0x1DD00] =	vst v63  }
0x230: {  	_ =	swait.ge [sflag:s30], $0x800  }
0x231: {  	[sflag:s30] =	ssyncset.done $0x0  }
0x232: {  	s26 =	simm.s32 $0x18C00;
	[sflag:s30] =	ssyncadd.s32 $0xFFFFF800  }
0x233: {  	[spmem:s2] =	stream.indirect.scatter.add.f32 [tilespmem:s15], [sflag:$0x5], $0x10, s26, s10, $0xb8;
	[tilespmem:$0x1DD00] =	vst v63  }
0x234: {  	_ =	swait.ge [sflag:s21], $0x800  }
0x235: {  	[sflag:s21] =	ssyncset.done $0x0  }
0x236: {  	s3 =	simm.s32 $0x18980;
	[sflag:s21] =	ssyncadd.s32 $0xFFFFF800  }
0x237: {  	[tilespmem:s13], [sflag:$0x2] =	stream.indirect.gather [hbm4b:s20+s10], $0x10, s3, s10, $0xb8;
	[tilespmem:$0x1DD00] =	vst v63  }
0x238: {  	_ =	swait.ge [sflag:s1], $0x800  }
0x239: {  	[sflag:s1] =	ssyncset.done $0x0  }
0x23a: {  	s0 =	simm.s32 $0x18C80;
	[sflag:s1] =	ssyncadd.s32 $0xFFFFF800  }
0x23b: {  	[spmem:s2] =	stream.indirect.scatter.add.f32 [tilespmem:s18], [sflag:$0x6], $0x10, s0, s10, $0xb8;
	[tilespmem:$0x1DD00] =	vst v63  }
0x23c: {  	_ =	swait.ge [sflag:s28], $0x800  }
0x23d: {  	[sflag:s28] =	ssyncset.done $0x0  }
0x23e: {  	s0 =	simm.s32 $0x18A00;
	[sflag:s28] =	ssyncadd.s32 $0xFFFFF800  }
0x23f: {  	[tilespmem:s15], [sflag:$0x3] =	stream.indirect.gather [hbm4b:s20+s10], $0x10, s0, s10, $0xb8;
	[tilespmem:$0x1DD00] =	vst v63  }
0x240: {  	_ =	swait.ge [sflag:s16], $0x800  }
0x241: {  	[sflag:s16] =	ssyncset.done $0x0  }
0x242: {  	s0 =	simm.s32 $0x18D00;
	[sflag:s16] =	ssyncadd.s32 $0xFFFFF800  }
0x243: {  	[spmem:s2] =	stream.indirect.scatter.add.f32 [tilespmem:s11], [sflag:$0x5], $0x10, s0, s10, $0xb8;
	[tilespmem:$0x1DD00] =	vst v63  }
0x244: {  	_ =	swait.ge [sflag:s21], $0x800  }
0x245: {  	[sflag:s21] =	ssyncset.done $0x0  }
0x246: {  	s0 =	simm.s32 $0x18A80;
	[sflag:s21] =	ssyncadd.s32 $0xFFFFF800  }
0x247: {  	[tilespmem:s18], [sflag:$0x4] =	stream.indirect.gather [hbm4b:s20+s10], $0x10, s0, s10, $0xb8;
	[tilespmem:$0x1DD00] =	vst v63  }
0x248: {  	_ =	swait.ge [sflag:s19], $0x800  }
0x249: {  	[sflag:s19] =	ssyncset.done $0x0  }
0x24a: {  	s0 =	simm.s32 $0x18D80;
	[sflag:s19] =	ssyncadd.s32 $0xFFFFF800  }
0x24b: {  	[spmem:s2] =	stream.indirect.scatter.add.f32 [tilespmem:s13], [sflag:$0x6], $0x10, s0, s10, $0xb8;
	[tilespmem:$0x1DD00] =	vst v63  }
0x24c: {  	_ =	swait.ge [sflag:s30], $0x800  }
0x24d: {  	[sflag:s30] =	ssyncset.done $0x0  }
0x24e: {  	s29 =	smov.u32 s31;
	s31 =	simm.s32 $0x18E00;
	[sflag:s30] =	ssyncadd.s32 $0xFFFFF800  }
0x24f: {  	[spmem:s2] =	stream.indirect.scatter.add.f32 [tilespmem:s15], [sflag:$0x5], $0x10, s31, s10, $0xb8;
	[tilespmem:$0x1DD00] =	vst v63  }
0x250: {  	_ =	swait.ge [sflag:s1], $0x800  }
0x251: {  	[sflag:s1] =	ssyncset.done $0x0  }
0x252: {  	s0 =	simm.s32 $0x18E80;
	[sflag:s1] =	ssyncadd.s32 $0xFFFFF800  }
0x253: {  	[spmem:s2] =	stream.indirect.scatter.add.f32 [tilespmem:s18], [sflag:$0x6], $0x10, s0, s10, $0xb8;
	[tilespmem:$0x1DD00] =	vst v63  }
0x254: {  	_ =	swait.ge [sflag:s28], $0x800  }
0x255: {  	[sflag:s28] =	ssyncset.done $0x0  }
0x256: {  	[sflag:s28] =	ssyncadd.s32 $0xFFFFF800  }
0x257: {  	_ =	swait.ge [sflag:s21], $0x800  }
0x258: {  	[sflag:s21] =	ssyncset.done $0x0  }
0x259: {  	[sflag:s21] =	ssyncadd.s32 $0xFFFFF800  }
.Ltmp5:
0x25a: {  	_ =	swait.ge [sflag:s28], $0x800;
	(pc) =	sbr.rel @p0 .LBB2_12-.Ltmp5, $4  }
0x25b: {  	[sflag:s28] =	ssyncset.done $0x0  }
0x25c: {  	[sflag:s28] =	ssyncadd.s32 $0xFFFFF800  }
0x25d: {  	_ =	swait.ge [sflag:s21], $0x800  }
0x25e: {  	s0 =	smov.u32 s7;
	[sflag:s21] =	ssyncset.done $0x0;
	s7 =	rddreg [dreg:$0x3]  }
0x25f: {  	s0 =	sadd.s32 s29, s7;
	[sflag:s21] =	ssyncadd.s32 $0xFFFFF800  }
0x260: {  	[tilespmem:s9], [sflag:$0x7] =	stream.linear.gather [hbm4b:s0+s23], $0x400, $0x38;
	[tilespmem:$0x1DD00] =	vst v63  }
0x261: {  	_ =	swait.ge [sflag:s24], $0x400  }
0x262: {  	[sflag:s24] =	ssyncset.done $0x0  }
0x263: {  	s7 =	sadd.s32 s29, s25;
	[sflag:s24] =	ssyncadd.s32 $0xFFFFFC00  }
0x264: {  	[tilespmem:s8], [sflag:$0x7] =	stream.linear.gather [hbm4b:s7+s23], $0x400, $0x38;
	[tilespmem:$0x1DD00] =	vst v63  }
0x265: {  	_ =	swait.ge [sflag:s24], $0x400  }
0x266: {  	[sflag:s24] =	ssyncset.done $0x0  }
0x267: {  	[sflag:s24] =	ssyncadd.s32 $0xFFFFFC00  }
0x268: {  	[tilespmem:s11], [sflag:$0x1] =	stream.indirect.gather [hbm4b:s20+s10], $0x10, s9, s10, $0xb8;
	[tilespmem:$0x1DD00] =	vst v63  }
0x269: {  	_ = 	snop  }
0x26a: {  	[tilespmem:s13], [sflag:$0x2] =	stream.indirect.gather [hbm4b:s20+s10], $0x10, s5, s10, $0xb8;
	[tilespmem:$0x1DD00] =	vst v63  }
0x26b: {  	_ = 	snop  }
0x26c: {  	[tilespmem:s15], [sflag:$0x3] =	stream.indirect.gather [hbm4b:s20+s10], $0x10, s6, s10, $0xb8;
	[tilespmem:$0x1DD00] =	vst v63  }
0x26d: {  	_ =	swait.ge [sflag:s16], $0x800  }
0x26e: {  	[sflag:s16] =	ssyncset.done $0x0  }
0x26f: {  	[sflag:s16] =	ssyncadd.s32 $0xFFFFF800  }
0x270: {  	[spmem:s2] =	stream.indirect.scatter.add.f32 [tilespmem:s11], [sflag:$0x5], $0x10, s8, s10, $0xb8;
	[tilespmem:$0x1DD00] =	vst v63  }
0x271: {  	_ = 	snop  }
0x272: {  	[tilespmem:s18], [sflag:$0x4] =	stream.indirect.gather [hbm4b:s20+s10], $0x10, s12, s10, $0xb8;
	[tilespmem:$0x1DD00] =	vst v63  }
0x273: {  	_ =	swait.ge [sflag:s19], $0x800  }
0x274: {  	[sflag:s19] =	ssyncset.done $0x0  }
0x275: {  	[sflag:s19] =	ssyncadd.s32 $0xFFFFF800  }
0x276: {  	[spmem:s2] =	stream.indirect.scatter.add.f32 [tilespmem:s13], [sflag:$0x6], $0x10, s14, s10, $0xb8;
	[tilespmem:$0x1DD00] =	vst v63  }
0x277: {  	_ =	swait.ge [sflag:s28], $0x800  }
0x278: {  	[sflag:s28] =	ssyncset.done $0x0  }
0x279: {  	[sflag:s28] =	ssyncadd.s32 $0xFFFFF800  }
0x27a: {  	[tilespmem:s11], [sflag:$0x1] =	stream.indirect.gather [hbm4b:s20+s10], $0x10, s17, s10, $0xb8;
	[tilespmem:$0x1DD00] =	vst v63  }
0x27b: {  	_ =	swait.ge [sflag:s30], $0x800  }
0x27c: {  	[sflag:s30] =	ssyncset.done $0x0  }
0x27d: {  	[sflag:s30] =	ssyncadd.s32 $0xFFFFF800  }
0x27e: {  	[spmem:s2] =	stream.indirect.scatter.add.f32 [tilespmem:s15], [sflag:$0x5], $0x10, s26, s10, $0xb8;
	[tilespmem:$0x1DD00] =	vst v63  }
0x27f: {  	_ =	swait.ge [sflag:s21], $0x800  }
0x280: {  	[sflag:s21] =	ssyncset.done $0x0  }
0x281: {  	[sflag:s21] =	ssyncadd.s32 $0xFFFFF800  }
0x282: {  	[tilespmem:s13], [sflag:$0x2] =	stream.indirect.gather [hbm4b:s20+s10], $0x10, s3, s10, $0xb8;
	[tilespmem:$0x1DD00] =	vst v63  }
0x283: {  	_ =	swait.ge [sflag:s1], $0x800  }
0x284: {  	[sflag:s1] =	ssyncset.done $0x0  }
0x285: {  	s17 =	simm.s32 $0x18C80;
	[sflag:s1] =	ssyncadd.s32 $0xFFFFF800  }
0x286: {  	[spmem:s2] =	stream.indirect.scatter.add.f32 [tilespmem:s18], [sflag:$0x6], $0x10, s17, s10, $0xb8;
	[tilespmem:$0x1DD00] =	vst v63  }
0x287: {  	_ =	swait.ge [sflag:s28], $0x800  }
0x288: {  	[sflag:s28] =	ssyncset.done $0x0  }
0x289: {  	s23 =	simm.s32 $0x18A00;
	[sflag:s28] =	ssyncadd.s32 $0xFFFFF800  }
0x28a: {  	[tilespmem:s15], [sflag:$0x3] =	stream.indirect.gather [hbm4b:s20+s10], $0x10, s23, s10, $0xb8;
	[tilespmem:$0x1DD00] =	vst v63  }
0x28b: {  	_ =	swait.ge [sflag:s16], $0x800  }
0x28c: {  	[sflag:s16] =	ssyncset.done $0x0  }
0x28d: {  	s25 =	simm.s32 $0x18D00;
	[sflag:s16] =	ssyncadd.s32 $0xFFFFF800  }
0x28e: {  	[spmem:s2] =	stream.indirect.scatter.add.f32 [tilespmem:s11], [sflag:$0x5], $0x10, s25, s10, $0xb8;
	[tilespmem:$0x1DD00] =	vst v63  }
0x28f: {  	_ =	swait.ge [sflag:s21], $0x800  }
0x290: {  	[sflag:s21] =	ssyncset.done $0x0  }
0x291: {  	s26 =	simm.s32 $0x18A80;
	[sflag:s21] =	ssyncadd.s32 $0xFFFFF800  }
0x292: {  	[tilespmem:s18], [sflag:$0x4] =	stream.indirect.gather [hbm4b:s20+s10], $0x10, s26, s10, $0xb8;
	[tilespmem:$0x1DD00] =	vst v63  }
0x293: {  	_ =	swait.ge [sflag:s19], $0x800  }
0x294: {  	[sflag:s19] =	ssyncset.done $0x0  }
0x295: {  	s29 =	simm.s32 $0x18D80;
	[sflag:s19] =	ssyncadd.s32 $0xFFFFF800  }
0x296: {  	[spmem:s2] =	stream.indirect.scatter.add.f32 [tilespmem:s13], [sflag:$0x6], $0x10, s29, s10, $0xb8;
	[tilespmem:$0x1DD00] =	vst v63  }
0x297: {  	_ =	swait.ge [sflag:s30], $0x800  }
0x298: {  	[sflag:s30] =	ssyncset.done $0x0  }
0x299: {  	[sflag:s30] =	ssyncadd.s32 $0xFFFFF800  }
0x29a: {  	[spmem:s2] =	stream.indirect.scatter.add.f32 [tilespmem:s15], [sflag:$0x5], $0x10, s31, s10, $0xb8;
	[tilespmem:$0x1DD00] =	vst v63  }
0x29b: {  	_ =	swait.ge [sflag:s1], $0x800  }
0x29c: {  	[sflag:s1] =	ssyncset.done $0x0  }
0x29d: {  	s31 =	simm.s32 $0x18E80;
	[sflag:s1] =	ssyncadd.s32 $0xFFFFF800  }
0x29e: {  	[spmem:s2] =	stream.indirect.scatter.add.f32 [tilespmem:s18], [sflag:$0x6], $0x10, s31, s10, $0xb8;
	[tilespmem:$0x1DD00] =	vst v63  }
0x29f: {  	_ =	swait.ge [sflag:s28], $0x800  }
0x2a0: {  	[sflag:s28] =	ssyncset.done $0x0  }
0x2a1: {  	[sflag:s28] =	ssyncadd.s32 $0xFFFFF800  }
0x2a2: {  	_ =	swait.ge [sflag:s21], $0x800  }
0x2a3: {  	[sflag:s21] =	ssyncset.done $0x0  }
0x2a4: {  	[sflag:s21] =	ssyncadd.s32 $0xFFFFF800  }
0x2a5: {  	_ =	swait.ge [sflag:s28], $0x800  }
0x2a6: {  	[sflag:s28] =	ssyncset.done $0x0  }
0x2a7: {  	[sflag:s28] =	ssyncadd.s32 $0xFFFFF800  }
0x2a8: {  	s7 =	simm.s32 $0x0;
	s9 =	simm.s32 $0x18C80;
	_ =	swait.ge [sflag:s21], $0x800  }
0x2a9: {  	s6 =	simm.s32 $0x18700;
	s8 =	simm.s32 $0x18B00;
	[sflag:s21] =	ssyncset.done $0x0  }
0x2aa: {  	s12 =	simm.s32 $0x18A00;
	s14 =	simm.s32 $0x18D00;
	[sflag:s21] =	ssyncadd.s32 $0xFFFFF800  }
0x2ab: {  	s17 =	simm.s32 $0x18A80;
	s23 =	simm.s32 $0x18D80;
	[bflag:$0x0] =	sbarrier.arrive $0xFFFF  }
0x2ac: {  	s25 =	simm.s32 $0x1C600;
	s26 =	simm.s32 $0x18E80;
	s5 =	rddreg [dreg:$0x4]  }
.LBB2_14:
0x2ad: {  	s0 =	smul.u32 $0x170, s7  }
0x2ae: {  	s29 =	rddreg [dreg:$0x5]  }
0x2af: {  	s0 =	sadd.s32 s29, s0  }
0x2b0: {  	s0 =	sshll.u32 s0, $0x4  }
0x2b1: {  	s0 =	sand.u32 $0x3FFFFFF0, s0  }
0x2b2: {  	s29 =	simm.s32 $0x1AF00;
	s0 =	sadd.s32 s0, s2  }
0x2b3: {  	[tilespmem:s29], [sflag:$0x7] =	stream.linear.gather [spmem:s0], $0x1700, $0x38;
	[tilespmem:$0x1DD00] =	vst v63  }
0x2b4: {  	_ =	swait.ge [sflag:s24], $0x1700  }
0x2b5: {  	[sflag:s24] =	ssyncset.done $0x0  }
0x2b6: {  	s29 =	simm.s32 $0x0;
	[sflag:s24] =	ssyncadd.s32 $0xFFFFE900  }
0x2b7: {  	v4 =	vld [tilespmem:s29+$0x1AF70]  }
0x2b8: {  	v5 =	vld [tilespmem:s29+$0x1AF00]  }
0x2b9: {  	v6 =	vld [tilespmem:s29+$0x1AF10]  }
0x2ba: {  	v3 =	vld [tilespmem:s29+$0x1AF20]  }
0x2bb: {  	v1 =	vld [tilespmem:s29+$0x1AF30]  }
0x2bc: {  	v2 =	vld [tilespmem:s29+$0x1AF40];
	[tilespmem:s29+$0x1C670] =	vst v4  }
0x2bd: {  	[tilespmem:s29+$0x1C600] =	vst v5;
	v4 =	vld [tilespmem:s29+$0x1AF50]  }
0x2be: {  	s31 =	simm.s32 $0x80;
	s0 =	simm.s32 $0x400;
	[tilespmem:s29+$0x1C610] =	vst v6;
	v5 =	vld [tilespmem:s29+$0x1AF60]  }
.LBB2_15:
0x2bf: {  	p0 =	sne.s32 s0, $0x5A00;
	v6 =	vld [tilespmem:s31+$0x1AF70];
	[tilespmem:s29+$0x1C620] =	vst v3  }
0x2c0: {  	v7 =	vld [tilespmem:s31+$0x1AF00];
	[tilespmem:s29+$0x1C630] =	vst v1  }
0x2c1: {  	v8 =	vld [tilespmem:s31+$0x1AF10];
	[tilespmem:s29+$0x1C640] =	vst v2  }
.Ltmp6:
0x2c2: {  	v3 =	vld [tilespmem:s31+$0x1AF20];
	[tilespmem:s29+$0x1C650] =	vst v4;
	(pc) =	sbr.rel @p0 .LBB2_15-.Ltmp6, $4  }
0x2c3: {  	v1 =	vld [tilespmem:s31+$0x1AF30];
	[tilespmem:s29+$0x1C660] =	vst v5;
	s29 =	smov.u32 s31  }
0x2c4: {  	v2 =	vld [tilespmem:s29+$0x1AF40];
	[tilespmem:s29+$0x1C670] =	vst v6  }
0x2c5: {  	[tilespmem:s29+$0x1C600] =	vst v7;
	v4 =	vld [tilespmem:s29+$0x1AF50]  }
0x2c6: {  	s31 =	sshra.s32 s0, $0x2;
	s0 =	sadd.s32 $0x200, s0;
	[tilespmem:s29+$0x1C610] =	vst v8;
	v5 =	vld [tilespmem:s29+$0x1AF60]  }
0x2c7: {  	v6 =	vld [tilespmem:s31+$0x1AF70];
	[tilespmem:s29+$0x1C620] =	vst v3  }
0x2c8: {  	v3 =	vld [tilespmem:s31+$0x1AF00];
	[tilespmem:s29+$0x1C630] =	vst v1  }
0x2c9: {  	v1 =	vld [tilespmem:s31+$0x1AF10];
	[tilespmem:s29+$0x1C640] =	vst v2  }
0x2ca: {  	v2 =	vld [tilespmem:s31+$0x1AF20];
	[tilespmem:s29+$0x1C650] =	vst v4  }
0x2cb: {  	v4 =	vld [tilespmem:s31+$0x1AF30];
	[tilespmem:s29+$0x1C660] =	vst v5  }
0x2cc: {  	v5 =	vld [tilespmem:s31+$0x1AF40];
	[tilespmem:s31+$0x1C670] =	vst v6  }
0x2cd: {  	[tilespmem:s31+$0x1C600] =	vst v3;
	v3 =	vld [tilespmem:s31+$0x1AF50]  }
0x2ce: {  	[tilespmem:s31+$0x1C610] =	vst v1;
	v1 =	vld [tilespmem:s31+$0x1AF60]  }
0x2cf: {  	s0 =	smul.u32 $0x1700, s7;
	[tilespmem:s31+$0x1C620] =	vst v2  }
0x2d0: {  	s3 =	rddreg [dreg:$0x19];
	[tilespmem:s31+$0x1C630] =	vst v4  }
0x2d1: {  	s7 =	sadd.s32 $0x1, s7;
	s0 =	sadd.s32 s3, s0;
	[tilespmem:s31+$0x1C640] =	vst v5  }
0x2d2: {  	p0 =	sne.s32 s7, $0x11;
	s0 =	sshrl.u32 s0, $0x3;
	[tilespmem:s31+$0x1C650] =	vst v3  }
.Ltmp7:
0x2d3: {  	s3 =	simm.s32 $0x0;
	s0 =	sadd.s32 s5, s0;
	[tilespmem:s31+$0x1C660] =	vst v1;
	(pc) =	sbr.rel @p0 .LBB2_14-.Ltmp7, $4  }
0x2d4: {  	[hbm4b:s0+s3] =	stream.linear.scatter [tilespmem:s25], [sflag:$0x7], $0x1700, $0x38;
	[tilespmem:$0x1DD00] =	vst v63  }
0x2d5: {  	_ =	swait.ge [sflag:s24], $0x1700  }
0x2d6: {  	[sflag:s24] =	ssyncset.done $0x0  }
0x2d7: {  	[sflag:s24] =	ssyncadd.s32 $0xFFFFE900  }
0x2d8: {  	[bflag:$0x0] =	sbarrier.arrive $0xFFFF;
	s0 =	simm.s32 $0x40;
	s7 =	simm.s32 $0x0  }
.LBB2_18:
0x2d9: {  	p0 =	sne.s32 s0, $0x5BC0;
	[tilespmem:s7+$0x1AF00] =	vst v0;
	s5 =	smov.u32 s0;
	s0 =	sadd.s32 $0x40, s0  }
.Ltmp8:
0x2da: {  	(pc) =	sbr.rel @p0 .LBB2_18-.Ltmp8, $2  }
0x2db: {  	_ =	sdelay $0x2  }
0x2dc: {  	s7 =	sshra.s32 s5, $0x2  }
0x2dd: {  	[tilespmem:s7+$0x1AF00] =	vst v0;
	s0 =	rddreg [dreg:$0x6];
	s5 =	simm.s32 $0x1AF00  }
0x2de: {  	[spmem:s0] =	stream.linear.scatter [tilespmem:s5], [sflag:$0x7], $0x1700, $0x38;
	[tilespmem:$0x1DD00] =	vst v63  }
0x2df: {  	_ =	swait.ge [sflag:s24], $0x1700  }
0x2e0: {  	[sflag:s24] =	ssyncset.done $0x0  }
0x2e1: {  	s7 =	rddreg [dreg:$0x7];
	[sflag:s24] =	ssyncadd.s32 $0xFFFFE900  }
0x2e2: {  	[spmem:s7] =	stream.linear.scatter [tilespmem:s5], [sflag:$0x7], $0x1700, $0x38;
	[tilespmem:$0x1DD00] =	vst v63  }
0x2e3: {  	_ =	swait.ge [sflag:s24], $0x1700  }
0x2e4: {  	[sflag:s24] =	ssyncset.done $0x0  }
0x2e5: {  	s25 =	rddreg [dreg:$0x8];
	[sflag:s24] =	ssyncadd.s32 $0xFFFFE900  }
0x2e6: {  	[spmem:s25] =	stream.linear.scatter [tilespmem:s5], [sflag:$0x7], $0x1700, $0x38;
	[tilespmem:$0x1DD00] =	vst v63  }
0x2e7: {  	_ =	swait.ge [sflag:s24], $0x1700  }
0x2e8: {  	[sflag:s24] =	ssyncset.done $0x0  }
0x2e9: {  	s31 =	rddreg [dreg:$0x9];
	[sflag:s24] =	ssyncadd.s32 $0xFFFFE900  }
0x2ea: {  	[spmem:s31] =	stream.linear.scatter [tilespmem:s5], [sflag:$0x7], $0x1700, $0x38;
	[tilespmem:$0x1DD00] =	vst v63  }
0x2eb: {  	_ =	swait.ge [sflag:s24], $0x1700  }
0x2ec: {  	[sflag:s24] =	ssyncset.done $0x0  }
0x2ed: {  	s7 =	rddreg [dreg:$0xa];
	[sflag:s24] =	ssyncadd.s32 $0xFFFFE900  }
0x2ee: {  	[spmem:s7] =	stream.linear.scatter [tilespmem:s5], [sflag:$0x7], $0x1700, $0x38;
	[tilespmem:$0x1DD00] =	vst v63  }
0x2ef: {  	_ =	swait.ge [sflag:s24], $0x1700  }
0x2f0: {  	[sflag:s24] =	ssyncset.done $0x0  }
0x2f1: {  	s25 =	rddreg [dreg:$0xb];
	[sflag:s24] =	ssyncadd.s32 $0xFFFFE900  }
0x2f2: {  	[spmem:s25] =	stream.linear.scatter [tilespmem:s5], [sflag:$0x7], $0x1700, $0x38;
	[tilespmem:$0x1DD00] =	vst v63  }
0x2f3: {  	_ =	swait.ge [sflag:s24], $0x1700  }
0x2f4: {  	[sflag:s24] =	ssyncset.done $0x0  }
0x2f5: {  	s31 =	rddreg [dreg:$0xc];
	[sflag:s24] =	ssyncadd.s32 $0xFFFFE900  }
0x2f6: {  	[spmem:s31] =	stream.linear.scatter [tilespmem:s5], [sflag:$0x7], $0x1700, $0x38;
	[tilespmem:$0x1DD00] =	vst v63  }
0x2f7: {  	_ =	swait.ge [sflag:s24], $0x1700  }
0x2f8: {  	[sflag:s24] =	ssyncset.done $0x0  }
0x2f9: {  	s7 =	rddreg [dreg:$0xd];
	[sflag:s24] =	ssyncadd.s32 $0xFFFFE900  }
0x2fa: {  	[spmem:s7] =	stream.linear.scatter [tilespmem:s5], [sflag:$0x7], $0x1700, $0x38;
	[tilespmem:$0x1DD00] =	vst v63  }
0x2fb: {  	_ =	swait.ge [sflag:s24], $0x1700  }
0x2fc: {  	[sflag:s24] =	ssyncset.done $0x0  }
0x2fd: {  	s25 =	rddreg [dreg:$0xe];
	[sflag:s24] =	ssyncadd.s32 $0xFFFFE900  }
0x2fe: {  	[spmem:s25] =	stream.linear.scatter [tilespmem:s5], [sflag:$0x7], $0x1700, $0x38;
	[tilespmem:$0x1DD00] =	vst v63  }
0x2ff: {  	_ =	swait.ge [sflag:s24], $0x1700  }
0x300: {  	[sflag:s24] =	ssyncset.done $0x0  }
0x301: {  	s31 =	rddreg [dreg:$0xf];
	[sflag:s24] =	ssyncadd.s32 $0xFFFFE900  }
0x302: {  	[spmem:s31] =	stream.linear.scatter [tilespmem:s5], [sflag:$0x7], $0x1700, $0x38;
	[tilespmem:$0x1DD00] =	vst v63  }
0x303: {  	_ =	swait.ge [sflag:s24], $0x1700  }
0x304: {  	[sflag:s24] =	ssyncset.done $0x0  }
0x305: {  	s7 =	rddreg [dreg:$0x10];
	[sflag:s24] =	ssyncadd.s32 $0xFFFFE900  }
0x306: {  	[spmem:s7] =	stream.linear.scatter [tilespmem:s5], [sflag:$0x7], $0x1700, $0x38;
	[tilespmem:$0x1DD00] =	vst v63  }
0x307: {  	_ =	swait.ge [sflag:s24], $0x1700  }
0x308: {  	[sflag:s24] =	ssyncset.done $0x0  }
0x309: {  	s25 =	rddreg [dreg:$0x11];
	[sflag:s24] =	ssyncadd.s32 $0xFFFFE900  }
0x30a: {  	[spmem:s25] =	stream.linear.scatter [tilespmem:s5], [sflag:$0x7], $0x1700, $0x38;
	[tilespmem:$0x1DD00] =	vst v63  }
0x30b: {  	_ =	swait.ge [sflag:s24], $0x1700  }
0x30c: {  	[sflag:s24] =	ssyncset.done $0x0  }
0x30d: {  	s31 =	rddreg [dreg:$0x12];
	[sflag:s24] =	ssyncadd.s32 $0xFFFFE900  }
0x30e: {  	[spmem:s31] =	stream.linear.scatter [tilespmem:s5], [sflag:$0x7], $0x1700, $0x38;
	[tilespmem:$0x1DD00] =	vst v63  }
0x30f: {  	_ =	swait.ge [sflag:s24], $0x1700  }
0x310: {  	[sflag:s24] =	ssyncset.done $0x0  }
0x311: {  	s7 =	rddreg [dreg:$0x15];
	[sflag:s24] =	ssyncadd.s32 $0xFFFFE900  }
0x312: {  	[spmem:s7] =	stream.linear.scatter [tilespmem:s5], [sflag:$0x7], $0x1700, $0x38;
	[tilespmem:$0x1DD00] =	vst v63  }
0x313: {  	_ =	swait.ge [sflag:s24], $0x1700  }
0x314: {  	[sflag:s24] =	ssyncset.done $0x0  }
0x315: {  	s25 =	rddreg [dreg:$0x16];
	[sflag:s24] =	ssyncadd.s32 $0xFFFFE900  }
0x316: {  	[spmem:s25] =	stream.linear.scatter [tilespmem:s5], [sflag:$0x7], $0x1700, $0x38;
	[tilespmem:$0x1DD00] =	vst v63  }
0x317: {  	_ =	swait.ge [sflag:s24], $0x1700  }
0x318: {  	[sflag:s24] =	ssyncset.done $0x0  }
0x319: {  	s31 =	rddreg [dreg:$0x17];
	[sflag:s24] =	ssyncadd.s32 $0xFFFFE900  }
0x31a: {  	[spmem:s31] =	stream.linear.scatter [tilespmem:s5], [sflag:$0x7], $0x1700, $0x38;
	[tilespmem:$0x1DD00] =	vst v63  }
0x31b: {  	_ =	swait.ge [sflag:s24], $0x1700  }
0x31c: {  	[sflag:s24] =	ssyncset.done $0x0  }
0x31d: {  	s7 =	rddreg [dreg:$0x18];
	[sflag:s24] =	ssyncadd.s32 $0xFFFFE900  }
0x31e: {  	[spmem:s7] =	stream.linear.scatter [tilespmem:s5], [sflag:$0x7], $0x1700, $0x38;
	[tilespmem:$0x1DD00] =	vst v63  }
0x31f: {  	_ =	swait.ge [sflag:s24], $0x1700  }
0x320: {  	[sflag:s24] =	ssyncset.done $0x0  }
0x321: {  	[sflag:s24] =	ssyncadd.s32 $0xFFFFE900  }
0x322: {  	[bflag:$0x0] =	sbarrier.arrive $0xFFFF  }
0x323: {  	s7 =	rddreg [dreg:$0x3]  }
0x324: {  	s25 =	sadd.s32 $0x0, s7  }
0x325: {  	[tilespmem:s6], [sflag:$0x7] =	stream.linear.gather [hbm4b:s25+s3], $0x400, $0x38;
	[tilespmem:$0x1DD00] =	vst v63  }
0x326: {  	_ =	swait.ge [sflag:s24], $0x400  }
0x327: {  	[sflag:s24] =	ssyncset.done $0x0;
	s25 =	rddreg [dreg:$0x1b]  }
0x328: {  	[sflag:s24] =	ssyncadd.s32 $0xFFFFFC00;
	s31 =	sadd.s32 $0x0, s25  }
0x329: {  	[tilespmem:s8], [sflag:$0x7] =	stream.linear.gather [hbm4b:s31+s3], $0x400, $0x38;
	[tilespmem:$0x1DD00] =	vst v63  }
0x32a: {  	_ =	swait.ge [sflag:s24], $0x400  }
0x32b: {  	[sflag:s24] =	ssyncset.done $0x0  }
0x32c: {  	[sflag:s24] =	ssyncadd.s32 $0xFFFFFC00  }
0x32d: {  	[tilespmem:s11], [sflag:$0x1] =	stream.indirect.gather [hbm4b:s22+s10], $0x10, s6, s10, $0xb8;
	[tilespmem:$0x1DD00] =	vst v63  }
0x32e: {  	s5 =	simm.s32 $0x18780  }
0x32f: {  	[tilespmem:s13], [sflag:$0x2] =	stream.indirect.gather [hbm4b:s22+s10], $0x10, s5, s10, $0xb8;
	[tilespmem:$0x1DD00] =	vst v63  }
0x330: {  	s6 =	simm.s32 $0x18800  }
0x331: {  	[tilespmem:s15], [sflag:$0x3] =	stream.indirect.gather [hbm4b:s22+s10], $0x10, s6, s10, $0xb8;
	[tilespmem:$0x1DD00] =	vst v63  }
0x332: {  	_ =	swait.ge [sflag:s16], $0x800  }
0x333: {  	[sflag:s16] =	ssyncset.done $0x0  }
0x334: {  	[sflag:s16] =	ssyncadd.s32 $0xFFFFF800  }
0x335: {  	[spmem:s2] =	stream.indirect.scatter.add.f32 [tilespmem:s11], [sflag:$0x5], $0x10, s8, s10, $0xb8;
	[tilespmem:$0x1DD00] =	vst v63  }
0x336: {  	s31 =	simm.s32 $0x18880  }
0x337: {  	[tilespmem:s18], [sflag:$0x4] =	stream.indirect.gather [hbm4b:s22+s10], $0x10, s31, s10, $0xb8;
	[tilespmem:$0x1DD00] =	vst v63  }
0x338: {  	_ =	swait.ge [sflag:s19], $0x800  }
0x339: {  	[sflag:s19] =	ssyncset.done $0x0  }
0x33a: {  	s3 =	simm.s32 $0x18B80;
	[sflag:s19] =	ssyncadd.s32 $0xFFFFF800  }
0x33b: {  	[spmem:s2] =	stream.indirect.scatter.add.f32 [tilespmem:s13], [sflag:$0x6], $0x10, s3, s10, $0xb8;
	[tilespmem:$0x1DD00] =	vst v63  }
0x33c: {  	_ =	swait.ge [sflag:s28], $0x800  }
0x33d: {  	[sflag:s28] =	ssyncset.done $0x0  }
0x33e: {  	s5 =	simm.s32 $0x18900;
	[sflag:s28] =	ssyncadd.s32 $0xFFFFF800  }
0x33f: {  	[tilespmem:s11], [sflag:$0x1] =	stream.indirect.gather [hbm4b:s22+s10], $0x10, s5, s10, $0xb8;
	[tilespmem:$0x1DD00] =	vst v63  }
0x340: {  	_ =	swait.ge [sflag:s30], $0x800  }
0x341: {  	[sflag:s30] =	ssyncset.done $0x0  }
0x342: {  	s6 =	simm.s32 $0x18C00;
	[sflag:s30] =	ssyncadd.s32 $0xFFFFF800  }
0x343: {  	[spmem:s2] =	stream.indirect.scatter.add.f32 [tilespmem:s15], [sflag:$0x5], $0x10, s6, s10, $0xb8;
	[tilespmem:$0x1DD00] =	vst v63  }
0x344: {  	_ =	swait.ge [sflag:s21], $0x800  }
0x345: {  	[sflag:s21] =	ssyncset.done $0x0  }
0x346: {  	s8 =	simm.s32 $0x18980;
	[sflag:s21] =	ssyncadd.s32 $0xFFFFF800  }
0x347: {  	[tilespmem:s13], [sflag:$0x2] =	stream.indirect.gather [hbm4b:s22+s10], $0x10, s8, s10, $0xb8;
	[tilespmem:$0x1DD00] =	vst v63  }
0x348: {  	_ =	swait.ge [sflag:s1], $0x800  }
0x349: {  	[sflag:s1] =	ssyncset.done $0x0  }
0x34a: {  	[sflag:s1] =	ssyncadd.s32 $0xFFFFF800  }
0x34b: {  	[spmem:s2] =	stream.indirect.scatter.add.f32 [tilespmem:s18], [sflag:$0x6], $0x10, s9, s10, $0xb8;
	[tilespmem:$0x1DD00] =	vst v63  }
0x34c: {  	_ =	swait.ge [sflag:s28], $0x800  }
0x34d: {  	[sflag:s28] =	ssyncset.done $0x0  }
0x34e: {  	[sflag:s28] =	ssyncadd.s32 $0xFFFFF800  }
0x34f: {  	[tilespmem:s15], [sflag:$0x3] =	stream.indirect.gather [hbm4b:s22+s10], $0x10, s12, s10, $0xb8;
	[tilespmem:$0x1DD00] =	vst v63  }
0x350: {  	_ =	swait.ge [sflag:s16], $0x800  }
0x351: {  	[sflag:s16] =	ssyncset.done $0x0  }
0x352: {  	[sflag:s16] =	ssyncadd.s32 $0xFFFFF800  }
0x353: {  	[spmem:s2] =	stream.indirect.scatter.add.f32 [tilespmem:s11], [sflag:$0x5], $0x10, s14, s10, $0xb8;
	[tilespmem:$0x1DD00] =	vst v63  }
0x354: {  	_ =	swait.ge [sflag:s21], $0x800  }
0x355: {  	[sflag:s21] =	ssyncset.done $0x0  }
0x356: {  	[sflag:s21] =	ssyncadd.s32 $0xFFFFF800  }
0x357: {  	[tilespmem:s18], [sflag:$0x4] =	stream.indirect.gather [hbm4b:s22+s10], $0x10, s17, s10, $0xb8;
	[tilespmem:$0x1DD00] =	vst v63  }
0x358: {  	_ =	swait.ge [sflag:s19], $0x800  }
0x359: {  	[sflag:s19] =	ssyncset.done $0x0  }
0x35a: {  	[sflag:s19] =	ssyncadd.s32 $0xFFFFF800  }
0x35b: {  	[spmem:s2] =	stream.indirect.scatter.add.f32 [tilespmem:s13], [sflag:$0x6], $0x10, s23, s10, $0xb8;
	[tilespmem:$0x1DD00] =	vst v63  }
0x35c: {  	_ =	swait.ge [sflag:s30], $0x800  }
0x35d: {  	[sflag:s30] =	ssyncset.done $0x0  }
0x35e: {  	s31 =	simm.s32 $0x18E00;
	[sflag:s30] =	ssyncadd.s32 $0xFFFFF800  }
0x35f: {  	[spmem:s2] =	stream.indirect.scatter.add.f32 [tilespmem:s15], [sflag:$0x5], $0x10, s31, s10, $0xb8;
	[tilespmem:$0x1DD00] =	vst v63  }
0x360: {  	_ =	swait.ge [sflag:s1], $0x800  }
0x361: {  	[sflag:s1] =	ssyncset.done $0x0  }
0x362: {  	[sflag:s1] =	ssyncadd.s32 $0xFFFFF800  }
0x363: {  	[spmem:s2] =	stream.indirect.scatter.add.f32 [tilespmem:s18], [sflag:$0x6], $0x10, s26, s10, $0xb8;
	[tilespmem:$0x1DD00] =	vst v63  }
0x364: {  	_ =	swait.ge [sflag:s28], $0x800  }
0x365: {  	[sflag:s28] =	ssyncset.done $0x0  }
0x366: {  	[sflag:s28] =	ssyncadd.s32 $0xFFFFF800  }
0x367: {  	_ =	swait.ge [sflag:s21], $0x800  }
0x368: {  	[sflag:s21] =	ssyncset.done $0x0  }
0x369: {  	[sflag:s21] =	ssyncadd.s32 $0xFFFFF800  }
0x36a: {  	_ =	swait.ge [sflag:s28], $0x800  }
0x36b: {  	[sflag:s28] =	ssyncset.done $0x0  }
0x36c: {  	s29 =	simm.s32 $0x80;
	[sflag:s28] =	ssyncadd.s32 $0xFFFFF800  }
0x36d: {  	s0 =	simm.s32 $0x100;
	s8 =	simm.s32 $0x18B00;
	_ =	swait.ge [sflag:s21], $0x800  }
0x36e: {  	s9 =	simm.s32 $0x18700;
	s23 =	simm.s32 $0x0;
	[sflag:s21] =	ssyncset.done $0x0  }
.LBB2_20:
0x36f: {  	s5 =	sadd.s32 s29, s7;
	[sflag:s21] =	ssyncadd.s32 $0xFFFFF800  }
0x370: {  	[tilespmem:s9], [sflag:$0x7] =	stream.linear.gather [hbm4b:s5+s23], $0x400, $0x38;
	[tilespmem:$0x1DD00] =	vst v63  }
0x371: {  	_ =	swait.ge [sflag:s24], $0x400  }
0x372: {  	s31 =	smov.u32 s0;
	s7 =	sadd.s32 $0x80, s0;
	[sflag:s24] =	ssyncset.done $0x0  }
0x373: {  	p0 =	sne.s32 s0, $0x1800;
	s0 =	sadd.s32 s29, s25;
	[sflag:s24] =	ssyncadd.s32 $0xFFFFFC00  }
0x374: {  	[tilespmem:s8], [sflag:$0x7] =	stream.linear.gather [hbm4b:s0+s23], $0x400, $0x38;
	[tilespmem:$0x1DD00] =	vst v63  }
0x375: {  	_ =	swait.ge [sflag:s24], $0x400  }
0x376: {  	[sflag:s24] =	ssyncset.done $0x0  }
0x377: {  	[sflag:s24] =	ssyncadd.s32 $0xFFFFFC00  }
0x378: {  	[tilespmem:s11], [sflag:$0x1] =	stream.indirect.gather [hbm4b:s22+s10], $0x10, s9, s10, $0xb8;
	[tilespmem:$0x1DD00] =	vst v63  }
0x379: {  	s5 =	simm.s32 $0x18780  }
0x37a: {  	[tilespmem:s13], [sflag:$0x2] =	stream.indirect.gather [hbm4b:s22+s10], $0x10, s5, s10, $0xb8;
	[tilespmem:$0x1DD00] =	vst v63  }
0x37b: {  	s6 =	simm.s32 $0x18800  }
0x37c: {  	[tilespmem:s15], [sflag:$0x3] =	stream.indirect.gather [hbm4b:s22+s10], $0x10, s6, s10, $0xb8;
	[tilespmem:$0x1DD00] =	vst v63  }
0x37d: {  	_ =	swait.ge [sflag:s16], $0x800  }
0x37e: {  	[sflag:s16] =	ssyncset.done $0x0  }
0x37f: {  	[sflag:s16] =	ssyncadd.s32 $0xFFFFF800  }
0x380: {  	[spmem:s2] =	stream.indirect.scatter.add.f32 [tilespmem:s11], [sflag:$0x5], $0x10, s8, s10, $0xb8;
	[tilespmem:$0x1DD00] =	vst v63  }
0x381: {  	s12 =	simm.s32 $0x18880  }
0x382: {  	[tilespmem:s18], [sflag:$0x4] =	stream.indirect.gather [hbm4b:s22+s10], $0x10, s12, s10, $0xb8;
	[tilespmem:$0x1DD00] =	vst v63  }
0x383: {  	_ =	swait.ge [sflag:s19], $0x800  }
0x384: {  	[sflag:s19] =	ssyncset.done $0x0  }
0x385: {  	s14 =	simm.s32 $0x18B80;
	[sflag:s19] =	ssyncadd.s32 $0xFFFFF800  }
0x386: {  	[spmem:s2] =	stream.indirect.scatter.add.f32 [tilespmem:s13], [sflag:$0x6], $0x10, s14, s10, $0xb8;
	[tilespmem:$0x1DD00] =	vst v63  }
0x387: {  	_ =	swait.ge [sflag:s28], $0x800  }
0x388: {  	[sflag:s28] =	ssyncset.done $0x0  }
0x389: {  	s17 =	simm.s32 $0x18900;
	[sflag:s28] =	ssyncadd.s32 $0xFFFFF800  }
0x38a: {  	[tilespmem:s11], [sflag:$0x1] =	stream.indirect.gather [hbm4b:s22+s10], $0x10, s17, s10, $0xb8;
	[tilespmem:$0x1DD00] =	vst v63  }
0x38b: {  	_ =	swait.ge [sflag:s30], $0x800  }
0x38c: {  	[sflag:s30] =	ssyncset.done $0x0  }
0x38d: {  	s26 =	simm.s32 $0x18C00;
	[sflag:s30] =	ssyncadd.s32 $0xFFFFF800  }
0x38e: {  	[spmem:s2] =	stream.indirect.scatter.add.f32 [tilespmem:s15], [sflag:$0x5], $0x10, s26, s10, $0xb8;
	[tilespmem:$0x1DD00] =	vst v63  }
0x38f: {  	_ =	swait.ge [sflag:s21], $0x800  }
0x390: {  	[sflag:s21] =	ssyncset.done $0x0  }
0x391: {  	s3 =	simm.s32 $0x18980;
	[sflag:s21] =	ssyncadd.s32 $0xFFFFF800  }
0x392: {  	[tilespmem:s13], [sflag:$0x2] =	stream.indirect.gather [hbm4b:s22+s10], $0x10, s3, s10, $0xb8;
	[tilespmem:$0x1DD00] =	vst v63  }
0x393: {  	_ =	swait.ge [sflag:s1], $0x800  }
0x394: {  	[sflag:s1] =	ssyncset.done $0x0  }
0x395: {  	s0 =	simm.s32 $0x18C80;
	[sflag:s1] =	ssyncadd.s32 $0xFFFFF800  }
0x396: {  	[spmem:s2] =	stream.indirect.scatter.add.f32 [tilespmem:s18], [sflag:$0x6], $0x10, s0, s10, $0xb8;
	[tilespmem:$0x1DD00] =	vst v63  }
0x397: {  	_ =	swait.ge [sflag:s28], $0x800  }
0x398: {  	[sflag:s28] =	ssyncset.done $0x0  }
0x399: {  	s0 =	simm.s32 $0x18A00;
	[sflag:s28] =	ssyncadd.s32 $0xFFFFF800  }
0x39a: {  	[tilespmem:s15], [sflag:$0x3] =	stream.indirect.gather [hbm4b:s22+s10], $0x10, s0, s10, $0xb8;
	[tilespmem:$0x1DD00] =	vst v63  }
0x39b: {  	_ =	swait.ge [sflag:s16], $0x800  }
0x39c: {  	[sflag:s16] =	ssyncset.done $0x0  }
0x39d: {  	s0 =	simm.s32 $0x18D00;
	[sflag:s16] =	ssyncadd.s32 $0xFFFFF800  }
0x39e: {  	[spmem:s2] =	stream.indirect.scatter.add.f32 [tilespmem:s11], [sflag:$0x5], $0x10, s0, s10, $0xb8;
	[tilespmem:$0x1DD00] =	vst v63  }
0x39f: {  	_ =	swait.ge [sflag:s21], $0x800  }
0x3a0: {  	[sflag:s21] =	ssyncset.done $0x0  }
0x3a1: {  	s0 =	simm.s32 $0x18A80;
	[sflag:s21] =	ssyncadd.s32 $0xFFFFF800  }
0x3a2: {  	[tilespmem:s18], [sflag:$0x4] =	stream.indirect.gather [hbm4b:s22+s10], $0x10, s0, s10, $0xb8;
	[tilespmem:$0x1DD00] =	vst v63  }
0x3a3: {  	_ =	swait.ge [sflag:s19], $0x800  }
0x3a4: {  	[sflag:s19] =	ssyncset.done $0x0  }
0x3a5: {  	s0 =	simm.s32 $0x18D80;
	[sflag:s19] =	ssyncadd.s32 $0xFFFFF800  }
0x3a6: {  	[spmem:s2] =	stream.indirect.scatter.add.f32 [tilespmem:s13], [sflag:$0x6], $0x10, s0, s10, $0xb8;
	[tilespmem:$0x1DD00] =	vst v63  }
0x3a7: {  	_ =	swait.ge [sflag:s30], $0x800  }
0x3a8: {  	[sflag:s30] =	ssyncset.done $0x0  }
0x3a9: {  	s29 =	smov.u32 s31;
	s31 =	simm.s32 $0x18E00;
	[sflag:s30] =	ssyncadd.s32 $0xFFFFF800  }
0x3aa: {  	[spmem:s2] =	stream.indirect.scatter.add.f32 [tilespmem:s15], [sflag:$0x5], $0x10, s31, s10, $0xb8;
	[tilespmem:$0x1DD00] =	vst v63  }
0x3ab: {  	_ =	swait.ge [sflag:s1], $0x800  }
0x3ac: {  	[sflag:s1] =	ssyncset.done $0x0  }
0x3ad: {  	s0 =	simm.s32 $0x18E80;
	[sflag:s1] =	ssyncadd.s32 $0xFFFFF800  }
0x3ae: {  	[spmem:s2] =	stream.indirect.scatter.add.f32 [tilespmem:s18], [sflag:$0x6], $0x10, s0, s10, $0xb8;
	[tilespmem:$0x1DD00] =	vst v63  }
0x3af: {  	_ =	swait.ge [sflag:s28], $0x800  }
0x3b0: {  	[sflag:s28] =	ssyncset.done $0x0  }
0x3b1: {  	[sflag:s28] =	ssyncadd.s32 $0xFFFFF800  }
0x3b2: {  	_ =	swait.ge [sflag:s21], $0x800  }
0x3b3: {  	[sflag:s21] =	ssyncset.done $0x0  }
0x3b4: {  	[sflag:s21] =	ssyncadd.s32 $0xFFFFF800  }
.Ltmp9:
0x3b5: {  	_ =	swait.ge [sflag:s28], $0x800;
	(pc) =	sbr.rel @p0 .LBB2_20-.Ltmp9, $4  }
0x3b6: {  	[sflag:s28] =	ssyncset.done $0x0  }
0x3b7: {  	[sflag:s28] =	ssyncadd.s32 $0xFFFFF800  }
0x3b8: {  	_ =	swait.ge [sflag:s21], $0x800  }
0x3b9: {  	s0 =	smov.u32 s7;
	[sflag:s21] =	ssyncset.done $0x0;
	s7 =	rddreg [dreg:$0x3]  }
0x3ba: {  	s0 =	sadd.s32 s29, s7;
	[sflag:s21] =	ssyncadd.s32 $0xFFFFF800  }
0x3bb: {  	[tilespmem:s9], [sflag:$0x7] =	stream.linear.gather [hbm4b:s0+s23], $0x400, $0x38;
	[tilespmem:$0x1DD00] =	vst v63  }
0x3bc: {  	_ =	swait.ge [sflag:s24], $0x400  }
0x3bd: {  	[sflag:s24] =	ssyncset.done $0x0  }
0x3be: {  	s7 =	sadd.s32 s29, s25;
	[sflag:s24] =	ssyncadd.s32 $0xFFFFFC00  }
0x3bf: {  	[tilespmem:s8], [sflag:$0x7] =	stream.linear.gather [hbm4b:s7+s23], $0x400, $0x38;
	[tilespmem:$0x1DD00] =	vst v63  }
0x3c0: {  	_ =	swait.ge [sflag:s24], $0x400  }
0x3c1: {  	[sflag:s24] =	ssyncset.done $0x0  }
0x3c2: {  	[sflag:s24] =	ssyncadd.s32 $0xFFFFFC00  }
0x3c3: {  	[tilespmem:s11], [sflag:$0x1] =	stream.indirect.gather [hbm4b:s22+s10], $0x10, s9, s10, $0xb8;
	[tilespmem:$0x1DD00] =	vst v63  }
0x3c4: {  	_ = 	snop  }
0x3c5: {  	[tilespmem:s13], [sflag:$0x2] =	stream.indirect.gather [hbm4b:s22+s10], $0x10, s5, s10, $0xb8;
	[tilespmem:$0x1DD00] =	vst v63  }
0x3c6: {  	_ = 	snop  }
0x3c7: {  	[tilespmem:s15], [sflag:$0x3] =	stream.indirect.gather [hbm4b:s22+s10], $0x10, s6, s10, $0xb8;
	[tilespmem:$0x1DD00] =	vst v63  }
0x3c8: {  	_ =	swait.ge [sflag:s16], $0x800  }
0x3c9: {  	[sflag:s16] =	ssyncset.done $0x0  }
0x3ca: {  	[sflag:s16] =	ssyncadd.s32 $0xFFFFF800  }
0x3cb: {  	[spmem:s2] =	stream.indirect.scatter.add.f32 [tilespmem:s11], [sflag:$0x5], $0x10, s8, s10, $0xb8;
	[tilespmem:$0x1DD00] =	vst v63  }
0x3cc: {  	_ = 	snop  }
0x3cd: {  	[tilespmem:s18], [sflag:$0x4] =	stream.indirect.gather [hbm4b:s22+s10], $0x10, s12, s10, $0xb8;
	[tilespmem:$0x1DD00] =	vst v63  }
0x3ce: {  	_ =	swait.ge [sflag:s19], $0x800  }
0x3cf: {  	[sflag:s19] =	ssyncset.done $0x0  }
0x3d0: {  	[sflag:s19] =	ssyncadd.s32 $0xFFFFF800  }
0x3d1: {  	[spmem:s2] =	stream.indirect.scatter.add.f32 [tilespmem:s13], [sflag:$0x6], $0x10, s14, s10, $0xb8;
	[tilespmem:$0x1DD00] =	vst v63  }
0x3d2: {  	_ =	swait.ge [sflag:s28], $0x800  }
0x3d3: {  	[sflag:s28] =	ssyncset.done $0x0  }
0x3d4: {  	[sflag:s28] =	ssyncadd.s32 $0xFFFFF800  }
0x3d5: {  	[tilespmem:s11], [sflag:$0x1] =	stream.indirect.gather [hbm4b:s22+s10], $0x10, s17, s10, $0xb8;
	[tilespmem:$0x1DD00] =	vst v63  }
0x3d6: {  	_ =	swait.ge [sflag:s30], $0x800  }
0x3d7: {  	[sflag:s30] =	ssyncset.done $0x0  }
0x3d8: {  	[sflag:s30] =	ssyncadd.s32 $0xFFFFF800  }
0x3d9: {  	[spmem:s2] =	stream.indirect.scatter.add.f32 [tilespmem:s15], [sflag:$0x5], $0x10, s26, s10, $0xb8;
	[tilespmem:$0x1DD00] =	vst v63  }
0x3da: {  	_ =	swait.ge [sflag:s21], $0x800  }
0x3db: {  	[sflag:s21] =	ssyncset.done $0x0  }
0x3dc: {  	[sflag:s21] =	ssyncadd.s32 $0xFFFFF800  }
0x3dd: {  	[tilespmem:s13], [sflag:$0x2] =	stream.indirect.gather [hbm4b:s22+s10], $0x10, s3, s10, $0xb8;
	[tilespmem:$0x1DD00] =	vst v63  }
0x3de: {  	_ =	swait.ge [sflag:s1], $0x800  }
0x3df: {  	[sflag:s1] =	ssyncset.done $0x0  }
0x3e0: {  	s17 =	simm.s32 $0x18C80;
	[sflag:s1] =	ssyncadd.s32 $0xFFFFF800  }
0x3e1: {  	[spmem:s2] =	stream.indirect.scatter.add.f32 [tilespmem:s18], [sflag:$0x6], $0x10, s17, s10, $0xb8;
	[tilespmem:$0x1DD00] =	vst v63  }
0x3e2: {  	_ =	swait.ge [sflag:s28], $0x800  }
0x3e3: {  	[sflag:s28] =	ssyncset.done $0x0  }
0x3e4: {  	s23 =	simm.s32 $0x18A00;
	[sflag:s28] =	ssyncadd.s32 $0xFFFFF800  }
0x3e5: {  	[tilespmem:s15], [sflag:$0x3] =	stream.indirect.gather [hbm4b:s22+s10], $0x10, s23, s10, $0xb8;
	[tilespmem:$0x1DD00] =	vst v63  }
0x3e6: {  	_ =	swait.ge [sflag:s16], $0x800  }
0x3e7: {  	[sflag:s16] =	ssyncset.done $0x0  }
0x3e8: {  	s25 =	simm.s32 $0x18D00;
	[sflag:s16] =	ssyncadd.s32 $0xFFFFF800  }
0x3e9: {  	[spmem:s2] =	stream.indirect.scatter.add.f32 [tilespmem:s11], [sflag:$0x5], $0x10, s25, s10, $0xb8;
	[tilespmem:$0x1DD00] =	vst v63  }
0x3ea: {  	_ =	swait.ge [sflag:s21], $0x800  }
0x3eb: {  	[sflag:s21] =	ssyncset.done $0x0  }
0x3ec: {  	s26 =	simm.s32 $0x18A80;
	[sflag:s21] =	ssyncadd.s32 $0xFFFFF800  }
0x3ed: {  	[tilespmem:s18], [sflag:$0x4] =	stream.indirect.gather [hbm4b:s22+s10], $0x10, s26, s10, $0xb8;
	[tilespmem:$0x1DD00] =	vst v63  }
0x3ee: {  	_ =	swait.ge [sflag:s19], $0x800  }
0x3ef: {  	[sflag:s19] =	ssyncset.done $0x0  }
0x3f0: {  	s29 =	simm.s32 $0x18D80;
	[sflag:s19] =	ssyncadd.s32 $0xFFFFF800  }
0x3f1: {  	[spmem:s2] =	stream.indirect.scatter.add.f32 [tilespmem:s13], [sflag:$0x6], $0x10, s29, s10, $0xb8;
	[tilespmem:$0x1DD00] =	vst v63  }
0x3f2: {  	_ =	swait.ge [sflag:s30], $0x800  }
0x3f3: {  	[sflag:s30] =	ssyncset.done $0x0  }
0x3f4: {  	[sflag:s30] =	ssyncadd.s32 $0xFFFFF800  }
0x3f5: {  	[spmem:s2] =	stream.indirect.scatter.add.f32 [tilespmem:s15], [sflag:$0x5], $0x10, s31, s10, $0xb8;
	[tilespmem:$0x1DD00] =	vst v63  }
0x3f6: {  	_ =	swait.ge [sflag:s1], $0x800  }
0x3f7: {  	[sflag:s1] =	ssyncset.done $0x0  }
0x3f8: {  	s31 =	simm.s32 $0x18E80;
	[sflag:s1] =	ssyncadd.s32 $0xFFFFF800  }
0x3f9: {  	[spmem:s2] =	stream.indirect.scatter.add.f32 [tilespmem:s18], [sflag:$0x6], $0x10, s31, s10, $0xb8;
	[tilespmem:$0x1DD00] =	vst v63  }
0x3fa: {  	_ =	swait.ge [sflag:s28], $0x800  }
0x3fb: {  	[sflag:s28] =	ssyncset.done $0x0  }
0x3fc: {  	[sflag:s28] =	ssyncadd.s32 $0xFFFFF800  }
0x3fd: {  	_ =	swait.ge [sflag:s21], $0x800  }
0x3fe: {  	[sflag:s21] =	ssyncset.done $0x0  }
0x3ff: {  	[sflag:s21] =	ssyncadd.s32 $0xFFFFF800  }
0x400: {  	_ =	swait.ge [sflag:s28], $0x800  }
0x401: {  	[sflag:s28] =	ssyncset.done $0x0  }
0x402: {  	[sflag:s28] =	ssyncadd.s32 $0xFFFFF800  }
0x403: {  	_ =	swait.ge [sflag:s21], $0x800  }
0x404: {  	[sflag:s21] =	ssyncset.done $0x0  }
0x405: {  	[sflag:s21] =	ssyncadd.s32 $0xFFFFF800  }
0x406: {  	[bflag:$0x0] =	sbarrier.arrive $0xFFFF  }
0x407: {  	s7 =	simm.s32 $0x0;
	s6 =	simm.s32 $0x1C600;
	s5 =	rddreg [dreg:$0x4]  }
.LBB2_22:
0x408: {  	s0 =	smul.u32 $0x170, s7  }
0x409: {  	s29 =	rddreg [dreg:$0x5]  }
0x40a: {  	s0 =	sadd.s32 s29, s0  }
0x40b: {  	s0 =	sshll.u32 s0, $0x4  }
0x40c: {  	s0 =	sand.u32 $0x3FFFFFF0, s0  }
0x40d: {  	s29 =	simm.s32 $0x1AF00;
	s0 =	sadd.s32 s0, s2  }
0x40e: {  	[tilespmem:s29], [sflag:$0x7] =	stream.linear.gather [spmem:s0], $0x1700, $0x38;
	[tilespmem:$0x1DD00] =	vst v63  }
0x40f: {  	_ =	swait.ge [sflag:s24], $0x1700  }
0x410: {  	[sflag:s24] =	ssyncset.done $0x0  }
0x411: {  	s29 =	simm.s32 $0x0;
	[sflag:s24] =	ssyncadd.s32 $0xFFFFE900  }
0x412: {  	v4 =	vld [tilespmem:s29+$0x1AF70]  }
0x413: {  	v5 =	vld [tilespmem:s29+$0x1AF00]  }
0x414: {  	v6 =	vld [tilespmem:s29+$0x1AF10]  }
0x415: {  	v3 =	vld [tilespmem:s29+$0x1AF20]  }
0x416: {  	v1 =	vld [tilespmem:s29+$0x1AF30]  }
0x417: {  	v2 =	vld [tilespmem:s29+$0x1AF40];
	[tilespmem:s29+$0x1C670] =	vst v4  }
0x418: {  	[tilespmem:s29+$0x1C600] =	vst v5;
	v4 =	vld [tilespmem:s29+$0x1AF50]  }
0x419: {  	s31 =	simm.s32 $0x80;
	s0 =	simm.s32 $0x400;
	[tilespmem:s29+$0x1C610] =	vst v6;
	v5 =	vld [tilespmem:s29+$0x1AF60]  }
.LBB2_23:
0x41a: {  	p0 =	sne.s32 s0, $0x5A00;
	v6 =	vld [tilespmem:s31+$0x1AF70];
	[tilespmem:s29+$0x1C620] =	vst v3  }
0x41b: {  	v7 =	vld [tilespmem:s31+$0x1AF00];
	[tilespmem:s29+$0x1C630] =	vst v1  }
0x41c: {  	v8 =	vld [tilespmem:s31+$0x1AF10];
	[tilespmem:s29+$0x1C640] =	vst v2  }
.Ltmp10:
0x41d: {  	v3 =	vld [tilespmem:s31+$0x1AF20];
	[tilespmem:s29+$0x1C650] =	vst v4;
	(pc) =	sbr.rel @p0 .LBB2_23-.Ltmp10, $4  }
0x41e: {  	v1 =	vld [tilespmem:s31+$0x1AF30];
	[tilespmem:s29+$0x1C660] =	vst v5;
	s29 =	smov.u32 s31  }
0x41f: {  	v2 =	vld [tilespmem:s29+$0x1AF40];
	[tilespmem:s29+$0x1C670] =	vst v6  }
0x420: {  	[tilespmem:s29+$0x1C600] =	vst v7;
	v4 =	vld [tilespmem:s29+$0x1AF50]  }
0x421: {  	s31 =	sshra.s32 s0, $0x2;
	s0 =	sadd.s32 $0x200, s0;
	[tilespmem:s29+$0x1C610] =	vst v8;
	v5 =	vld [tilespmem:s29+$0x1AF60]  }
0x422: {  	v6 =	vld [tilespmem:s31+$0x1AF70];
	[tilespmem:s29+$0x1C620] =	vst v3  }
0x423: {  	v3 =	vld [tilespmem:s31+$0x1AF00];
	[tilespmem:s29+$0x1C630] =	vst v1  }
0x424: {  	v1 =	vld [tilespmem:s31+$0x1AF10];
	[tilespmem:s29+$0x1C640] =	vst v2  }
0x425: {  	v2 =	vld [tilespmem:s31+$0x1AF20];
	[tilespmem:s29+$0x1C650] =	vst v4  }
0x426: {  	v4 =	vld [tilespmem:s31+$0x1AF30];
	[tilespmem:s29+$0x1C660] =	vst v5  }
0x427: {  	v5 =	vld [tilespmem:s31+$0x1AF40];
	[tilespmem:s31+$0x1C670] =	vst v6  }
0x428: {  	[tilespmem:s31+$0x1C600] =	vst v3;
	v3 =	vld [tilespmem:s31+$0x1AF50]  }
0x429: {  	[tilespmem:s31+$0x1C610] =	vst v1;
	v1 =	vld [tilespmem:s31+$0x1AF60]  }
0x42a: {  	s0 =	smul.u32 $0x1700, s7;
	[tilespmem:s31+$0x1C620] =	vst v2  }
0x42b: {  	s26 =	rddreg [dreg:$0x1a];
	[tilespmem:s31+$0x1C630] =	vst v4  }
0x42c: {  	s7 =	sadd.s32 $0x1, s7;
	s0 =	sadd.s32 s26, s0;
	[tilespmem:s31+$0x1C640] =	vst v5  }
0x42d: {  	p0 =	sne.s32 s7, $0x11;
	s0 =	sshrl.u32 s0, $0x3;
	[tilespmem:s31+$0x1C650] =	vst v3  }
.Ltmp11:
0x42e: {  	s3 =	simm.s32 $0x0;
	s0 =	sadd.s32 s5, s0;
	[tilespmem:s31+$0x1C660] =	vst v1;
	(pc) =	sbr.rel @p0 .LBB2_22-.Ltmp11, $4  }
0x42f: {  	[hbm4b:s0+s3] =	stream.linear.scatter [tilespmem:s6], [sflag:$0x7], $0x1700, $0x38;
	[tilespmem:$0x1DD00] =	vst v63  }
0x430: {  	_ =	swait.ge [sflag:s24], $0x1700  }
0x431: {  	[sflag:s24] =	ssyncset.done $0x0  }
0x432: {  	[sflag:s24] =	ssyncadd.s32 $0xFFFFE900  }
0x433: {  	s7 =	rddreg [dreg:$0x1c]  }
0x434: {  	s0 =	rddreg [dreg:$0x14];
	s7 =	sadd.s32 $0x1, s7  }
0x435: {  	p0 =	sne.s32 s7, s0  }
.Ltmp12:
0x436: {  	_ = 	snop;
	(pc) =	sbr.rel @p0 .LBB2_1-.Ltmp12, $4  }
0x437: {  	[bflag:$0x0] =	sbarrier.arrive $0xFFFF  }
0x438: {  	s29 =	simm.s32 $0x18780;
	s6 =	simm.s32 $0x18800;
	s12 =	simm.s32 $0x18880  }
0x439: {  	s14 =	simm.s32 $0x18B80;
	s17 =	simm.s32 $0x18900;
	s26 =	simm.s32 $0x18C00  }
0x43a: {  	s3 =	simm.s32 $0x18980;
	s31 =	simm.s32 $0x18E00;
	s25 =	rddreg [dreg:$0x1b]  }
0x43b: {  	_ =	sfence.sel $0x180000  }
0x43c: {  	[bflag:$0x0] =	sbarrier.arrive $0xFFFF  }
0x43d: {  	_ =	strace $0x90000047  }
0x43e: {  	s0 =	stileid.u32;
	[bflag:$0x2] =	sbarrier.arrive $0xFFFF  }
0x43f: {  	p0 =	sne.s32 s0, $0x0;
	s0 =	rddreg [dreg:$0x2]  }
0x440: {  	s0 =	sadd.s32 @!p0 $0x100000, s0  }
0x441: {  	[sflag:s0] =	ssyncadd.tile.s32 @!p0 $0x1;
	_ =	shalt  }
.Lfunc_end2:
_tile_overlayer_lowered:
.L_overlay_start_2:
0x442: {  	(tag) =	ssettag $0x2  }
0x443: {  	s0 =	rddreg [dreg:$0x0];
	s2 =	stileid.u32  }
0x444: {  	s1 =	rddreg [dreg:$0x1];
	p0 =	sne.s32 s2, $0x0  }
0x445: {  	s3 =	rddreg [dreg:$0x2];
	[bflag:$0x3] =	sbarrier.arrive $0xFFFF;
	s2 =	simm.s32 @!p0 $0x1C07  }
0x446: {  	[timem:s3], [sflag:s2] =	dma.local @!p0 [hbm:s0], s1  }
0x447: {  	s0 =	simm.s32 @!p0 $0x7  }
0x448: {  	_ =	swait.ge @!p0 [sflag:s0], s1  }
0x449: {  	s1 =	ssub.s32 @!p0 $0x0, s1;
	[sflag:s0] =	ssyncset.done @!p0 $0x0  }
0x44a: {  	[sflag:s0] =	ssyncadd.s32 @!p0 s1  }
0x44b: {  	[bflag:$0x3] =	sbarrier.arrive $0xFFFF  }
0x44c: {  	_ =	shalt  }

</sc_bundles>
